<compile_context>
chip_gen: v7x
topology: tpu7x:2x2x1
jax: 0.10.2.dev20260603
libtpu: 0.0.44.dev20260713+nightly
codegen_flags: <defaults>
</compile_context>

<pallas_src>
import functools

import jax
import jax.numpy as jnp
from jax import lax
from jax.experimental import pallas as pl
from jax.experimental.pallas import tpu as pltpu
from jax.experimental.pallas import tpu_sc as plsc

_CHUNK = 128


def _sc_gather(n_rows, emb_dim, dtype, n_workers, chunks_per_w):
    mesh = plsc.VectorSubcoreMesh(core_axis_name="c", subcore_axis_name="s")
    nc = mesh.num_cores

    K = 4
    G = chunks_per_w // K
    grp = K * _CHUNK

    @functools.partial(
        pl.kernel,
        out_type=jax.ShapeDtypeStruct((n_rows, 128), dtype),
        mesh=mesh,
        compiler_params=pltpu.CompilerParams(use_tc_tiling_on_sc=False),
        scratch_types=[
            pltpu.VMEM((chunks_per_w, _CHUNK), jnp.int32),
            pltpu.VMEM((2, grp, emb_dim), dtype),
            pltpu.SemaphoreType.DMA,
            pltpu.SemaphoreType.DMA,
            pltpu.SemaphoreType.DMA,
            pltpu.SemaphoreType.DMA,
        ],
    )
    def gather_k(table_hbm, idx_hbm, out_hbm, idx_v, rows_v,
                 gsem0, gsem1, ssem0, ssem1):
        wid = lax.axis_index("s") * nc + lax.axis_index("c")
        row_base = wid * chunks_per_w * _CHUNK
        gsems = (gsem0, gsem1)
        ssems = (ssem0, ssem1)
        pltpu.sync_copy(idx_hbm.at[pl.ds(wid * chunks_per_w, chunks_per_w)],
                        idx_v)

        def fire(g, b):
            for j in range(K):
                pltpu.async_copy(
                    table_hbm.at[idx_v.at[g * K + j]],
                    rows_v.at[b, pl.ds(j * _CHUNK, _CHUNK)],
                    gsems[b])

        def out_slice(g, col):
            return out_hbm.at[pl.ds(row_base + g * grp, grp),
                              pl.ds(col, emb_dim)]

        def drain(g, b):
            pltpu.make_async_copy(out_slice(g, 0), rows_v.at[b],
                                  gsems[b]).wait()

        def write(g, b):
            pltpu.async_copy(rows_v.at[b], out_slice(g, 0), ssems[b])

        def wait_write(g, b):
            pltpu.make_async_copy(rows_v.at[b], out_slice(g, 0),
                                  ssems[b]).wait()

        fire(0, 0)

        def body(jj, _):
            for u in range(2):
                g = jj + u
                b = u
                drain(g, b)

                @pl.when(g + 1 < G)
                def _():
                    @pl.when(g >= 1)
                    def _():
                        wait_write(g - 1, 1 - b)

                    fire(g + 1, 1 - b)

                write(g, b)
            return 0

        lax.fori_loop(0, G // 2, lambda jj, c: body(jj * 2, c), 0)
        wait_write(G - 2, 0)
        wait_write(G - 1, 1)

    return gather_k


def _tc_rnn(T, B, E, H, C):

    def body(hin_ref, x_ref, wih_ref, whh_ref, bih_ref, bhh_ref, h_ref):
        t = pl.program_id(0)

        @pl.when(t == 0)
        def _():
            h_ref[...] = hin_ref[...]

        lane = lax.broadcasted_iota(jnp.int32, (B, 128), 1)
        x = jnp.where(lane < E, x_ref[...], 0.0).astype(jnp.bfloat16)
        h = h_ref[...].astype(jnp.bfloat16)
        h_ref[...] = jnp.tanh(
            jnp.dot(x, wih_ref[...], preferred_element_type=jnp.float32)
            + jnp.dot(h, whh_ref[...], preferred_element_type=jnp.float32)
            + bih_ref[...] + bhh_ref[...])

    scan = pl.pallas_call(
        body,
        grid=(T,),
        in_specs=[
            pl.BlockSpec((B, H), lambda t: (0, 0)),
            pl.BlockSpec((B, 128), lambda t: (t, 0)),
            pl.BlockSpec((128, H), lambda t: (0, 0)),
            pl.BlockSpec((H, H), lambda t: (0, 0)),
            pl.BlockSpec((1, H), lambda t: (0, 0)),
            pl.BlockSpec((1, H), lambda t: (0, 0)),
        ],
        out_specs=pl.BlockSpec((B, H), lambda t: (0, 0)),
        out_shape=jax.ShapeDtypeStruct((B, H), jnp.float32),
    )

    def head_body(h_ref, wlin_ref, blin_ref, out_ref):
        logits = jnp.dot(h_ref[...], wlin_ref[...],
                         preferred_element_type=jnp.float32) + blin_ref[...]
        m = jnp.max(logits, axis=1, keepdims=True)
        e = jnp.exp(logits - m)
        out_ref[...] = e / jnp.sum(e, axis=1, keepdims=True)

    head = pl.pallas_call(
        head_body,
        out_shape=jax.ShapeDtypeStruct((B, C), jnp.float32),
    )
    return scan, head


def kernel(text, emb, W_ih, W_hh, b_ih, b_hh, W_lin, b_lin):
    B, T = text.shape
    V, E = emb.shape
    H = W_hh.shape[0]
    C = W_lin.shape[0]

    n_workers = 32
    if T == 200:
        sizes = (8, 24, 56, 56, 56)
    else:
        sizes = (T,)
    wih = jnp.concatenate(
        [W_ih.T, jnp.zeros((128 - E, H), W_ih.dtype)]).astype(jnp.bfloat16)
    whh = W_hh.T.astype(jnp.bfloat16)
    bih = b_ih.reshape(1, H)
    bhh = b_hh.reshape(1, H)

    h = jnp.zeros((B, H), jnp.float32)
    t0 = 0
    scans = {}
    gathers = {}
    for Tp in sizes:
        np_rows = Tp * B
        chunks_per_w = np_rows // (n_workers * _CHUNK)
        idx_p = text[:, t0:t0 + Tp].T.reshape(-1, _CHUNK).astype(jnp.int32)
        if Tp not in gathers:
            gathers[Tp] = _sc_gather(np_rows, E, emb.dtype, n_workers,
                                     chunks_per_w)
            scans[Tp] = _tc_rnn(Tp, B, E, H, C)[0]
        x_p = gathers[Tp](emb, idx_p)
        h = scans[Tp](h, x_p, wih, whh, bih, bhh)
        t0 += Tp
    head = _tc_rnn(T, B, E, H, C)[1]
    return head(h, W_lin.T, b_lin.reshape(1, C))

# --- scband reference (transcript-rebuilt; emitter-appended) ---
"""Pipeline reference for scband-emotion-recognizer-rnn-28209345200735 (READ-ONLY COPY).

The authoritative reference and input builder live on the scoring server;
editing this copy changes nothing except your own understanding.
"""

import jax, jax.numpy as jnp
import numpy as np

VOCAB = 100000
EMB = 64
HID = 128
B = 4096
T = 200
NCLS = 6


def setup_inputs(seed: int = 0) -> dict:
    key = jax.random.key(seed)
    ks = jax.random.split(key, 8)
    text = jax.random.randint(ks[0], (B, T), 0, VOCAB, dtype=jnp.int64) if jax.config.jax_enable_x64 else jax.random.randint(ks[0], (B, T), 0, VOCAB, dtype=jnp.int32)
    emb = jax.random.normal(ks[1], (VOCAB, EMB), dtype=jnp.float32) * 0.02
    s_ih = 1.0 / np.sqrt(HID)
    W_ih = jax.random.uniform(ks[2], (HID, EMB), dtype=jnp.float32, minval=-s_ih, maxval=s_ih)
    W_hh = jax.random.uniform(ks[3], (HID, HID), dtype=jnp.float32, minval=-s_ih, maxval=s_ih)
    b_ih = jax.random.uniform(ks[4], (HID,), dtype=jnp.float32, minval=-s_ih, maxval=s_ih)
    b_hh = jax.random.uniform(ks[5], (HID,), dtype=jnp.float32, minval=-s_ih, maxval=s_ih)
    s_l = 1.0 / np.sqrt(HID)
    W_lin = jax.random.uniform(ks[6], (NCLS, HID), dtype=jnp.float32, minval=-s_l, maxval=s_l)
    b_lin = jax.random.uniform(ks[7], (NCLS,), dtype=jnp.float32, minval=-s_l, maxval=s_l)
    return {"text": text, "emb": emb, "W_ih": W_ih, "W_hh": W_hh, "b_ih": b_ih, "b_hh": b_hh, "W_lin": W_lin, "b_lin": b_lin}


def reference(text, emb, W_ih, W_hh, b_ih, b_hh, W_lin, b_lin):
    # Embedding lookup: [B, T, EMB]
    x = jnp.take(emb, text, axis=0)
    # Elman RNN (tanh), batch_first, zero initial hidden state
    xs = jnp.transpose(x, (1, 0, 2))  # [T, B, EMB]
    h0 = jnp.zeros((text.shape[0], W_hh.shape[0]), dtype=x.dtype)

    def step(h, xt):
        h_new = jnp.tanh(xt @ W_ih.T + b_ih + h @ W_hh.T + b_hh)
        return h_new, None

    h_final, _ = jax.lax.scan(step, h0, xs)
    # hidden.squeeze(0) -> [B, HID]; linear -> [B, 6]; softmax dim=1
    logits = h_final @ W_lin.T + b_lin
    return jax.nn.softmax(logits, axis=1)

if __name__ == "__main__":
    import jax
    _d = setup_inputs()
    print(jax.jit(kernel)(*tuple(_d.values())))

</pallas_src>

<mosaic_0001>
#map = affine_map<(d0, d1) -> (0, 0)>
module attributes {stable_mosaic.version = 14 : i64} {
  func.func @gather_k(%arg0: i32, %arg1: i32, %arg2: memref<100000x64xf32, #tpu.memory_space<hbm>>, %arg3: memref<1792x128xi32, #tpu.memory_space<hbm>>, %arg4: memref<229376x128xf32, #tpu.memory_space<hbm>>, %arg5: memref<56x128xi32, #tpu.memory_space<vmem>>, %arg6: memref<2x512x64xf32, #tpu.memory_space<vmem>>, %arg7: memref<!tpu.dma_semaphore, #tpu.memory_space<semaphore_mem>>, %arg8: memref<!tpu.dma_semaphore, #tpu.memory_space<semaphore_mem>>, %arg9: memref<!tpu.dma_semaphore, #tpu.memory_space<semaphore_mem>>, %arg10: memref<!tpu.dma_semaphore, #tpu.memory_space<semaphore_mem>>) attributes {dimension_semantics = [#tpu.dimension_semantics<core_parallel>, #tpu.dimension_semantics<subcore_parallel>], iteration_bounds = array<i64: 2, 16>, scalar_prefetch = 0 : i64, scratch_operands = 6 : i64, tpu.core_type = #tpu.core_type<sc_vector_subcore>, window_params = [{transform_indices = #map}, {transform_indices = #map}, {transform_indices = #map}]} {
    %mul3A = arith.constant 2 : i32
    %mul3A_0 = arith.muli %arg1, %mul3A : i32
    %add3A = arith.addi %mul3A_0, %arg0 : i32
    %mul3A_1 = arith.constant 56 : i32
    %mul3A_2 = arith.muli %add3A, %mul3A_1 : i32
    %mul3A_3 = arith.constant 128 : i32
    %mul3A_4 = arith.muli %mul3A_2, %mul3A_3 : i32
    %mul3A_5 = arith.constant 56 : i32
    %mul3A_6 = arith.muli %add3A, %mul3A_5 : i32
    "tpu.region"() ({
      %run_scoped3A = tpu.sem_alloc : memref<!tpu.dma_semaphore, #tpu.memory_space<semaphore_mem>>
      %dma_start3A_89 = arith.constant 0 : i32
      %dma_start3A_90 = tpu.memref_slice %arg3[%mul3A_6, %dma_start3A_89] : memref<1792x128xi32, #tpu.memory_space<hbm>> -> memref<56x128xi32, #tpu.memory_space<hbm>>
      %dma_start3A_91 = arith.constant 0 : i32
      %dma_start3A_92 = tpu.memref_slice %arg3[%mul3A_6, %dma_start3A_91] : memref<1792x128xi32, #tpu.memory_space<hbm>> -> memref<56x128xi32, #tpu.memory_space<hbm>>
      tpu.enqueue_dma source(%dma_start3A_92 : memref<56x128xi32, #tpu.memory_space<hbm>>) target(%arg5 : memref<56x128xi32, #tpu.memory_space<vmem>>) target_semaphore(%run_scoped3A : memref<!tpu.dma_semaphore, #tpu.memory_space<semaphore_mem>>)
      %dma_wait3A_93 = arith.constant 0 : i32
      %dma_wait3A_94 = tpu.memref_slice %arg3[%mul3A_6, %dma_wait3A_93] : memref<1792x128xi32, #tpu.memory_space<hbm>> -> memref<56x128xi32, #tpu.memory_space<hbm>>
      %dma_wait3A_95 = arith.constant 0 : i32
      %dma_wait3A_96 = tpu.memref_slice %arg3[%mul3A_6, %dma_wait3A_95] : memref<1792x128xi32, #tpu.memory_space<hbm>> -> memref<56x128xi32, #tpu.memory_space<hbm>>
      tpu.wait_dma2 semaphore(%run_scoped3A : memref<!tpu.dma_semaphore, #tpu.memory_space<semaphore_mem>>) src(%dma_wait3A_96 : memref<56x128xi32, #tpu.memory_space<hbm>>) dst(%arg5 : memref<56x128xi32, #tpu.memory_space<vmem>>)
      tpu.yield
    }) : () -> ()
    %dma_start3A = arith.constant 0 : i32
    %dma_start3A_7 = arith.constant 0 : i32
    %dma_start3A_8 = arith.constant 0 : i32
    %dma_start3A_9 = arith.constant 0 : i32
    %dma_start3A_10 = tpu.memref_slice %arg6[%dma_start3A_7, %dma_start3A_8, %dma_start3A_9] : memref<2x512x64xf32, #tpu.memory_space<vmem>> -> memref<1x128x64xf32, #tpu.memory_space<vmem>>
    %dma_start3A_11 = tpu.memref_squeeze %dma_start3A_10 : memref<1x128x64xf32, #tpu.memory_space<vmem>> -> memref<128x64xf32, #tpu.memory_space<vmem>>
    %dma_start3A_12 = arith.constant 0 : i32
    %dma_start3A_13 = tpu.memref_slice %arg5[%dma_start3A, %dma_start3A_12] : memref<56x128xi32, #tpu.memory_space<vmem>> -> memref<1x128xi32, #tpu.memory_space<vmem>>
    %dma_start3A_14 = tpu.memref_squeeze %dma_start3A_13 : memref<1x128xi32, #tpu.memory_space<vmem>> -> memref<128xi32, #tpu.memory_space<vmem>>
    %dma_start3A_15 = arith.constant 0 : i32
    %dma_start3A_16 = arith.constant 0 : i32
    %dma_start3A_17 = tpu.memref_slice %arg2[%dma_start3A_15, %dma_start3A_16] : memref<100000x64xf32, #tpu.memory_space<hbm>> -> memref<100000x64xf32, #tpu.memory_space<hbm>>
    tpu.enqueue_indirect_dma source(%dma_start3A_17 : memref<100000x64xf32, #tpu.memory_space<hbm>>) target(%dma_start3A_11 : memref<128x64xf32, #tpu.memory_space<vmem>>) offsets(%dma_start3A_14 : memref<128xi32, #tpu.memory_space<vmem>>) semaphore(%arg7 : memref<!tpu.dma_semaphore, #tpu.memory_space<semaphore_mem>>)
    %dma_start3A_18 = arith.constant 1 : i32
    %dma_start3A_19 = arith.constant 0 : i32
    %dma_start3A_20 = arith.constant 128 : i32
    %dma_start3A_21 = arith.constant 0 : i32
    %dma_start3A_22 = tpu.memref_slice %arg6[%dma_start3A_19, %dma_start3A_20, %dma_start3A_21] : memref<2x512x64xf32, #tpu.memory_space<vmem>> -> memref<1x128x64xf32, #tpu.memory_space<vmem>>
    %dma_start3A_23 = tpu.memref_squeeze %dma_start3A_22 : memref<1x128x64xf32, #tpu.memory_space<vmem>> -> memref<128x64xf32, #tpu.memory_space<vmem>>
    %dma_start3A_24 = arith.constant 0 : i32
    %dma_start3A_25 = tpu.memref_slice %arg5[%dma_start3A_18, %dma_start3A_24] : memref<56x128xi32, #tpu.memory_space<vmem>> -> memref<1x128xi32, #tpu.memory_space<vmem>>
    %dma_start3A_26 = tpu.memref_squeeze %dma_start3A_25 : memref<1x128xi32, #tpu.memory_space<vmem>> -> memref<128xi32, #tpu.memory_space<vmem>>
    %dma_start3A_27 = arith.constant 0 : i32
    %dma_start3A_28 = arith.constant 0 : i32
    %dma_start3A_29 = tpu.memref_slice %arg2[%dma_start3A_27, %dma_start3A_28] : memref<100000x64xf32, #tpu.memory_space<hbm>> -> memref<100000x64xf32, #tpu.memory_space<hbm>>
    tpu.enqueue_indirect_dma source(%dma_start3A_29 : memref<100000x64xf32, #tpu.memory_space<hbm>>) target(%dma_start3A_23 : memref<128x64xf32, #tpu.memory_space<vmem>>) offsets(%dma_start3A_26 : memref<128xi32, #tpu.memory_space<vmem>>) semaphore(%arg7 : memref<!tpu.dma_semaphore, #tpu.memory_space<semaphore_mem>>)
    %dma_start3A_30 = arith.constant 2 : i32
    %dma_start3A_31 = arith.constant 0 : i32
    %dma_start3A_32 = arith.constant 256 : i32
    %dma_start3A_33 = arith.constant 0 : i32
    %dma_start3A_34 = tpu.memref_slice %arg6[%dma_start3A_31, %dma_start3A_32, %dma_start3A_33] : memref<2x512x64xf32, #tpu.memory_space<vmem>> -> memref<1x128x64xf32, #tpu.memory_space<vmem>>
    %dma_start3A_35 = tpu.memref_squeeze %dma_start3A_34 : memref<1x128x64xf32, #tpu.memory_space<vmem>> -> memref<128x64xf32, #tpu.memory_space<vmem>>
    %dma_start3A_36 = arith.constant 0 : i32
    %dma_start3A_37 = tpu.memref_slice %arg5[%dma_start3A_30, %dma_start3A_36] : memref<56x128xi32, #tpu.memory_space<vmem>> -> memref<1x128xi32, #tpu.memory_space<vmem>>
    %dma_start3A_38 = tpu.memref_squeeze %dma_start3A_37 : memref<1x128xi32, #tpu.memory_space<vmem>> -> memref<128xi32, #tpu.memory_space<vmem>>
    %dma_start3A_39 = arith.constant 0 : i32
    %dma_start3A_40 = arith.constant 0 : i32
    %dma_start3A_41 = tpu.memref_slice %arg2[%dma_start3A_39, %dma_start3A_40] : memref<100000x64xf32, #tpu.memory_space<hbm>> -> memref<100000x64xf32, #tpu.memory_space<hbm>>
    tpu.enqueue_indirect_dma source(%dma_start3A_41 : memref<100000x64xf32, #tpu.memory_space<hbm>>) target(%dma_start3A_35 : memref<128x64xf32, #tpu.memory_space<vmem>>) offsets(%dma_start3A_38 : memref<128xi32, #tpu.memory_space<vmem>>) semaphore(%arg7 : memref<!tpu.dma_semaphore, #tpu.memory_space<semaphore_mem>>)
    %dma_start3A_42 = arith.constant 3 : i32
    %dma_start3A_43 = arith.constant 0 : i32
    %dma_start3A_44 = arith.constant 384 : i32
    %dma_start3A_45 = arith.constant 0 : i32
    %dma_start3A_46 = tpu.memref_slice %arg6[%dma_start3A_43, %dma_start3A_44, %dma_start3A_45] : memref<2x512x64xf32, #tpu.memory_space<vmem>> -> memref<1x128x64xf32, #tpu.memory_space<vmem>>
    %dma_start3A_47 = tpu.memref_squeeze %dma_start3A_46 : memref<1x128x64xf32, #tpu.memory_space<vmem>> -> memref<128x64xf32, #tpu.memory_space<vmem>>
    %dma_start3A_48 = arith.constant 0 : i32
    %dma_start3A_49 = tpu.memref_slice %arg5[%dma_start3A_42, %dma_start3A_48] : memref<56x128xi32, #tpu.memory_space<vmem>> -> memref<1x128xi32, #tpu.memory_space<vmem>>
    %dma_start3A_50 = tpu.memref_squeeze %dma_start3A_49 : memref<1x128xi32, #tpu.memory_space<vmem>> -> memref<128xi32, #tpu.memory_space<vmem>>
    %dma_start3A_51 = arith.constant 0 : i32
    %dma_start3A_52 = arith.constant 0 : i32
    %dma_start3A_53 = tpu.memref_slice %arg2[%dma_start3A_51, %dma_start3A_52] : memref<100000x64xf32, #tpu.memory_space<hbm>> -> memref<100000x64xf32, #tpu.memory_space<hbm>>
    tpu.enqueue_indirect_dma source(%dma_start3A_53 : memref<100000x64xf32, #tpu.memory_space<hbm>>) target(%dma_start3A_47 : memref<128x64xf32, #tpu.memory_space<vmem>>) offsets(%dma_start3A_50 : memref<128xi32, #tpu.memory_space<vmem>>) semaphore(%arg7 : memref<!tpu.dma_semaphore, #tpu.memory_space<semaphore_mem>>)
    %scan3A = arith.constant 0 : i32
    %scan3A_54 = arith.constant 0 : i32
    %scan3A_55 = arith.constant 7 : i32
    %scan3A_56 = arith.addi %scan3A_54, %scan3A_55 : i32
    %scan3A_57 = arith.constant 1 : i32
    %scan3A_58 = scf.for %scan3A_89 = %scan3A_54 to %scan3A_56 step %scan3A_57 iter_args(%scan3A_90 = %scan3A) -> (i32)  : i32 {
      %mul3A_91 = arith.constant 2 : i32
      %mul3A_92 = arith.muli %scan3A_89, %mul3A_91 : i32
      %add3A_93 = arith.constant 0 : i32
      %add3A_94 = arith.addi %mul3A_92, %add3A_93 : i32
      %mul3A_95 = arith.constant 512 : i32
      %mul3A_96 = arith.muli %add3A_94, %mul3A_95 : i32
      %add3A_97 = arith.addi %mul3A_4, %mul3A_96 : i32
      %dma_wait3A_98 = arith.constant 0 : i32
      %dma_wait3A_99 = arith.constant 0 : i32
      %dma_wait3A_100 = arith.constant 0 : i32
      %dma_wait3A_101 = tpu.memref_slice %arg6[%dma_wait3A_98, %dma_wait3A_99, %dma_wait3A_100] : memref<2x512x64xf32, #tpu.memory_space<vmem>> -> memref<1x512x64xf32, #tpu.memory_space<vmem>>
      %dma_wait3A_102 = tpu.memref_squeeze %dma_wait3A_101 : memref<1x512x64xf32, #tpu.memory_space<vmem>> -> memref<512x64xf32, #tpu.memory_space<vmem>>
      %dma_wait3A_103 = arith.constant 0 : i32
      %dma_wait3A_104 = tpu.memref_slice %arg4[%add3A_97, %dma_wait3A_103] : memref<229376x128xf32, #tpu.memory_space<hbm>> -> memref<512x64xf32, #tpu.memory_space<hbm>>
      %dma_wait3A_105 = arith.constant 0 : i32
      %dma_wait3A_106 = arith.constant 0 : i32
      %dma_wait3A_107 = tpu.memref_slice %arg6[%dma_wait3A_98, %dma_wait3A_105, %dma_wait3A_106] : memref<2x512x64xf32, #tpu.memory_space<vmem>> -> memref<1x512x64xf32, #tpu.memory_space<vmem>>
      %dma_wait3A_108 = tpu.memref_squeeze %dma_wait3A_107 : memref<1x512x64xf32, #tpu.memory_space<vmem>> -> memref<512x64xf32, #tpu.memory_space<vmem>>
      %dma_wait3A_109 = arith.constant 0 : i32
      %dma_wait3A_110 = tpu.memref_slice %arg4[%add3A_97, %dma_wait3A_109] : memref<229376x128xf32, #tpu.memory_space<hbm>> -> memref<512x64xf32, #tpu.memory_space<hbm>>
      tpu.wait_dma2 semaphore(%arg7 : memref<!tpu.dma_semaphore, #tpu.memory_space<semaphore_mem>>) src(%dma_wait3A_110 : memref<512x64xf32, #tpu.memory_space<hbm>>) dst(%dma_wait3A_108 : memref<512x64xf32, #tpu.memory_space<vmem>>)
      %add3A_111 = arith.constant 1 : i32
      %add3A_112 = arith.addi %add3A_94, %add3A_111 : i32
      %lt3A = arith.constant 14 : i32
      %lt3A_113 = arith.cmpi slt, %add3A_112, %lt3A : i32
      %convert_element_type3A = arith.extui %lt3A_113 : i1 to i32
      %cond3A = arith.constant 0 : i32
      %cond3A_114 = arith.cmpi ne, %convert_element_type3A, %cond3A : i32
      scf.if %cond3A_114 {
        %ge3A = arith.constant 1 : i32
        %ge3A_173 = arith.cmpi sge, %add3A_94, %ge3A : i32
        %convert_element_type3A_174 = arith.extui %ge3A_173 : i1 to i32
        %cond3A_175 = arith.constant 0 : i32
        %cond3A_176 = arith.cmpi ne, %convert_element_type3A_174, %cond3A_175 : i32
        scf.if %cond3A_176 {
          %sub3A = arith.constant 1 : i32
          %sub3A_239 = arith.subi %add3A_94, %sub3A : i32
          %mul3A_240 = arith.constant 512 : i32
          %mul3A_241 = arith.muli %sub3A_239, %mul3A_240 : i32
          %add3A_242 = arith.addi %mul3A_4, %mul3A_241 : i32
          %dma_wait3A_243 = arith.constant 1 : i32
          %dma_wait3A_244 = arith.constant 0 : i32
          %dma_wait3A_245 = arith.constant 0 : i32
          %dma_wait3A_246 = tpu.memref_slice %arg6[%dma_wait3A_243, %dma_wait3A_244, %dma_wait3A_245] : memref<2x512x64xf32, #tpu.memory_space<vmem>> -> memref<1x512x64xf32, #tpu.memory_space<vmem>>
          %dma_wait3A_247 = tpu.memref_squeeze %dma_wait3A_246 : memref<1x512x64xf32, #tpu.memory_space<vmem>> -> memref<512x64xf32, #tpu.memory_space<vmem>>
          %dma_wait3A_248 = arith.constant 0 : i32
          %dma_wait3A_249 = tpu.memref_slice %arg4[%add3A_242, %dma_wait3A_248] : memref<229376x128xf32, #tpu.memory_space<hbm>> -> memref<512x64xf32, #tpu.memory_space<hbm>>
          %dma_wait3A_250 = arith.constant 0 : i32
          %dma_wait3A_251 = tpu.memref_slice %arg4[%add3A_242, %dma_wait3A_250] : memref<229376x128xf32, #tpu.memory_space<hbm>> -> memref<512x64xf32, #tpu.memory_space<hbm>>
          %dma_wait3A_252 = arith.constant 0 : i32
          %dma_wait3A_253 = arith.constant 0 : i32
          %dma_wait3A_254 = tpu.memref_slice %arg6[%dma_wait3A_243, %dma_wait3A_252, %dma_wait3A_253] : memref<2x512x64xf32, #tpu.memory_space<vmem>> -> memref<1x512x64xf32, #tpu.memory_space<vmem>>
          %dma_wait3A_255 = tpu.memref_squeeze %dma_wait3A_254 : memref<1x512x64xf32, #tpu.memory_space<vmem>> -> memref<512x64xf32, #tpu.memory_space<vmem>>
          tpu.wait_dma2 semaphore(%arg10 : memref<!tpu.dma_semaphore, #tpu.memory_space<semaphore_mem>>) src(%dma_wait3A_255 : memref<512x64xf32, #tpu.memory_space<vmem>>) dst(%dma_wait3A_251 : memref<512x64xf32, #tpu.memory_space<hbm>>)
        } else {
        }
        %add3A_177 = arith.constant 1 : i32
        %add3A_178 = arith.addi %add3A_94, %add3A_177 : i32
        %mul3A_179 = arith.constant 4 : i32
        %mul3A_180 = arith.muli %add3A_178, %mul3A_179 : i32
        %add3A_181 = arith.constant 0 : i32
        %add3A_182 = arith.addi %mul3A_180, %add3A_181 : i32
        %dma_start3A_183 = arith.constant 1 : i32
        %dma_start3A_184 = arith.constant 0 : i32
        %dma_start3A_185 = arith.constant 0 : i32
        %dma_start3A_186 = tpu.memref_slice %arg6[%dma_start3A_183, %dma_start3A_184, %dma_start3A_185] : memref<2x512x64xf32, #tpu.memory_space<vmem>> -> memref<1x128x64xf32, #tpu.memory_space<vmem>>
        %dma_start3A_187 = tpu.memref_squeeze %dma_start3A_186 : memref<1x128x64xf32, #tpu.memory_space<vmem>> -> memref<128x64xf32, #tpu.memory_space<vmem>>
        %dma_start3A_188 = arith.constant 0 : i32
        %dma_start3A_189 = tpu.memref_slice %arg5[%add3A_182, %dma_start3A_188] : memref<56x128xi32, #tpu.memory_space<vmem>> -> memref<1x128xi32, #tpu.memory_space<vmem>>
        %dma_start3A_190 = tpu.memref_squeeze %dma_start3A_189 : memref<1x128xi32, #tpu.memory_space<vmem>> -> memref<128xi32, #tpu.memory_space<vmem>>
        %dma_start3A_191 = arith.constant 0 : i32
        %dma_start3A_192 = arith.constant 0 : i32
        %dma_start3A_193 = tpu.memref_slice %arg2[%dma_start3A_191, %dma_start3A_192] : memref<100000x64xf32, #tpu.memory_space<hbm>> -> memref<100000x64xf32, #tpu.memory_space<hbm>>
        tpu.enqueue_indirect_dma source(%dma_start3A_193 : memref<100000x64xf32, #tpu.memory_space<hbm>>) target(%dma_start3A_187 : memref<128x64xf32, #tpu.memory_space<vmem>>) offsets(%dma_start3A_190 : memref<128xi32, #tpu.memory_space<vmem>>) semaphore(%arg8 : memref<!tpu.dma_semaphore, #tpu.memory_space<semaphore_mem>>)
        %mul3A_194 = arith.constant 4 : i32
        %mul3A_195 = arith.muli %add3A_178, %mul3A_194 : i32
        %add3A_196 = arith.constant 1 : i32
        %add3A_197 = arith.addi %mul3A_195, %add3A_196 : i32
        %dma_start3A_198 = arith.constant 1 : i32
        %dma_start3A_199 = arith.constant 128 : i32
        %dma_start3A_200 = arith.constant 0 : i32
        %dma_start3A_201 = tpu.memref_slice %arg6[%dma_start3A_198, %dma_start3A_199, %dma_start3A_200] : memref<2x512x64xf32, #tpu.memory_space<vmem>> -> memref<1x128x64xf32, #tpu.memory_space<vmem>>
        %dma_start3A_202 = tpu.memref_squeeze %dma_start3A_201 : memref<1x128x64xf32, #tpu.memory_space<vmem>> -> memref<128x64xf32, #tpu.memory_space<vmem>>
        %dma_start3A_203 = arith.constant 0 : i32
        %dma_start3A_204 = tpu.memref_slice %arg5[%add3A_197, %dma_start3A_203] : memref<56x128xi32, #tpu.memory_space<vmem>> -> memref<1x128xi32, #tpu.memory_space<vmem>>
        %dma_start3A_205 = tpu.memref_squeeze %dma_start3A_204 : memref<1x128xi32, #tpu.memory_space<vmem>> -> memref<128xi32, #tpu.memory_space<vmem>>
        %dma_start3A_206 = arith.constant 0 : i32
        %dma_start3A_207 = arith.constant 0 : i32
        %dma_start3A_208 = tpu.memref_slice %arg2[%dma_start3A_206, %dma_start3A_207] : memref<100000x64xf32, #tpu.memory_space<hbm>> -> memref<100000x64xf32, #tpu.memory_space<hbm>>
        tpu.enqueue_indirect_dma source(%dma_start3A_208 : memref<100000x64xf32, #tpu.memory_space<hbm>>) target(%dma_start3A_202 : memref<128x64xf32, #tpu.memory_space<vmem>>) offsets(%dma_start3A_205 : memref<128xi32, #tpu.memory_space<vmem>>) semaphore(%arg8 : memref<!tpu.dma_semaphore, #tpu.memory_space<semaphore_mem>>)
        %mul3A_209 = arith.constant 4 : i32
        %mul3A_210 = arith.muli %add3A_178, %mul3A_209 : i32
        %add3A_211 = arith.constant 2 : i32
        %add3A_212 = arith.addi %mul3A_210, %add3A_211 : i32
        %dma_start3A_213 = arith.constant 1 : i32
        %dma_start3A_214 = arith.constant 256 : i32
        %dma_start3A_215 = arith.constant 0 : i32
        %dma_start3A_216 = tpu.memref_slice %arg6[%dma_start3A_213, %dma_start3A_214, %dma_start3A_215] : memref<2x512x64xf32, #tpu.memory_space<vmem>> -> memref<1x128x64xf32, #tpu.memory_space<vmem>>
        %dma_start3A_217 = tpu.memref_squeeze %dma_start3A_216 : memref<1x128x64xf32, #tpu.memory_space<vmem>> -> memref<128x64xf32, #tpu.memory_space<vmem>>
        %dma_start3A_218 = arith.constant 0 : i32
        %dma_start3A_219 = tpu.memref_slice %arg5[%add3A_212, %dma_start3A_218] : memref<56x128xi32, #tpu.memory_space<vmem>> -> memref<1x128xi32, #tpu.memory_space<vmem>>
        %dma_start3A_220 = tpu.memref_squeeze %dma_start3A_219 : memref<1x128xi32, #tpu.memory_space<vmem>> -> memref<128xi32, #tpu.memory_space<vmem>>
        %dma_start3A_221 = arith.constant 0 : i32
        %dma_start3A_222 = arith.constant 0 : i32
        %dma_start3A_223 = tpu.memref_slice %arg2[%dma_start3A_221, %dma_start3A_222] : memref<100000x64xf32, #tpu.memory_space<hbm>> -> memref<100000x64xf32, #tpu.memory_space<hbm>>
        tpu.enqueue_indirect_dma source(%dma_start3A_223 : memref<100000x64xf32, #tpu.memory_space<hbm>>) target(%dma_start3A_217 : memref<128x64xf32, #tpu.memory_space<vmem>>) offsets(%dma_start3A_220 : memref<128xi32, #tpu.memory_space<vmem>>) semaphore(%arg8 : memref<!tpu.dma_semaphore, #tpu.memory_space<semaphore_mem>>)
        %mul3A_224 = arith.constant 4 : i32
        %mul3A_225 = arith.muli %add3A_178, %mul3A_224 : i32
        %add3A_226 = arith.constant 3 : i32
        %add3A_227 = arith.addi %mul3A_225, %add3A_226 : i32
        %dma_start3A_228 = arith.constant 1 : i32
        %dma_start3A_229 = arith.constant 384 : i32
        %dma_start3A_230 = arith.constant 0 : i32
        %dma_start3A_231 = tpu.memref_slice %arg6[%dma_start3A_228, %dma_start3A_229, %dma_start3A_230] : memref<2x512x64xf32, #tpu.memory_space<vmem>> -> memref<1x128x64xf32, #tpu.memory_space<vmem>>
        %dma_start3A_232 = tpu.memref_squeeze %dma_start3A_231 : memref<1x128x64xf32, #tpu.memory_space<vmem>> -> memref<128x64xf32, #tpu.memory_space<vmem>>
        %dma_start3A_233 = arith.constant 0 : i32
        %dma_start3A_234 = tpu.memref_slice %arg5[%add3A_227, %dma_start3A_233] : memref<56x128xi32, #tpu.memory_space<vmem>> -> memref<1x128xi32, #tpu.memory_space<vmem>>
        %dma_start3A_235 = tpu.memref_squeeze %dma_start3A_234 : memref<1x128xi32, #tpu.memory_space<vmem>> -> memref<128xi32, #tpu.memory_space<vmem>>
        %dma_start3A_236 = arith.constant 0 : i32
        %dma_start3A_237 = arith.constant 0 : i32
        %dma_start3A_238 = tpu.memref_slice %arg2[%dma_start3A_236, %dma_start3A_237] : memref<100000x64xf32, #tpu.memory_space<hbm>> -> memref<100000x64xf32, #tpu.memory_space<hbm>>
        tpu.enqueue_indirect_dma source(%dma_start3A_238 : memref<100000x64xf32, #tpu.memory_space<hbm>>) target(%dma_start3A_232 : memref<128x64xf32, #tpu.memory_space<vmem>>) offsets(%dma_start3A_235 : memref<128xi32, #tpu.memory_space<vmem>>) semaphore(%arg8 : memref<!tpu.dma_semaphore, #tpu.memory_space<semaphore_mem>>)
      } else {
      }
      %mul3A_115 = arith.constant 512 : i32
      %mul3A_116 = arith.muli %add3A_94, %mul3A_115 : i32
      %add3A_117 = arith.addi %mul3A_4, %mul3A_116 : i32
      %dma_start3A_118 = arith.constant 0 : i32
      %dma_start3A_119 = arith.constant 0 : i32
      %dma_start3A_120 = arith.constant 0 : i32
      %dma_start3A_121 = tpu.memref_slice %arg6[%dma_start3A_118, %dma_start3A_119, %dma_start3A_120] : memref<2x512x64xf32, #tpu.memory_space<vmem>> -> memref<1x512x64xf32, #tpu.memory_space<vmem>>
      %dma_start3A_122 = tpu.memref_squeeze %dma_start3A_121 : memref<1x512x64xf32, #tpu.memory_space<vmem>> -> memref<512x64xf32, #tpu.memory_space<vmem>>
      %dma_start3A_123 = arith.constant 0 : i32
      %dma_start3A_124 = tpu.memref_slice %arg4[%add3A_117, %dma_start3A_123] : memref<229376x128xf32, #tpu.memory_space<hbm>> -> memref<512x64xf32, #tpu.memory_space<hbm>>
      %dma_start3A_125 = arith.constant 0 : i32
      %dma_start3A_126 = tpu.memref_slice %arg4[%add3A_117, %dma_start3A_125] : memref<229376x128xf32, #tpu.memory_space<hbm>> -> memref<512x64xf32, #tpu.memory_space<hbm>>
      %dma_start3A_127 = arith.constant 0 : i32
      %dma_start3A_128 = arith.constant 0 : i32
      %dma_start3A_129 = tpu.memref_slice %arg6[%dma_start3A_118, %dma_start3A_127, %dma_start3A_128] : memref<2x512x64xf32, #tpu.memory_space<vmem>> -> memref<1x512x64xf32, #tpu.memory_space<vmem>>
      %dma_start3A_130 = tpu.memref_squeeze %dma_start3A_129 : memref<1x512x64xf32, #tpu.memory_space<vmem>> -> memref<512x64xf32, #tpu.memory_space<vmem>>
      tpu.enqueue_dma source(%dma_start3A_130 : memref<512x64xf32, #tpu.memory_space<vmem>>) target(%dma_start3A_126 : memref<512x64xf32, #tpu.memory_space<hbm>>) target_semaphore(%arg9 : memref<!tpu.dma_semaphore, #tpu.memory_space<semaphore_mem>>)
      %add3A_131 = arith.constant 1 : i32
      %add3A_132 = arith.addi %mul3A_92, %add3A_131 : i32
      %mul3A_133 = arith.constant 512 : i32
      %mul3A_134 = arith.muli %add3A_132, %mul3A_133 : i32
      %add3A_135 = arith.addi %mul3A_4, %mul3A_134 : i32
      %dma_wait3A_136 = arith.constant 1 : i32
      %dma_wait3A_137 = arith.constant 0 : i32
      %dma_wait3A_138 = arith.constant 0 : i32
      %dma_wait3A_139 = tpu.memref_slice %arg6[%dma_wait3A_136, %dma_wait3A_137, %dma_wait3A_138] : memref<2x512x64xf32, #tpu.memory_space<vmem>> -> memref<1x512x64xf32, #tpu.memory_space<vmem>>
      %dma_wait3A_140 = tpu.memref_squeeze %dma_wait3A_139 : memref<1x512x64xf32, #tpu.memory_space<vmem>> -> memref<512x64xf32, #tpu.memory_space<vmem>>
      %dma_wait3A_141 = arith.constant 0 : i32
      %dma_wait3A_142 = tpu.memref_slice %arg4[%add3A_135, %dma_wait3A_141] : memref<229376x128xf32, #tpu.memory_space<hbm>> -> memref<512x64xf32, #tpu.memory_space<hbm>>
      %dma_wait3A_143 = arith.constant 0 : i32
      %dma_wait3A_144 = arith.constant 0 : i32
      %dma_wait3A_145 = tpu.memref_slice %arg6[%dma_wait3A_136, %dma_wait3A_143, %dma_wait3A_144] : memref<2x512x64xf32, #tpu.memory_space<vmem>> -> memref<1x512x64xf32, #tpu.memory_space<vmem>>
      %dma_wait3A_146 = tpu.memref_squeeze %dma_wait3A_145 : memref<1x512x64xf32, #tpu.memory_space<vmem>> -> memref<512x64xf32, #tpu.memory_space<vmem>>
      %dma_wait3A_147 = arith.constant 0 : i32
      %dma_wait3A_148 = tpu.memref_slice %arg4[%add3A_135, %dma_wait3A_147] : memref<229376x128xf32, #tpu.memory_space<hbm>> -> memref<512x64xf32, #tpu.memory_space<hbm>>
      tpu.wait_dma2 semaphore(%arg8 : memref<!tpu.dma_semaphore, #tpu.memory_space<semaphore_mem>>) src(%dma_wait3A_148 : memref<512x64xf32, #tpu.memory_space<hbm>>) dst(%dma_wait3A_146 : memref<512x64xf32, #tpu.memory_space<vmem>>)
      %add3A_149 = arith.constant 1 : i32
      %add3A_150 = arith.addi %add3A_132, %add3A_149 : i32
      %lt3A_151 = arith.constant 14 : i32
      %lt3A_152 = arith.cmpi slt, %add3A_150, %lt3A_151 : i32
      %convert_element_type3A_153 = arith.extui %lt3A_152 : i1 to i32
      %cond3A_154 = arith.constant 0 : i32
      %cond3A_155 = arith.cmpi ne, %convert_element_type3A_153, %cond3A_154 : i32
      scf.if %cond3A_155 {
        %ge3A = arith.constant 1 : i32
        %ge3A_173 = arith.cmpi sge, %add3A_132, %ge3A : i32
        %convert_element_type3A_174 = arith.extui %ge3A_173 : i1 to i32
        %cond3A_175 = arith.constant 0 : i32
        %cond3A_176 = arith.cmpi ne, %convert_element_type3A_174, %cond3A_175 : i32
        scf.if %cond3A_176 {
          %sub3A = arith.constant 1 : i32
          %sub3A_239 = arith.subi %add3A_132, %sub3A : i32
          %mul3A_240 = arith.constant 512 : i32
          %mul3A_241 = arith.muli %sub3A_239, %mul3A_240 : i32
          %add3A_242 = arith.addi %mul3A_4, %mul3A_241 : i32
          %dma_wait3A_243 = arith.constant 0 : i32
          %dma_wait3A_244 = arith.constant 0 : i32
          %dma_wait3A_245 = arith.constant 0 : i32
          %dma_wait3A_246 = tpu.memref_slice %arg6[%dma_wait3A_243, %dma_wait3A_244, %dma_wait3A_245] : memref<2x512x64xf32, #tpu.memory_space<vmem>> -> memref<1x512x64xf32, #tpu.memory_space<vmem>>
          %dma_wait3A_247 = tpu.memref_squeeze %dma_wait3A_246 : memref<1x512x64xf32, #tpu.memory_space<vmem>> -> memref<512x64xf32, #tpu.memory_space<vmem>>
          %dma_wait3A_248 = arith.constant 0 : i32
          %dma_wait3A_249 = tpu.memref_slice %arg4[%add3A_242, %dma_wait3A_248] : memref<229376x128xf32, #tpu.memory_space<hbm>> -> memref<512x64xf32, #tpu.memory_space<hbm>>
          %dma_wait3A_250 = arith.constant 0 : i32
          %dma_wait3A_251 = tpu.memref_slice %arg4[%add3A_242, %dma_wait3A_250] : memref<229376x128xf32, #tpu.memory_space<hbm>> -> memref<512x64xf32, #tpu.memory_space<hbm>>
          %dma_wait3A_252 = arith.constant 0 : i32
          %dma_wait3A_253 = arith.constant 0 : i32
          %dma_wait3A_254 = tpu.memref_slice %arg6[%dma_wait3A_243, %dma_wait3A_252, %dma_wait3A_253] : memref<2x512x64xf32, #tpu.memory_space<vmem>> -> memref<1x512x64xf32, #tpu.memory_space<vmem>>
          %dma_wait3A_255 = tpu.memref_squeeze %dma_wait3A_254 : memref<1x512x64xf32, #tpu.memory_space<vmem>> -> memref<512x64xf32, #tpu.memory_space<vmem>>
          tpu.wait_dma2 semaphore(%arg9 : memref<!tpu.dma_semaphore, #tpu.memory_space<semaphore_mem>>) src(%dma_wait3A_255 : memref<512x64xf32, #tpu.memory_space<vmem>>) dst(%dma_wait3A_251 : memref<512x64xf32, #tpu.memory_space<hbm>>)
        } else {
        }
        %add3A_177 = arith.constant 1 : i32
        %add3A_178 = arith.addi %add3A_132, %add3A_177 : i32
        %mul3A_179 = arith.constant 4 : i32
        %mul3A_180 = arith.muli %add3A_178, %mul3A_179 : i32
        %add3A_181 = arith.constant 0 : i32
        %add3A_182 = arith.addi %mul3A_180, %add3A_181 : i32
        %dma_start3A_183 = arith.constant 0 : i32
        %dma_start3A_184 = arith.constant 0 : i32
        %dma_start3A_185 = arith.constant 0 : i32
        %dma_start3A_186 = tpu.memref_slice %arg6[%dma_start3A_183, %dma_start3A_184, %dma_start3A_185] : memref<2x512x64xf32, #tpu.memory_space<vmem>> -> memref<1x128x64xf32, #tpu.memory_space<vmem>>
        %dma_start3A_187 = tpu.memref_squeeze %dma_start3A_186 : memref<1x128x64xf32, #tpu.memory_space<vmem>> -> memref<128x64xf32, #tpu.memory_space<vmem>>
        %dma_start3A_188 = arith.constant 0 : i32
        %dma_start3A_189 = tpu.memref_slice %arg5[%add3A_182, %dma_start3A_188] : memref<56x128xi32, #tpu.memory_space<vmem>> -> memref<1x128xi32, #tpu.memory_space<vmem>>
        %dma_start3A_190 = tpu.memref_squeeze %dma_start3A_189 : memref<1x128xi32, #tpu.memory_space<vmem>> -> memref<128xi32, #tpu.memory_space<vmem>>
        %dma_start3A_191 = arith.constant 0 : i32
        %dma_start3A_192 = arith.constant 0 : i32
        %dma_start3A_193 = tpu.memref_slice %arg2[%dma_start3A_191, %dma_start3A_192] : memref<100000x64xf32, #tpu.memory_space<hbm>> -> memref<100000x64xf32, #tpu.memory_space<hbm>>
        tpu.enqueue_indirect_dma source(%dma_start3A_193 : memref<100000x64xf32, #tpu.memory_space<hbm>>) target(%dma_start3A_187 : memref<128x64xf32, #tpu.memory_space<vmem>>) offsets(%dma_start3A_190 : memref<128xi32, #tpu.memory_space<vmem>>) semaphore(%arg7 : memref<!tpu.dma_semaphore, #tpu.memory_space<semaphore_mem>>)
        %mul3A_194 = arith.constant 4 : i32
        %mul3A_195 = arith.muli %add3A_178, %mul3A_194 : i32
        %add3A_196 = arith.constant 1 : i32
        %add3A_197 = arith.addi %mul3A_195, %add3A_196 : i32
        %dma_start3A_198 = arith.constant 0 : i32
        %dma_start3A_199 = arith.constant 128 : i32
        %dma_start3A_200 = arith.constant 0 : i32
        %dma_start3A_201 = tpu.memref_slice %arg6[%dma_start3A_198, %dma_start3A_199, %dma_start3A_200] : memref<2x512x64xf32, #tpu.memory_space<vmem>> -> memref<1x128x64xf32, #tpu.memory_space<vmem>>
        %dma_start3A_202 = tpu.memref_squeeze %dma_start3A_201 : memref<1x128x64xf32, #tpu.memory_space<vmem>> -> memref<128x64xf32, #tpu.memory_space<vmem>>
        %dma_start3A_203 = arith.constant 0 : i32
        %dma_start3A_204 = tpu.memref_slice %arg5[%add3A_197, %dma_start3A_203] : memref<56x128xi32, #tpu.memory_space<vmem>> -> memref<1x128xi32, #tpu.memory_space<vmem>>
        %dma_start3A_205 = tpu.memref_squeeze %dma_start3A_204 : memref<1x128xi32, #tpu.memory_space<vmem>> -> memref<128xi32, #tpu.memory_space<vmem>>
        %dma_start3A_206 = arith.constant 0 : i32
        %dma_start3A_207 = arith.constant 0 : i32
        %dma_start3A_208 = tpu.memref_slice %arg2[%dma_start3A_206, %dma_start3A_207] : memref<100000x64xf32, #tpu.memory_space<hbm>> -> memref<100000x64xf32, #tpu.memory_space<hbm>>
        tpu.enqueue_indirect_dma source(%dma_start3A_208 : memref<100000x64xf32, #tpu.memory_space<hbm>>) target(%dma_start3A_202 : memref<128x64xf32, #tpu.memory_space<vmem>>) offsets(%dma_start3A_205 : memref<128xi32, #tpu.memory_space<vmem>>) semaphore(%arg7 : memref<!tpu.dma_semaphore, #tpu.memory_space<semaphore_mem>>)
        %mul3A_209 = arith.constant 4 : i32
        %mul3A_210 = arith.muli %add3A_178, %mul3A_209 : i32
        %add3A_211 = arith.constant 2 : i32
        %add3A_212 = arith.addi %mul3A_210, %add3A_211 : i32
        %dma_start3A_213 = arith.constant 0 : i32
        %dma_start3A_214 = arith.constant 256 : i32
        %dma_start3A_215 = arith.constant 0 : i32
        %dma_start3A_216 = tpu.memref_slice %arg6[%dma_start3A_213, %dma_start3A_214, %dma_start3A_215] : memref<2x512x64xf32, #tpu.memory_space<vmem>> -> memref<1x128x64xf32, #tpu.memory_space<vmem>>
        %dma_start3A_217 = tpu.memref_squeeze %dma_start3A_216 : memref<1x128x64xf32, #tpu.memory_space<vmem>> -> memref<128x64xf32, #tpu.memory_space<vmem>>
        %dma_start3A_218 = arith.constant 0 : i32
        %dma_start3A_219 = tpu.memref_slice %arg5[%add3A_212, %dma_start3A_218] : memref<56x128xi32, #tpu.memory_space<vmem>> -> memref<1x128xi32, #tpu.memory_space<vmem>>
        %dma_start3A_220 = tpu.memref_squeeze %dma_start3A_219 : memref<1x128xi32, #tpu.memory_space<vmem>> -> memref<128xi32, #tpu.memory_space<vmem>>
        %dma_start3A_221 = arith.constant 0 : i32
        %dma_start3A_222 = arith.constant 0 : i32
        %dma_start3A_223 = tpu.memref_slice %arg2[%dma_start3A_221, %dma_start3A_222] : memref<100000x64xf32, #tpu.memory_space<hbm>> -> memref<100000x64xf32, #tpu.memory_space<hbm>>
        tpu.enqueue_indirect_dma source(%dma_start3A_223 : memref<100000x64xf32, #tpu.memory_space<hbm>>) target(%dma_start3A_217 : memref<128x64xf32, #tpu.memory_space<vmem>>) offsets(%dma_start3A_220 : memref<128xi32, #tpu.memory_space<vmem>>) semaphore(%arg7 : memref<!tpu.dma_semaphore, #tpu.memory_space<semaphore_mem>>)
        %mul3A_224 = arith.constant 4 : i32
        %mul3A_225 = arith.muli %add3A_178, %mul3A_224 : i32
        %add3A_226 = arith.constant 3 : i32
        %add3A_227 = arith.addi %mul3A_225, %add3A_226 : i32
        %dma_start3A_228 = arith.constant 0 : i32
        %dma_start3A_229 = arith.constant 384 : i32
        %dma_start3A_230 = arith.constant 0 : i32
        %dma_start3A_231 = tpu.memref_slice %arg6[%dma_start3A_228, %dma_start3A_229, %dma_start3A_230] : memref<2x512x64xf32, #tpu.memory_space<vmem>> -> memref<1x128x64xf32, #tpu.memory_space<vmem>>
        %dma_start3A_232 = tpu.memref_squeeze %dma_start3A_231 : memref<1x128x64xf32, #tpu.memory_space<vmem>> -> memref<128x64xf32, #tpu.memory_space<vmem>>
        %dma_start3A_233 = arith.constant 0 : i32
        %dma_start3A_234 = tpu.memref_slice %arg5[%add3A_227, %dma_start3A_233] : memref<56x128xi32, #tpu.memory_space<vmem>> -> memref<1x128xi32, #tpu.memory_space<vmem>>
        %dma_start3A_235 = tpu.memref_squeeze %dma_start3A_234 : memref<1x128xi32, #tpu.memory_space<vmem>> -> memref<128xi32, #tpu.memory_space<vmem>>
        %dma_start3A_236 = arith.constant 0 : i32
        %dma_start3A_237 = arith.constant 0 : i32
        %dma_start3A_238 = tpu.memref_slice %arg2[%dma_start3A_236, %dma_start3A_237] : memref<100000x64xf32, #tpu.memory_space<hbm>> -> memref<100000x64xf32, #tpu.memory_space<hbm>>
        tpu.enqueue_indirect_dma source(%dma_start3A_238 : memref<100000x64xf32, #tpu.memory_space<hbm>>) target(%dma_start3A_232 : memref<128x64xf32, #tpu.memory_space<vmem>>) offsets(%dma_start3A_235 : memref<128xi32, #tpu.memory_space<vmem>>) semaphore(%arg7 : memref<!tpu.dma_semaphore, #tpu.memory_space<semaphore_mem>>)
      } else {
      }
      %mul3A_156 = arith.constant 512 : i32
      %mul3A_157 = arith.muli %add3A_132, %mul3A_156 : i32
      %add3A_158 = arith.addi %mul3A_4, %mul3A_157 : i32
      %dma_start3A_159 = arith.constant 1 : i32
      %dma_start3A_160 = arith.constant 0 : i32
      %dma_start3A_161 = arith.constant 0 : i32
      %dma_start3A_162 = tpu.memref_slice %arg6[%dma_start3A_159, %dma_start3A_160, %dma_start3A_161] : memref<2x512x64xf32, #tpu.memory_space<vmem>> -> memref<1x512x64xf32, #tpu.memory_space<vmem>>
      %dma_start3A_163 = tpu.memref_squeeze %dma_start3A_162 : memref<1x512x64xf32, #tpu.memory_space<vmem>> -> memref<512x64xf32, #tpu.memory_space<vmem>>
      %dma_start3A_164 = arith.constant 0 : i32
      %dma_start3A_165 = tpu.memref_slice %arg4[%add3A_158, %dma_start3A_164] : memref<229376x128xf32, #tpu.memory_space<hbm>> -> memref<512x64xf32, #tpu.memory_space<hbm>>
      %dma_start3A_166 = arith.constant 0 : i32
      %dma_start3A_167 = tpu.memref_slice %arg4[%add3A_158, %dma_start3A_166] : memref<229376x128xf32, #tpu.memory_space<hbm>> -> memref<512x64xf32, #tpu.memory_space<hbm>>
      %dma_start3A_168 = arith.constant 0 : i32
      %dma_start3A_169 = arith.constant 0 : i32
      %dma_start3A_170 = tpu.memref_slice %arg6[%dma_start3A_159, %dma_start3A_168, %dma_start3A_169] : memref<2x512x64xf32, #tpu.memory_space<vmem>> -> memref<1x512x64xf32, #tpu.memory_space<vmem>>
      %dma_start3A_171 = tpu.memref_squeeze %dma_start3A_170 : memref<1x512x64xf32, #tpu.memory_space<vmem>> -> memref<512x64xf32, #tpu.memory_space<vmem>>
      tpu.enqueue_dma source(%dma_start3A_171 : memref<512x64xf32, #tpu.memory_space<vmem>>) target(%dma_start3A_167 : memref<512x64xf32, #tpu.memory_space<hbm>>) target_semaphore(%arg10 : memref<!tpu.dma_semaphore, #tpu.memory_space<semaphore_mem>>)
      %scan3A_172 = arith.constant 0 : i32
      scf.yield %scan3A_172 : i32
    }
    %scan3A_59 = arith.constant 7 : i32
    %add3A_60 = arith.constant 6144 : i32
    %add3A_61 = arith.addi %mul3A_4, %add3A_60 : i32
    %dma_wait3A = arith.constant 0 : i32
    %dma_wait3A_62 = arith.constant 0 : i32
    %dma_wait3A_63 = arith.constant 0 : i32
    %dma_wait3A_64 = tpu.memref_slice %arg6[%dma_wait3A, %dma_wait3A_62, %dma_wait3A_63] : memref<2x512x64xf32, #tpu.memory_space<vmem>> -> memref<1x512x64xf32, #tpu.memory_space<vmem>>
    %dma_wait3A_65 = tpu.memref_squeeze %dma_wait3A_64 : memref<1x512x64xf32, #tpu.memory_space<vmem>> -> memref<512x64xf32, #tpu.memory_space<vmem>>
    %dma_wait3A_66 = arith.constant 0 : i32
    %dma_wait3A_67 = tpu.memref_slice %arg4[%add3A_61, %dma_wait3A_66] : memref<229376x128xf32, #tpu.memory_space<hbm>> -> memref<512x64xf32, #tpu.memory_space<hbm>>
    %dma_wait3A_68 = arith.constant 0 : i32
    %dma_wait3A_69 = tpu.memref_slice %arg4[%add3A_61, %dma_wait3A_68] : memref<229376x128xf32, #tpu.memory_space<hbm>> -> memref<512x64xf32, #tpu.memory_space<hbm>>
    %dma_wait3A_70 = arith.constant 0 : i32
    %dma_wait3A_71 = arith.constant 0 : i32
    %dma_wait3A_72 = tpu.memref_slice %arg6[%dma_wait3A, %dma_wait3A_70, %dma_wait3A_71] : memref<2x512x64xf32, #tpu.memory_space<vmem>> -> memref<1x512x64xf32, #tpu.memory_space<vmem>>
    %dma_wait3A_73 = tpu.memref_squeeze %dma_wait3A_72 : memref<1x512x64xf32, #tpu.memory_space<vmem>> -> memref<512x64xf32, #tpu.memory_space<vmem>>
    tpu.wait_dma2 semaphore(%arg9 : memref<!tpu.dma_semaphore, #tpu.memory_space<semaphore_mem>>) src(%dma_wait3A_73 : memref<512x64xf32, #tpu.memory_space<vmem>>) dst(%dma_wait3A_69 : memref<512x64xf32, #tpu.memory_space<hbm>>)
    %add3A_74 = arith.constant 6656 : i32
    %add3A_75 = arith.addi %mul3A_4, %add3A_74 : i32
    %dma_wait3A_76 = arith.constant 1 : i32
    %dma_wait3A_77 = arith.constant 0 : i32
    %dma_wait3A_78 = arith.constant 0 : i32
    %dma_wait3A_79 = tpu.memref_slice %arg6[%dma_wait3A_76, %dma_wait3A_77, %dma_wait3A_78] : memref<2x512x64xf32, #tpu.memory_space<vmem>> -> memref<1x512x64xf32, #tpu.memory_space<vmem>>
    %dma_wait3A_80 = tpu.memref_squeeze %dma_wait3A_79 : memref<1x512x64xf32, #tpu.memory_space<vmem>> -> memref<512x64xf32, #tpu.memory_space<vmem>>
    %dma_wait3A_81 = arith.constant 0 : i32
    %dma_wait3A_82 = tpu.memref_slice %arg4[%add3A_75, %dma_wait3A_81] : memref<229376x128xf32, #tpu.memory_space<hbm>> -> memref<512x64xf32, #tpu.memory_space<hbm>>
    %dma_wait3A_83 = arith.constant 0 : i32
    %dma_wait3A_84 = tpu.memref_slice %arg4[%add3A_75, %dma_wait3A_83] : memref<229376x128xf32, #tpu.memory_space<hbm>> -> memref<512x64xf32, #tpu.memory_space<hbm>>
    %dma_wait3A_85 = arith.constant 0 : i32
    %dma_wait3A_86 = arith.constant 0 : i32
    %dma_wait3A_87 = tpu.memref_slice %arg6[%dma_wait3A_76, %dma_wait3A_85, %dma_wait3A_86] : memref<2x512x64xf32, #tpu.memory_space<vmem>> -> memref<1x512x64xf32, #tpu.memory_space<vmem>>
    %dma_wait3A_88 = tpu.memref_squeeze %dma_wait3A_87 : memref<1x512x64xf32, #tpu.memory_space<vmem>> -> memref<512x64xf32, #tpu.memory_space<vmem>>
    tpu.wait_dma2 semaphore(%arg10 : memref<!tpu.dma_semaphore, #tpu.memory_space<semaphore_mem>>) src(%dma_wait3A_88 : memref<512x64xf32, #tpu.memory_space<vmem>>) dst(%dma_wait3A_84 : memref<512x64xf32, #tpu.memory_space<hbm>>)
    return
  }
}

#map = affine_map<(d0, d1) -> (0, 0)>
module attributes {stable_mosaic.version = 14 : i64} {
  func.func @gather_k(%arg0: i32, %arg1: i32, %arg2: memref<100000x64xf32, #tpu.memory_space<hbm>>, %arg3: memref<1792x128xi32, #tpu.memory_space<hbm>>, %arg4: memref<229376x128xf32, #tpu.memory_space<hbm>>, %arg5: memref<56x128xi32, #tpu.memory_space<vmem>>, %arg6: memref<2x512x64xf32, #tpu.memory_space<vmem>>, %arg7: memref<!tpu.dma_semaphore, #tpu.memory_space<semaphore_mem>>, %arg8: memref<!tpu.dma_semaphore, #tpu.memory_space<semaphore_mem>>, %arg9: memref<!tpu.dma_semaphore, #tpu.memory_space<semaphore_mem>>, %arg10: memref<!tpu.dma_semaphore, #tpu.memory_space<semaphore_mem>>) attributes {dimension_semantics = [#tpu.dimension_semantics<core_parallel>, #tpu.dimension_semantics<subcore_parallel>], iteration_bounds = array<i64: 2, 16>, scalar_prefetch = 0 : i64, scratch_operands = 6 : i64, tpu.core_type = #tpu.core_type<sc_vector_subcore>, window_params = [{transform_indices = #map}, {transform_indices = #map}, {transform_indices = #map}]} {
    %mul3A = arith.constant 2 : i32
    %mul3A_0 = arith.muli %arg1, %mul3A : i32
    %add3A = arith.addi %mul3A_0, %arg0 : i32
    %mul3A_1 = arith.constant 56 : i32
    %mul3A_2 = arith.muli %add3A, %mul3A_1 : i32
    %mul3A_3 = arith.constant 128 : i32
    %mul3A_4 = arith.muli %mul3A_2, %mul3A_3 : i32
    %mul3A_5 = arith.constant 56 : i32
    %mul3A_6 = arith.muli %add3A, %mul3A_5 : i32
    "tpu.region"() ({
      %run_scoped3A = tpu.sem_alloc : memref<!tpu.dma_semaphore, #tpu.memory_space<semaphore_mem>>
      %dma_start3A_89 = arith.constant 0 : i32
      %dma_start3A_90 = tpu.memref_slice %arg3[%mul3A_6, %dma_start3A_89] : memref<1792x128xi32, #tpu.memory_space<hbm>> -> memref<56x128xi32, #tpu.memory_space<hbm>>
      %dma_start3A_91 = arith.constant 0 : i32
      %dma_start3A_92 = tpu.memref_slice %arg3[%mul3A_6, %dma_start3A_91] : memref<1792x128xi32, #tpu.memory_space<hbm>> -> memref<56x128xi32, #tpu.memory_space<hbm>>
      tpu.enqueue_dma source(%dma_start3A_92 : memref<56x128xi32, #tpu.memory_space<hbm>>) target(%arg5 : memref<56x128xi32, #tpu.memory_space<vmem>>) target_semaphore(%run_scoped3A : memref<!tpu.dma_semaphore, #tpu.memory_space<semaphore_mem>>)
      %dma_wait3A_93 = arith.constant 0 : i32
      %dma_wait3A_94 = tpu.memref_slice %arg3[%mul3A_6, %dma_wait3A_93] : memref<1792x128xi32, #tpu.memory_space<hbm>> -> memref<56x128xi32, #tpu.memory_space<hbm>>
      %dma_wait3A_95 = arith.constant 0 : i32
      %dma_wait3A_96 = tpu.memref_slice %arg3[%mul3A_6, %dma_wait3A_95] : memref<1792x128xi32, #tpu.memory_space<hbm>> -> memref<56x128xi32, #tpu.memory_space<hbm>>
      tpu.wait_dma2 semaphore(%run_scoped3A : memref<!tpu.dma_semaphore, #tpu.memory_space<semaphore_mem>>) src(%dma_wait3A_96 : memref<56x128xi32, #tpu.memory_space<hbm>>) dst(%arg5 : memref<56x128xi32, #tpu.memory_space<vmem>>)
      tpu.yield
    }) : () -> ()
    %dma_start3A = arith.constant 0 : i32
    %dma_start3A_7 = arith.constant 0 : i32
    %dma_start3A_8 = arith.constant 0 : i32
    %dma_start3A_9 = arith.constant 0 : i32
    %dma_start3A_10 = tpu.memref_slice %arg6[%dma_start3A_7, %dma_start3A_8, %dma_start3A_9] : memref<2x512x64xf32, #tpu.memory_space<vmem>> -> memref<1x128x64xf32, #tpu.memory_space<vmem>>
    %dma_start3A_11 = tpu.memref_squeeze %dma_start3A_10 : memref<1x128x64xf32, #tpu.memory_space<vmem>> -> memref<128x64xf32, #tpu.memory_space<vmem>>
    %dma_start3A_12 = arith.constant 0 : i32
    %dma_start3A_13 = tpu.memref_slice %arg5[%dma_start3A, %dma_start3A_12] : memref<56x128xi32, #tpu.memory_space<vmem>> -> memref<1x128xi32, #tpu.memory_space<vmem>>
    %dma_start3A_14 = tpu.memref_squeeze %dma_start3A_13 : memref<1x128xi32, #tpu.memory_space<vmem>> -> memref<128xi32, #tpu.memory_space<vmem>>
    %dma_start3A_15 = arith.constant 0 : i32
    %dma_start3A_16 = arith.constant 0 : i32
    %dma_start3A_17 = tpu.memref_slice %arg2[%dma_start3A_15, %dma_start3A_16] : memref<100000x64xf32, #tpu.memory_space<hbm>> -> memref<100000x64xf32, #tpu.memory_space<hbm>>
    tpu.enqueue_indirect_dma source(%dma_start3A_17 : memref<100000x64xf32, #tpu.memory_space<hbm>>) target(%dma_start3A_11 : memref<128x64xf32, #tpu.memory_space<vmem>>) offsets(%dma_start3A_14 : memref<128xi32, #tpu.memory_space<vmem>>) semaphore(%arg7 : memref<!tpu.dma_semaphore, #tpu.memory_space<semaphore_mem>>)
    %dma_start3A_18 = arith.constant 1 : i32
    %dma_start3A_19 = arith.constant 0 : i32
    %dma_start3A_20 = arith.constant 128 : i32
    %dma_start3A_21 = arith.constant 0 : i32
    %dma_start3A_22 = tpu.memref_slice %arg6[%dma_start3A_19, %dma_start3A_20, %dma_start3A_21] : memref<2x512x64xf32, #tpu.memory_space<vmem>> -> memref<1x128x64xf32, #tpu.memory_space<vmem>>
    %dma_start3A_23 = tpu.memref_squeeze %dma_start3A_22 : memref<1x128x64xf32, #tpu.memory_space<vmem>> -> memref<128x64xf32, #tpu.memory_space<vmem>>
    %dma_start3A_24 = arith.constant 0 : i32
    %dma_start3A_25 = tpu.memref_slice %arg5[%dma_start3A_18, %dma_start3A_24] : memref<56x128xi32, #tpu.memory_space<vmem>> -> memref<1x128xi32, #tpu.memory_space<vmem>>
    %dma_start3A_26 = tpu.memref_squeeze %dma_start3A_25 : memref<1x128xi32, #tpu.memory_space<vmem>> -> memref<128xi32, #tpu.memory_space<vmem>>
    %dma_start3A_27 = arith.constant 0 : i32
    %dma_start3A_28 = arith.constant 0 : i32
    %dma_start3A_29 = tpu.memref_slice %arg2[%dma_start3A_27, %dma_start3A_28] : memref<100000x64xf32, #tpu.memory_space<hbm>> -> memref<100000x64xf32, #tpu.memory_space<hbm>>
    tpu.enqueue_indirect_dma source(%dma_start3A_29 : memref<100000x64xf32, #tpu.memory_space<hbm>>) target(%dma_start3A_23 : memref<128x64xf32, #tpu.memory_space<vmem>>) offsets(%dma_start3A_26 : memref<128xi32, #tpu.memory_space<vmem>>) semaphore(%arg7 : memref<!tpu.dma_semaphore, #tpu.memory_space<semaphore_mem>>)
    %dma_start3A_30 = arith.constant 2 : i32
    %dma_start3A_31 = arith.constant 0 : i32
    %dma_start3A_32 = arith.constant 256 : i32
    %dma_start3A_33 = arith.constant 0 : i32
    %dma_start3A_34 = tpu.memref_slice %arg6[%dma_start3A_31, %dma_start3A_32, %dma_start3A_33] : memref<2x512x64xf32, #tpu.memory_space<vmem>> -> memref<1x128x64xf32, #tpu.memory_space<vmem>>
    %dma_start3A_35 = tpu.memref_squeeze %dma_start3A_34 : memref<1x128x64xf32, #tpu.memory_space<vmem>> -> memref<128x64xf32, #tpu.memory_space<vmem>>
    %dma_start3A_36 = arith.constant 0 : i32
    %dma_start3A_37 = tpu.memref_slice %arg5[%dma_start3A_30, %dma_start3A_36] : memref<56x128xi32, #tpu.memory_space<vmem>> -> memref<1x128xi32, #tpu.memory_space<vmem>>
    %dma_start3A_38 = tpu.memref_squeeze %dma_start3A_37 : memref<1x128xi32, #tpu.memory_space<vmem>> -> memref<128xi32, #tpu.memory_space<vmem>>
    %dma_start3A_39 = arith.constant 0 : i32
    %dma_start3A_40 = arith.constant 0 : i32
    %dma_start3A_41 = tpu.memref_slice %arg2[%dma_start3A_39, %dma_start3A_40] : memref<100000x64xf32, #tpu.memory_space<hbm>> -> memref<100000x64xf32, #tpu.memory_space<hbm>>
    tpu.enqueue_indirect_dma source(%dma_start3A_41 : memref<100000x64xf32, #tpu.memory_space<hbm>>) target(%dma_start3A_35 : memref<128x64xf32, #tpu.memory_space<vmem>>) offsets(%dma_start3A_38 : memref<128xi32, #tpu.memory_space<vmem>>) semaphore(%arg7 : memref<!tpu.dma_semaphore, #tpu.memory_space<semaphore_mem>>)
    %dma_start3A_42 = arith.constant 3 : i32
    %dma_start3A_43 = arith.constant 0 : i32
    %dma_start3A_44 = arith.constant 384 : i32
    %dma_start3A_45 = arith.constant 0 : i32
    %dma_start3A_46 = tpu.memref_slice %arg6[%dma_start3A_43, %dma_start3A_44, %dma_start3A_45] : memref<2x512x64xf32, #tpu.memory_space<vmem>> -> memref<1x128x64xf32, #tpu.memory_space<vmem>>
    %dma_start3A_47 = tpu.memref_squeeze %dma_start3A_46 : memref<1x128x64xf32, #tpu.memory_space<vmem>> -> memref<128x64xf32, #tpu.memory_space<vmem>>
    %dma_start3A_48 = arith.constant 0 : i32
    %dma_start3A_49 = tpu.memref_slice %arg5[%dma_start3A_42, %dma_start3A_48] : memref<56x128xi32, #tpu.memory_space<vmem>> -> memref<1x128xi32, #tpu.memory_space<vmem>>
    %dma_start3A_50 = tpu.memref_squeeze %dma_start3A_49 : memref<1x128xi32, #tpu.memory_space<vmem>> -> memref<128xi32, #tpu.memory_space<vmem>>
    %dma_start3A_51 = arith.constant 0 : i32
    %dma_start3A_52 = arith.constant 0 : i32
    %dma_start3A_53 = tpu.memref_slice %arg2[%dma_start3A_51, %dma_start3A_52] : memref<100000x64xf32, #tpu.memory_space<hbm>> -> memref<100000x64xf32, #tpu.memory_space<hbm>>
    tpu.enqueue_indirect_dma source(%dma_start3A_53 : memref<100000x64xf32, #tpu.memory_space<hbm>>) target(%dma_start3A_47 : memref<128x64xf32, #tpu.memory_space<vmem>>) offsets(%dma_start3A_50 : memref<128xi32, #tpu.memory_space<vmem>>) semaphore(%arg7 : memref<!tpu.dma_semaphore, #tpu.memory_space<semaphore_mem>>)
    %scan3A = arith.constant 0 : i32
    %scan3A_54 = arith.constant 0 : i32
    %scan3A_55 = arith.constant 7 : i32
    %scan3A_56 = arith.addi %scan3A_54, %scan3A_55 : i32
    %scan3A_57 = arith.constant 1 : i32
    %scan3A_58 = scf.for %scan3A_89 = %scan3A_54 to %scan3A_56 step %scan3A_57 iter_args(%scan3A_90 = %scan3A) -> (i32)  : i32 {
      %mul3A_91 = arith.constant 2 : i32
      %mul3A_92 = arith.muli %scan3A_89, %mul3A_91 : i32
      %add3A_93 = arith.constant 0 : i32
      %add3A_94 = arith.addi %mul3A_92, %add3A_93 : i32
      %mul3A_95 = arith.constant 512 : i32
      %mul3A_96 = arith.muli %add3A_94, %mul3A_95 : i32
      %add3A_97 = arith.addi %mul3A_4, %mul3A_96 : i32
      %dma_wait3A_98 = arith.constant 0 : i32
      %dma_wait3A_99 = arith.constant 0 : i32
      %dma_wait3A_100 = arith.constant 0 : i32
      %dma_wait3A_101 = tpu.memref_slice %arg6[%dma_wait3A_98, %dma_wait3A_99, %dma_wait3A_100] : memref<2x512x64xf32, #tpu.memory_space<vmem>> -> memref<1x512x64xf32, #tpu.memory_space<vmem>>
      %dma_wait3A_102 = tpu.memref_squeeze %dma_wait3A_101 : memref<1x512x64xf32, #tpu.memory_space<vmem>> -> memref<512x64xf32, #tpu.memory_space<vmem>>
      %dma_wait3A_103 = arith.constant 0 : i32
      %dma_wait3A_104 = tpu.memref_slice %arg4[%add3A_97, %dma_wait3A_103] : memref<229376x128xf32, #tpu.memory_space<hbm>> -> memref<512x64xf32, #tpu.memory_space<hbm>>
      %dma_wait3A_105 = arith.constant 0 : i32
      %dma_wait3A_106 = arith.constant 0 : i32
      %dma_wait3A_107 = tpu.memref_slice %arg6[%dma_wait3A_98, %dma_wait3A_105, %dma_wait3A_106] : memref<2x512x64xf32, #tpu.memory_space<vmem>> -> memref<1x512x64xf32, #tpu.memory_space<vmem>>
      %dma_wait3A_108 = tpu.memref_squeeze %dma_wait3A_107 : memref<1x512x64xf32, #tpu.memory_space<vmem>> -> memref<512x64xf32, #tpu.memory_space<vmem>>
      %dma_wait3A_109 = arith.constant 0 : i32
      %dma_wait3A_110 = tpu.memref_slice %arg4[%add3A_97, %dma_wait3A_109] : memref<229376x128xf32, #tpu.memory_space<hbm>> -> memref<512x64xf32, #tpu.memory_space<hbm>>
      tpu.wait_dma2 semaphore(%arg7 : memref<!tpu.dma_semaphore, #tpu.memory_space<semaphore_mem>>) src(%dma_wait3A_110 : memref<512x64xf32, #tpu.memory_space<hbm>>) dst(%dma_wait3A_108 : memref<512x64xf32, #tpu.memory_space<vmem>>)
      %add3A_111 = arith.constant 1 : i32
      %add3A_112 = arith.addi %add3A_94, %add3A_111 : i32
      %lt3A = arith.constant 14 : i32
      %lt3A_113 = arith.cmpi slt, %add3A_112, %lt3A : i32
      %convert_element_type3A = arith.extui %lt3A_113 : i1 to i32
      %cond3A = arith.constant 0 : i32
      %cond3A_114 = arith.cmpi ne, %convert_element_type3A, %cond3A : i32
      scf.if %cond3A_114 {
        %ge3A = arith.constant 1 : i32
        %ge3A_173 = arith.cmpi sge, %add3A_94, %ge3A : i32
        %convert_element_type3A_174 = arith.extui %ge3A_173 : i1 to i32
        %cond3A_175 = arith.constant 0 : i32
        %cond3A_176 = arith.cmpi ne, %convert_element_type3A_174, %cond3A_175 : i32
        scf.if %cond3A_176 {
          %sub3A = arith.constant 1 : i32
          %sub3A_239 = arith.subi %add3A_94, %sub3A : i32
          %mul3A_240 = arith.constant 512 : i32
          %mul3A_241 = arith.muli %sub3A_239, %mul3A_240 : i32
          %add3A_242 = arith.addi %mul3A_4, %mul3A_241 : i32
          %dma_wait3A_243 = arith.constant 1 : i32
          %dma_wait3A_244 = arith.constant 0 : i32
          %dma_wait3A_245 = arith.constant 0 : i32
          %dma_wait3A_246 = tpu.memref_slice %arg6[%dma_wait3A_243, %dma_wait3A_244, %dma_wait3A_245] : memref<2x512x64xf32, #tpu.memory_space<vmem>> -> memref<1x512x64xf32, #tpu.memory_space<vmem>>
          %dma_wait3A_247 = tpu.memref_squeeze %dma_wait3A_246 : memref<1x512x64xf32, #tpu.memory_space<vmem>> -> memref<512x64xf32, #tpu.memory_space<vmem>>
          %dma_wait3A_248 = arith.constant 0 : i32
          %dma_wait3A_249 = tpu.memref_slice %arg4[%add3A_242, %dma_wait3A_248] : memref<229376x128xf32, #tpu.memory_space<hbm>> -> memref<512x64xf32, #tpu.memory_space<hbm>>
          %dma_wait3A_250 = arith.constant 0 : i32
          %dma_wait3A_251 = tpu.memref_slice %arg4[%add3A_242, %dma_wait3A_250] : memref<229376x128xf32, #tpu.memory_space<hbm>> -> memref<512x64xf32, #tpu.memory_space<hbm>>
          %dma_wait3A_252 = arith.constant 0 : i32
          %dma_wait3A_253 = arith.constant 0 : i32
          %dma_wait3A_254 = tpu.memref_slice %arg6[%dma_wait3A_243, %dma_wait3A_252, %dma_wait3A_253] : memref<2x512x64xf32, #tpu.memory_space<vmem>> -> memref<1x512x64xf32, #tpu.memory_space<vmem>>
          %dma_wait3A_255 = tpu.memref_squeeze %dma_wait3A_254 : memref<1x512x64xf32, #tpu.memory_space<vmem>> -> memref<512x64xf32, #tpu.memory_space<vmem>>
          tpu.wait_dma2 semaphore(%arg10 : memref<!tpu.dma_semaphore, #tpu.memory_space<semaphore_mem>>) src(%dma_wait3A_255 : memref<512x64xf32, #tpu.memory_space<vmem>>) dst(%dma_wait3A_251 : memref<512x64xf32, #tpu.memory_space<hbm>>)
        } else {
        }
        %add3A_177 = arith.constant 1 : i32
        %add3A_178 = arith.addi %add3A_94, %add3A_177 : i32
        %mul3A_179 = arith.constant 4 : i32
        %mul3A_180 = arith.muli %add3A_178, %mul3A_179 : i32
        %add3A_181 = arith.constant 0 : i32
        %add3A_182 = arith.addi %mul3A_180, %add3A_181 : i32
        %dma_start3A_183 = arith.constant 1 : i32
        %dma_start3A_184 = arith.constant 0 : i32
        %dma_start3A_185 = arith.constant 0 : i32
        %dma_start3A_186 = tpu.memref_slice %arg6[%dma_start3A_183, %dma_start3A_184, %dma_start3A_185] : memref<2x512x64xf32, #tpu.memory_space<vmem>> -> memref<1x128x64xf32, #tpu.memory_space<vmem>>
        %dma_start3A_187 = tpu.memref_squeeze %dma_start3A_186 : memref<1x128x64xf32, #tpu.memory_space<vmem>> -> memref<128x64xf32, #tpu.memory_space<vmem>>
        %dma_start3A_188 = arith.constant 0 : i32
        %dma_start3A_189 = tpu.memref_slice %arg5[%add3A_182, %dma_start3A_188] : memref<56x128xi32, #tpu.memory_space<vmem>> -> memref<1x128xi32, #tpu.memory_space<vmem>>
        %dma_start3A_190 = tpu.memref_squeeze %dma_start3A_189 : memref<1x128xi32, #tpu.memory_space<vmem>> -> memref<128xi32, #tpu.memory_space<vmem>>
        %dma_start3A_191 = arith.constant 0 : i32
        %dma_start3A_192 = arith.constant 0 : i32
        %dma_start3A_193 = tpu.memref_slice %arg2[%dma_start3A_191, %dma_start3A_192] : memref<100000x64xf32, #tpu.memory_space<hbm>> -> memref<100000x64xf32, #tpu.memory_space<hbm>>
        tpu.enqueue_indirect_dma source(%dma_start3A_193 : memref<100000x64xf32, #tpu.memory_space<hbm>>) target(%dma_start3A_187 : memref<128x64xf32, #tpu.memory_space<vmem>>) offsets(%dma_start3A_190 : memref<128xi32, #tpu.memory_space<vmem>>) semaphore(%arg8 : memref<!tpu.dma_semaphore, #tpu.memory_space<semaphore_mem>>)
        %mul3A_194 = arith.constant 4 : i32
        %mul3A_195 = arith.muli %add3A_178, %mul3A_194 : i32
        %add3A_196 = arith.constant 1 : i32
        %add3A_197 = arith.addi %mul3A_195, %add3A_196 : i32
        %dma_start3A_198 = arith.constant 1 : i32
        %dma_start3A_199 = arith.constant 128 : i32
        %dma_start3A_200 = arith.constant 0 : i32
        %dma_start3A_201 = tpu.memref_slice %arg6[%dma_start3A_198, %dma_start3A_199, %dma_start3A_200] : memref<2x512x64xf32, #tpu.memory_space<vmem>> -> memref<1x128x64xf32, #tpu.memory_space<vmem>>
        %dma_start3A_202 = tpu.memref_squeeze %dma_start3A_201 : memref<1x128x64xf32, #tpu.memory_space<vmem>> -> memref<128x64xf32, #tpu.memory_space<vmem>>
        %dma_start3A_203 = arith.constant 0 : i32
        %dma_start3A_204 = tpu.memref_slice %arg5[%add3A_197, %dma_start3A_203] : memref<56x128xi32, #tpu.memory_space<vmem>> -> memref<1x128xi32, #tpu.memory_space<vmem>>
        %dma_start3A_205 = tpu.memref_squeeze %dma_start3A_204 : memref<1x128xi32, #tpu.memory_space<vmem>> -> memref<128xi32, #tpu.memory_space<vmem>>
        %dma_start3A_206 = arith.constant 0 : i32
        %dma_start3A_207 = arith.constant 0 : i32
        %dma_start3A_208 = tpu.memref_slice %arg2[%dma_start3A_206, %dma_start3A_207] : memref<100000x64xf32, #tpu.memory_space<hbm>> -> memref<100000x64xf32, #tpu.memory_space<hbm>>
        tpu.enqueue_indirect_dma source(%dma_start3A_208 : memref<100000x64xf32, #tpu.memory_space<hbm>>) target(%dma_start3A_202 : memref<128x64xf32, #tpu.memory_space<vmem>>) offsets(%dma_start3A_205 : memref<128xi32, #tpu.memory_space<vmem>>) semaphore(%arg8 : memref<!tpu.dma_semaphore, #tpu.memory_space<semaphore_mem>>)
        %mul3A_209 = arith.constant 4 : i32
        %mul3A_210 = arith.muli %add3A_178, %mul3A_209 : i32
        %add3A_211 = arith.constant 2 : i32
        %add3A_212 = arith.addi %mul3A_210, %add3A_211 : i32
        %dma_start3A_213 = arith.constant 1 : i32
        %dma_start3A_214 = arith.constant 256 : i32
        %dma_start3A_215 = arith.constant 0 : i32
        %dma_start3A_216 = tpu.memref_slice %arg6[%dma_start3A_213, %dma_start3A_214, %dma_start3A_215] : memref<2x512x64xf32, #tpu.memory_space<vmem>> -> memref<1x128x64xf32, #tpu.memory_space<vmem>>
        %dma_start3A_217 = tpu.memref_squeeze %dma_start3A_216 : memref<1x128x64xf32, #tpu.memory_space<vmem>> -> memref<128x64xf32, #tpu.memory_space<vmem>>
        %dma_start3A_218 = arith.constant 0 : i32
        %dma_start3A_219 = tpu.memref_slice %arg5[%add3A_212, %dma_start3A_218] : memref<56x128xi32, #tpu.memory_space<vmem>> -> memref<1x128xi32, #tpu.memory_space<vmem>>
        %dma_start3A_220 = tpu.memref_squeeze %dma_start3A_219 : memref<1x128xi32, #tpu.memory_space<vmem>> -> memref<128xi32, #tpu.memory_space<vmem>>
        %dma_start3A_221 = arith.constant 0 : i32
        %dma_start3A_222 = arith.constant 0 : i32
        %dma_start3A_223 = tpu.memref_slice %arg2[%dma_start3A_221, %dma_start3A_222] : memref<100000x64xf32, #tpu.memory_space<hbm>> -> memref<100000x64xf32, #tpu.memory_space<hbm>>
        tpu.enqueue_indirect_dma source(%dma_start3A_223 : memref<100000x64xf32, #tpu.memory_space<hbm>>) target(%dma_start3A_217 : memref<128x64xf32, #tpu.memory_space<vmem>>) offsets(%dma_start3A_220 : memref<128xi32, #tpu.memory_space<vmem>>) semaphore(%arg8 : memref<!tpu.dma_semaphore, #tpu.memory_space<semaphore_mem>>)
        %mul3A_224 = arith.constant 4 : i32
        %mul3A_225 = arith.muli %add3A_178, %mul3A_224 : i32
        %add3A_226 = arith.constant 3 : i32
        %add3A_227 = arith.addi %mul3A_225, %add3A_226 : i32
        %dma_start3A_228 = arith.constant 1 : i32
        %dma_start3A_229 = arith.constant 384 : i32
        %dma_start3A_230 = arith.constant 0 : i32
        %dma_start3A_231 = tpu.memref_slice %arg6[%dma_start3A_228, %dma_start3A_229, %dma_start3A_230] : memref<2x512x64xf32, #tpu.memory_space<vmem>> -> memref<1x128x64xf32, #tpu.memory_space<vmem>>
        %dma_start3A_232 = tpu.memref_squeeze %dma_start3A_231 : memref<1x128x64xf32, #tpu.memory_space<vmem>> -> memref<128x64xf32, #tpu.memory_space<vmem>>
        %dma_start3A_233 = arith.constant 0 : i32
        %dma_start3A_234 = tpu.memref_slice %arg5[%add3A_227, %dma_start3A_233] : memref<56x128xi32, #tpu.memory_space<vmem>> -> memref<1x128xi32, #tpu.memory_space<vmem>>
        %dma_start3A_235 = tpu.memref_squeeze %dma_start3A_234 : memref<1x128xi32, #tpu.memory_space<vmem>> -> memref<128xi32, #tpu.memory_space<vmem>>
        %dma_start3A_236 = arith.constant 0 : i32
        %dma_start3A_237 = arith.constant 0 : i32
        %dma_start3A_238 = tpu.memref_slice %arg2[%dma_start3A_236, %dma_start3A_237] : memref<100000x64xf32, #tpu.memory_space<hbm>> -> memref<100000x64xf32, #tpu.memory_space<hbm>>
        tpu.enqueue_indirect_dma source(%dma_start3A_238 : memref<100000x64xf32, #tpu.memory_space<hbm>>) target(%dma_start3A_232 : memref<128x64xf32, #tpu.memory_space<vmem>>) offsets(%dma_start3A_235 : memref<128xi32, #tpu.memory_space<vmem>>) semaphore(%arg8 : memref<!tpu.dma_semaphore, #tpu.memory_space<semaphore_mem>>)
      } else {
      }
      %mul3A_115 = arith.constant 512 : i32
      %mul3A_116 = arith.muli %add3A_94, %mul3A_115 : i32
      %add3A_117 = arith.addi %mul3A_4, %mul3A_116 : i32
      %dma_start3A_118 = arith.constant 0 : i32
      %dma_start3A_119 = arith.constant 0 : i32
      %dma_start3A_120 = arith.constant 0 : i32
      %dma_start3A_121 = tpu.memref_slice %arg6[%dma_start3A_118, %dma_start3A_119, %dma_start3A_120] : memref<2x512x64xf32, #tpu.memory_space<vmem>> -> memref<1x512x64xf32, #tpu.memory_space<vmem>>
      %dma_start3A_122 = tpu.memref_squeeze %dma_start3A_121 : memref<1x512x64xf32, #tpu.memory_space<vmem>> -> memref<512x64xf32, #tpu.memory_space<vmem>>
      %dma_start3A_123 = arith.constant 0 : i32
      %dma_start3A_124 = tpu.memref_slice %arg4[%add3A_117, %dma_start3A_123] : memref<229376x128xf32, #tpu.memory_space<hbm>> -> memref<512x64xf32, #tpu.memory_space<hbm>>
      %dma_start3A_125 = arith.constant 0 : i32
      %dma_start3A_126 = tpu.memref_slice %arg4[%add3A_117, %dma_start3A_125] : memref<229376x128xf32, #tpu.memory_space<hbm>> -> memref<512x64xf32, #tpu.memory_space<hbm>>
      %dma_start3A_127 = arith.constant 0 : i32
      %dma_start3A_128 = arith.constant 0 : i32
      %dma_start3A_129 = tpu.memref_slice %arg6[%dma_start3A_118, %dma_start3A_127, %dma_start3A_128] : memref<2x512x64xf32, #tpu.memory_space<vmem>> -> memref<1x512x64xf32, #tpu.memory_space<vmem>>
      %dma_start3A_130 = tpu.memref_squeeze %dma_start3A_129 : memref<1x512x64xf32, #tpu.memory_space<vmem>> -> memref<512x64xf32, #tpu.memory_space<vmem>>
      tpu.enqueue_dma source(%dma_start3A_130 : memref<512x64xf32, #tpu.memory_space<vmem>>) target(%dma_start3A_126 : memref<512x64xf32, #tpu.memory_space<hbm>>) target_semaphore(%arg9 : memref<!tpu.dma_semaphore, #tpu.memory_space<semaphore_mem>>)
      %add3A_131 = arith.constant 1 : i32
      %add3A_132 = arith.addi %mul3A_92, %add3A_131 : i32
      %mul3A_133 = arith.constant 512 : i32
      %mul3A_134 = arith.muli %add3A_132, %mul3A_133 : i32
      %add3A_135 = arith.addi %mul3A_4, %mul3A_134 : i32
      %dma_wait3A_136 = arith.constant 1 : i32
      %dma_wait3A_137 = arith.constant 0 : i32
      %dma_wait3A_138 = arith.constant 0 : i32
      %dma_wait3A_139 = tpu.memref_slice %arg6[%dma_wait3A_136, %dma_wait3A_137, %dma_wait3A_138] : memref<2x512x64xf32, #tpu.memory_space<vmem>> -> memref<1x512x64xf32, #tpu.memory_space<vmem>>
      %dma_wait3A_140 = tpu.memref_squeeze %dma_wait3A_139 : memref<1x512x64xf32, #tpu.memory_space<vmem>> -> memref<512x64xf32, #tpu.memory_space<vmem>>
      %dma_wait3A_141 = arith.constant 0 : i32
      %dma_wait3A_142 = tpu.memref_slice %arg4[%add3A_135, %dma_wait3A_141] : memref<229376x128xf32, #tpu.memory_space<hbm>> -> memref<512x64xf32, #tpu.memory_space<hbm>>
      %dma_wait3A_143 = arith.constant 0 : i32
      %dma_wait3A_144 = arith.constant 0 : i32
      %dma_wait3A_145 = tpu.memref_slice %arg6[%dma_wait3A_136, %dma_wait3A_143, %dma_wait3A_144] : memref<2x512x64xf32, #tpu.memory_space<vmem>> -> memref<1x512x64xf32, #tpu.memory_space<vmem>>
      %dma_wait3A_146 = tpu.memref_squeeze %dma_wait3A_145 : memref<1x512x64xf32, #tpu.memory_space<vmem>> -> memref<512x64xf32, #tpu.memory_space<vmem>>
      %dma_wait3A_147 = arith.constant 0 : i32
      %dma_wait3A_148 = tpu.memref_slice %arg4[%add3A_135, %dma_wait3A_147] : memref<229376x128xf32, #tpu.memory_space<hbm>> -> memref<512x64xf32, #tpu.memory_space<hbm>>
      tpu.wait_dma2 semaphore(%arg8 : memref<!tpu.dma_semaphore, #tpu.memory_space<semaphore_mem>>) src(%dma_wait3A_148 : memref<512x64xf32, #tpu.memory_space<hbm>>) dst(%dma_wait3A_146 : memref<512x64xf32, #tpu.memory_space<vmem>>)
      %add3A_149 = arith.constant 1 : i32
      %add3A_150 = arith.addi %add3A_132, %add3A_149 : i32
      %lt3A_151 = arith.constant 14 : i32
      %lt3A_152 = arith.cmpi slt, %add3A_150, %lt3A_151 : i32
      %convert_element_type3A_153 = arith.extui %lt3A_152 : i1 to i32
      %cond3A_154 = arith.constant 0 : i32
      %cond3A_155 = arith.cmpi ne, %convert_element_type3A_153, %cond3A_154 : i32
      scf.if %cond3A_155 {
        %ge3A = arith.constant 1 : i32
        %ge3A_173 = arith.cmpi sge, %add3A_132, %ge3A : i32
        %convert_element_type3A_174 = arith.extui %ge3A_173 : i1 to i32
        %cond3A_175 = arith.constant 0 : i32
        %cond3A_176 = arith.cmpi ne, %convert_element_type3A_174, %cond3A_175 : i32
        scf.if %cond3A_176 {
          %sub3A = arith.constant 1 : i32
          %sub3A_239 = arith.subi %add3A_132, %sub3A : i32
          %mul3A_240 = arith.constant 512 : i32
          %mul3A_241 = arith.muli %sub3A_239, %mul3A_240 : i32
          %add3A_242 = arith.addi %mul3A_4, %mul3A_241 : i32
          %dma_wait3A_243 = arith.constant 0 : i32
          %dma_wait3A_244 = arith.constant 0 : i32
          %dma_wait3A_245 = arith.constant 0 : i32
          %dma_wait3A_246 = tpu.memref_slice %arg6[%dma_wait3A_243, %dma_wait3A_244, %dma_wait3A_245] : memref<2x512x64xf32, #tpu.memory_space<vmem>> -> memref<1x512x64xf32, #tpu.memory_space<vmem>>
          %dma_wait3A_247 = tpu.memref_squeeze %dma_wait3A_246 : memref<1x512x64xf32, #tpu.memory_space<vmem>> -> memref<512x64xf32, #tpu.memory_space<vmem>>
          %dma_wait3A_248 = arith.constant 0 : i32
          %dma_wait3A_249 = tpu.memref_slice %arg4[%add3A_242, %dma_wait3A_248] : memref<229376x128xf32, #tpu.memory_space<hbm>> -> memref<512x64xf32, #tpu.memory_space<hbm>>
          %dma_wait3A_250 = arith.constant 0 : i32
          %dma_wait3A_251 = tpu.memref_slice %arg4[%add3A_242, %dma_wait3A_250] : memref<229376x128xf32, #tpu.memory_space<hbm>> -> memref<512x64xf32, #tpu.memory_space<hbm>>
          %dma_wait3A_252 = arith.constant 0 : i32
          %dma_wait3A_253 = arith.constant 0 : i32
          %dma_wait3A_254 = tpu.memref_slice %arg6[%dma_wait3A_243, %dma_wait3A_252, %dma_wait3A_253] : memref<2x512x64xf32, #tpu.memory_space<vmem>> -> memref<1x512x64xf32, #tpu.memory_space<vmem>>
          %dma_wait3A_255 = tpu.memref_squeeze %dma_wait3A_254 : memref<1x512x64xf32, #tpu.memory_space<vmem>> -> memref<512x64xf32, #tpu.memory_space<vmem>>
          tpu.wait_dma2 semaphore(%arg9 : memref<!tpu.dma_semaphore, #tpu.memory_space<semaphore_mem>>) src(%dma_wait3A_255 : memref<512x64xf32, #tpu.memory_space<vmem>>) dst(%dma_wait3A_251 : memref<512x64xf32, #tpu.memory_space<hbm>>)
        } else {
        }
        %add3A_177 = arith.constant 1 : i32
        %add3A_178 = arith.addi %add3A_132, %add3A_177 : i32
        %mul3A_179 = arith.constant 4 : i32
        %mul3A_180 = arith.muli %add3A_178, %mul3A_179 : i32
        %add3A_181 = arith.constant 0 : i32
        %add3A_182 = arith.addi %mul3A_180, %add3A_181 : i32
        %dma_start3A_183 = arith.constant 0 : i32
        %dma_start3A_184 = arith.constant 0 : i32
        %dma_start3A_185 = arith.constant 0 : i32
        %dma_start3A_186 = tpu.memref_slice %arg6[%dma_start3A_183, %dma_start3A_184, %dma_start3A_185] : memref<2x512x64xf32, #tpu.memory_space<vmem>> -> memref<1x128x64xf32, #tpu.memory_space<vmem>>
        %dma_start3A_187 = tpu.memref_squeeze %dma_start3A_186 : memref<1x128x64xf32, #tpu.memory_space<vmem>> -> memref<128x64xf32, #tpu.memory_space<vmem>>
        %dma_start3A_188 = arith.constant 0 : i32
        %dma_start3A_189 = tpu.memref_slice %arg5[%add3A_182, %dma_start3A_188] : memref<56x128xi32, #tpu.memory_space<vmem>> -> memref<1x128xi32, #tpu.memory_space<vmem>>
        %dma_start3A_190 = tpu.memref_squeeze %dma_start3A_189 : memref<1x128xi32, #tpu.memory_space<vmem>> -> memref<128xi32, #tpu.memory_space<vmem>>
        %dma_start3A_191 = arith.constant 0 : i32
        %dma_start3A_192 = arith.constant 0 : i32
        %dma_start3A_193 = tpu.memref_slice %arg2[%dma_start3A_191, %dma_start3A_192] : memref<100000x64xf32, #tpu.memory_space<hbm>> -> memref<100000x64xf32, #tpu.memory_space<hbm>>
        tpu.enqueue_indirect_dma source(%dma_start3A_193 : memref<100000x64xf32, #tpu.memory_space<hbm>>) target(%dma_start3A_187 : memref<128x64xf32, #tpu.memory_space<vmem>>) offsets(%dma_start3A_190 : memref<128xi32, #tpu.memory_space<vmem>>) semaphore(%arg7 : memref<!tpu.dma_semaphore, #tpu.memory_space<semaphore_mem>>)
        %mul3A_194 = arith.constant 4 : i32
        %mul3A_195 = arith.muli %add3A_178, %mul3A_194 : i32
        %add3A_196 = arith.constant 1 : i32
        %add3A_197 = arith.addi %mul3A_195, %add3A_196 : i32
        %dma_start3A_198 = arith.constant 0 : i32
        %dma_start3A_199 = arith.constant 128 : i32
        %dma_start3A_200 = arith.constant 0 : i32
        %dma_start3A_201 = tpu.memref_slice %arg6[%dma_start3A_198, %dma_start3A_199, %dma_start3A_200] : memref<2x512x64xf32, #tpu.memory_space<vmem>> -> memref<1x128x64xf32, #tpu.memory_space<vmem>>
        %dma_start3A_202 = tpu.memref_squeeze %dma_start3A_201 : memref<1x128x64xf32, #tpu.memory_space<vmem>> -> memref<128x64xf32, #tpu.memory_space<vmem>>
        %dma_start3A_203 = arith.constant 0 : i32
        %dma_start3A_204 = tpu.memref_slice %arg5[%add3A_197, %dma_start3A_203] : memref<56x128xi32, #tpu.memory_space<vmem>> -> memref<1x128xi32, #tpu.memory_space<vmem>>
        %dma_start3A_205 = tpu.memref_squeeze %dma_start3A_204 : memref<1x128xi32, #tpu.memory_space<vmem>> -> memref<128xi32, #tpu.memory_space<vmem>>
        %dma_start3A_206 = arith.constant 0 : i32
        %dma_start3A_207 = arith.constant 0 : i32
        %dma_start3A_208 = tpu.memref_slice %arg2[%dma_start3A_206, %dma_start3A_207] : memref<100000x64xf32, #tpu.memory_space<hbm>> -> memref<100000x64xf32, #tpu.memory_space<hbm>>
        tpu.enqueue_indirect_dma source(%dma_start3A_208 : memref<100000x64xf32, #tpu.memory_space<hbm>>) target(%dma_start3A_202 : memref<128x64xf32, #tpu.memory_space<vmem>>) offsets(%dma_start3A_205 : memref<128xi32, #tpu.memory_space<vmem>>) semaphore(%arg7 : memref<!tpu.dma_semaphore, #tpu.memory_space<semaphore_mem>>)
        %mul3A_209 = arith.constant 4 : i32
        %mul3A_210 = arith.muli %add3A_178, %mul3A_209 : i32
        %add3A_211 = arith.constant 2 : i32
        %add3A_212 = arith.addi %mul3A_210, %add3A_211 : i32
        %dma_start3A_213 = arith.constant 0 : i32
        %dma_start3A_214 = arith.constant 256 : i32
        %dma_start3A_215 = arith.constant 0 : i32
        %dma_start3A_216 = tpu.memref_slice %arg6[%dma_start3A_213, %dma_start3A_214, %dma_start3A_215] : memref<2x512x64xf32, #tpu.memory_space<vmem>> -> memref<1x128x64xf32, #tpu.memory_space<vmem>>
        %dma_start3A_217 = tpu.memref_squeeze %dma_start3A_216 : memref<1x128x64xf32, #tpu.memory_space<vmem>> -> memref<128x64xf32, #tpu.memory_space<vmem>>
        %dma_start3A_218 = arith.constant 0 : i32
        %dma_start3A_219 = tpu.memref_slice %arg5[%add3A_212, %dma_start3A_218] : memref<56x128xi32, #tpu.memory_space<vmem>> -> memref<1x128xi32, #tpu.memory_space<vmem>>
        %dma_start3A_220 = tpu.memref_squeeze %dma_start3A_219 : memref<1x128xi32, #tpu.memory_space<vmem>> -> memref<128xi32, #tpu.memory_space<vmem>>
        %dma_start3A_221 = arith.constant 0 : i32
        %dma_start3A_222 = arith.constant 0 : i32
        %dma_start3A_223 = tpu.memref_slice %arg2[%dma_start3A_221, %dma_start3A_222] : memref<100000x64xf32, #tpu.memory_space<hbm>> -> memref<100000x64xf32, #tpu.memory_space<hbm>>
        tpu.enqueue_indirect_dma source(%dma_start3A_223 : memref<100000x64xf32, #tpu.memory_space<hbm>>) target(%dma_start3A_217 : memref<128x64xf32, #tpu.memory_space<vmem>>) offsets(%dma_start3A_220 : memref<128xi32, #tpu.memory_space<vmem>>) semaphore(%arg7 : memref<!tpu.dma_semaphore, #tpu.memory_space<semaphore_mem>>)
        %mul3A_224 = arith.constant 4 : i32
        %mul3A_225 = arith.muli %add3A_178, %mul3A_224 : i32
        %add3A_226 = arith.constant 3 : i32
        %add3A_227 = arith.addi %mul3A_225, %add3A_226 : i32
        %dma_start3A_228 = arith.constant 0 : i32
        %dma_start3A_229 = arith.constant 384 : i32
        %dma_start3A_230 = arith.constant 0 : i32
        %dma_start3A_231 = tpu.memref_slice %arg6[%dma_start3A_228, %dma_start3A_229, %dma_start3A_230] : memref<2x512x64xf32, #tpu.memory_space<vmem>> -> memref<1x128x64xf32, #tpu.memory_space<vmem>>
        %dma_start3A_232 = tpu.memref_squeeze %dma_start3A_231 : memref<1x128x64xf32, #tpu.memory_space<vmem>> -> memref<128x64xf32, #tpu.memory_space<vmem>>
        %dma_start3A_233 = arith.constant 0 : i32
        %dma_start3A_234 = tpu.memref_slice %arg5[%add3A_227, %dma_start3A_233] : memref<56x128xi32, #tpu.memory_space<vmem>> -> memref<1x128xi32, #tpu.memory_space<vmem>>
        %dma_start3A_235 = tpu.memref_squeeze %dma_start3A_234 : memref<1x128xi32, #tpu.memory_space<vmem>> -> memref<128xi32, #tpu.memory_space<vmem>>
        %dma_start3A_236 = arith.constant 0 : i32
        %dma_start3A_237 = arith.constant 0 : i32
        %dma_start3A_238 = tpu.memref_slice %arg2[%dma_start3A_236, %dma_start3A_237] : memref<100000x64xf32, #tpu.memory_space<hbm>> -> memref<100000x64xf32, #tpu.memory_space<hbm>>
        tpu.enqueue_indirect_dma source(%dma_start3A_238 : memref<100000x64xf32, #tpu.memory_space<hbm>>) target(%dma_start3A_232 : memref<128x64xf32, #tpu.memory_space<vmem>>) offsets(%dma_start3A_235 : memref<128xi32, #tpu.memory_space<vmem>>) semaphore(%arg7 : memref<!tpu.dma_semaphore, #tpu.memory_space<semaphore_mem>>)
      } else {
      }
      %mul3A_156 = arith.constant 512 : i32
      %mul3A_157 = arith.muli %add3A_132, %mul3A_156 : i32
      %add3A_158 = arith.addi %mul3A_4, %mul3A_157 : i32
      %dma_start3A_159 = arith.constant 1 : i32
      %dma_start3A_160 = arith.constant 0 : i32
      %dma_start3A_161 = arith.constant 0 : i32
      %dma_start3A_162 = tpu.memref_slice %arg6[%dma_start3A_159, %dma_start3A_160, %dma_start3A_161] : memref<2x512x64xf32, #tpu.memory_space<vmem>> -> memref<1x512x64xf32, #tpu.memory_space<vmem>>
      %dma_start3A_163 = tpu.memref_squeeze %dma_start3A_162 : memref<1x512x64xf32, #tpu.memory_space<vmem>> -> memref<512x64xf32, #tpu.memory_space<vmem>>
      %dma_start3A_164 = arith.constant 0 : i32
      %dma_start3A_165 = tpu.memref_slice %arg4[%add3A_158, %dma_start3A_164] : memref<229376x128xf32, #tpu.memory_space<hbm>> -> memref<512x64xf32, #tpu.memory_space<hbm>>
      %dma_start3A_166 = arith.constant 0 : i32
      %dma_start3A_167 = tpu.memref_slice %arg4[%add3A_158, %dma_start3A_166] : memref<229376x128xf32, #tpu.memory_space<hbm>> -> memref<512x64xf32, #tpu.memory_space<hbm>>
      %dma_start3A_168 = arith.constant 0 : i32
      %dma_start3A_169 = arith.constant 0 : i32
      %dma_start3A_170 = tpu.memref_slice %arg6[%dma_start3A_159, %dma_start3A_168, %dma_start3A_169] : memref<2x512x64xf32, #tpu.memory_space<vmem>> -> memref<1x512x64xf32, #tpu.memory_space<vmem>>
      %dma_start3A_171 = tpu.memref_squeeze %dma_start3A_170 : memref<1x512x64xf32, #tpu.memory_space<vmem>> -> memref<512x64xf32, #tpu.memory_space<vmem>>
      tpu.enqueue_dma source(%dma_start3A_171 : memref<512x64xf32, #tpu.memory_space<vmem>>) target(%dma_start3A_167 : memref<512x64xf32, #tpu.memory_space<hbm>>) target_semaphore(%arg10 : memref<!tpu.dma_semaphore, #tpu.memory_space<semaphore_mem>>)
      %scan3A_172 = arith.constant 0 : i32
      scf.yield %scan3A_172 : i32
    }
    %scan3A_59 = arith.constant 7 : i32
    %add3A_60 = arith.constant 6144 : i32
    %add3A_61 = arith.addi %mul3A_4, %add3A_60 : i32
    %dma_wait3A = arith.constant 0 : i32
    %dma_wait3A_62 = arith.constant 0 : i32
    %dma_wait3A_63 = arith.constant 0 : i32
    %dma_wait3A_64 = tpu.memref_slice %arg6[%dma_wait3A, %dma_wait3A_62, %dma_wait3A_63] : memref<2x512x64xf32, #tpu.memory_space<vmem>> -> memref<1x512x64xf32, #tpu.memory_space<vmem>>
    %dma_wait3A_65 = tpu.memref_squeeze %dma_wait3A_64 : memref<1x512x64xf32, #tpu.memory_space<vmem>> -> memref<512x64xf32, #tpu.memory_space<vmem>>
    %dma_wait3A_66 = arith.constant 0 : i32
    %dma_wait3A_67 = tpu.memref_slice %arg4[%add3A_61, %dma_wait3A_66] : memref<229376x128xf32, #tpu.memory_space<hbm>> -> memref<512x64xf32, #tpu.memory_space<hbm>>
    %dma_wait3A_68 = arith.constant 0 : i32
    %dma_wait3A_69 = tpu.memref_slice %arg4[%add3A_61, %dma_wait3A_68] : memref<229376x128xf32, #tpu.memory_space<hbm>> -> memref<512x64xf32, #tpu.memory_space<hbm>>
    %dma_wait3A_70 = arith.constant 0 : i32
    %dma_wait3A_71 = arith.constant 0 : i32
    %dma_wait3A_72 = tpu.memref_slice %arg6[%dma_wait3A, %dma_wait3A_70, %dma_wait3A_71] : memref<2x512x64xf32, #tpu.memory_space<vmem>> -> memref<1x512x64xf32, #tpu.memory_space<vmem>>
    %dma_wait3A_73 = tpu.memref_squeeze %dma_wait3A_72 : memref<1x512x64xf32, #tpu.memory_space<vmem>> -> memref<512x64xf32, #tpu.memory_space<vmem>>
    tpu.wait_dma2 semaphore(%arg9 : memref<!tpu.dma_semaphore, #tpu.memory_space<semaphore_mem>>) src(%dma_wait3A_73 : memref<512x64xf32, #tpu.memory_space<vmem>>) dst(%dma_wait3A_69 : memref<512x64xf32, #tpu.memory_space<hbm>>)
    %add3A_74 = arith.constant 6656 : i32
    %add3A_75 = arith.addi %mul3A_4, %add3A_74 : i32
    %dma_wait3A_76 = arith.constant 1 : i32
    %dma_wait3A_77 = arith.constant 0 : i32
    %dma_wait3A_78 = arith.constant 0 : i32
    %dma_wait3A_79 = tpu.memref_slice %arg6[%dma_wait3A_76, %dma_wait3A_77, %dma_wait3A_78] : memref<2x512x64xf32, #tpu.memory_space<vmem>> -> memref<1x512x64xf32, #tpu.memory_space<vmem>>
    %dma_wait3A_80 = tpu.memref_squeeze %dma_wait3A_79 : memref<1x512x64xf32, #tpu.memory_space<vmem>> -> memref<512x64xf32, #tpu.memory_space<vmem>>
    %dma_wait3A_81 = arith.constant 0 : i32
    %dma_wait3A_82 = tpu.memref_slice %arg4[%add3A_75, %dma_wait3A_81] : memref<229376x128xf32, #tpu.memory_space<hbm>> -> memref<512x64xf32, #tpu.memory_space<hbm>>
    %dma_wait3A_83 = arith.constant 0 : i32
    %dma_wait3A_84 = tpu.memref_slice %arg4[%add3A_75, %dma_wait3A_83] : memref<229376x128xf32, #tpu.memory_space<hbm>> -> memref<512x64xf32, #tpu.memory_space<hbm>>
    %dma_wait3A_85 = arith.constant 0 : i32
    %dma_wait3A_86 = arith.constant 0 : i32
    %dma_wait3A_87 = tpu.memref_slice %arg6[%dma_wait3A_76, %dma_wait3A_85, %dma_wait3A_86] : memref<2x512x64xf32, #tpu.memory_space<vmem>> -> memref<1x512x64xf32, #tpu.memory_space<vmem>>
    %dma_wait3A_88 = tpu.memref_squeeze %dma_wait3A_87 : memref<1x512x64xf32, #tpu.memory_space<vmem>> -> memref<512x64xf32, #tpu.memory_space<vmem>>
    tpu.wait_dma2 semaphore(%arg10 : memref<!tpu.dma_semaphore, #tpu.memory_space<semaphore_mem>>) src(%dma_wait3A_88 : memref<512x64xf32, #tpu.memory_space<vmem>>) dst(%dma_wait3A_84 : memref<512x64xf32, #tpu.memory_space<hbm>>)
    return
  }
}

#map = affine_map<(d0, d1) -> (0, 0)>
module attributes {stable_mosaic.version = 14 : i64} {
  func.func @gather_k(%arg0: i32, %arg1: i32, %arg2: memref<100000x64xf32, #tpu.memory_space<hbm>>, %arg3: memref<768x128xi32, #tpu.memory_space<hbm>>, %arg4: memref<98304x128xf32, #tpu.memory_space<hbm>>, %arg5: memref<24x128xi32, #tpu.memory_space<vmem>>, %arg6: memref<2x512x64xf32, #tpu.memory_space<vmem>>, %arg7: memref<!tpu.dma_semaphore, #tpu.memory_space<semaphore_mem>>, %arg8: memref<!tpu.dma_semaphore, #tpu.memory_space<semaphore_mem>>, %arg9: memref<!tpu.dma_semaphore, #tpu.memory_space<semaphore_mem>>, %arg10: memref<!tpu.dma_semaphore, #tpu.memory_space<semaphore_mem>>) attributes {dimension_semantics = [#tpu.dimension_semantics<core_parallel>, #tpu.dimension_semantics<subcore_parallel>], iteration_bounds = array<i64: 2, 16>, scalar_prefetch = 0 : i64, scratch_operands = 6 : i64, tpu.core_type = #tpu.core_type<sc_vector_subcore>, window_params = [{transform_indices = #map}, {transform_indices = #map}, {transform_indices = #map}]} {
    %mul3A = arith.constant 2 : i32
    %mul3A_0 = arith.muli %arg1, %mul3A : i32
    %add3A = arith.addi %mul3A_0, %arg0 : i32
    %mul3A_1 = arith.constant 24 : i32
    %mul3A_2 = arith.muli %add3A, %mul3A_1 : i32
    %mul3A_3 = arith.constant 128 : i32
    %mul3A_4 = arith.muli %mul3A_2, %mul3A_3 : i32
    %mul3A_5 = arith.constant 24 : i32
    %mul3A_6 = arith.muli %add3A, %mul3A_5 : i32
    "tpu.region"() ({
      %run_scoped3A = tpu.sem_alloc : memref<!tpu.dma_semaphore, #tpu.memory_space<semaphore_mem>>
      %dma_start3A_89 = arith.constant 0 : i32
      %dma_start3A_90 = tpu.memref_slice %arg3[%mul3A_6, %dma_start3A_89] : memref<768x128xi32, #tpu.memory_space<hbm>> -> memref<24x128xi32, #tpu.memory_space<hbm>>
      %dma_start3A_91 = arith.constant 0 : i32
      %dma_start3A_92 = tpu.memref_slice %arg3[%mul3A_6, %dma_start3A_91] : memref<768x128xi32, #tpu.memory_space<hbm>> -> memref<24x128xi32, #tpu.memory_space<hbm>>
      tpu.enqueue_dma source(%dma_start3A_92 : memref<24x128xi32, #tpu.memory_space<hbm>>) target(%arg5 : memref<24x128xi32, #tpu.memory_space<vmem>>) target_semaphore(%run_scoped3A : memref<!tpu.dma_semaphore, #tpu.memory_space<semaphore_mem>>)
      %dma_wait3A_93 = arith.constant 0 : i32
      %dma_wait3A_94 = tpu.memref_slice %arg3[%mul3A_6, %dma_wait3A_93] : memref<768x128xi32, #tpu.memory_space<hbm>> -> memref<24x128xi32, #tpu.memory_space<hbm>>
      %dma_wait3A_95 = arith.constant 0 : i32
      %dma_wait3A_96 = tpu.memref_slice %arg3[%mul3A_6, %dma_wait3A_95] : memref<768x128xi32, #tpu.memory_space<hbm>> -> memref<24x128xi32, #tpu.memory_space<hbm>>
      tpu.wait_dma2 semaphore(%run_scoped3A : memref<!tpu.dma_semaphore, #tpu.memory_space<semaphore_mem>>) src(%dma_wait3A_96 : memref<24x128xi32, #tpu.memory_space<hbm>>) dst(%arg5 : memref<24x128xi32, #tpu.memory_space<vmem>>)
      tpu.yield
    }) : () -> ()
    %dma_start3A = arith.constant 0 : i32
    %dma_start3A_7 = arith.constant 0 : i32
    %dma_start3A_8 = arith.constant 0 : i32
    %dma_start3A_9 = arith.constant 0 : i32
    %dma_start3A_10 = tpu.memref_slice %arg6[%dma_start3A_7, %dma_start3A_8, %dma_start3A_9] : memref<2x512x64xf32, #tpu.memory_space<vmem>> -> memref<1x128x64xf32, #tpu.memory_space<vmem>>
    %dma_start3A_11 = tpu.memref_squeeze %dma_start3A_10 : memref<1x128x64xf32, #tpu.memory_space<vmem>> -> memref<128x64xf32, #tpu.memory_space<vmem>>
    %dma_start3A_12 = arith.constant 0 : i32
    %dma_start3A_13 = tpu.memref_slice %arg5[%dma_start3A, %dma_start3A_12] : memref<24x128xi32, #tpu.memory_space<vmem>> -> memref<1x128xi32, #tpu.memory_space<vmem>>
    %dma_start3A_14 = tpu.memref_squeeze %dma_start3A_13 : memref<1x128xi32, #tpu.memory_space<vmem>> -> memref<128xi32, #tpu.memory_space<vmem>>
    %dma_start3A_15 = arith.constant 0 : i32
    %dma_start3A_16 = arith.constant 0 : i32
    %dma_start3A_17 = tpu.memref_slice %arg2[%dma_start3A_15, %dma_start3A_16] : memref<100000x64xf32, #tpu.memory_space<hbm>> -> memref<100000x64xf32, #tpu.memory_space<hbm>>
    tpu.enqueue_indirect_dma source(%dma_start3A_17 : memref<100000x64xf32, #tpu.memory_space<hbm>>) target(%dma_start3A_11 : memref<128x64xf32, #tpu.memory_space<vmem>>) offsets(%dma_start3A_14 : memref<128xi32, #tpu.memory_space<vmem>>) semaphore(%arg7 : memref<!tpu.dma_semaphore, #tpu.memory_space<semaphore_mem>>)
    %dma_start3A_18 = arith.constant 1 : i32
    %dma_start3A_19 = arith.constant 0 : i32
    %dma_start3A_20 = arith.constant 128 : i32
    %dma_start3A_21 = arith.constant 0 : i32
    %dma_start3A_22 = tpu.memref_slice %arg6[%dma_start3A_19, %dma_start3A_20, %dma_start3A_21] : memref<2x512x64xf32, #tpu.memory_space<vmem>> -> memref<1x128x64xf32, #tpu.memory_space<vmem>>
    %dma_start3A_23 = tpu.memref_squeeze %dma_start3A_22 : memref<1x128x64xf32, #tpu.memory_space<vmem>> -> memref<128x64xf32, #tpu.memory_space<vmem>>
    %dma_start3A_24 = arith.constant 0 : i32
    %dma_start3A_25 = tpu.memref_slice %arg5[%dma_start3A_18, %dma_start3A_24] : memref<24x128xi32, #tpu.memory_space<vmem>> -> memref<1x128xi32, #tpu.memory_space<vmem>>
    %dma_start3A_26 = tpu.memref_squeeze %dma_start3A_25 : memref<1x128xi32, #tpu.memory_space<vmem>> -> memref<128xi32, #tpu.memory_space<vmem>>
    %dma_start3A_27 = arith.constant 0 : i32
    %dma_start3A_28 = arith.constant 0 : i32
    %dma_start3A_29 = tpu.memref_slice %arg2[%dma_start3A_27, %dma_start3A_28] : memref<100000x64xf32, #tpu.memory_space<hbm>> -> memref<100000x64xf32, #tpu.memory_space<hbm>>
    tpu.enqueue_indirect_dma source(%dma_start3A_29 : memref<100000x64xf32, #tpu.memory_space<hbm>>) target(%dma_start3A_23 : memref<128x64xf32, #tpu.memory_space<vmem>>) offsets(%dma_start3A_26 : memref<128xi32, #tpu.memory_space<vmem>>) semaphore(%arg7 : memref<!tpu.dma_semaphore, #tpu.memory_space<semaphore_mem>>)
    %dma_start3A_30 = arith.constant 2 : i32
    %dma_start3A_31 = arith.constant 0 : i32
    %dma_start3A_32 = arith.constant 256 : i32
    %dma_start3A_33 = arith.constant 0 : i32
    %dma_start3A_34 = tpu.memref_slice %arg6[%dma_start3A_31, %dma_start3A_32, %dma_start3A_33] : memref<2x512x64xf32, #tpu.memory_space<vmem>> -> memref<1x128x64xf32, #tpu.memory_space<vmem>>
    %dma_start3A_35 = tpu.memref_squeeze %dma_start3A_34 : memref<1x128x64xf32, #tpu.memory_space<vmem>> -> memref<128x64xf32, #tpu.memory_space<vmem>>
    %dma_start3A_36 = arith.constant 0 : i32
    %dma_start3A_37 = tpu.memref_slice %arg5[%dma_start3A_30, %dma_start3A_36] : memref<24x128xi32, #tpu.memory_space<vmem>> -> memref<1x128xi32, #tpu.memory_space<vmem>>
    %dma_start3A_38 = tpu.memref_squeeze %dma_start3A_37 : memref<1x128xi32, #tpu.memory_space<vmem>> -> memref<128xi32, #tpu.memory_space<vmem>>
    %dma_start3A_39 = arith.constant 0 : i32
    %dma_start3A_40 = arith.constant 0 : i32
    %dma_start3A_41 = tpu.memref_slice %arg2[%dma_start3A_39, %dma_start3A_40] : memref<100000x64xf32, #tpu.memory_space<hbm>> -> memref<100000x64xf32, #tpu.memory_space<hbm>>
    tpu.enqueue_indirect_dma source(%dma_start3A_41 : memref<100000x64xf32, #tpu.memory_space<hbm>>) target(%dma_start3A_35 : memref<128x64xf32, #tpu.memory_space<vmem>>) offsets(%dma_start3A_38 : memref<128xi32, #tpu.memory_space<vmem>>) semaphore(%arg7 : memref<!tpu.dma_semaphore, #tpu.memory_space<semaphore_mem>>)
    %dma_start3A_42 = arith.constant 3 : i32
    %dma_start3A_43 = arith.constant 0 : i32
    %dma_start3A_44 = arith.constant 384 : i32
    %dma_start3A_45 = arith.constant 0 : i32
    %dma_start3A_46 = tpu.memref_slice %arg6[%dma_start3A_43, %dma_start3A_44, %dma_start3A_45] : memref<2x512x64xf32, #tpu.memory_space<vmem>> -> memref<1x128x64xf32, #tpu.memory_space<vmem>>
    %dma_start3A_47 = tpu.memref_squeeze %dma_start3A_46 : memref<1x128x64xf32, #tpu.memory_space<vmem>> -> memref<128x64xf32, #tpu.memory_space<vmem>>
    %dma_start3A_48 = arith.constant 0 : i32
    %dma_start3A_49 = tpu.memref_slice %arg5[%dma_start3A_42, %dma_start3A_48] : memref<24x128xi32, #tpu.memory_space<vmem>> -> memref<1x128xi32, #tpu.memory_space<vmem>>
    %dma_start3A_50 = tpu.memref_squeeze %dma_start3A_49 : memref<1x128xi32, #tpu.memory_space<vmem>> -> memref<128xi32, #tpu.memory_space<vmem>>
    %dma_start3A_51 = arith.constant 0 : i32
    %dma_start3A_52 = arith.constant 0 : i32
    %dma_start3A_53 = tpu.memref_slice %arg2[%dma_start3A_51, %dma_start3A_52] : memref<100000x64xf32, #tpu.memory_space<hbm>> -> memref<100000x64xf32, #tpu.memory_space<hbm>>
    tpu.enqueue_indirect_dma source(%dma_start3A_53 : memref<100000x64xf32, #tpu.memory_space<hbm>>) target(%dma_start3A_47 : memref<128x64xf32, #tpu.memory_space<vmem>>) offsets(%dma_start3A_50 : memref<128xi32, #tpu.memory_space<vmem>>) semaphore(%arg7 : memref<!tpu.dma_semaphore, #tpu.memory_space<semaphore_mem>>)
    %scan3A = arith.constant 0 : i32
    %scan3A_54 = arith.constant 0 : i32
    %scan3A_55 = arith.constant 3 : i32
    %scan3A_56 = arith.addi %scan3A_54, %scan3A_55 : i32
    %scan3A_57 = arith.constant 1 : i32
    %scan3A_58 = scf.for %scan3A_89 = %scan3A_54 to %scan3A_56 step %scan3A_57 iter_args(%scan3A_90 = %scan3A) -> (i32)  : i32 {
      %mul3A_91 = arith.constant 2 : i32
      %mul3A_92 = arith.muli %scan3A_89, %mul3A_91 : i32
      %add3A_93 = arith.constant 0 : i32
      %add3A_94 = arith.addi %mul3A_92, %add3A_93 : i32
      %mul3A_95 = arith.constant 512 : i32
      %mul3A_96 = arith.muli %add3A_94, %mul3A_95 : i32
      %add3A_97 = arith.addi %mul3A_4, %mul3A_96 : i32
      %dma_wait3A_98 = arith.constant 0 : i32
      %dma_wait3A_99 = arith.constant 0 : i32
      %dma_wait3A_100 = arith.constant 0 : i32
      %dma_wait3A_101 = tpu.memref_slice %arg6[%dma_wait3A_98, %dma_wait3A_99, %dma_wait3A_100] : memref<2x512x64xf32, #tpu.memory_space<vmem>> -> memref<1x512x64xf32, #tpu.memory_space<vmem>>
      %dma_wait3A_102 = tpu.memref_squeeze %dma_wait3A_101 : memref<1x512x64xf32, #tpu.memory_space<vmem>> -> memref<512x64xf32, #tpu.memory_space<vmem>>
      %dma_wait3A_103 = arith.constant 0 : i32
      %dma_wait3A_104 = tpu.memref_slice %arg4[%add3A_97, %dma_wait3A_103] : memref<98304x128xf32, #tpu.memory_space<hbm>> -> memref<512x64xf32, #tpu.memory_space<hbm>>
      %dma_wait3A_105 = arith.constant 0 : i32
      %dma_wait3A_106 = arith.constant 0 : i32
      %dma_wait3A_107 = tpu.memref_slice %arg6[%dma_wait3A_98, %dma_wait3A_105, %dma_wait3A_106] : memref<2x512x64xf32, #tpu.memory_space<vmem>> -> memref<1x512x64xf32, #tpu.memory_space<vmem>>
      %dma_wait3A_108 = tpu.memref_squeeze %dma_wait3A_107 : memref<1x512x64xf32, #tpu.memory_space<vmem>> -> memref<512x64xf32, #tpu.memory_space<vmem>>
      %dma_wait3A_109 = arith.constant 0 : i32
      %dma_wait3A_110 = tpu.memref_slice %arg4[%add3A_97, %dma_wait3A_109] : memref<98304x128xf32, #tpu.memory_space<hbm>> -> memref<512x64xf32, #tpu.memory_space<hbm>>
      tpu.wait_dma2 semaphore(%arg7 : memref<!tpu.dma_semaphore, #tpu.memory_space<semaphore_mem>>) src(%dma_wait3A_110 : memref<512x64xf32, #tpu.memory_space<hbm>>) dst(%dma_wait3A_108 : memref<512x64xf32, #tpu.memory_space<vmem>>)
      %add3A_111 = arith.constant 1 : i32
      %add3A_112 = arith.addi %add3A_94, %add3A_111 : i32
      %lt3A = arith.constant 6 : i32
      %lt3A_113 = arith.cmpi slt, %add3A_112, %lt3A : i32
      %convert_element_type3A = arith.extui %lt3A_113 : i1 to i32
      %cond3A = arith.constant 0 : i32
      %cond3A_114 = arith.cmpi ne, %convert_element_type3A, %cond3A : i32
      scf.if %cond3A_114 {
        %ge3A = arith.constant 1 : i32
        %ge3A_173 = arith.cmpi sge, %add3A_94, %ge3A : i32
        %convert_element_type3A_174 = arith.extui %ge3A_173 : i1 to i32
        %cond3A_175 = arith.constant 0 : i32
        %cond3A_176 = arith.cmpi ne, %convert_element_type3A_174, %cond3A_175 : i32
        scf.if %cond3A_176 {
          %sub3A = arith.constant 1 : i32
          %sub3A_239 = arith.subi %add3A_94, %sub3A : i32
          %mul3A_240 = arith.constant 512 : i32
          %mul3A_241 = arith.muli %sub3A_239, %mul3A_240 : i32
          %add3A_242 = arith.addi %mul3A_4, %mul3A_241 : i32
          %dma_wait3A_243 = arith.constant 1 : i32
          %dma_wait3A_244 = arith.constant 0 : i32
          %dma_wait3A_245 = arith.constant 0 : i32
          %dma_wait3A_246 = tpu.memref_slice %arg6[%dma_wait3A_243, %dma_wait3A_244, %dma_wait3A_245] : memref<2x512x64xf32, #tpu.memory_space<vmem>> -> memref<1x512x64xf32, #tpu.memory_space<vmem>>
          %dma_wait3A_247 = tpu.memref_squeeze %dma_wait3A_246 : memref<1x512x64xf32, #tpu.memory_space<vmem>> -> memref<512x64xf32, #tpu.memory_space<vmem>>
          %dma_wait3A_248 = arith.constant 0 : i32
          %dma_wait3A_249 = tpu.memref_slice %arg4[%add3A_242, %dma_wait3A_248] : memref<98304x128xf32, #tpu.memory_space<hbm>> -> memref<512x64xf32, #tpu.memory_space<hbm>>
          %dma_wait3A_250 = arith.constant 0 : i32
          %dma_wait3A_251 = tpu.memref_slice %arg4[%add3A_242, %dma_wait3A_250] : memref<98304x128xf32, #tpu.memory_space<hbm>> -> memref<512x64xf32, #tpu.memory_space<hbm>>
          %dma_wait3A_252 = arith.constant 0 : i32
          %dma_wait3A_253 = arith.constant 0 : i32
          %dma_wait3A_254 = tpu.memref_slice %arg6[%dma_wait3A_243, %dma_wait3A_252, %dma_wait3A_253] : memref<2x512x64xf32, #tpu.memory_space<vmem>> -> memref<1x512x64xf32, #tpu.memory_space<vmem>>
          %dma_wait3A_255 = tpu.memref_squeeze %dma_wait3A_254 : memref<1x512x64xf32, #tpu.memory_space<vmem>> -> memref<512x64xf32, #tpu.memory_space<vmem>>
          tpu.wait_dma2 semaphore(%arg10 : memref<!tpu.dma_semaphore, #tpu.memory_space<semaphore_mem>>) src(%dma_wait3A_255 : memref<512x64xf32, #tpu.memory_space<vmem>>) dst(%dma_wait3A_251 : memref<512x64xf32, #tpu.memory_space<hbm>>)
        } else {
        }
        %add3A_177 = arith.constant 1 : i32
        %add3A_178 = arith.addi %add3A_94, %add3A_177 : i32
        %mul3A_179 = arith.constant 4 : i32
        %mul3A_180 = arith.muli %add3A_178, %mul3A_179 : i32
        %add3A_181 = arith.constant 0 : i32
        %add3A_182 = arith.addi %mul3A_180, %add3A_181 : i32
        %dma_start3A_183 = arith.constant 1 : i32
        %dma_start3A_184 = arith.constant 0 : i32
        %dma_start3A_185 = arith.constant 0 : i32
        %dma_start3A_186 = tpu.memref_slice %arg6[%dma_start3A_183, %dma_start3A_184, %dma_start3A_185] : memref<2x512x64xf32, #tpu.memory_space<vmem>> -> memref<1x128x64xf32, #tpu.memory_space<vmem>>
        %dma_start3A_187 = tpu.memref_squeeze %dma_start3A_186 : memref<1x128x64xf32, #tpu.memory_space<vmem>> -> memref<128x64xf32, #tpu.memory_space<vmem>>
        %dma_start3A_188 = arith.constant 0 : i32
        %dma_start3A_189 = tpu.memref_slice %arg5[%add3A_182, %dma_start3A_188] : memref<24x128xi32, #tpu.memory_space<vmem>> -> memref<1x128xi32, #tpu.memory_space<vmem>>
        %dma_start3A_190 = tpu.memref_squeeze %dma_start3A_189 : memref<1x128xi32, #tpu.memory_space<vmem>> -> memref<128xi32, #tpu.memory_space<vmem>>
        %dma_start3A_191 = arith.constant 0 : i32
        %dma_start3A_192 = arith.constant 0 : i32
        %dma_start3A_193 = tpu.memref_slice %arg2[%dma_start3A_191, %dma_start3A_192] : memref<100000x64xf32, #tpu.memory_space<hbm>> -> memref<100000x64xf32, #tpu.memory_space<hbm>>
        tpu.enqueue_indirect_dma source(%dma_start3A_193 : memref<100000x64xf32, #tpu.memory_space<hbm>>) target(%dma_start3A_187 : memref<128x64xf32, #tpu.memory_space<vmem>>) offsets(%dma_start3A_190 : memref<128xi32, #tpu.memory_space<vmem>>) semaphore(%arg8 : memref<!tpu.dma_semaphore, #tpu.memory_space<semaphore_mem>>)
        %mul3A_194 = arith.constant 4 : i32
        %mul3A_195 = arith.muli %add3A_178, %mul3A_194 : i32
        %add3A_196 = arith.constant 1 : i32
        %add3A_197 = arith.addi %mul3A_195, %add3A_196 : i32
        %dma_start3A_198 = arith.constant 1 : i32
        %dma_start3A_199 = arith.constant 128 : i32
        %dma_start3A_200 = arith.constant 0 : i32
        %dma_start3A_201 = tpu.memref_slice %arg6[%dma_start3A_198, %dma_start3A_199, %dma_start3A_200] : memref<2x512x64xf32, #tpu.memory_space<vmem>> -> memref<1x128x64xf32, #tpu.memory_space<vmem>>
        %dma_start3A_202 = tpu.memref_squeeze %dma_start3A_201 : memref<1x128x64xf32, #tpu.memory_space<vmem>> -> memref<128x64xf32, #tpu.memory_space<vmem>>
        %dma_start3A_203 = arith.constant 0 : i32
        %dma_start3A_204 = tpu.memref_slice %arg5[%add3A_197, %dma_start3A_203] : memref<24x128xi32, #tpu.memory_space<vmem>> -> memref<1x128xi32, #tpu.memory_space<vmem>>
        %dma_start3A_205 = tpu.memref_squeeze %dma_start3A_204 : memref<1x128xi32, #tpu.memory_space<vmem>> -> memref<128xi32, #tpu.memory_space<vmem>>
        %dma_start3A_206 = arith.constant 0 : i32
        %dma_start3A_207 = arith.constant 0 : i32
        %dma_start3A_208 = tpu.memref_slice %arg2[%dma_start3A_206, %dma_start3A_207] : memref<100000x64xf32, #tpu.memory_space<hbm>> -> memref<100000x64xf32, #tpu.memory_space<hbm>>
        tpu.enqueue_indirect_dma source(%dma_start3A_208 : memref<100000x64xf32, #tpu.memory_space<hbm>>) target(%dma_start3A_202 : memref<128x64xf32, #tpu.memory_space<vmem>>) offsets(%dma_start3A_205 : memref<128xi32, #tpu.memory_space<vmem>>) semaphore(%arg8 : memref<!tpu.dma_semaphore, #tpu.memory_space<semaphore_mem>>)
        %mul3A_209 = arith.constant 4 : i32
        %mul3A_210 = arith.muli %add3A_178, %mul3A_209 : i32
        %add3A_211 = arith.constant 2 : i32
        %add3A_212 = arith.addi %mul3A_210, %add3A_211 : i32
        %dma_start3A_213 = arith.constant 1 : i32
        %dma_start3A_214 = arith.constant 256 : i32
        %dma_start3A_215 = arith.constant 0 : i32
        %dma_start3A_216 = tpu.memref_slice %arg6[%dma_start3A_213, %dma_start3A_214, %dma_start3A_215] : memref<2x512x64xf32, #tpu.memory_space<vmem>> -> memref<1x128x64xf32, #tpu.memory_space<vmem>>
        %dma_start3A_217 = tpu.memref_squeeze %dma_start3A_216 : memref<1x128x64xf32, #tpu.memory_space<vmem>> -> memref<128x64xf32, #tpu.memory_space<vmem>>
        %dma_start3A_218 = arith.constant 0 : i32
        %dma_start3A_219 = tpu.memref_slice %arg5[%add3A_212, %dma_start3A_218] : memref<24x128xi32, #tpu.memory_space<vmem>> -> memref<1x128xi32, #tpu.memory_space<vmem>>
        %dma_start3A_220 = tpu.memref_squeeze %dma_start3A_219 : memref<1x128xi32, #tpu.memory_space<vmem>> -> memref<128xi32, #tpu.memory_space<vmem>>
        %dma_start3A_221 = arith.constant 0 : i32
        %dma_start3A_222 = arith.constant 0 : i32
        %dma_start3A_223 = tpu.memref_slice %arg2[%dma_start3A_221, %dma_start3A_222] : memref<100000x64xf32, #tpu.memory_space<hbm>> -> memref<100000x64xf32, #tpu.memory_space<hbm>>
        tpu.enqueue_indirect_dma source(%dma_start3A_223 : memref<100000x64xf32, #tpu.memory_space<hbm>>) target(%dma_start3A_217 : memref<128x64xf32, #tpu.memory_space<vmem>>) offsets(%dma_start3A_220 : memref<128xi32, #tpu.memory_space<vmem>>) semaphore(%arg8 : memref<!tpu.dma_semaphore, #tpu.memory_space<semaphore_mem>>)
        %mul3A_224 = arith.constant 4 : i32
        %mul3A_225 = arith.muli %add3A_178, %mul3A_224 : i32
        %add3A_226 = arith.constant 3 : i32
        %add3A_227 = arith.addi %mul3A_225, %add3A_226 : i32
        %dma_start3A_228 = arith.constant 1 : i32
        %dma_start3A_229 = arith.constant 384 : i32
        %dma_start3A_230 = arith.constant 0 : i32
        %dma_start3A_231 = tpu.memref_slice %arg6[%dma_start3A_228, %dma_start3A_229, %dma_start3A_230] : memref<2x512x64xf32, #tpu.memory_space<vmem>> -> memref<1x128x64xf32, #tpu.memory_space<vmem>>
        %dma_start3A_232 = tpu.memref_squeeze %dma_start3A_231 : memref<1x128x64xf32, #tpu.memory_space<vmem>> -> memref<128x64xf32, #tpu.memory_space<vmem>>
        %dma_start3A_233 = arith.constant 0 : i32
        %dma_start3A_234 = tpu.memref_slice %arg5[%add3A_227, %dma_start3A_233] : memref<24x128xi32, #tpu.memory_space<vmem>> -> memref<1x128xi32, #tpu.memory_space<vmem>>
        %dma_start3A_235 = tpu.memref_squeeze %dma_start3A_234 : memref<1x128xi32, #tpu.memory_space<vmem>> -> memref<128xi32, #tpu.memory_space<vmem>>
        %dma_start3A_236 = arith.constant 0 : i32
        %dma_start3A_237 = arith.constant 0 : i32
        %dma_start3A_238 = tpu.memref_slice %arg2[%dma_start3A_236, %dma_start3A_237] : memref<100000x64xf32, #tpu.memory_space<hbm>> -> memref<100000x64xf32, #tpu.memory_space<hbm>>
        tpu.enqueue_indirect_dma source(%dma_start3A_238 : memref<100000x64xf32, #tpu.memory_space<hbm>>) target(%dma_start3A_232 : memref<128x64xf32, #tpu.memory_space<vmem>>) offsets(%dma_start3A_235 : memref<128xi32, #tpu.memory_space<vmem>>) semaphore(%arg8 : memref<!tpu.dma_semaphore, #tpu.memory_space<semaphore_mem>>)
      } else {
      }
      %mul3A_115 = arith.constant 512 : i32
      %mul3A_116 = arith.muli %add3A_94, %mul3A_115 : i32
      %add3A_117 = arith.addi %mul3A_4, %mul3A_116 : i32
      %dma_start3A_118 = arith.constant 0 : i32
      %dma_start3A_119 = arith.constant 0 : i32
      %dma_start3A_120 = arith.constant 0 : i32
      %dma_start3A_121 = tpu.memref_slice %arg6[%dma_start3A_118, %dma_start3A_119, %dma_start3A_120] : memref<2x512x64xf32, #tpu.memory_space<vmem>> -> memref<1x512x64xf32, #tpu.memory_space<vmem>>
      %dma_start3A_122 = tpu.memref_squeeze %dma_start3A_121 : memref<1x512x64xf32, #tpu.memory_space<vmem>> -> memref<512x64xf32, #tpu.memory_space<vmem>>
      %dma_start3A_123 = arith.constant 0 : i32
      %dma_start3A_124 = tpu.memref_slice %arg4[%add3A_117, %dma_start3A_123] : memref<98304x128xf32, #tpu.memory_space<hbm>> -> memref<512x64xf32, #tpu.memory_space<hbm>>
      %dma_start3A_125 = arith.constant 0 : i32
      %dma_start3A_126 = tpu.memref_slice %arg4[%add3A_117, %dma_start3A_125] : memref<98304x128xf32, #tpu.memory_space<hbm>> -> memref<512x64xf32, #tpu.memory_space<hbm>>
      %dma_start3A_127 = arith.constant 0 : i32
      %dma_start3A_128 = arith.constant 0 : i32
      %dma_start3A_129 = tpu.memref_slice %arg6[%dma_start3A_118, %dma_start3A_127, %dma_start3A_128] : memref<2x512x64xf32, #tpu.memory_space<vmem>> -> memref<1x512x64xf32, #tpu.memory_space<vmem>>
      %dma_start3A_130 = tpu.memref_squeeze %dma_start3A_129 : memref<1x512x64xf32, #tpu.memory_space<vmem>> -> memref<512x64xf32, #tpu.memory_space<vmem>>
      tpu.enqueue_dma source(%dma_start3A_130 : memref<512x64xf32, #tpu.memory_space<vmem>>) target(%dma_start3A_126 : memref<512x64xf32, #tpu.memory_space<hbm>>) target_semaphore(%arg9 : memref<!tpu.dma_semaphore, #tpu.memory_space<semaphore_mem>>)
      %add3A_131 = arith.constant 1 : i32
      %add3A_132 = arith.addi %mul3A_92, %add3A_131 : i32
      %mul3A_133 = arith.constant 512 : i32
      %mul3A_134 = arith.muli %add3A_132, %mul3A_133 : i32
      %add3A_135 = arith.addi %mul3A_4, %mul3A_134 : i32
      %dma_wait3A_136 = arith.constant 1 : i32
      %dma_wait3A_137 = arith.constant 0 : i32
      %dma_wait3A_138 = arith.constant 0 : i32
      %dma_wait3A_139 = tpu.memref_slice %arg6[%dma_wait3A_136, %dma_wait3A_137, %dma_wait3A_138] : memref<2x512x64xf32, #tpu.memory_space<vmem>> -> memref<1x512x64xf32, #tpu.memory_space<vmem>>
      %dma_wait3A_140 = tpu.memref_squeeze %dma_wait3A_139 : memref<1x512x64xf32, #tpu.memory_space<vmem>> -> memref<512x64xf32, #tpu.memory_space<vmem>>
      %dma_wait3A_141 = arith.constant 0 : i32
      %dma_wait3A_142 = tpu.memref_slice %arg4[%add3A_135, %dma_wait3A_141] : memref<98304x128xf32, #tpu.memory_space<hbm>> -> memref<512x64xf32, #tpu.memory_space<hbm>>
      %dma_wait3A_143 = arith.constant 0 : i32
      %dma_wait3A_144 = arith.constant 0 : i32
      %dma_wait3A_145 = tpu.memref_slice %arg6[%dma_wait3A_136, %dma_wait3A_143, %dma_wait3A_144] : memref<2x512x64xf32, #tpu.memory_space<vmem>> -> memref<1x512x64xf32, #tpu.memory_space<vmem>>
      %dma_wait3A_146 = tpu.memref_squeeze %dma_wait3A_145 : memref<1x512x64xf32, #tpu.memory_space<vmem>> -> memref<512x64xf32, #tpu.memory_space<vmem>>
      %dma_wait3A_147 = arith.constant 0 : i32
      %dma_wait3A_148 = tpu.memref_slice %arg4[%add3A_135, %dma_wait3A_147] : memref<98304x128xf32, #tpu.memory_space<hbm>> -> memref<512x64xf32, #tpu.memory_space<hbm>>
      tpu.wait_dma2 semaphore(%arg8 : memref<!tpu.dma_semaphore, #tpu.memory_space<semaphore_mem>>) src(%dma_wait3A_148 : memref<512x64xf32, #tpu.memory_space<hbm>>) dst(%dma_wait3A_146 : memref<512x64xf32, #tpu.memory_space<vmem>>)
      %add3A_149 = arith.constant 1 : i32
      %add3A_150 = arith.addi %add3A_132, %add3A_149 : i32
      %lt3A_151 = arith.constant 6 : i32
      %lt3A_152 = arith.cmpi slt, %add3A_150, %lt3A_151 : i32
      %convert_element_type3A_153 = arith.extui %lt3A_152 : i1 to i32
      %cond3A_154 = arith.constant 0 : i32
      %cond3A_155 = arith.cmpi ne, %convert_element_type3A_153, %cond3A_154 : i32
      scf.if %cond3A_155 {
        %ge3A = arith.constant 1 : i32
        %ge3A_173 = arith.cmpi sge, %add3A_132, %ge3A : i32
        %convert_element_type3A_174 = arith.extui %ge3A_173 : i1 to i32
        %cond3A_175 = arith.constant 0 : i32
        %cond3A_176 = arith.cmpi ne, %convert_element_type3A_174, %cond3A_175 : i32
        scf.if %cond3A_176 {
          %sub3A = arith.constant 1 : i32
          %sub3A_239 = arith.subi %add3A_132, %sub3A : i32
          %mul3A_240 = arith.constant 512 : i32
          %mul3A_241 = arith.muli %sub3A_239, %mul3A_240 : i32
          %add3A_242 = arith.addi %mul3A_4, %mul3A_241 : i32
          %dma_wait3A_243 = arith.constant 0 : i32
          %dma_wait3A_244 = arith.constant 0 : i32
          %dma_wait3A_245 = arith.constant 0 : i32
          %dma_wait3A_246 = tpu.memref_slice %arg6[%dma_wait3A_243, %dma_wait3A_244, %dma_wait3A_245] : memref<2x512x64xf32, #tpu.memory_space<vmem>> -> memref<1x512x64xf32, #tpu.memory_space<vmem>>
          %dma_wait3A_247 = tpu.memref_squeeze %dma_wait3A_246 : memref<1x512x64xf32, #tpu.memory_space<vmem>> -> memref<512x64xf32, #tpu.memory_space<vmem>>
          %dma_wait3A_248 = arith.constant 0 : i32
          %dma_wait3A_249 = tpu.memref_slice %arg4[%add3A_242, %dma_wait3A_248] : memref<98304x128xf32, #tpu.memory_space<hbm>> -> memref<512x64xf32, #tpu.memory_space<hbm>>
          %dma_wait3A_250 = arith.constant 0 : i32
          %dma_wait3A_251 = tpu.memref_slice %arg4[%add3A_242, %dma_wait3A_250] : memref<98304x128xf32, #tpu.memory_space<hbm>> -> memref<512x64xf32, #tpu.memory_space<hbm>>
          %dma_wait3A_252 = arith.constant 0 : i32
          %dma_wait3A_253 = arith.constant 0 : i32
          %dma_wait3A_254 = tpu.memref_slice %arg6[%dma_wait3A_243, %dma_wait3A_252, %dma_wait3A_253] : memref<2x512x64xf32, #tpu.memory_space<vmem>> -> memref<1x512x64xf32, #tpu.memory_space<vmem>>
          %dma_wait3A_255 = tpu.memref_squeeze %dma_wait3A_254 : memref<1x512x64xf32, #tpu.memory_space<vmem>> -> memref<512x64xf32, #tpu.memory_space<vmem>>
          tpu.wait_dma2 semaphore(%arg9 : memref<!tpu.dma_semaphore, #tpu.memory_space<semaphore_mem>>) src(%dma_wait3A_255 : memref<512x64xf32, #tpu.memory_space<vmem>>) dst(%dma_wait3A_251 : memref<512x64xf32, #tpu.memory_space<hbm>>)
        } else {
        }
        %add3A_177 = arith.constant 1 : i32
        %add3A_178 = arith.addi %add3A_132, %add3A_177 : i32
        %mul3A_179 = arith.constant 4 : i32
        %mul3A_180 = arith.muli %add3A_178, %mul3A_179 : i32
        %add3A_181 = arith.constant 0 : i32
        %add3A_182 = arith.addi %mul3A_180, %add3A_181 : i32
        %dma_start3A_183 = arith.constant 0 : i32
        %dma_start3A_184 = arith.constant 0 : i32
        %dma_start3A_185 = arith.constant 0 : i32
        %dma_start3A_186 = tpu.memref_slice %arg6[%dma_start3A_183, %dma_start3A_184, %dma_start3A_185] : memref<2x512x64xf32, #tpu.memory_space<vmem>> -> memref<1x128x64xf32, #tpu.memory_space<vmem>>
        %dma_start3A_187 = tpu.memref_squeeze %dma_start3A_186 : memref<1x128x64xf32, #tpu.memory_space<vmem>> -> memref<128x64xf32, #tpu.memory_space<vmem>>
        %dma_start3A_188 = arith.constant 0 : i32
        %dma_start3A_189 = tpu.memref_slice %arg5[%add3A_182, %dma_start3A_188] : memref<24x128xi32, #tpu.memory_space<vmem>> -> memref<1x128xi32, #tpu.memory_space<vmem>>
        %dma_start3A_190 = tpu.memref_squeeze %dma_start3A_189 : memref<1x128xi32, #tpu.memory_space<vmem>> -> memref<128xi32, #tpu.memory_space<vmem>>
        %dma_start3A_191 = arith.constant 0 : i32
        %dma_start3A_192 = arith.constant 0 : i32
        %dma_start3A_193 = tpu.memref_slice %arg2[%dma_start3A_191, %dma_start3A_192] : memref<100000x64xf32, #tpu.memory_space<hbm>> -> memref<100000x64xf32, #tpu.memory_space<hbm>>
        tpu.enqueue_indirect_dma source(%dma_start3A_193 : memref<100000x64xf32, #tpu.memory_space<hbm>>) target(%dma_start3A_187 : memref<128x64xf32, #tpu.memory_space<vmem>>) offsets(%dma_start3A_190 : memref<128xi32, #tpu.memory_space<vmem>>) semaphore(%arg7 : memref<!tpu.dma_semaphore, #tpu.memory_space<semaphore_mem>>)
        %mul3A_194 = arith.constant 4 : i32
        %mul3A_195 = arith.muli %add3A_178, %mul3A_194 : i32
        %add3A_196 = arith.constant 1 : i32
        %add3A_197 = arith.addi %mul3A_195, %add3A_196 : i32
        %dma_start3A_198 = arith.constant 0 : i32
        %dma_start3A_199 = arith.constant 128 : i32
        %dma_start3A_200 = arith.constant 0 : i32
        %dma_start3A_201 = tpu.memref_slice %arg6[%dma_start3A_198, %dma_start3A_199, %dma_start3A_200] : memref<2x512x64xf32, #tpu.memory_space<vmem>> -> memref<1x128x64xf32, #tpu.memory_space<vmem>>
        %dma_start3A_202 = tpu.memref_squeeze %dma_start3A_201 : memref<1x128x64xf32, #tpu.memory_space<vmem>> -> memref<128x64xf32, #tpu.memory_space<vmem>>
        %dma_start3A_203 = arith.constant 0 : i32
        %dma_start3A_204 = tpu.memref_slice %arg5[%add3A_197, %dma_start3A_203] : memref<24x128xi32, #tpu.memory_space<vmem>> -> memref<1x128xi32, #tpu.memory_space<vmem>>
        %dma_start3A_205 = tpu.memref_squeeze %dma_start3A_204 : memref<1x128xi32, #tpu.memory_space<vmem>> -> memref<128xi32, #tpu.memory_space<vmem>>
        %dma_start3A_206 = arith.constant 0 : i32
        %dma_start3A_207 = arith.constant 0 : i32
        %dma_start3A_208 = tpu.memref_slice %arg2[%dma_start3A_206, %dma_start3A_207] : memref<100000x64xf32, #tpu.memory_space<hbm>> -> memref<100000x64xf32, #tpu.memory_space<hbm>>
        tpu.enqueue_indirect_dma source(%dma_start3A_208 : memref<100000x64xf32, #tpu.memory_space<hbm>>) target(%dma_start3A_202 : memref<128x64xf32, #tpu.memory_space<vmem>>) offsets(%dma_start3A_205 : memref<128xi32, #tpu.memory_space<vmem>>) semaphore(%arg7 : memref<!tpu.dma_semaphore, #tpu.memory_space<semaphore_mem>>)
        %mul3A_209 = arith.constant 4 : i32
        %mul3A_210 = arith.muli %add3A_178, %mul3A_209 : i32
        %add3A_211 = arith.constant 2 : i32
        %add3A_212 = arith.addi %mul3A_210, %add3A_211 : i32
        %dma_start3A_213 = arith.constant 0 : i32
        %dma_start3A_214 = arith.constant 256 : i32
        %dma_start3A_215 = arith.constant 0 : i32
        %dma_start3A_216 = tpu.memref_slice %arg6[%dma_start3A_213, %dma_start3A_214, %dma_start3A_215] : memref<2x512x64xf32, #tpu.memory_space<vmem>> -> memref<1x128x64xf32, #tpu.memory_space<vmem>>
        %dma_start3A_217 = tpu.memref_squeeze %dma_start3A_216 : memref<1x128x64xf32, #tpu.memory_space<vmem>> -> memref<128x64xf32, #tpu.memory_space<vmem>>
        %dma_start3A_218 = arith.constant 0 : i32
        %dma_start3A_219 = tpu.memref_slice %arg5[%add3A_212, %dma_start3A_218] : memref<24x128xi32, #tpu.memory_space<vmem>> -> memref<1x128xi32, #tpu.memory_space<vmem>>
        %dma_start3A_220 = tpu.memref_squeeze %dma_start3A_219 : memref<1x128xi32, #tpu.memory_space<vmem>> -> memref<128xi32, #tpu.memory_space<vmem>>
        %dma_start3A_221 = arith.constant 0 : i32
        %dma_start3A_222 = arith.constant 0 : i32
        %dma_start3A_223 = tpu.memref_slice %arg2[%dma_start3A_221, %dma_start3A_222] : memref<100000x64xf32, #tpu.memory_space<hbm>> -> memref<100000x64xf32, #tpu.memory_space<hbm>>
        tpu.enqueue_indirect_dma source(%dma_start3A_223 : memref<100000x64xf32, #tpu.memory_space<hbm>>) target(%dma_start3A_217 : memref<128x64xf32, #tpu.memory_space<vmem>>) offsets(%dma_start3A_220 : memref<128xi32, #tpu.memory_space<vmem>>) semaphore(%arg7 : memref<!tpu.dma_semaphore, #tpu.memory_space<semaphore_mem>>)
        %mul3A_224 = arith.constant 4 : i32
        %mul3A_225 = arith.muli %add3A_178, %mul3A_224 : i32
        %add3A_226 = arith.constant 3 : i32
        %add3A_227 = arith.addi %mul3A_225, %add3A_226 : i32
        %dma_start3A_228 = arith.constant 0 : i32
        %dma_start3A_229 = arith.constant 384 : i32
        %dma_start3A_230 = arith.constant 0 : i32
        %dma_start3A_231 = tpu.memref_slice %arg6[%dma_start3A_228, %dma_start3A_229, %dma_start3A_230] : memref<2x512x64xf32, #tpu.memory_space<vmem>> -> memref<1x128x64xf32, #tpu.memory_space<vmem>>
        %dma_start3A_232 = tpu.memref_squeeze %dma_start3A_231 : memref<1x128x64xf32, #tpu.memory_space<vmem>> -> memref<128x64xf32, #tpu.memory_space<vmem>>
        %dma_start3A_233 = arith.constant 0 : i32
        %dma_start3A_234 = tpu.memref_slice %arg5[%add3A_227, %dma_start3A_233] : memref<24x128xi32, #tpu.memory_space<vmem>> -> memref<1x128xi32, #tpu.memory_space<vmem>>
        %dma_start3A_235 = tpu.memref_squeeze %dma_start3A_234 : memref<1x128xi32, #tpu.memory_space<vmem>> -> memref<128xi32, #tpu.memory_space<vmem>>
        %dma_start3A_236 = arith.constant 0 : i32
        %dma_start3A_237 = arith.constant 0 : i32
        %dma_start3A_238 = tpu.memref_slice %arg2[%dma_start3A_236, %dma_start3A_237] : memref<100000x64xf32, #tpu.memory_space<hbm>> -> memref<100000x64xf32, #tpu.memory_space<hbm>>
        tpu.enqueue_indirect_dma source(%dma_start3A_238 : memref<100000x64xf32, #tpu.memory_space<hbm>>) target(%dma_start3A_232 : memref<128x64xf32, #tpu.memory_space<vmem>>) offsets(%dma_start3A_235 : memref<128xi32, #tpu.memory_space<vmem>>) semaphore(%arg7 : memref<!tpu.dma_semaphore, #tpu.memory_space<semaphore_mem>>)
      } else {
      }
      %mul3A_156 = arith.constant 512 : i32
      %mul3A_157 = arith.muli %add3A_132, %mul3A_156 : i32
      %add3A_158 = arith.addi %mul3A_4, %mul3A_157 : i32
      %dma_start3A_159 = arith.constant 1 : i32
      %dma_start3A_160 = arith.constant 0 : i32
      %dma_start3A_161 = arith.constant 0 : i32
      %dma_start3A_162 = tpu.memref_slice %arg6[%dma_start3A_159, %dma_start3A_160, %dma_start3A_161] : memref<2x512x64xf32, #tpu.memory_space<vmem>> -> memref<1x512x64xf32, #tpu.memory_space<vmem>>
      %dma_start3A_163 = tpu.memref_squeeze %dma_start3A_162 : memref<1x512x64xf32, #tpu.memory_space<vmem>> -> memref<512x64xf32, #tpu.memory_space<vmem>>
      %dma_start3A_164 = arith.constant 0 : i32
      %dma_start3A_165 = tpu.memref_slice %arg4[%add3A_158, %dma_start3A_164] : memref<98304x128xf32, #tpu.memory_space<hbm>> -> memref<512x64xf32, #tpu.memory_space<hbm>>
      %dma_start3A_166 = arith.constant 0 : i32
      %dma_start3A_167 = tpu.memref_slice %arg4[%add3A_158, %dma_start3A_166] : memref<98304x128xf32, #tpu.memory_space<hbm>> -> memref<512x64xf32, #tpu.memory_space<hbm>>
      %dma_start3A_168 = arith.constant 0 : i32
      %dma_start3A_169 = arith.constant 0 : i32
      %dma_start3A_170 = tpu.memref_slice %arg6[%dma_start3A_159, %dma_start3A_168, %dma_start3A_169] : memref<2x512x64xf32, #tpu.memory_space<vmem>> -> memref<1x512x64xf32, #tpu.memory_space<vmem>>
      %dma_start3A_171 = tpu.memref_squeeze %dma_start3A_170 : memref<1x512x64xf32, #tpu.memory_space<vmem>> -> memref<512x64xf32, #tpu.memory_space<vmem>>
      tpu.enqueue_dma source(%dma_start3A_171 : memref<512x64xf32, #tpu.memory_space<vmem>>) target(%dma_start3A_167 : memref<512x64xf32, #tpu.memory_space<hbm>>) target_semaphore(%arg10 : memref<!tpu.dma_semaphore, #tpu.memory_space<semaphore_mem>>)
      %scan3A_172 = arith.constant 0 : i32
      scf.yield %scan3A_172 : i32
    }
    %scan3A_59 = arith.constant 3 : i32
    %add3A_60 = arith.constant 2048 : i32
    %add3A_61 = arith.addi %mul3A_4, %add3A_60 : i32
    %dma_wait3A = arith.constant 0 : i32
    %dma_wait3A_62 = arith.constant 0 : i32
    %dma_wait3A_63 = arith.constant 0 : i32
    %dma_wait3A_64 = tpu.memref_slice %arg6[%dma_wait3A, %dma_wait3A_62, %dma_wait3A_63] : memref<2x512x64xf32, #tpu.memory_space<vmem>> -> memref<1x512x64xf32, #tpu.memory_space<vmem>>
    %dma_wait3A_65 = tpu.memref_squeeze %dma_wait3A_64 : memref<1x512x64xf32, #tpu.memory_space<vmem>> -> memref<512x64xf32, #tpu.memory_space<vmem>>
    %dma_wait3A_66 = arith.constant 0 : i32
    %dma_wait3A_67 = tpu.memref_slice %arg4[%add3A_61, %dma_wait3A_66] : memref<98304x128xf32, #tpu.memory_space<hbm>> -> memref<512x64xf32, #tpu.memory_space<hbm>>
    %dma_wait3A_68 = arith.constant 0 : i32
    %dma_wait3A_69 = tpu.memref_slice %arg4[%add3A_61, %dma_wait3A_68] : memref<98304x128xf32, #tpu.memory_space<hbm>> -> memref<512x64xf32, #tpu.memory_space<hbm>>
    %dma_wait3A_70 = arith.constant 0 : i32
    %dma_wait3A_71 = arith.constant 0 : i32
    %dma_wait3A_72 = tpu.memref_slice %arg6[%dma_wait3A, %dma_wait3A_70, %dma_wait3A_71] : memref<2x512x64xf32, #tpu.memory_space<vmem>> -> memref<1x512x64xf32, #tpu.memory_space<vmem>>
    %dma_wait3A_73 = tpu.memref_squeeze %dma_wait3A_72 : memref<1x512x64xf32, #tpu.memory_space<vmem>> -> memref<512x64xf32, #tpu.memory_space<vmem>>
    tpu.wait_dma2 semaphore(%arg9 : memref<!tpu.dma_semaphore, #tpu.memory_space<semaphore_mem>>) src(%dma_wait3A_73 : memref<512x64xf32, #tpu.memory_space<vmem>>) dst(%dma_wait3A_69 : memref<512x64xf32, #tpu.memory_space<hbm>>)
    %add3A_74 = arith.constant 2560 : i32
    %add3A_75 = arith.addi %mul3A_4, %add3A_74 : i32
    %dma_wait3A_76 = arith.constant 1 : i32
    %dma_wait3A_77 = arith.constant 0 : i32
    %dma_wait3A_78 = arith.constant 0 : i32
    %dma_wait3A_79 = tpu.memref_slice %arg6[%dma_wait3A_76, %dma_wait3A_77, %dma_wait3A_78] : memref<2x512x64xf32, #tpu.memory_space<vmem>> -> memref<1x512x64xf32, #tpu.memory_space<vmem>>
    %dma_wait3A_80 = tpu.memref_squeeze %dma_wait3A_79 : memref<1x512x64xf32, #tpu.memory_space<vmem>> -> memref<512x64xf32, #tpu.memory_space<vmem>>
    %dma_wait3A_81 = arith.constant 0 : i32
    %dma_wait3A_82 = tpu.memref_slice %arg4[%add3A_75, %dma_wait3A_81] : memref<98304x128xf32, #tpu.memory_space<hbm>> -> memref<512x64xf32, #tpu.memory_space<hbm>>
    %dma_wait3A_83 = arith.constant 0 : i32
    %dma_wait3A_84 = tpu.memref_slice %arg4[%add3A_75, %dma_wait3A_83] : memref<98304x128xf32, #tpu.memory_space<hbm>> -> memref<512x64xf32, #tpu.memory_space<hbm>>
    %dma_wait3A_85 = arith.constant 0 : i32
    %dma_wait3A_86 = arith.constant 0 : i32
    %dma_wait3A_87 = tpu.memref_slice %arg6[%dma_wait3A_76, %dma_wait3A_85, %dma_wait3A_86] : memref<2x512x64xf32, #tpu.memory_space<vmem>> -> memref<1x512x64xf32, #tpu.memory_space<vmem>>
    %dma_wait3A_88 = tpu.memref_squeeze %dma_wait3A_87 : memref<1x512x64xf32, #tpu.memory_space<vmem>> -> memref<512x64xf32, #tpu.memory_space<vmem>>
    tpu.wait_dma2 semaphore(%arg10 : memref<!tpu.dma_semaphore, #tpu.memory_space<semaphore_mem>>) src(%dma_wait3A_88 : memref<512x64xf32, #tpu.memory_space<vmem>>) dst(%dma_wait3A_84 : memref<512x64xf32, #tpu.memory_space<hbm>>)
    return
  }
}

#map = affine_map<(d0, d1) -> (0, 0)>
module attributes {stable_mosaic.version = 14 : i64} {
  func.func @gather_k(%arg0: i32, %arg1: i32, %arg2: memref<100000x64xf32, #tpu.memory_space<hbm>>, %arg3: memref<256x128xi32, #tpu.memory_space<hbm>>, %arg4: memref<32768x128xf32, #tpu.memory_space<hbm>>, %arg5: memref<8x128xi32, #tpu.memory_space<vmem>>, %arg6: memref<2x512x64xf32, #tpu.memory_space<vmem>>, %arg7: memref<!tpu.dma_semaphore, #tpu.memory_space<semaphore_mem>>, %arg8: memref<!tpu.dma_semaphore, #tpu.memory_space<semaphore_mem>>, %arg9: memref<!tpu.dma_semaphore, #tpu.memory_space<semaphore_mem>>, %arg10: memref<!tpu.dma_semaphore, #tpu.memory_space<semaphore_mem>>) attributes {dimension_semantics = [#tpu.dimension_semantics<core_parallel>, #tpu.dimension_semantics<subcore_parallel>], iteration_bounds = array<i64: 2, 16>, scalar_prefetch = 0 : i64, scratch_operands = 6 : i64, tpu.core_type = #tpu.core_type<sc_vector_subcore>, window_params = [{transform_indices = #map}, {transform_indices = #map}, {transform_indices = #map}]} {
    %mul3A = arith.constant 2 : i32
    %mul3A_0 = arith.muli %arg1, %mul3A : i32
    %add3A = arith.addi %mul3A_0, %arg0 : i32
    %mul3A_1 = arith.constant 8 : i32
    %mul3A_2 = arith.muli %add3A, %mul3A_1 : i32
    %mul3A_3 = arith.constant 128 : i32
    %mul3A_4 = arith.muli %mul3A_2, %mul3A_3 : i32
    %mul3A_5 = arith.constant 8 : i32
    %mul3A_6 = arith.muli %add3A, %mul3A_5 : i32
    "tpu.region"() ({
      %run_scoped3A = tpu.sem_alloc : memref<!tpu.dma_semaphore, #tpu.memory_space<semaphore_mem>>
      %dma_start3A_167 = arith.constant 0 : i32
      %dma_start3A_168 = tpu.memref_slice %arg3[%mul3A_6, %dma_start3A_167] : memref<256x128xi32, #tpu.memory_space<hbm>> -> memref<8x128xi32, #tpu.memory_space<hbm>>
      %dma_start3A_169 = arith.constant 0 : i32
      %dma_start3A_170 = tpu.memref_slice %arg3[%mul3A_6, %dma_start3A_169] : memref<256x128xi32, #tpu.memory_space<hbm>> -> memref<8x128xi32, #tpu.memory_space<hbm>>
      tpu.enqueue_dma source(%dma_start3A_170 : memref<8x128xi32, #tpu.memory_space<hbm>>) target(%arg5 : memref<8x128xi32, #tpu.memory_space<vmem>>) target_semaphore(%run_scoped3A : memref<!tpu.dma_semaphore, #tpu.memory_space<semaphore_mem>>)
      %dma_wait3A_171 = arith.constant 0 : i32
      %dma_wait3A_172 = tpu.memref_slice %arg3[%mul3A_6, %dma_wait3A_171] : memref<256x128xi32, #tpu.memory_space<hbm>> -> memref<8x128xi32, #tpu.memory_space<hbm>>
      %dma_wait3A_173 = arith.constant 0 : i32
      %dma_wait3A_174 = tpu.memref_slice %arg3[%mul3A_6, %dma_wait3A_173] : memref<256x128xi32, #tpu.memory_space<hbm>> -> memref<8x128xi32, #tpu.memory_space<hbm>>
      tpu.wait_dma2 semaphore(%run_scoped3A : memref<!tpu.dma_semaphore, #tpu.memory_space<semaphore_mem>>) src(%dma_wait3A_174 : memref<8x128xi32, #tpu.memory_space<hbm>>) dst(%arg5 : memref<8x128xi32, #tpu.memory_space<vmem>>)
      tpu.yield
    }) : () -> ()
    %dma_start3A = arith.constant 0 : i32
    %dma_start3A_7 = arith.constant 0 : i32
    %dma_start3A_8 = arith.constant 0 : i32
    %dma_start3A_9 = arith.constant 0 : i32
    %dma_start3A_10 = tpu.memref_slice %arg6[%dma_start3A_7, %dma_start3A_8, %dma_start3A_9] : memref<2x512x64xf32, #tpu.memory_space<vmem>> -> memref<1x128x64xf32, #tpu.memory_space<vmem>>
    %dma_start3A_11 = tpu.memref_squeeze %dma_start3A_10 : memref<1x128x64xf32, #tpu.memory_space<vmem>> -> memref<128x64xf32, #tpu.memory_space<vmem>>
    %dma_start3A_12 = arith.constant 0 : i32
    %dma_start3A_13 = tpu.memref_slice %arg5[%dma_start3A, %dma_start3A_12] : memref<8x128xi32, #tpu.memory_space<vmem>> -> memref<1x128xi32, #tpu.memory_space<vmem>>
    %dma_start3A_14 = tpu.memref_squeeze %dma_start3A_13 : memref<1x128xi32, #tpu.memory_space<vmem>> -> memref<128xi32, #tpu.memory_space<vmem>>
    %dma_start3A_15 = arith.constant 0 : i32
    %dma_start3A_16 = arith.constant 0 : i32
    %dma_start3A_17 = tpu.memref_slice %arg2[%dma_start3A_15, %dma_start3A_16] : memref<100000x64xf32, #tpu.memory_space<hbm>> -> memref<100000x64xf32, #tpu.memory_space<hbm>>
    tpu.enqueue_indirect_dma source(%dma_start3A_17 : memref<100000x64xf32, #tpu.memory_space<hbm>>) target(%dma_start3A_11 : memref<128x64xf32, #tpu.memory_space<vmem>>) offsets(%dma_start3A_14 : memref<128xi32, #tpu.memory_space<vmem>>) semaphore(%arg7 : memref<!tpu.dma_semaphore, #tpu.memory_space<semaphore_mem>>)
    %dma_start3A_18 = arith.constant 1 : i32
    %dma_start3A_19 = arith.constant 0 : i32
    %dma_start3A_20 = arith.constant 128 : i32
    %dma_start3A_21 = arith.constant 0 : i32
    %dma_start3A_22 = tpu.memref_slice %arg6[%dma_start3A_19, %dma_start3A_20, %dma_start3A_21] : memref<2x512x64xf32, #tpu.memory_space<vmem>> -> memref<1x128x64xf32, #tpu.memory_space<vmem>>
    %dma_start3A_23 = tpu.memref_squeeze %dma_start3A_22 : memref<1x128x64xf32, #tpu.memory_space<vmem>> -> memref<128x64xf32, #tpu.memory_space<vmem>>
    %dma_start3A_24 = arith.constant 0 : i32
    %dma_start3A_25 = tpu.memref_slice %arg5[%dma_start3A_18, %dma_start3A_24] : memref<8x128xi32, #tpu.memory_space<vmem>> -> memref<1x128xi32, #tpu.memory_space<vmem>>
    %dma_start3A_26 = tpu.memref_squeeze %dma_start3A_25 : memref<1x128xi32, #tpu.memory_space<vmem>> -> memref<128xi32, #tpu.memory_space<vmem>>
    %dma_start3A_27 = arith.constant 0 : i32
    %dma_start3A_28 = arith.constant 0 : i32
    %dma_start3A_29 = tpu.memref_slice %arg2[%dma_start3A_27, %dma_start3A_28] : memref<100000x64xf32, #tpu.memory_space<hbm>> -> memref<100000x64xf32, #tpu.memory_space<hbm>>
    tpu.enqueue_indirect_dma source(%dma_start3A_29 : memref<100000x64xf32, #tpu.memory_space<hbm>>) target(%dma_start3A_23 : memref<128x64xf32, #tpu.memory_space<vmem>>) offsets(%dma_start3A_26 : memref<128xi32, #tpu.memory_space<vmem>>) semaphore(%arg7 : memref<!tpu.dma_semaphore, #tpu.memory_space<semaphore_mem>>)
    %dma_start3A_30 = arith.constant 2 : i32
    %dma_start3A_31 = arith.constant 0 : i32
    %dma_start3A_32 = arith.constant 256 : i32
    %dma_start3A_33 = arith.constant 0 : i32
    %dma_start3A_34 = tpu.memref_slice %arg6[%dma_start3A_31, %dma_start3A_32, %dma_start3A_33] : memref<2x512x64xf32, #tpu.memory_space<vmem>> -> memref<1x128x64xf32, #tpu.memory_space<vmem>>
    %dma_start3A_35 = tpu.memref_squeeze %dma_start3A_34 : memref<1x128x64xf32, #tpu.memory_space<vmem>> -> memref<128x64xf32, #tpu.memory_space<vmem>>
    %dma_start3A_36 = arith.constant 0 : i32
    %dma_start3A_37 = tpu.memref_slice %arg5[%dma_start3A_30, %dma_start3A_36] : memref<8x128xi32, #tpu.memory_space<vmem>> -> memref<1x128xi32, #tpu.memory_space<vmem>>
    %dma_start3A_38 = tpu.memref_squeeze %dma_start3A_37 : memref<1x128xi32, #tpu.memory_space<vmem>> -> memref<128xi32, #tpu.memory_space<vmem>>
    %dma_start3A_39 = arith.constant 0 : i32
    %dma_start3A_40 = arith.constant 0 : i32
    %dma_start3A_41 = tpu.memref_slice %arg2[%dma_start3A_39, %dma_start3A_40] : memref<100000x64xf32, #tpu.memory_space<hbm>> -> memref<100000x64xf32, #tpu.memory_space<hbm>>
    tpu.enqueue_indirect_dma source(%dma_start3A_41 : memref<100000x64xf32, #tpu.memory_space<hbm>>) target(%dma_start3A_35 : memref<128x64xf32, #tpu.memory_space<vmem>>) offsets(%dma_start3A_38 : memref<128xi32, #tpu.memory_space<vmem>>) semaphore(%arg7 : memref<!tpu.dma_semaphore, #tpu.memory_space<semaphore_mem>>)
    %dma_start3A_42 = arith.constant 3 : i32
    %dma_start3A_43 = arith.constant 0 : i32
    %dma_start3A_44 = arith.constant 384 : i32
    %dma_start3A_45 = arith.constant 0 : i32
    %dma_start3A_46 = tpu.memref_slice %arg6[%dma_start3A_43, %dma_start3A_44, %dma_start3A_45] : memref<2x512x64xf32, #tpu.memory_space<vmem>> -> memref<1x128x64xf32, #tpu.memory_space<vmem>>
    %dma_start3A_47 = tpu.memref_squeeze %dma_start3A_46 : memref<1x128x64xf32, #tpu.memory_space<vmem>> -> memref<128x64xf32, #tpu.memory_space<vmem>>
    %dma_start3A_48 = arith.constant 0 : i32
    %dma_start3A_49 = tpu.memref_slice %arg5[%dma_start3A_42, %dma_start3A_48] : memref<8x128xi32, #tpu.memory_space<vmem>> -> memref<1x128xi32, #tpu.memory_space<vmem>>
    %dma_start3A_50 = tpu.memref_squeeze %dma_start3A_49 : memref<1x128xi32, #tpu.memory_space<vmem>> -> memref<128xi32, #tpu.memory_space<vmem>>
    %dma_start3A_51 = arith.constant 0 : i32
    %dma_start3A_52 = arith.constant 0 : i32
    %dma_start3A_53 = tpu.memref_slice %arg2[%dma_start3A_51, %dma_start3A_52] : memref<100000x64xf32, #tpu.memory_space<hbm>> -> memref<100000x64xf32, #tpu.memory_space<hbm>>
    tpu.enqueue_indirect_dma source(%dma_start3A_53 : memref<100000x64xf32, #tpu.memory_space<hbm>>) target(%dma_start3A_47 : memref<128x64xf32, #tpu.memory_space<vmem>>) offsets(%dma_start3A_50 : memref<128xi32, #tpu.memory_space<vmem>>) semaphore(%arg7 : memref<!tpu.dma_semaphore, #tpu.memory_space<semaphore_mem>>)
    %scan3A = arith.constant 0 : i32
    %scan3A_54 = arith.constant 0 : i32
    %mul3A_55 = arith.constant 2 : i32
    %mul3A_56 = arith.muli %scan3A_54, %mul3A_55 : i32
    %add3A_57 = arith.constant 0 : i32
    %add3A_58 = arith.addi %mul3A_56, %add3A_57 : i32
    %mul3A_59 = arith.constant 512 : i32
    %mul3A_60 = arith.muli %add3A_58, %mul3A_59 : i32
    %add3A_61 = arith.addi %mul3A_4, %mul3A_60 : i32
    %dma_wait3A = arith.constant 0 : i32
    %dma_wait3A_62 = arith.constant 0 : i32
    %dma_wait3A_63 = arith.constant 0 : i32
    %dma_wait3A_64 = tpu.memref_slice %arg6[%dma_wait3A, %dma_wait3A_62, %dma_wait3A_63] : memref<2x512x64xf32, #tpu.memory_space<vmem>> -> memref<1x512x64xf32, #tpu.memory_space<vmem>>
    %dma_wait3A_65 = tpu.memref_squeeze %dma_wait3A_64 : memref<1x512x64xf32, #tpu.memory_space<vmem>> -> memref<512x64xf32, #tpu.memory_space<vmem>>
    %dma_wait3A_66 = arith.constant 0 : i32
    %dma_wait3A_67 = tpu.memref_slice %arg4[%add3A_61, %dma_wait3A_66] : memref<32768x128xf32, #tpu.memory_space<hbm>> -> memref<512x64xf32, #tpu.memory_space<hbm>>
    %dma_wait3A_68 = arith.constant 0 : i32
    %dma_wait3A_69 = arith.constant 0 : i32
    %dma_wait3A_70 = tpu.memref_slice %arg6[%dma_wait3A, %dma_wait3A_68, %dma_wait3A_69] : memref<2x512x64xf32, #tpu.memory_space<vmem>> -> memref<1x512x64xf32, #tpu.memory_space<vmem>>
    %dma_wait3A_71 = tpu.memref_squeeze %dma_wait3A_70 : memref<1x512x64xf32, #tpu.memory_space<vmem>> -> memref<512x64xf32, #tpu.memory_space<vmem>>
    %dma_wait3A_72 = arith.constant 0 : i32
    %dma_wait3A_73 = tpu.memref_slice %arg4[%add3A_61, %dma_wait3A_72] : memref<32768x128xf32, #tpu.memory_space<hbm>> -> memref<512x64xf32, #tpu.memory_space<hbm>>
    tpu.wait_dma2 semaphore(%arg7 : memref<!tpu.dma_semaphore, #tpu.memory_space<semaphore_mem>>) src(%dma_wait3A_73 : memref<512x64xf32, #tpu.memory_space<hbm>>) dst(%dma_wait3A_71 : memref<512x64xf32, #tpu.memory_space<vmem>>)
    %add3A_74 = arith.constant 1 : i32
    %add3A_75 = arith.addi %add3A_58, %add3A_74 : i32
    %lt3A = arith.constant 2 : i32
    %lt3A_76 = arith.cmpi slt, %add3A_75, %lt3A : i32
    %convert_element_type3A = arith.extui %lt3A_76 : i1 to i32
    %cond3A = arith.constant 0 : i32
    %cond3A_77 = arith.cmpi ne, %convert_element_type3A, %cond3A : i32
    scf.if %cond3A_77 {
      %ge3A = arith.constant 1 : i32
      %ge3A_167 = arith.cmpi sge, %add3A_58, %ge3A : i32
      %convert_element_type3A_168 = arith.extui %ge3A_167 : i1 to i32
      %cond3A_169 = arith.constant 0 : i32
      %cond3A_170 = arith.cmpi ne, %convert_element_type3A_168, %cond3A_169 : i32
      scf.if %cond3A_170 {
        %sub3A = arith.constant 1 : i32
        %sub3A_233 = arith.subi %add3A_58, %sub3A : i32
        %mul3A_234 = arith.constant 512 : i32
        %mul3A_235 = arith.muli %sub3A_233, %mul3A_234 : i32
        %add3A_236 = arith.addi %mul3A_4, %mul3A_235 : i32
        %dma_wait3A_237 = arith.constant 1 : i32
        %dma_wait3A_238 = arith.constant 0 : i32
        %dma_wait3A_239 = arith.constant 0 : i32
        %dma_wait3A_240 = tpu.memref_slice %arg6[%dma_wait3A_237, %dma_wait3A_238, %dma_wait3A_239] : memref<2x512x64xf32, #tpu.memory_space<vmem>> -> memref<1x512x64xf32, #tpu.memory_space<vmem>>
        %dma_wait3A_241 = tpu.memref_squeeze %dma_wait3A_240 : memref<1x512x64xf32, #tpu.memory_space<vmem>> -> memref<512x64xf32, #tpu.memory_space<vmem>>
        %dma_wait3A_242 = arith.constant 0 : i32
        %dma_wait3A_243 = tpu.memref_slice %arg4[%add3A_236, %dma_wait3A_242] : memref<32768x128xf32, #tpu.memory_space<hbm>> -> memref<512x64xf32, #tpu.memory_space<hbm>>
        %dma_wait3A_244 = arith.constant 0 : i32
        %dma_wait3A_245 = tpu.memref_slice %arg4[%add3A_236, %dma_wait3A_244] : memref<32768x128xf32, #tpu.memory_space<hbm>> -> memref<512x64xf32, #tpu.memory_space<hbm>>
        %dma_wait3A_246 = arith.constant 0 : i32
        %dma_wait3A_247 = arith.constant 0 : i32
        %dma_wait3A_248 = tpu.memref_slice %arg6[%dma_wait3A_237, %dma_wait3A_246, %dma_wait3A_247] : memref<2x512x64xf32, #tpu.memory_space<vmem>> -> memref<1x512x64xf32, #tpu.memory_space<vmem>>
        %dma_wait3A_249 = tpu.memref_squeeze %dma_wait3A_248 : memref<1x512x64xf32, #tpu.memory_space<vmem>> -> memref<512x64xf32, #tpu.memory_space<vmem>>
        tpu.wait_dma2 semaphore(%arg10 : memref<!tpu.dma_semaphore, #tpu.memory_space<semaphore_mem>>) src(%dma_wait3A_249 : memref<512x64xf32, #tpu.memory_space<vmem>>) dst(%dma_wait3A_245 : memref<512x64xf32, #tpu.memory_space<hbm>>)
      } else {
      }
      %add3A_171 = arith.constant 1 : i32
      %add3A_172 = arith.addi %add3A_58, %add3A_171 : i32
      %mul3A_173 = arith.constant 4 : i32
      %mul3A_174 = arith.muli %add3A_172, %mul3A_173 : i32
      %add3A_175 = arith.constant 0 : i32
      %add3A_176 = arith.addi %mul3A_174, %add3A_175 : i32
      %dma_start3A_177 = arith.constant 1 : i32
      %dma_start3A_178 = arith.constant 0 : i32
      %dma_start3A_179 = arith.constant 0 : i32
      %dma_start3A_180 = tpu.memref_slice %arg6[%dma_start3A_177, %dma_start3A_178, %dma_start3A_179] : memref<2x512x64xf32, #tpu.memory_space<vmem>> -> memref<1x128x64xf32, #tpu.memory_space<vmem>>
      %dma_start3A_181 = tpu.memref_squeeze %dma_start3A_180 : memref<1x128x64xf32, #tpu.memory_space<vmem>> -> memref<128x64xf32, #tpu.memory_space<vmem>>
      %dma_start3A_182 = arith.constant 0 : i32
      %dma_start3A_183 = tpu.memref_slice %arg5[%add3A_176, %dma_start3A_182] : memref<8x128xi32, #tpu.memory_space<vmem>> -> memref<1x128xi32, #tpu.memory_space<vmem>>
      %dma_start3A_184 = tpu.memref_squeeze %dma_start3A_183 : memref<1x128xi32, #tpu.memory_space<vmem>> -> memref<128xi32, #tpu.memory_space<vmem>>
      %dma_start3A_185 = arith.constant 0 : i32
      %dma_start3A_186 = arith.constant 0 : i32
      %dma_start3A_187 = tpu.memref_slice %arg2[%dma_start3A_185, %dma_start3A_186] : memref<100000x64xf32, #tpu.memory_space<hbm>> -> memref<100000x64xf32, #tpu.memory_space<hbm>>
      tpu.enqueue_indirect_dma source(%dma_start3A_187 : memref<100000x64xf32, #tpu.memory_space<hbm>>) target(%dma_start3A_181 : memref<128x64xf32, #tpu.memory_space<vmem>>) offsets(%dma_start3A_184 : memref<128xi32, #tpu.memory_space<vmem>>) semaphore(%arg8 : memref<!tpu.dma_semaphore, #tpu.memory_space<semaphore_mem>>)
      %mul3A_188 = arith.constant 4 : i32
      %mul3A_189 = arith.muli %add3A_172, %mul3A_188 : i32
      %add3A_190 = arith.constant 1 : i32
      %add3A_191 = arith.addi %mul3A_189, %add3A_190 : i32
      %dma_start3A_192 = arith.constant 1 : i32
      %dma_start3A_193 = arith.constant 128 : i32
      %dma_start3A_194 = arith.constant 0 : i32
      %dma_start3A_195 = tpu.memref_slice %arg6[%dma_start3A_192, %dma_start3A_193, %dma_start3A_194] : memref<2x512x64xf32, #tpu.memory_space<vmem>> -> memref<1x128x64xf32, #tpu.memory_space<vmem>>
      %dma_start3A_196 = tpu.memref_squeeze %dma_start3A_195 : memref<1x128x64xf32, #tpu.memory_space<vmem>> -> memref<128x64xf32, #tpu.memory_space<vmem>>
      %dma_start3A_197 = arith.constant 0 : i32
      %dma_start3A_198 = tpu.memref_slice %arg5[%add3A_191, %dma_start3A_197] : memref<8x128xi32, #tpu.memory_space<vmem>> -> memref<1x128xi32, #tpu.memory_space<vmem>>
      %dma_start3A_199 = tpu.memref_squeeze %dma_start3A_198 : memref<1x128xi32, #tpu.memory_space<vmem>> -> memref<128xi32, #tpu.memory_space<vmem>>
      %dma_start3A_200 = arith.constant 0 : i32
      %dma_start3A_201 = arith.constant 0 : i32
      %dma_start3A_202 = tpu.memref_slice %arg2[%dma_start3A_200, %dma_start3A_201] : memref<100000x64xf32, #tpu.memory_space<hbm>> -> memref<100000x64xf32, #tpu.memory_space<hbm>>
      tpu.enqueue_indirect_dma source(%dma_start3A_202 : memref<100000x64xf32, #tpu.memory_space<hbm>>) target(%dma_start3A_196 : memref<128x64xf32, #tpu.memory_space<vmem>>) offsets(%dma_start3A_199 : memref<128xi32, #tpu.memory_space<vmem>>) semaphore(%arg8 : memref<!tpu.dma_semaphore, #tpu.memory_space<semaphore_mem>>)
      %mul3A_203 = arith.constant 4 : i32
      %mul3A_204 = arith.muli %add3A_172, %mul3A_203 : i32
      %add3A_205 = arith.constant 2 : i32
      %add3A_206 = arith.addi %mul3A_204, %add3A_205 : i32
      %dma_start3A_207 = arith.constant 1 : i32
      %dma_start3A_208 = arith.constant 256 : i32
      %dma_start3A_209 = arith.constant 0 : i32
      %dma_start3A_210 = tpu.memref_slice %arg6[%dma_start3A_207, %dma_start3A_208, %dma_start3A_209] : memref<2x512x64xf32, #tpu.memory_space<vmem>> -> memref<1x128x64xf32, #tpu.memory_space<vmem>>
      %dma_start3A_211 = tpu.memref_squeeze %dma_start3A_210 : memref<1x128x64xf32, #tpu.memory_space<vmem>> -> memref<128x64xf32, #tpu.memory_space<vmem>>
      %dma_start3A_212 = arith.constant 0 : i32
      %dma_start3A_213 = tpu.memref_slice %arg5[%add3A_206, %dma_start3A_212] : memref<8x128xi32, #tpu.memory_space<vmem>> -> memref<1x128xi32, #tpu.memory_space<vmem>>
      %dma_start3A_214 = tpu.memref_squeeze %dma_start3A_213 : memref<1x128xi32, #tpu.memory_space<vmem>> -> memref<128xi32, #tpu.memory_space<vmem>>
      %dma_start3A_215 = arith.constant 0 : i32
      %dma_start3A_216 = arith.constant 0 : i32
      %dma_start3A_217 = tpu.memref_slice %arg2[%dma_start3A_215, %dma_start3A_216] : memref<100000x64xf32, #tpu.memory_space<hbm>> -> memref<100000x64xf32, #tpu.memory_space<hbm>>
      tpu.enqueue_indirect_dma source(%dma_start3A_217 : memref<100000x64xf32, #tpu.memory_space<hbm>>) target(%dma_start3A_211 : memref<128x64xf32, #tpu.memory_space<vmem>>) offsets(%dma_start3A_214 : memref<128xi32, #tpu.memory_space<vmem>>) semaphore(%arg8 : memref<!tpu.dma_semaphore, #tpu.memory_space<semaphore_mem>>)
      %mul3A_218 = arith.constant 4 : i32
      %mul3A_219 = arith.muli %add3A_172, %mul3A_218 : i32
      %add3A_220 = arith.constant 3 : i32
      %add3A_221 = arith.addi %mul3A_219, %add3A_220 : i32
      %dma_start3A_222 = arith.constant 1 : i32
      %dma_start3A_223 = arith.constant 384 : i32
      %dma_start3A_224 = arith.constant 0 : i32
      %dma_start3A_225 = tpu.memref_slice %arg6[%dma_start3A_222, %dma_start3A_223, %dma_start3A_224] : memref<2x512x64xf32, #tpu.memory_space<vmem>> -> memref<1x128x64xf32, #tpu.memory_space<vmem>>
      %dma_start3A_226 = tpu.memref_squeeze %dma_start3A_225 : memref<1x128x64xf32, #tpu.memory_space<vmem>> -> memref<128x64xf32, #tpu.memory_space<vmem>>
      %dma_start3A_227 = arith.constant 0 : i32
      %dma_start3A_228 = tpu.memref_slice %arg5[%add3A_221, %dma_start3A_227] : memref<8x128xi32, #tpu.memory_space<vmem>> -> memref<1x128xi32, #tpu.memory_space<vmem>>
      %dma_start3A_229 = tpu.memref_squeeze %dma_start3A_228 : memref<1x128xi32, #tpu.memory_space<vmem>> -> memref<128xi32, #tpu.memory_space<vmem>>
      %dma_start3A_230 = arith.constant 0 : i32
      %dma_start3A_231 = arith.constant 0 : i32
      %dma_start3A_232 = tpu.memref_slice %arg2[%dma_start3A_230, %dma_start3A_231] : memref<100000x64xf32, #tpu.memory_space<hbm>> -> memref<100000x64xf32, #tpu.memory_space<hbm>>
      tpu.enqueue_indirect_dma source(%dma_start3A_232 : memref<100000x64xf32, #tpu.memory_space<hbm>>) target(%dma_start3A_226 : memref<128x64xf32, #tpu.memory_space<vmem>>) offsets(%dma_start3A_229 : memref<128xi32, #tpu.memory_space<vmem>>) semaphore(%arg8 : memref<!tpu.dma_semaphore, #tpu.memory_space<semaphore_mem>>)
    } else {
    }
    %mul3A_78 = arith.constant 512 : i32
    %mul3A_79 = arith.muli %add3A_58, %mul3A_78 : i32
    %add3A_80 = arith.addi %mul3A_4, %mul3A_79 : i32
    %dma_start3A_81 = arith.constant 0 : i32
    %dma_start3A_82 = arith.constant 0 : i32
    %dma_start3A_83 = arith.constant 0 : i32
    %dma_start3A_84 = tpu.memref_slice %arg6[%dma_start3A_81, %dma_start3A_82, %dma_start3A_83] : memref<2x512x64xf32, #tpu.memory_space<vmem>> -> memref<1x512x64xf32, #tpu.memory_space<vmem>>
    %dma_start3A_85 = tpu.memref_squeeze %dma_start3A_84 : memref<1x512x64xf32, #tpu.memory_space<vmem>> -> memref<512x64xf32, #tpu.memory_space<vmem>>
    %dma_start3A_86 = arith.constant 0 : i32
    %dma_start3A_87 = tpu.memref_slice %arg4[%add3A_80, %dma_start3A_86] : memref<32768x128xf32, #tpu.memory_space<hbm>> -> memref<512x64xf32, #tpu.memory_space<hbm>>
    %dma_start3A_88 = arith.constant 0 : i32
    %dma_start3A_89 = tpu.memref_slice %arg4[%add3A_80, %dma_start3A_88] : memref<32768x128xf32, #tpu.memory_space<hbm>> -> memref<512x64xf32, #tpu.memory_space<hbm>>
    %dma_start3A_90 = arith.constant 0 : i32
    %dma_start3A_91 = arith.constant 0 : i32
    %dma_start3A_92 = tpu.memref_slice %arg6[%dma_start3A_81, %dma_start3A_90, %dma_start3A_91] : memref<2x512x64xf32, #tpu.memory_space<vmem>> -> memref<1x512x64xf32, #tpu.memory_space<vmem>>
    %dma_start3A_93 = tpu.memref_squeeze %dma_start3A_92 : memref<1x512x64xf32, #tpu.memory_space<vmem>> -> memref<512x64xf32, #tpu.memory_space<vmem>>
    tpu.enqueue_dma source(%dma_start3A_93 : memref<512x64xf32, #tpu.memory_space<vmem>>) target(%dma_start3A_89 : memref<512x64xf32, #tpu.memory_space<hbm>>) target_semaphore(%arg9 : memref<!tpu.dma_semaphore, #tpu.memory_space<semaphore_mem>>)
    %add3A_94 = arith.constant 1 : i32
    %add3A_95 = arith.addi %mul3A_56, %add3A_94 : i32
    %mul3A_96 = arith.constant 512 : i32
    %mul3A_97 = arith.muli %add3A_95, %mul3A_96 : i32
    %add3A_98 = arith.addi %mul3A_4, %mul3A_97 : i32
    %dma_wait3A_99 = arith.constant 1 : i32
    %dma_wait3A_100 = arith.constant 0 : i32
    %dma_wait3A_101 = arith.constant 0 : i32
    %dma_wait3A_102 = tpu.memref_slice %arg6[%dma_wait3A_99, %dma_wait3A_100, %dma_wait3A_101] : memref<2x512x64xf32, #tpu.memory_space<vmem>> -> memref<1x512x64xf32, #tpu.memory_space<vmem>>
    %dma_wait3A_103 = tpu.memref_squeeze %dma_wait3A_102 : memref<1x512x64xf32, #tpu.memory_space<vmem>> -> memref<512x64xf32, #tpu.memory_space<vmem>>
    %dma_wait3A_104 = arith.constant 0 : i32
    %dma_wait3A_105 = tpu.memref_slice %arg4[%add3A_98, %dma_wait3A_104] : memref<32768x128xf32, #tpu.memory_space<hbm>> -> memref<512x64xf32, #tpu.memory_space<hbm>>
    %dma_wait3A_106 = arith.constant 0 : i32
    %dma_wait3A_107 = arith.constant 0 : i32
    %dma_wait3A_108 = tpu.memref_slice %arg6[%dma_wait3A_99, %dma_wait3A_106, %dma_wait3A_107] : memref<2x512x64xf32, #tpu.memory_space<vmem>> -> memref<1x512x64xf32, #tpu.memory_space<vmem>>
    %dma_wait3A_109 = tpu.memref_squeeze %dma_wait3A_108 : memref<1x512x64xf32, #tpu.memory_space<vmem>> -> memref<512x64xf32, #tpu.memory_space<vmem>>
    %dma_wait3A_110 = arith.constant 0 : i32
    %dma_wait3A_111 = tpu.memref_slice %arg4[%add3A_98, %dma_wait3A_110] : memref<32768x128xf32, #tpu.memory_space<hbm>> -> memref<512x64xf32, #tpu.memory_space<hbm>>
    tpu.wait_dma2 semaphore(%arg8 : memref<!tpu.dma_semaphore, #tpu.memory_space<semaphore_mem>>) src(%dma_wait3A_111 : memref<512x64xf32, #tpu.memory_space<hbm>>) dst(%dma_wait3A_109 : memref<512x64xf32, #tpu.memory_space<vmem>>)
    %add3A_112 = arith.constant 1 : i32
    %add3A_113 = arith.addi %add3A_95, %add3A_112 : i32
    %lt3A_114 = arith.constant 2 : i32
    %lt3A_115 = arith.cmpi slt, %add3A_113, %lt3A_114 : i32
    %convert_element_type3A_116 = arith.extui %lt3A_115 : i1 to i32
    %cond3A_117 = arith.constant 0 : i32
    %cond3A_118 = arith.cmpi ne, %convert_element_type3A_116, %cond3A_117 : i32
    scf.if %cond3A_118 {
      %ge3A = arith.constant 1 : i32
      %ge3A_167 = arith.cmpi sge, %add3A_95, %ge3A : i32
      %convert_element_type3A_168 = arith.extui %ge3A_167 : i1 to i32
      %cond3A_169 = arith.constant 0 : i32
      %cond3A_170 = arith.cmpi ne, %convert_element_type3A_168, %cond3A_169 : i32
      scf.if %cond3A_170 {
        %sub3A = arith.constant 1 : i32
        %sub3A_233 = arith.subi %add3A_95, %sub3A : i32
        %mul3A_234 = arith.constant 512 : i32
        %mul3A_235 = arith.muli %sub3A_233, %mul3A_234 : i32
        %add3A_236 = arith.addi %mul3A_4, %mul3A_235 : i32
        %dma_wait3A_237 = arith.constant 0 : i32
        %dma_wait3A_238 = arith.constant 0 : i32
        %dma_wait3A_239 = arith.constant 0 : i32
        %dma_wait3A_240 = tpu.memref_slice %arg6[%dma_wait3A_237, %dma_wait3A_238, %dma_wait3A_239] : memref<2x512x64xf32, #tpu.memory_space<vmem>> -> memref<1x512x64xf32, #tpu.memory_space<vmem>>
        %dma_wait3A_241 = tpu.memref_squeeze %dma_wait3A_240 : memref<1x512x64xf32, #tpu.memory_space<vmem>> -> memref<512x64xf32, #tpu.memory_space<vmem>>
        %dma_wait3A_242 = arith.constant 0 : i32
        %dma_wait3A_243 = tpu.memref_slice %arg4[%add3A_236, %dma_wait3A_242] : memref<32768x128xf32, #tpu.memory_space<hbm>> -> memref<512x64xf32, #tpu.memory_space<hbm>>
        %dma_wait3A_244 = arith.constant 0 : i32
        %dma_wait3A_245 = tpu.memref_slice %arg4[%add3A_236, %dma_wait3A_244] : memref<32768x128xf32, #tpu.memory_space<hbm>> -> memref<512x64xf32, #tpu.memory_space<hbm>>
        %dma_wait3A_246 = arith.constant 0 : i32
        %dma_wait3A_247 = arith.constant 0 : i32
        %dma_wait3A_248 = tpu.memref_slice %arg6[%dma_wait3A_237, %dma_wait3A_246, %dma_wait3A_247] : memref<2x512x64xf32, #tpu.memory_space<vmem>> -> memref<1x512x64xf32, #tpu.memory_space<vmem>>
        %dma_wait3A_249 = tpu.memref_squeeze %dma_wait3A_248 : memref<1x512x64xf32, #tpu.memory_space<vmem>> -> memref<512x64xf32, #tpu.memory_space<vmem>>
        tpu.wait_dma2 semaphore(%arg9 : memref<!tpu.dma_semaphore, #tpu.memory_space<semaphore_mem>>) src(%dma_wait3A_249 : memref<512x64xf32, #tpu.memory_space<vmem>>) dst(%dma_wait3A_245 : memref<512x64xf32, #tpu.memory_space<hbm>>)
      } else {
      }
      %add3A_171 = arith.constant 1 : i32
      %add3A_172 = arith.addi %add3A_95, %add3A_171 : i32
      %mul3A_173 = arith.constant 4 : i32
      %mul3A_174 = arith.muli %add3A_172, %mul3A_173 : i32
      %add3A_175 = arith.constant 0 : i32
      %add3A_176 = arith.addi %mul3A_174, %add3A_175 : i32
      %dma_start3A_177 = arith.constant 0 : i32
      %dma_start3A_178 = arith.constant 0 : i32
      %dma_start3A_179 = arith.constant 0 : i32
      %dma_start3A_180 = tpu.memref_slice %arg6[%dma_start3A_177, %dma_start3A_178, %dma_start3A_179] : memref<2x512x64xf32, #tpu.memory_space<vmem>> -> memref<1x128x64xf32, #tpu.memory_space<vmem>>
      %dma_start3A_181 = tpu.memref_squeeze %dma_start3A_180 : memref<1x128x64xf32, #tpu.memory_space<vmem>> -> memref<128x64xf32, #tpu.memory_space<vmem>>
      %dma_start3A_182 = arith.constant 0 : i32
      %dma_start3A_183 = tpu.memref_slice %arg5[%add3A_176, %dma_start3A_182] : memref<8x128xi32, #tpu.memory_space<vmem>> -> memref<1x128xi32, #tpu.memory_space<vmem>>
      %dma_start3A_184 = tpu.memref_squeeze %dma_start3A_183 : memref<1x128xi32, #tpu.memory_space<vmem>> -> memref<128xi32, #tpu.memory_space<vmem>>
      %dma_start3A_185 = arith.constant 0 : i32
      %dma_start3A_186 = arith.constant 0 : i32
      %dma_start3A_187 = tpu.memref_slice %arg2[%dma_start3A_185, %dma_start3A_186] : memref<100000x64xf32, #tpu.memory_space<hbm>> -> memref<100000x64xf32, #tpu.memory_space<hbm>>
      tpu.enqueue_indirect_dma source(%dma_start3A_187 : memref<100000x64xf32, #tpu.memory_space<hbm>>) target(%dma_start3A_181 : memref<128x64xf32, #tpu.memory_space<vmem>>) offsets(%dma_start3A_184 : memref<128xi32, #tpu.memory_space<vmem>>) semaphore(%arg7 : memref<!tpu.dma_semaphore, #tpu.memory_space<semaphore_mem>>)
      %mul3A_188 = arith.constant 4 : i32
      %mul3A_189 = arith.muli %add3A_172, %mul3A_188 : i32
      %add3A_190 = arith.constant 1 : i32
      %add3A_191 = arith.addi %mul3A_189, %add3A_190 : i32
      %dma_start3A_192 = arith.constant 0 : i32
      %dma_start3A_193 = arith.constant 128 : i32
      %dma_start3A_194 = arith.constant 0 : i32
      %dma_start3A_195 = tpu.memref_slice %arg6[%dma_start3A_192, %dma_start3A_193, %dma_start3A_194] : memref<2x512x64xf32, #tpu.memory_space<vmem>> -> memref<1x128x64xf32, #tpu.memory_space<vmem>>
      %dma_start3A_196 = tpu.memref_squeeze %dma_start3A_195 : memref<1x128x64xf32, #tpu.memory_space<vmem>> -> memref<128x64xf32, #tpu.memory_space<vmem>>
      %dma_start3A_197 = arith.constant 0 : i32
      %dma_start3A_198 = tpu.memref_slice %arg5[%add3A_191, %dma_start3A_197] : memref<8x128xi32, #tpu.memory_space<vmem>> -> memref<1x128xi32, #tpu.memory_space<vmem>>
      %dma_start3A_199 = tpu.memref_squeeze %dma_start3A_198 : memref<1x128xi32, #tpu.memory_space<vmem>> -> memref<128xi32, #tpu.memory_space<vmem>>
      %dma_start3A_200 = arith.constant 0 : i32
      %dma_start3A_201 = arith.constant 0 : i32
      %dma_start3A_202 = tpu.memref_slice %arg2[%dma_start3A_200, %dma_start3A_201] : memref<100000x64xf32, #tpu.memory_space<hbm>> -> memref<100000x64xf32, #tpu.memory_space<hbm>>
      tpu.enqueue_indirect_dma source(%dma_start3A_202 : memref<100000x64xf32, #tpu.memory_space<hbm>>) target(%dma_start3A_196 : memref<128x64xf32, #tpu.memory_space<vmem>>) offsets(%dma_start3A_199 : memref<128xi32, #tpu.memory_space<vmem>>) semaphore(%arg7 : memref<!tpu.dma_semaphore, #tpu.memory_space<semaphore_mem>>)
      %mul3A_203 = arith.constant 4 : i32
      %mul3A_204 = arith.muli %add3A_172, %mul3A_203 : i32
      %add3A_205 = arith.constant 2 : i32
      %add3A_206 = arith.addi %mul3A_204, %add3A_205 : i32
      %dma_start3A_207 = arith.constant 0 : i32
      %dma_start3A_208 = arith.constant 256 : i32
      %dma_start3A_209 = arith.constant 0 : i32
      %dma_start3A_210 = tpu.memref_slice %arg6[%dma_start3A_207, %dma_start3A_208, %dma_start3A_209] : memref<2x512x64xf32, #tpu.memory_space<vmem>> -> memref<1x128x64xf32, #tpu.memory_space<vmem>>
      %dma_start3A_211 = tpu.memref_squeeze %dma_start3A_210 : memref<1x128x64xf32, #tpu.memory_space<vmem>> -> memref<128x64xf32, #tpu.memory_space<vmem>>
      %dma_start3A_212 = arith.constant 0 : i32
      %dma_start3A_213 = tpu.memref_slice %arg5[%add3A_206, %dma_start3A_212] : memref<8x128xi32, #tpu.memory_space<vmem>> -> memref<1x128xi32, #tpu.memory_space<vmem>>
      %dma_start3A_214 = tpu.memref_squeeze %dma_start3A_213 : memref<1x128xi32, #tpu.memory_space<vmem>> -> memref<128xi32, #tpu.memory_space<vmem>>
      %dma_start3A_215 = arith.constant 0 : i32
      %dma_start3A_216 = arith.constant 0 : i32
      %dma_start3A_217 = tpu.memref_slice %arg2[%dma_start3A_215, %dma_start3A_216] : memref<100000x64xf32, #tpu.memory_space<hbm>> -> memref<100000x64xf32, #tpu.memory_space<hbm>>
      tpu.enqueue_indirect_dma source(%dma_start3A_217 : memref<100000x64xf32, #tpu.memory_space<hbm>>) target(%dma_start3A_211 : memref<128x64xf32, #tpu.memory_space<vmem>>) offsets(%dma_start3A_214 : memref<128xi32, #tpu.memory_space<vmem>>) semaphore(%arg7 : memref<!tpu.dma_semaphore, #tpu.memory_space<semaphore_mem>>)
      %mul3A_218 = arith.constant 4 : i32
      %mul3A_219 = arith.muli %add3A_172, %mul3A_218 : i32
      %add3A_220 = arith.constant 3 : i32
      %add3A_221 = arith.addi %mul3A_219, %add3A_220 : i32
      %dma_start3A_222 = arith.constant 0 : i32
      %dma_start3A_223 = arith.constant 384 : i32
      %dma_start3A_224 = arith.constant 0 : i32
      %dma_start3A_225 = tpu.memref_slice %arg6[%dma_start3A_222, %dma_start3A_223, %dma_start3A_224] : memref<2x512x64xf32, #tpu.memory_space<vmem>> -> memref<1x128x64xf32, #tpu.memory_space<vmem>>
      %dma_start3A_226 = tpu.memref_squeeze %dma_start3A_225 : memref<1x128x64xf32, #tpu.memory_space<vmem>> -> memref<128x64xf32, #tpu.memory_space<vmem>>
      %dma_start3A_227 = arith.constant 0 : i32
      %dma_start3A_228 = tpu.memref_slice %arg5[%add3A_221, %dma_start3A_227] : memref<8x128xi32, #tpu.memory_space<vmem>> -> memref<1x128xi32, #tpu.memory_space<vmem>>
      %dma_start3A_229 = tpu.memref_squeeze %dma_start3A_228 : memref<1x128xi32, #tpu.memory_space<vmem>> -> memref<128xi32, #tpu.memory_space<vmem>>
      %dma_start3A_230 = arith.constant 0 : i32
      %dma_start3A_231 = arith.constant 0 : i32
      %dma_start3A_232 = tpu.memref_slice %arg2[%dma_start3A_230, %dma_start3A_231] : memref<100000x64xf32, #tpu.memory_space<hbm>> -> memref<100000x64xf32, #tpu.memory_space<hbm>>
      tpu.enqueue_indirect_dma source(%dma_start3A_232 : memref<100000x64xf32, #tpu.memory_space<hbm>>) target(%dma_start3A_226 : memref<128x64xf32, #tpu.memory_space<vmem>>) offsets(%dma_start3A_229 : memref<128xi32, #tpu.memory_space<vmem>>) semaphore(%arg7 : memref<!tpu.dma_semaphore, #tpu.memory_space<semaphore_mem>>)
    } else {
    }
    %mul3A_119 = arith.constant 512 : i32
    %mul3A_120 = arith.muli %add3A_95, %mul3A_119 : i32
    %add3A_121 = arith.addi %mul3A_4, %mul3A_120 : i32
    %dma_start3A_122 = arith.constant 1 : i32
    %dma_start3A_123 = arith.constant 0 : i32
    %dma_start3A_124 = arith.constant 0 : i32
    %dma_start3A_125 = tpu.memref_slice %arg6[%dma_start3A_122, %dma_start3A_123, %dma_start3A_124] : memref<2x512x64xf32, #tpu.memory_space<vmem>> -> memref<1x512x64xf32, #tpu.memory_space<vmem>>
    %dma_start3A_126 = tpu.memref_squeeze %dma_start3A_125 : memref<1x512x64xf32, #tpu.memory_space<vmem>> -> memref<512x64xf32, #tpu.memory_space<vmem>>
    %dma_start3A_127 = arith.constant 0 : i32
    %dma_start3A_128 = tpu.memref_slice %arg4[%add3A_121, %dma_start3A_127] : memref<32768x128xf32, #tpu.memory_space<hbm>> -> memref<512x64xf32, #tpu.memory_space<hbm>>
    %dma_start3A_129 = arith.constant 0 : i32
    %dma_start3A_130 = tpu.memref_slice %arg4[%add3A_121, %dma_start3A_129] : memref<32768x128xf32, #tpu.memory_space<hbm>> -> memref<512x64xf32, #tpu.memory_space<hbm>>
    %dma_start3A_131 = arith.constant 0 : i32
    %dma_start3A_132 = arith.constant 0 : i32
    %dma_start3A_133 = tpu.memref_slice %arg6[%dma_start3A_122, %dma_start3A_131, %dma_start3A_132] : memref<2x512x64xf32, #tpu.memory_space<vmem>> -> memref<1x512x64xf32, #tpu.memory_space<vmem>>
    %dma_start3A_134 = tpu.memref_squeeze %dma_start3A_133 : memref<1x512x64xf32, #tpu.memory_space<vmem>> -> memref<512x64xf32, #tpu.memory_space<vmem>>
    tpu.enqueue_dma source(%dma_start3A_134 : memref<512x64xf32, #tpu.memory_space<vmem>>) target(%dma_start3A_130 : memref<512x64xf32, #tpu.memory_space<hbm>>) target_semaphore(%arg10 : memref<!tpu.dma_semaphore, #tpu.memory_space<semaphore_mem>>)
    %scan3A_135 = arith.constant 0 : i32
    %scan3A_136 = arith.constant 1 : i32
    %add3A_137 = arith.constant 0 : i32
    %add3A_138 = arith.addi %mul3A_4, %add3A_137 : i32
    %dma_wait3A_139 = arith.constant 0 : i32
    %dma_wait3A_140 = arith.constant 0 : i32
    %dma_wait3A_141 = arith.constant 0 : i32
    %dma_wait3A_142 = tpu.memref_slice %arg6[%dma_wait3A_139, %dma_wait3A_140, %dma_wait3A_141] : memref<2x512x64xf32, #tpu.memory_space<vmem>> -> memref<1x512x64xf32, #tpu.memory_space<vmem>>
    %dma_wait3A_143 = tpu.memref_squeeze %dma_wait3A_142 : memref<1x512x64xf32, #tpu.memory_space<vmem>> -> memref<512x64xf32, #tpu.memory_space<vmem>>
    %dma_wait3A_144 = arith.constant 0 : i32
    %dma_wait3A_145 = tpu.memref_slice %arg4[%add3A_138, %dma_wait3A_144] : memref<32768x128xf32, #tpu.memory_space<hbm>> -> memref<512x64xf32, #tpu.memory_space<hbm>>
    %dma_wait3A_146 = arith.constant 0 : i32
    %dma_wait3A_147 = tpu.memref_slice %arg4[%add3A_138, %dma_wait3A_146] : memref<32768x128xf32, #tpu.memory_space<hbm>> -> memref<512x64xf32, #tpu.memory_space<hbm>>
    %dma_wait3A_148 = arith.constant 0 : i32
    %dma_wait3A_149 = arith.constant 0 : i32
    %dma_wait3A_150 = tpu.memref_slice %arg6[%dma_wait3A_139, %dma_wait3A_148, %dma_wait3A_149] : memref<2x512x64xf32, #tpu.memory_space<vmem>> -> memref<1x512x64xf32, #tpu.memory_space<vmem>>
    %dma_wait3A_151 = tpu.memref_squeeze %dma_wait3A_150 : memref<1x512x64xf32, #tpu.memory_space<vmem>> -> memref<512x64xf32, #tpu.memory_space<vmem>>
    tpu.wait_dma2 semaphore(%arg9 : memref<!tpu.dma_semaphore, #tpu.memory_space<semaphore_mem>>) src(%dma_wait3A_151 : memref<512x64xf32, #tpu.memory_space<vmem>>) dst(%dma_wait3A_147 : memref<512x64xf32, #tpu.memory_space<hbm>>)
    %add3A_152 = arith.constant 512 : i32
    %add3A_153 = arith.addi %mul3A_4, %add3A_152 : i32
    %dma_wait3A_154 = arith.constant 1 : i32
    %dma_wait3A_155 = arith.constant 0 : i32
    %dma_wait3A_156 = arith.constant 0 : i32
    %dma_wait3A_157 = tpu.memref_slice %arg6[%dma_wait3A_154, %dma_wait3A_155, %dma_wait3A_156] : memref<2x512x64xf32, #tpu.memory_space<vmem>> -> memref<1x512x64xf32, #tpu.memory_space<vmem>>
    %dma_wait3A_158 = tpu.memref_squeeze %dma_wait3A_157 : memref<1x512x64xf32, #tpu.memory_space<vmem>> -> memref<512x64xf32, #tpu.memory_space<vmem>>
    %dma_wait3A_159 = arith.constant 0 : i32
    %dma_wait3A_160 = tpu.memref_slice %arg4[%add3A_153, %dma_wait3A_159] : memref<32768x128xf32, #tpu.memory_space<hbm>> -> memref<512x64xf32, #tpu.memory_space<hbm>>
    %dma_wait3A_161 = arith.constant 0 : i32
    %dma_wait3A_162 = tpu.memref_slice %arg4[%add3A_153, %dma_wait3A_161] : memref<32768x128xf32, #tpu.memory_space<hbm>> -> memref<512x64xf32, #tpu.memory_space<hbm>>
    %dma_wait3A_163 = arith.constant 0 : i32
    %dma_wait3A_164 = arith.constant 0 : i32
    %dma_wait3A_165 = tpu.memref_slice %arg6[%dma_wait3A_154, %dma_wait3A_163, %dma_wait3A_164] : memref<2x512x64xf32, #tpu.memory_space<vmem>> -> memref<1x512x64xf32, #tpu.memory_space<vmem>>
    %dma_wait3A_166 = tpu.memref_squeeze %dma_wait3A_165 : memref<1x512x64xf32, #tpu.memory_space<vmem>> -> memref<512x64xf32, #tpu.memory_space<vmem>>
    tpu.wait_dma2 semaphore(%arg10 : memref<!tpu.dma_semaphore, #tpu.memory_space<semaphore_mem>>) src(%dma_wait3A_166 : memref<512x64xf32, #tpu.memory_space<vmem>>) dst(%dma_wait3A_162 : memref<512x64xf32, #tpu.memory_space<hbm>>)
    return
  }
}

#map = affine_map<(d0, d1) -> (0, 0)>
module attributes {stable_mosaic.version = 14 : i64} {
  func.func @gather_k(%arg0: i32, %arg1: i32, %arg2: memref<100000x64xf32, #tpu.memory_space<hbm>>, %arg3: memref<1792x128xi32, #tpu.memory_space<hbm>>, %arg4: memref<229376x128xf32, #tpu.memory_space<hbm>>, %arg5: memref<56x128xi32, #tpu.memory_space<vmem>>, %arg6: memref<2x512x64xf32, #tpu.memory_space<vmem>>, %arg7: memref<!tpu.dma_semaphore, #tpu.memory_space<semaphore_mem>>, %arg8: memref<!tpu.dma_semaphore, #tpu.memory_space<semaphore_mem>>, %arg9: memref<!tpu.dma_semaphore, #tpu.memory_space<semaphore_mem>>, %arg10: memref<!tpu.dma_semaphore, #tpu.memory_space<semaphore_mem>>) attributes {dimension_semantics = [#tpu.dimension_semantics<core_parallel>, #tpu.dimension_semantics<subcore_parallel>], iteration_bounds = array<i64: 2, 16>, scalar_prefetch = 0 : i64, scratch_operands = 6 : i64, tpu.core_type = #tpu.core_type<sc_vector_subcore>, window_params = [{transform_indices = #map}, {transform_indices = #map}, {transform_indices = #map}]} {
    %mul3A = arith.constant 2 : i32
    %mul3A_0 = arith.muli %arg1, %mul3A : i32
    %add3A = arith.addi %mul3A_0, %arg0 : i32
    %mul3A_1 = arith.constant 56 : i32
    %mul3A_2 = arith.muli %add3A, %mul3A_1 : i32
    %mul3A_3 = arith.constant 128 : i32
    %mul3A_4 = arith.muli %mul3A_2, %mul3A_3 : i32
    %mul3A_5 = arith.constant 56 : i32
    %mul3A_6 = arith.muli %add3A, %mul3A_5 : i32
    "tpu.region"() ({
      %run_scoped3A = tpu.sem_alloc : memref<!tpu.dma_semaphore, #tpu.memory_space<semaphore_mem>>
      %dma_start3A_89 = arith.constant 0 : i32
      %dma_start3A_90 = tpu.memref_slice %arg3[%mul3A_6, %dma_start3A_89] : memref<1792x128xi32, #tpu.memory_space<hbm>> -> memref<56x128xi32, #tpu.memory_space<hbm>>
      %dma_start3A_91 = arith.constant 0 : i32
      %dma_start3A_92 = tpu.memref_slice %arg3[%mul3A_6, %dma_start3A_91] : memref<1792x128xi32, #tpu.memory_space<hbm>> -> memref<56x128xi32, #tpu.memory_space<hbm>>
      tpu.enqueue_dma source(%dma_start3A_92 : memref<56x128xi32, #tpu.memory_space<hbm>>) target(%arg5 : memref<56x128xi32, #tpu.memory_space<vmem>>) target_semaphore(%run_scoped3A : memref<!tpu.dma_semaphore, #tpu.memory_space<semaphore_mem>>)
      %dma_wait3A_93 = arith.constant 0 : i32
      %dma_wait3A_94 = tpu.memref_slice %arg3[%mul3A_6, %dma_wait3A_93] : memref<1792x128xi32, #tpu.memory_space<hbm>> -> memref<56x128xi32, #tpu.memory_space<hbm>>
      %dma_wait3A_95 = arith.constant 0 : i32
      %dma_wait3A_96 = tpu.memref_slice %arg3[%mul3A_6, %dma_wait3A_95] : memref<1792x128xi32, #tpu.memory_space<hbm>> -> memref<56x128xi32, #tpu.memory_space<hbm>>
      tpu.wait_dma2 semaphore(%run_scoped3A : memref<!tpu.dma_semaphore, #tpu.memory_space<semaphore_mem>>) src(%dma_wait3A_96 : memref<56x128xi32, #tpu.memory_space<hbm>>) dst(%arg5 : memref<56x128xi32, #tpu.memory_space<vmem>>)
      tpu.yield
    }) : () -> ()
    %dma_start3A = arith.constant 0 : i32
    %dma_start3A_7 = arith.constant 0 : i32
    %dma_start3A_8 = arith.constant 0 : i32
    %dma_start3A_9 = arith.constant 0 : i32
    %dma_start3A_10 = tpu.memref_slice %arg6[%dma_start3A_7, %dma_start3A_8, %dma_start3A_9] : memref<2x512x64xf32, #tpu.memory_space<vmem>> -> memref<1x128x64xf32, #tpu.memory_space<vmem>>
    %dma_start3A_11 = tpu.memref_squeeze %dma_start3A_10 : memref<1x128x64xf32, #tpu.memory_space<vmem>> -> memref<128x64xf32, #tpu.memory_space<vmem>>
    %dma_start3A_12 = arith.constant 0 : i32
    %dma_start3A_13 = tpu.memref_slice %arg5[%dma_start3A, %dma_start3A_12] : memref<56x128xi32, #tpu.memory_space<vmem>> -> memref<1x128xi32, #tpu.memory_space<vmem>>
    %dma_start3A_14 = tpu.memref_squeeze %dma_start3A_13 : memref<1x128xi32, #tpu.memory_space<vmem>> -> memref<128xi32, #tpu.memory_space<vmem>>
    %dma_start3A_15 = arith.constant 0 : i32
    %dma_start3A_16 = arith.constant 0 : i32
    %dma_start3A_17 = tpu.memref_slice %arg2[%dma_start3A_15, %dma_start3A_16] : memref<100000x64xf32, #tpu.memory_space<hbm>> -> memref<100000x64xf32, #tpu.memory_space<hbm>>
    tpu.enqueue_indirect_dma source(%dma_start3A_17 : memref<100000x64xf32, #tpu.memory_space<hbm>>) target(%dma_start3A_11 : memref<128x64xf32, #tpu.memory_space<vmem>>) offsets(%dma_start3A_14 : memref<128xi32, #tpu.memory_space<vmem>>) semaphore(%arg7 : memref<!tpu.dma_semaphore, #tpu.memory_space<semaphore_mem>>)
    %dma_start3A_18 = arith.constant 1 : i32
    %dma_start3A_19 = arith.constant 0 : i32
    %dma_start3A_20 = arith.constant 128 : i32
    %dma_start3A_21 = arith.constant 0 : i32
    %dma_start3A_22 = tpu.memref_slice %arg6[%dma_start3A_19, %dma_start3A_20, %dma_start3A_21] : memref<2x512x64xf32, #tpu.memory_space<vmem>> -> memref<1x128x64xf32, #tpu.memory_space<vmem>>
    %dma_start3A_23 = tpu.memref_squeeze %dma_start3A_22 : memref<1x128x64xf32, #tpu.memory_space<vmem>> -> memref<128x64xf32, #tpu.memory_space<vmem>>
    %dma_start3A_24 = arith.constant 0 : i32
    %dma_start3A_25 = tpu.memref_slice %arg5[%dma_start3A_18, %dma_start3A_24] : memref<56x128xi32, #tpu.memory_space<vmem>> -> memref<1x128xi32, #tpu.memory_space<vmem>>
    %dma_start3A_26 = tpu.memref_squeeze %dma_start3A_25 : memref<1x128xi32, #tpu.memory_space<vmem>> -> memref<128xi32, #tpu.memory_space<vmem>>
    %dma_start3A_27 = arith.constant 0 : i32
    %dma_start3A_28 = arith.constant 0 : i32
    %dma_start3A_29 = tpu.memref_slice %arg2[%dma_start3A_27, %dma_start3A_28] : memref<100000x64xf32, #tpu.memory_space<hbm>> -> memref<100000x64xf32, #tpu.memory_space<hbm>>
    tpu.enqueue_indirect_dma source(%dma_start3A_29 : memref<100000x64xf32, #tpu.memory_space<hbm>>) target(%dma_start3A_23 : memref<128x64xf32, #tpu.memory_space<vmem>>) offsets(%dma_start3A_26 : memref<128xi32, #tpu.memory_space<vmem>>) semaphore(%arg7 : memref<!tpu.dma_semaphore, #tpu.memory_space<semaphore_mem>>)
    %dma_start3A_30 = arith.constant 2 : i32
    %dma_start3A_31 = arith.constant 0 : i32
    %dma_start3A_32 = arith.constant 256 : i32
    %dma_start3A_33 = arith.constant 0 : i32
    %dma_start3A_34 = tpu.memref_slice %arg6[%dma_start3A_31, %dma_start3A_32, %dma_start3A_33] : memref<2x512x64xf32, #tpu.memory_space<vmem>> -> memref<1x128x64xf32, #tpu.memory_space<vmem>>
    %dma_start3A_35 = tpu.memref_squeeze %dma_start3A_34 : memref<1x128x64xf32, #tpu.memory_space<vmem>> -> memref<128x64xf32, #tpu.memory_space<vmem>>
    %dma_start3A_36 = arith.constant 0 : i32
    %dma_start3A_37 = tpu.memref_slice %arg5[%dma_start3A_30, %dma_start3A_36] : memref<56x128xi32, #tpu.memory_space<vmem>> -> memref<1x128xi32, #tpu.memory_space<vmem>>
    %dma_start3A_38 = tpu.memref_squeeze %dma_start3A_37 : memref<1x128xi32, #tpu.memory_space<vmem>> -> memref<128xi32, #tpu.memory_space<vmem>>
    %dma_start3A_39 = arith.constant 0 : i32
    %dma_start3A_40 = arith.constant 0 : i32
    %dma_start3A_41 = tpu.memref_slice %arg2[%dma_start3A_39, %dma_start3A_40] : memref<100000x64xf32, #tpu.memory_space<hbm>> -> memref<100000x64xf32, #tpu.memory_space<hbm>>
    tpu.enqueue_indirect_dma source(%dma_start3A_41 : memref<100000x64xf32, #tpu.memory_space<hbm>>) target(%dma_start3A_35 : memref<128x64xf32, #tpu.memory_space<vmem>>) offsets(%dma_start3A_38 : memref<128xi32, #tpu.memory_space<vmem>>) semaphore(%arg7 : memref<!tpu.dma_semaphore, #tpu.memory_space<semaphore_mem>>)
    %dma_start3A_42 = arith.constant 3 : i32
    %dma_start3A_43 = arith.constant 0 : i32
    %dma_start3A_44 = arith.constant 384 : i32
    %dma_start3A_45 = arith.constant 0 : i32
    %dma_start3A_46 = tpu.memref_slice %arg6[%dma_start3A_43, %dma_start3A_44, %dma_start3A_45] : memref<2x512x64xf32, #tpu.memory_space<vmem>> -> memref<1x128x64xf32, #tpu.memory_space<vmem>>
    %dma_start3A_47 = tpu.memref_squeeze %dma_start3A_46 : memref<1x128x64xf32, #tpu.memory_space<vmem>> -> memref<128x64xf32, #tpu.memory_space<vmem>>
    %dma_start3A_48 = arith.constant 0 : i32
    %dma_start3A_49 = tpu.memref_slice %arg5[%dma_start3A_42, %dma_start3A_48] : memref<56x128xi32, #tpu.memory_space<vmem>> -> memref<1x128xi32, #tpu.memory_space<vmem>>
    %dma_start3A_50 = tpu.memref_squeeze %dma_start3A_49 : memref<1x128xi32, #tpu.memory_space<vmem>> -> memref<128xi32, #tpu.memory_space<vmem>>
    %dma_start3A_51 = arith.constant 0 : i32
    %dma_start3A_52 = arith.constant 0 : i32
    %dma_start3A_53 = tpu.memref_slice %arg2[%dma_start3A_51, %dma_start3A_52] : memref<100000x64xf32, #tpu.memory_space<hbm>> -> memref<100000x64xf32, #tpu.memory_space<hbm>>
    tpu.enqueue_indirect_dma source(%dma_start3A_53 : memref<100000x64xf32, #tpu.memory_space<hbm>>) target(%dma_start3A_47 : memref<128x64xf32, #tpu.memory_space<vmem>>) offsets(%dma_start3A_50 : memref<128xi32, #tpu.memory_space<vmem>>) semaphore(%arg7 : memref<!tpu.dma_semaphore, #tpu.memory_space<semaphore_mem>>)
    %scan3A = arith.constant 0 : i32
    %scan3A_54 = arith.constant 0 : i32
    %scan3A_55 = arith.constant 7 : i32
    %scan3A_56 = arith.addi %scan3A_54, %scan3A_55 : i32
    %scan3A_57 = arith.constant 1 : i32
    %scan3A_58 = scf.for %scan3A_89 = %scan3A_54 to %scan3A_56 step %scan3A_57 iter_args(%scan3A_90 = %scan3A) -> (i32)  : i32 {
      %mul3A_91 = arith.constant 2 : i32
      %mul3A_92 = arith.muli %scan3A_89, %mul3A_91 : i32
      %add3A_93 = arith.constant 0 : i32
      %add3A_94 = arith.addi %mul3A_92, %add3A_93 : i32
      %mul3A_95 = arith.constant 512 : i32
      %mul3A_96 = arith.muli %add3A_94, %mul3A_95 : i32
      %add3A_97 = arith.addi %mul3A_4, %mul3A_96 : i32
      %dma_wait3A_98 = arith.constant 0 : i32
      %dma_wait3A_99 = arith.constant 0 : i32
      %dma_wait3A_100 = arith.constant 0 : i32
      %dma_wait3A_101 = tpu.memref_slice %arg6[%dma_wait3A_98, %dma_wait3A_99, %dma_wait3A_100] : memref<2x512x64xf32, #tpu.memory_space<vmem>> -> memref<1x512x64xf32, #tpu.memory_space<vmem>>
      %dma_wait3A_102 = tpu.memref_squeeze %dma_wait3A_101 : memref<1x512x64xf32, #tpu.memory_space<vmem>> -> memref<512x64xf32, #tpu.memory_space<vmem>>
      %dma_wait3A_103 = arith.constant 0 : i32
      %dma_wait3A_104 = tpu.memref_slice %arg4[%add3A_97, %dma_wait3A_103] : memref<229376x128xf32, #tpu.memory_space<hbm>> -> memref<512x64xf32, #tpu.memory_space<hbm>>
      %dma_wait3A_105 = arith.constant 0 : i32
      %dma_wait3A_106 = arith.constant 0 : i32
      %dma_wait3A_107 = tpu.memref_slice %arg6[%dma_wait3A_98, %dma_wait3A_105, %dma_wait3A_106] : memref<2x512x64xf32, #tpu.memory_space<vmem>> -> memref<1x512x64xf32, #tpu.memory_space<vmem>>
      %dma_wait3A_108 = tpu.memref_squeeze %dma_wait3A_107 : memref<1x512x64xf32, #tpu.memory_space<vmem>> -> memref<512x64xf32, #tpu.memory_space<vmem>>
      %dma_wait3A_109 = arith.constant 0 : i32
      %dma_wait3A_110 = tpu.memref_slice %arg4[%add3A_97, %dma_wait3A_109] : memref<229376x128xf32, #tpu.memory_space<hbm>> -> memref<512x64xf32, #tpu.memory_space<hbm>>
      tpu.wait_dma2 semaphore(%arg7 : memref<!tpu.dma_semaphore, #tpu.memory_space<semaphore_mem>>) src(%dma_wait3A_110 : memref<512x64xf32, #tpu.memory_space<hbm>>) dst(%dma_wait3A_108 : memref<512x64xf32, #tpu.memory_space<vmem>>)
      %add3A_111 = arith.constant 1 : i32
      %add3A_112 = arith.addi %add3A_94, %add3A_111 : i32
      %lt3A = arith.constant 14 : i32
      %lt3A_113 = arith.cmpi slt, %add3A_112, %lt3A : i32
      %convert_element_type3A = arith.extui %lt3A_113 : i1 to i32
      %cond3A = arith.constant 0 : i32
      %cond3A_114 = arith.cmpi ne, %convert_element_type3A, %cond3A : i32
      scf.if %cond3A_114 {
        %ge3A = arith.constant 1 : i32
        %ge3A_173 = arith.cmpi sge, %add3A_94, %ge3A : i32
        %convert_element_type3A_174 = arith.extui %ge3A_173 : i1 to i32
        %cond3A_175 = arith.constant 0 : i32
        %cond3A_176 = arith.cmpi ne, %convert_element_type3A_174, %cond3A_175 : i32
        scf.if %cond3A_176 {
          %sub3A = arith.constant 1 : i32
          %sub3A_239 = arith.subi %add3A_94, %sub3A : i32
          %mul3A_240 = arith.constant 512 : i32
          %mul3A_241 = arith.muli %sub3A_239, %mul3A_240 : i32
          %add3A_242 = arith.addi %mul3A_4, %mul3A_241 : i32
          %dma_wait3A_243 = arith.constant 1 : i32
          %dma_wait3A_244 = arith.constant 0 : i32
          %dma_wait3A_245 = arith.constant 0 : i32
          %dma_wait3A_246 = tpu.memref_slice %arg6[%dma_wait3A_243, %dma_wait3A_244, %dma_wait3A_245] : memref<2x512x64xf32, #tpu.memory_space<vmem>> -> memref<1x512x64xf32, #tpu.memory_space<vmem>>
          %dma_wait3A_247 = tpu.memref_squeeze %dma_wait3A_246 : memref<1x512x64xf32, #tpu.memory_space<vmem>> -> memref<512x64xf32, #tpu.memory_space<vmem>>
          %dma_wait3A_248 = arith.constant 0 : i32
          %dma_wait3A_249 = tpu.memref_slice %arg4[%add3A_242, %dma_wait3A_248] : memref<229376x128xf32, #tpu.memory_space<hbm>> -> memref<512x64xf32, #tpu.memory_space<hbm>>
          %dma_wait3A_250 = arith.constant 0 : i32
          %dma_wait3A_251 = tpu.memref_slice %arg4[%add3A_242, %dma_wait3A_250] : memref<229376x128xf32, #tpu.memory_space<hbm>> -> memref<512x64xf32, #tpu.memory_space<hbm>>
          %dma_wait3A_252 = arith.constant 0 : i32
          %dma_wait3A_253 = arith.constant 0 : i32
          %dma_wait3A_254 = tpu.memref_slice %arg6[%dma_wait3A_243, %dma_wait3A_252, %dma_wait3A_253] : memref<2x512x64xf32, #tpu.memory_space<vmem>> -> memref<1x512x64xf32, #tpu.memory_space<vmem>>
          %dma_wait3A_255 = tpu.memref_squeeze %dma_wait3A_254 : memref<1x512x64xf32, #tpu.memory_space<vmem>> -> memref<512x64xf32, #tpu.memory_space<vmem>>
          tpu.wait_dma2 semaphore(%arg10 : memref<!tpu.dma_semaphore, #tpu.memory_space<semaphore_mem>>) src(%dma_wait3A_255 : memref<512x64xf32, #tpu.memory_space<vmem>>) dst(%dma_wait3A_251 : memref<512x64xf32, #tpu.memory_space<hbm>>)
        } else {
        }
        %add3A_177 = arith.constant 1 : i32
        %add3A_178 = arith.addi %add3A_94, %add3A_177 : i32
        %mul3A_179 = arith.constant 4 : i32
        %mul3A_180 = arith.muli %add3A_178, %mul3A_179 : i32
        %add3A_181 = arith.constant 0 : i32
        %add3A_182 = arith.addi %mul3A_180, %add3A_181 : i32
        %dma_start3A_183 = arith.constant 1 : i32
        %dma_start3A_184 = arith.constant 0 : i32
        %dma_start3A_185 = arith.constant 0 : i32
        %dma_start3A_186 = tpu.memref_slice %arg6[%dma_start3A_183, %dma_start3A_184, %dma_start3A_185] : memref<2x512x64xf32, #tpu.memory_space<vmem>> -> memref<1x128x64xf32, #tpu.memory_space<vmem>>
        %dma_start3A_187 = tpu.memref_squeeze %dma_start3A_186 : memref<1x128x64xf32, #tpu.memory_space<vmem>> -> memref<128x64xf32, #tpu.memory_space<vmem>>
        %dma_start3A_188 = arith.constant 0 : i32
        %dma_start3A_189 = tpu.memref_slice %arg5[%add3A_182, %dma_start3A_188] : memref<56x128xi32, #tpu.memory_space<vmem>> -> memref<1x128xi32, #tpu.memory_space<vmem>>
        %dma_start3A_190 = tpu.memref_squeeze %dma_start3A_189 : memref<1x128xi32, #tpu.memory_space<vmem>> -> memref<128xi32, #tpu.memory_space<vmem>>
        %dma_start3A_191 = arith.constant 0 : i32
        %dma_start3A_192 = arith.constant 0 : i32
        %dma_start3A_193 = tpu.memref_slice %arg2[%dma_start3A_191, %dma_start3A_192] : memref<100000x64xf32, #tpu.memory_space<hbm>> -> memref<100000x64xf32, #tpu.memory_space<hbm>>
        tpu.enqueue_indirect_dma source(%dma_start3A_193 : memref<100000x64xf32, #tpu.memory_space<hbm>>) target(%dma_start3A_187 : memref<128x64xf32, #tpu.memory_space<vmem>>) offsets(%dma_start3A_190 : memref<128xi32, #tpu.memory_space<vmem>>) semaphore(%arg8 : memref<!tpu.dma_semaphore, #tpu.memory_space<semaphore_mem>>)
        %mul3A_194 = arith.constant 4 : i32
        %mul3A_195 = arith.muli %add3A_178, %mul3A_194 : i32
        %add3A_196 = arith.constant 1 : i32
        %add3A_197 = arith.addi %mul3A_195, %add3A_196 : i32
        %dma_start3A_198 = arith.constant 1 : i32
        %dma_start3A_199 = arith.constant 128 : i32
        %dma_start3A_200 = arith.constant 0 : i32
        %dma_start3A_201 = tpu.memref_slice %arg6[%dma_start3A_198, %dma_start3A_199, %dma_start3A_200] : memref<2x512x64xf32, #tpu.memory_space<vmem>> -> memref<1x128x64xf32, #tpu.memory_space<vmem>>
        %dma_start3A_202 = tpu.memref_squeeze %dma_start3A_201 : memref<1x128x64xf32, #tpu.memory_space<vmem>> -> memref<128x64xf32, #tpu.memory_space<vmem>>
        %dma_start3A_203 = arith.constant 0 : i32
        %dma_start3A_204 = tpu.memref_slice %arg5[%add3A_197, %dma_start3A_203] : memref<56x128xi32, #tpu.memory_space<vmem>> -> memref<1x128xi32, #tpu.memory_space<vmem>>
        %dma_start3A_205 = tpu.memref_squeeze %dma_start3A_204 : memref<1x128xi32, #tpu.memory_space<vmem>> -> memref<128xi32, #tpu.memory_space<vmem>>
        %dma_start3A_206 = arith.constant 0 : i32
        %dma_start3A_207 = arith.constant 0 : i32
        %dma_start3A_208 = tpu.memref_slice %arg2[%dma_start3A_206, %dma_start3A_207] : memref<100000x64xf32, #tpu.memory_space<hbm>> -> memref<100000x64xf32, #tpu.memory_space<hbm>>
        tpu.enqueue_indirect_dma source(%dma_start3A_208 : memref<100000x64xf32, #tpu.memory_space<hbm>>) target(%dma_start3A_202 : memref<128x64xf32, #tpu.memory_space<vmem>>) offsets(%dma_start3A_205 : memref<128xi32, #tpu.memory_space<vmem>>) semaphore(%arg8 : memref<!tpu.dma_semaphore, #tpu.memory_space<semaphore_mem>>)
        %mul3A_209 = arith.constant 4 : i32
        %mul3A_210 = arith.muli %add3A_178, %mul3A_209 : i32
        %add3A_211 = arith.constant 2 : i32
        %add3A_212 = arith.addi %mul3A_210, %add3A_211 : i32
        %dma_start3A_213 = arith.constant 1 : i32
        %dma_start3A_214 = arith.constant 256 : i32
        %dma_start3A_215 = arith.constant 0 : i32
        %dma_start3A_216 = tpu.memref_slice %arg6[%dma_start3A_213, %dma_start3A_214, %dma_start3A_215] : memref<2x512x64xf32, #tpu.memory_space<vmem>> -> memref<1x128x64xf32, #tpu.memory_space<vmem>>
        %dma_start3A_217 = tpu.memref_squeeze %dma_start3A_216 : memref<1x128x64xf32, #tpu.memory_space<vmem>> -> memref<128x64xf32, #tpu.memory_space<vmem>>
        %dma_start3A_218 = arith.constant 0 : i32
        %dma_start3A_219 = tpu.memref_slice %arg5[%add3A_212, %dma_start3A_218] : memref<56x128xi32, #tpu.memory_space<vmem>> -> memref<1x128xi32, #tpu.memory_space<vmem>>
        %dma_start3A_220 = tpu.memref_squeeze %dma_start3A_219 : memref<1x128xi32, #tpu.memory_space<vmem>> -> memref<128xi32, #tpu.memory_space<vmem>>
        %dma_start3A_221 = arith.constant 0 : i32
        %dma_start3A_222 = arith.constant 0 : i32
        %dma_start3A_223 = tpu.memref_slice %arg2[%dma_start3A_221, %dma_start3A_222] : memref<100000x64xf32, #tpu.memory_space<hbm>> -> memref<100000x64xf32, #tpu.memory_space<hbm>>
        tpu.enqueue_indirect_dma source(%dma_start3A_223 : memref<100000x64xf32, #tpu.memory_space<hbm>>) target(%dma_start3A_217 : memref<128x64xf32, #tpu.memory_space<vmem>>) offsets(%dma_start3A_220 : memref<128xi32, #tpu.memory_space<vmem>>) semaphore(%arg8 : memref<!tpu.dma_semaphore, #tpu.memory_space<semaphore_mem>>)
        %mul3A_224 = arith.constant 4 : i32
        %mul3A_225 = arith.muli %add3A_178, %mul3A_224 : i32
        %add3A_226 = arith.constant 3 : i32
        %add3A_227 = arith.addi %mul3A_225, %add3A_226 : i32
        %dma_start3A_228 = arith.constant 1 : i32
        %dma_start3A_229 = arith.constant 384 : i32
        %dma_start3A_230 = arith.constant 0 : i32
        %dma_start3A_231 = tpu.memref_slice %arg6[%dma_start3A_228, %dma_start3A_229, %dma_start3A_230] : memref<2x512x64xf32, #tpu.memory_space<vmem>> -> memref<1x128x64xf32, #tpu.memory_space<vmem>>
        %dma_start3A_232 = tpu.memref_squeeze %dma_start3A_231 : memref<1x128x64xf32, #tpu.memory_space<vmem>> -> memref<128x64xf32, #tpu.memory_space<vmem>>
        %dma_start3A_233 = arith.constant 0 : i32
        %dma_start3A_234 = tpu.memref_slice %arg5[%add3A_227, %dma_start3A_233] : memref<56x128xi32, #tpu.memory_space<vmem>> -> memref<1x128xi32, #tpu.memory_space<vmem>>
        %dma_start3A_235 = tpu.memref_squeeze %dma_start3A_234 : memref<1x128xi32, #tpu.memory_space<vmem>> -> memref<128xi32, #tpu.memory_space<vmem>>
        %dma_start3A_236 = arith.constant 0 : i32
        %dma_start3A_237 = arith.constant 0 : i32
        %dma_start3A_238 = tpu.memref_slice %arg2[%dma_start3A_236, %dma_start3A_237] : memref<100000x64xf32, #tpu.memory_space<hbm>> -> memref<100000x64xf32, #tpu.memory_space<hbm>>
        tpu.enqueue_indirect_dma source(%dma_start3A_238 : memref<100000x64xf32, #tpu.memory_space<hbm>>) target(%dma_start3A_232 : memref<128x64xf32, #tpu.memory_space<vmem>>) offsets(%dma_start3A_235 : memref<128xi32, #tpu.memory_space<vmem>>) semaphore(%arg8 : memref<!tpu.dma_semaphore, #tpu.memory_space<semaphore_mem>>)
      } else {
      }
      %mul3A_115 = arith.constant 512 : i32
      %mul3A_116 = arith.muli %add3A_94, %mul3A_115 : i32
      %add3A_117 = arith.addi %mul3A_4, %mul3A_116 : i32
      %dma_start3A_118 = arith.constant 0 : i32
      %dma_start3A_119 = arith.constant 0 : i32
      %dma_start3A_120 = arith.constant 0 : i32
      %dma_start3A_121 = tpu.memref_slice %arg6[%dma_start3A_118, %dma_start3A_119, %dma_start3A_120] : memref<2x512x64xf32, #tpu.memory_space<vmem>> -> memref<1x512x64xf32, #tpu.memory_space<vmem>>
      %dma_start3A_122 = tpu.memref_squeeze %dma_start3A_121 : memref<1x512x64xf32, #tpu.memory_space<vmem>> -> memref<512x64xf32, #tpu.memory_space<vmem>>
      %dma_start3A_123 = arith.constant 0 : i32
      %dma_start3A_124 = tpu.memref_slice %arg4[%add3A_117, %dma_start3A_123] : memref<229376x128xf32, #tpu.memory_space<hbm>> -> memref<512x64xf32, #tpu.memory_space<hbm>>
      %dma_start3A_125 = arith.constant 0 : i32
      %dma_start3A_126 = tpu.memref_slice %arg4[%add3A_117, %dma_start3A_125] : memref<229376x128xf32, #tpu.memory_space<hbm>> -> memref<512x64xf32, #tpu.memory_space<hbm>>
      %dma_start3A_127 = arith.constant 0 : i32
      %dma_start3A_128 = arith.constant 0 : i32
      %dma_start3A_129 = tpu.memref_slice %arg6[%dma_start3A_118, %dma_start3A_127, %dma_start3A_128] : memref<2x512x64xf32, #tpu.memory_space<vmem>> -> memref<1x512x64xf32, #tpu.memory_space<vmem>>
      %dma_start3A_130 = tpu.memref_squeeze %dma_start3A_129 : memref<1x512x64xf32, #tpu.memory_space<vmem>> -> memref<512x64xf32, #tpu.memory_space<vmem>>
      tpu.enqueue_dma source(%dma_start3A_130 : memref<512x64xf32, #tpu.memory_space<vmem>>) target(%dma_start3A_126 : memref<512x64xf32, #tpu.memory_space<hbm>>) target_semaphore(%arg9 : memref<!tpu.dma_semaphore, #tpu.memory_space<semaphore_mem>>)
      %add3A_131 = arith.constant 1 : i32
      %add3A_132 = arith.addi %mul3A_92, %add3A_131 : i32
      %mul3A_133 = arith.constant 512 : i32
      %mul3A_134 = arith.muli %add3A_132, %mul3A_133 : i32
      %add3A_135 = arith.addi %mul3A_4, %mul3A_134 : i32
      %dma_wait3A_136 = arith.constant 1 : i32
      %dma_wait3A_137 = arith.constant 0 : i32
      %dma_wait3A_138 = arith.constant 0 : i32
      %dma_wait3A_139 = tpu.memref_slice %arg6[%dma_wait3A_136, %dma_wait3A_137, %dma_wait3A_138] : memref<2x512x64xf32, #tpu.memory_space<vmem>> -> memref<1x512x64xf32, #tpu.memory_space<vmem>>
      %dma_wait3A_140 = tpu.memref_squeeze %dma_wait3A_139 : memref<1x512x64xf32, #tpu.memory_space<vmem>> -> memref<512x64xf32, #tpu.memory_space<vmem>>
      %dma_wait3A_141 = arith.constant 0 : i32
      %dma_wait3A_142 = tpu.memref_slice %arg4[%add3A_135, %dma_wait3A_141] : memref<229376x128xf32, #tpu.memory_space<hbm>> -> memref<512x64xf32, #tpu.memory_space<hbm>>
      %dma_wait3A_143 = arith.constant 0 : i32
      %dma_wait3A_144 = arith.constant 0 : i32
      %dma_wait3A_145 = tpu.memref_slice %arg6[%dma_wait3A_136, %dma_wait3A_143, %dma_wait3A_144] : memref<2x512x64xf32, #tpu.memory_space<vmem>> -> memref<1x512x64xf32, #tpu.memory_space<vmem>>
      %dma_wait3A_146 = tpu.memref_squeeze %dma_wait3A_145 : memref<1x512x64xf32, #tpu.memory_space<vmem>> -> memref<512x64xf32, #tpu.memory_space<vmem>>
      %dma_wait3A_147 = arith.constant 0 : i32
      %dma_wait3A_148 = tpu.memref_slice %arg4[%add3A_135, %dma_wait3A_147] : memref<229376x128xf32, #tpu.memory_space<hbm>> -> memref<512x64xf32, #tpu.memory_space<hbm>>
      tpu.wait_dma2 semaphore(%arg8 : memref<!tpu.dma_semaphore, #tpu.memory_space<semaphore_mem>>) src(%dma_wait3A_148 : memref<512x64xf32, #tpu.memory_space<hbm>>) dst(%dma_wait3A_146 : memref<512x64xf32, #tpu.memory_space<vmem>>)
      %add3A_149 = arith.constant 1 : i32
      %add3A_150 = arith.addi %add3A_132, %add3A_149 : i32
      %lt3A_151 = arith.constant 14 : i32
      %lt3A_152 = arith.cmpi slt, %add3A_150, %lt3A_151 : i32
      %convert_element_type3A_153 = arith.extui %lt3A_152 : i1 to i32
      %cond3A_154 = arith.constant 0 : i32
      %cond3A_155 = arith.cmpi ne, %convert_element_type3A_153, %cond3A_154 : i32
      scf.if %cond3A_155 {
        %ge3A = arith.constant 1 : i32
        %ge3A_173 = arith.cmpi sge, %add3A_132, %ge3A : i32
        %convert_element_type3A_174 = arith.extui %ge3A_173 : i1 to i32
        %cond3A_175 = arith.constant 0 : i32
        %cond3A_176 = arith.cmpi ne, %convert_element_type3A_174, %cond3A_175 : i32
        scf.if %cond3A_176 {
          %sub3A = arith.constant 1 : i32
          %sub3A_239 = arith.subi %add3A_132, %sub3A : i32
          %mul3A_240 = arith.constant 512 : i32
          %mul3A_241 = arith.muli %sub3A_239, %mul3A_240 : i32
          %add3A_242 = arith.addi %mul3A_4, %mul3A_241 : i32
          %dma_wait3A_243 = arith.constant 0 : i32
          %dma_wait3A_244 = arith.constant 0 : i32
          %dma_wait3A_245 = arith.constant 0 : i32
          %dma_wait3A_246 = tpu.memref_slice %arg6[%dma_wait3A_243, %dma_wait3A_244, %dma_wait3A_245] : memref<2x512x64xf32, #tpu.memory_space<vmem>> -> memref<1x512x64xf32, #tpu.memory_space<vmem>>
          %dma_wait3A_247 = tpu.memref_squeeze %dma_wait3A_246 : memref<1x512x64xf32, #tpu.memory_space<vmem>> -> memref<512x64xf32, #tpu.memory_space<vmem>>
          %dma_wait3A_248 = arith.constant 0 : i32
          %dma_wait3A_249 = tpu.memref_slice %arg4[%add3A_242, %dma_wait3A_248] : memref<229376x128xf32, #tpu.memory_space<hbm>> -> memref<512x64xf32, #tpu.memory_space<hbm>>
          %dma_wait3A_250 = arith.constant 0 : i32
          %dma_wait3A_251 = tpu.memref_slice %arg4[%add3A_242, %dma_wait3A_250] : memref<229376x128xf32, #tpu.memory_space<hbm>> -> memref<512x64xf32, #tpu.memory_space<hbm>>
          %dma_wait3A_252 = arith.constant 0 : i32
          %dma_wait3A_253 = arith.constant 0 : i32
          %dma_wait3A_254 = tpu.memref_slice %arg6[%dma_wait3A_243, %dma_wait3A_252, %dma_wait3A_253] : memref<2x512x64xf32, #tpu.memory_space<vmem>> -> memref<1x512x64xf32, #tpu.memory_space<vmem>>
          %dma_wait3A_255 = tpu.memref_squeeze %dma_wait3A_254 : memref<1x512x64xf32, #tpu.memory_space<vmem>> -> memref<512x64xf32, #tpu.memory_space<vmem>>
          tpu.wait_dma2 semaphore(%arg9 : memref<!tpu.dma_semaphore, #tpu.memory_space<semaphore_mem>>) src(%dma_wait3A_255 : memref<512x64xf32, #tpu.memory_space<vmem>>) dst(%dma_wait3A_251 : memref<512x64xf32, #tpu.memory_space<hbm>>)
        } else {
        }
        %add3A_177 = arith.constant 1 : i32
        %add3A_178 = arith.addi %add3A_132, %add3A_177 : i32
        %mul3A_179 = arith.constant 4 : i32
        %mul3A_180 = arith.muli %add3A_178, %mul3A_179 : i32
        %add3A_181 = arith.constant 0 : i32
        %add3A_182 = arith.addi %mul3A_180, %add3A_181 : i32
        %dma_start3A_183 = arith.constant 0 : i32
        %dma_start3A_184 = arith.constant 0 : i32
        %dma_start3A_185 = arith.constant 0 : i32
        %dma_start3A_186 = tpu.memref_slice %arg6[%dma_start3A_183, %dma_start3A_184, %dma_start3A_185] : memref<2x512x64xf32, #tpu.memory_space<vmem>> -> memref<1x128x64xf32, #tpu.memory_space<vmem>>
        %dma_start3A_187 = tpu.memref_squeeze %dma_start3A_186 : memref<1x128x64xf32, #tpu.memory_space<vmem>> -> memref<128x64xf32, #tpu.memory_space<vmem>>
        %dma_start3A_188 = arith.constant 0 : i32
        %dma_start3A_189 = tpu.memref_slice %arg5[%add3A_182, %dma_start3A_188] : memref<56x128xi32, #tpu.memory_space<vmem>> -> memref<1x128xi32, #tpu.memory_space<vmem>>
        %dma_start3A_190 = tpu.memref_squeeze %dma_start3A_189 : memref<1x128xi32, #tpu.memory_space<vmem>> -> memref<128xi32, #tpu.memory_space<vmem>>
        %dma_start3A_191 = arith.constant 0 : i32
        %dma_start3A_192 = arith.constant 0 : i32
        %dma_start3A_193 = tpu.memref_slice %arg2[%dma_start3A_191, %dma_start3A_192] : memref<100000x64xf32, #tpu.memory_space<hbm>> -> memref<100000x64xf32, #tpu.memory_space<hbm>>
        tpu.enqueue_indirect_dma source(%dma_start3A_193 : memref<100000x64xf32, #tpu.memory_space<hbm>>) target(%dma_start3A_187 : memref<128x64xf32, #tpu.memory_space<vmem>>) offsets(%dma_start3A_190 : memref<128xi32, #tpu.memory_space<vmem>>) semaphore(%arg7 : memref<!tpu.dma_semaphore, #tpu.memory_space<semaphore_mem>>)
        %mul3A_194 = arith.constant 4 : i32
        %mul3A_195 = arith.muli %add3A_178, %mul3A_194 : i32
        %add3A_196 = arith.constant 1 : i32
        %add3A_197 = arith.addi %mul3A_195, %add3A_196 : i32
        %dma_start3A_198 = arith.constant 0 : i32
        %dma_start3A_199 = arith.constant 128 : i32
        %dma_start3A_200 = arith.constant 0 : i32
        %dma_start3A_201 = tpu.memref_slice %arg6[%dma_start3A_198, %dma_start3A_199, %dma_start3A_200] : memref<2x512x64xf32, #tpu.memory_space<vmem>> -> memref<1x128x64xf32, #tpu.memory_space<vmem>>
        %dma_start3A_202 = tpu.memref_squeeze %dma_start3A_201 : memref<1x128x64xf32, #tpu.memory_space<vmem>> -> memref<128x64xf32, #tpu.memory_space<vmem>>
        %dma_start3A_203 = arith.constant 0 : i32
        %dma_start3A_204 = tpu.memref_slice %arg5[%add3A_197, %dma_start3A_203] : memref<56x128xi32, #tpu.memory_space<vmem>> -> memref<1x128xi32, #tpu.memory_space<vmem>>
        %dma_start3A_205 = tpu.memref_squeeze %dma_start3A_204 : memref<1x128xi32, #tpu.memory_space<vmem>> -> memref<128xi32, #tpu.memory_space<vmem>>
        %dma_start3A_206 = arith.constant 0 : i32
        %dma_start3A_207 = arith.constant 0 : i32
        %dma_start3A_208 = tpu.memref_slice %arg2[%dma_start3A_206, %dma_start3A_207] : memref<100000x64xf32, #tpu.memory_space<hbm>> -> memref<100000x64xf32, #tpu.memory_space<hbm>>
        tpu.enqueue_indirect_dma source(%dma_start3A_208 : memref<100000x64xf32, #tpu.memory_space<hbm>>) target(%dma_start3A_202 : memref<128x64xf32, #tpu.memory_space<vmem>>) offsets(%dma_start3A_205 : memref<128xi32, #tpu.memory_space<vmem>>) semaphore(%arg7 : memref<!tpu.dma_semaphore, #tpu.memory_space<semaphore_mem>>)
        %mul3A_209 = arith.constant 4 : i32
        %mul3A_210 = arith.muli %add3A_178, %mul3A_209 : i32
        %add3A_211 = arith.constant 2 : i32
        %add3A_212 = arith.addi %mul3A_210, %add3A_211 : i32
        %dma_start3A_213 = arith.constant 0 : i32
        %dma_start3A_214 = arith.constant 256 : i32
        %dma_start3A_215 = arith.constant 0 : i32
        %dma_start3A_216 = tpu.memref_slice %arg6[%dma_start3A_213, %dma_start3A_214, %dma_start3A_215] : memref<2x512x64xf32, #tpu.memory_space<vmem>> -> memref<1x128x64xf32, #tpu.memory_space<vmem>>
        %dma_start3A_217 = tpu.memref_squeeze %dma_start3A_216 : memref<1x128x64xf32, #tpu.memory_space<vmem>> -> memref<128x64xf32, #tpu.memory_space<vmem>>
        %dma_start3A_218 = arith.constant 0 : i32
        %dma_start3A_219 = tpu.memref_slice %arg5[%add3A_212, %dma_start3A_218] : memref<56x128xi32, #tpu.memory_space<vmem>> -> memref<1x128xi32, #tpu.memory_space<vmem>>
        %dma_start3A_220 = tpu.memref_squeeze %dma_start3A_219 : memref<1x128xi32, #tpu.memory_space<vmem>> -> memref<128xi32, #tpu.memory_space<vmem>>
        %dma_start3A_221 = arith.constant 0 : i32
        %dma_start3A_222 = arith.constant 0 : i32
        %dma_start3A_223 = tpu.memref_slice %arg2[%dma_start3A_221, %dma_start3A_222] : memref<100000x64xf32, #tpu.memory_space<hbm>> -> memref<100000x64xf32, #tpu.memory_space<hbm>>
        tpu.enqueue_indirect_dma source(%dma_start3A_223 : memref<100000x64xf32, #tpu.memory_space<hbm>>) target(%dma_start3A_217 : memref<128x64xf32, #tpu.memory_space<vmem>>) offsets(%dma_start3A_220 : memref<128xi32, #tpu.memory_space<vmem>>) semaphore(%arg7 : memref<!tpu.dma_semaphore, #tpu.memory_space<semaphore_mem>>)
        %mul3A_224 = arith.constant 4 : i32
        %mul3A_225 = arith.muli %add3A_178, %mul3A_224 : i32
        %add3A_226 = arith.constant 3 : i32
        %add3A_227 = arith.addi %mul3A_225, %add3A_226 : i32
        %dma_start3A_228 = arith.constant 0 : i32
        %dma_start3A_229 = arith.constant 384 : i32
        %dma_start3A_230 = arith.constant 0 : i32
        %dma_start3A_231 = tpu.memref_slice %arg6[%dma_start3A_228, %dma_start3A_229, %dma_start3A_230] : memref<2x512x64xf32, #tpu.memory_space<vmem>> -> memref<1x128x64xf32, #tpu.memory_space<vmem>>
        %dma_start3A_232 = tpu.memref_squeeze %dma_start3A_231 : memref<1x128x64xf32, #tpu.memory_space<vmem>> -> memref<128x64xf32, #tpu.memory_space<vmem>>
        %dma_start3A_233 = arith.constant 0 : i32
        %dma_start3A_234 = tpu.memref_slice %arg5[%add3A_227, %dma_start3A_233] : memref<56x128xi32, #tpu.memory_space<vmem>> -> memref<1x128xi32, #tpu.memory_space<vmem>>
        %dma_start3A_235 = tpu.memref_squeeze %dma_start3A_234 : memref<1x128xi32, #tpu.memory_space<vmem>> -> memref<128xi32, #tpu.memory_space<vmem>>
        %dma_start3A_236 = arith.constant 0 : i32
        %dma_start3A_237 = arith.constant 0 : i32
        %dma_start3A_238 = tpu.memref_slice %arg2[%dma_start3A_236, %dma_start3A_237] : memref<100000x64xf32, #tpu.memory_space<hbm>> -> memref<100000x64xf32, #tpu.memory_space<hbm>>
        tpu.enqueue_indirect_dma source(%dma_start3A_238 : memref<100000x64xf32, #tpu.memory_space<hbm>>) target(%dma_start3A_232 : memref<128x64xf32, #tpu.memory_space<vmem>>) offsets(%dma_start3A_235 : memref<128xi32, #tpu.memory_space<vmem>>) semaphore(%arg7 : memref<!tpu.dma_semaphore, #tpu.memory_space<semaphore_mem>>)
      } else {
      }
      %mul3A_156 = arith.constant 512 : i32
      %mul3A_157 = arith.muli %add3A_132, %mul3A_156 : i32
      %add3A_158 = arith.addi %mul3A_4, %mul3A_157 : i32
      %dma_start3A_159 = arith.constant 1 : i32
      %dma_start3A_160 = arith.constant 0 : i32
      %dma_start3A_161 = arith.constant 0 : i32
      %dma_start3A_162 = tpu.memref_slice %arg6[%dma_start3A_159, %dma_start3A_160, %dma_start3A_161] : memref<2x512x64xf32, #tpu.memory_space<vmem>> -> memref<1x512x64xf32, #tpu.memory_space<vmem>>
      %dma_start3A_163 = tpu.memref_squeeze %dma_start3A_162 : memref<1x512x64xf32, #tpu.memory_space<vmem>> -> memref<512x64xf32, #tpu.memory_space<vmem>>
      %dma_start3A_164 = arith.constant 0 : i32
      %dma_start3A_165 = tpu.memref_slice %arg4[%add3A_158, %dma_start3A_164] : memref<229376x128xf32, #tpu.memory_space<hbm>> -> memref<512x64xf32, #tpu.memory_space<hbm>>
      %dma_start3A_166 = arith.constant 0 : i32
      %dma_start3A_167 = tpu.memref_slice %arg4[%add3A_158, %dma_start3A_166] : memref<229376x128xf32, #tpu.memory_space<hbm>> -> memref<512x64xf32, #tpu.memory_space<hbm>>
      %dma_start3A_168 = arith.constant 0 : i32
      %dma_start3A_169 = arith.constant 0 : i32
      %dma_start3A_170 = tpu.memref_slice %arg6[%dma_start3A_159, %dma_start3A_168, %dma_start3A_169] : memref<2x512x64xf32, #tpu.memory_space<vmem>> -> memref<1x512x64xf32, #tpu.memory_space<vmem>>
      %dma_start3A_171 = tpu.memref_squeeze %dma_start3A_170 : memref<1x512x64xf32, #tpu.memory_space<vmem>> -> memref<512x64xf32, #tpu.memory_space<vmem>>
      tpu.enqueue_dma source(%dma_start3A_171 : memref<512x64xf32, #tpu.memory_space<vmem>>) target(%dma_start3A_167 : memref<512x64xf32, #tpu.memory_space<hbm>>) target_semaphore(%arg10 : memref<!tpu.dma_semaphore, #tpu.memory_space<semaphore_mem>>)
      %scan3A_172 = arith.constant 0 : i32
      scf.yield %scan3A_172 : i32
    }
    %scan3A_59 = arith.constant 7 : i32
    %add3A_60 = arith.constant 6144 : i32
    %add3A_61 = arith.addi %mul3A_4, %add3A_60 : i32
    %dma_wait3A = arith.constant 0 : i32
    %dma_wait3A_62 = arith.constant 0 : i32
    %dma_wait3A_63 = arith.constant 0 : i32
    %dma_wait3A_64 = tpu.memref_slice %arg6[%dma_wait3A, %dma_wait3A_62, %dma_wait3A_63] : memref<2x512x64xf32, #tpu.memory_space<vmem>> -> memref<1x512x64xf32, #tpu.memory_space<vmem>>
    %dma_wait3A_65 = tpu.memref_squeeze %dma_wait3A_64 : memref<1x512x64xf32, #tpu.memory_space<vmem>> -> memref<512x64xf32, #tpu.memory_space<vmem>>
    %dma_wait3A_66 = arith.constant 0 : i32
    %dma_wait3A_67 = tpu.memref_slice %arg4[%add3A_61, %dma_wait3A_66] : memref<229376x128xf32, #tpu.memory_space<hbm>> -> memref<512x64xf32, #tpu.memory_space<hbm>>
    %dma_wait3A_68 = arith.constant 0 : i32
    %dma_wait3A_69 = tpu.memref_slice %arg4[%add3A_61, %dma_wait3A_68] : memref<229376x128xf32, #tpu.memory_space<hbm>> -> memref<512x64xf32, #tpu.memory_space<hbm>>
    %dma_wait3A_70 = arith.constant 0 : i32
    %dma_wait3A_71 = arith.constant 0 : i32
    %dma_wait3A_72 = tpu.memref_slice %arg6[%dma_wait3A, %dma_wait3A_70, %dma_wait3A_71] : memref<2x512x64xf32, #tpu.memory_space<vmem>> -> memref<1x512x64xf32, #tpu.memory_space<vmem>>
    %dma_wait3A_73 = tpu.memref_squeeze %dma_wait3A_72 : memref<1x512x64xf32, #tpu.memory_space<vmem>> -> memref<512x64xf32, #tpu.memory_space<vmem>>
    tpu.wait_dma2 semaphore(%arg9 : memref<!tpu.dma_semaphore, #tpu.memory_space<semaphore_mem>>) src(%dma_wait3A_73 : memref<512x64xf32, #tpu.memory_space<vmem>>) dst(%dma_wait3A_69 : memref<512x64xf32, #tpu.memory_space<hbm>>)
    %add3A_74 = arith.constant 6656 : i32
    %add3A_75 = arith.addi %mul3A_4, %add3A_74 : i32
    %dma_wait3A_76 = arith.constant 1 : i32
    %dma_wait3A_77 = arith.constant 0 : i32
    %dma_wait3A_78 = arith.constant 0 : i32
    %dma_wait3A_79 = tpu.memref_slice %arg6[%dma_wait3A_76, %dma_wait3A_77, %dma_wait3A_78] : memref<2x512x64xf32, #tpu.memory_space<vmem>> -> memref<1x512x64xf32, #tpu.memory_space<vmem>>
    %dma_wait3A_80 = tpu.memref_squeeze %dma_wait3A_79 : memref<1x512x64xf32, #tpu.memory_space<vmem>> -> memref<512x64xf32, #tpu.memory_space<vmem>>
    %dma_wait3A_81 = arith.constant 0 : i32
    %dma_wait3A_82 = tpu.memref_slice %arg4[%add3A_75, %dma_wait3A_81] : memref<229376x128xf32, #tpu.memory_space<hbm>> -> memref<512x64xf32, #tpu.memory_space<hbm>>
    %dma_wait3A_83 = arith.constant 0 : i32
    %dma_wait3A_84 = tpu.memref_slice %arg4[%add3A_75, %dma_wait3A_83] : memref<229376x128xf32, #tpu.memory_space<hbm>> -> memref<512x64xf32, #tpu.memory_space<hbm>>
    %dma_wait3A_85 = arith.constant 0 : i32
    %dma_wait3A_86 = arith.constant 0 : i32
    %dma_wait3A_87 = tpu.memref_slice %arg6[%dma_wait3A_76, %dma_wait3A_85, %dma_wait3A_86] : memref<2x512x64xf32, #tpu.memory_space<vmem>> -> memref<1x512x64xf32, #tpu.memory_space<vmem>>
    %dma_wait3A_88 = tpu.memref_squeeze %dma_wait3A_87 : memref<1x512x64xf32, #tpu.memory_space<vmem>> -> memref<512x64xf32, #tpu.memory_space<vmem>>
    tpu.wait_dma2 semaphore(%arg10 : memref<!tpu.dma_semaphore, #tpu.memory_space<semaphore_mem>>) src(%dma_wait3A_88 : memref<512x64xf32, #tpu.memory_space<vmem>>) dst(%dma_wait3A_84 : memref<512x64xf32, #tpu.memory_space<hbm>>)
    return
  }
}

module attributes {stable_mosaic.version = 14 : i64} {
  func.func @body(%arg0: i32, %arg1: memref<4096x128xf32, #tpu.memory_space<vmem>>, %arg2: memref<4096x128xf32, #tpu.memory_space<vmem>>, %arg3: memref<128x128xbf16, #tpu.memory_space<vmem>>, %arg4: memref<128x128xbf16, #tpu.memory_space<vmem>>, %arg5: memref<1x128xf32, #tpu.memory_space<vmem>>, %arg6: memref<1x128xf32, #tpu.memory_space<vmem>>, %arg7: memref<4096x128xf32, #tpu.memory_space<vmem>>) attributes {dimension_semantics = [#tpu.dimension_semantics<arbitrary>], iteration_bounds = array<i64: 24>, scalar_prefetch = 0 : i64, scratch_operands = 0 : i64, tpu.core_type = #tpu.core_type<tc>, window_params = [{pipeline_mode = #tpu.pipeline_mode<synchronous>, transform_indices = @transform_0, window_bounds = array<i64: 4096, 128>}, {transform_indices = @transform_1, window_bounds = array<i64: 4096, 128>}, {pipeline_mode = #tpu.pipeline_mode<synchronous>, transform_indices = @transform_2, window_bounds = array<i64: 128, 128>}, {pipeline_mode = #tpu.pipeline_mode<synchronous>, transform_indices = @transform_3, window_bounds = array<i64: 128, 128>}, {pipeline_mode = #tpu.pipeline_mode<synchronous>, transform_indices = @transform_4, window_bounds = array<i64: 1, 128>}, {pipeline_mode = #tpu.pipeline_mode<synchronous>, transform_indices = @transform_5, window_bounds = array<i64: 1, 128>}, {pipeline_mode = #tpu.pipeline_mode<synchronous>, transform_indices = @transform_6, window_bounds = array<i64: 4096, 128>}]} {
    %eq3A = arith.constant 0 : i32
    %eq3A_0 = arith.cmpi eq, %arg0, %eq3A : i32
    %convert_element_type3A = arith.extui %eq3A_0 : i1 to i32
    %cond3A = arith.constant 0 : i32
    %cond3A_1 = arith.cmpi ne, %convert_element_type3A, %cond3A : i32
    scf.if %cond3A_1 {
      %get3A_32 = arith.constant 0 : index
      %get3A_33 = arith.constant 0 : index
      %get3A_34 = vector.load %arg1[%get3A_32, %get3A_33] : memref<4096x128xf32, #tpu.memory_space<vmem>>, vector<4096x128xf32>
      %swap3A_35 = arith.constant 0 : index
      %swap3A_36 = arith.constant 0 : index
      %swap3A_37 = vector.load %arg7[%swap3A_35, %swap3A_36] : memref<4096x128xf32, #tpu.memory_space<vmem>>, vector<4096x128xf32>
      tpu.vector_store %arg7[%swap3A_35, %swap3A_36], %get3A_34 {strides = array<i32>} : memref<4096x128xf32, #tpu.memory_space<vmem>>, vector<4096x128xf32>,
    } else {
    }
    %iota3A = tpu.iota {dimensions = array<i32: 1>} : vector<4096x128xi32>
    %lt3A = arith.constant 64 : i32
    %lt3A_2 = vector.broadcast %lt3A : i32 to vector<4096x128xi32>
    %lt3A_3 = arith.cmpi slt, %iota3A, %lt3A_2 : vector<4096x128xi32>
    %get3A = arith.constant 0 : index
    %get3A_4 = arith.constant 0 : index
    %get3A_5 = vector.load %arg2[%get3A, %get3A_4] : memref<4096x128xf32, #tpu.memory_space<vmem>>, vector<4096x128xf32>
    %jit3A = arith.constant 0.000000e+00 : f32
    %broadcast_in_dim3A = vector.broadcast %jit3A : f32 to vector<4096x128xf32>
    %select_n3A = arith.select %lt3A_3, %get3A_5, %broadcast_in_dim3A : vector<4096x128xi1>, vector<4096x128xf32>
    %convert_element_type3A_6 = arith.truncf %select_n3A : vector<4096x128xf32> to vector<4096x128xbf16>
    %get3A_7 = arith.constant 0 : index
    %get3A_8 = arith.constant 0 : index
    %get3A_9 = vector.load %arg7[%get3A_7, %get3A_8] : memref<4096x128xf32, #tpu.memory_space<vmem>>, vector<4096x128xf32>
    %convert_element_type3A_10 = arith.truncf %get3A_9 : vector<4096x128xf32> to vector<4096x128xbf16>
    %get3A_11 = arith.constant 0 : index
    %get3A_12 = arith.constant 0 : index
    %get3A_13 = vector.load %arg3[%get3A_11, %get3A_12] : memref<128x128xbf16, #tpu.memory_space<vmem>>, vector<128x128xbf16>
    %dot_general3A = arith.constant dense<0.000000e+00> : vector<4096x128xf32>
    %dot_general3A_14 = tpu.matmul %convert_element_type3A_6, %get3A_13, %dot_general3A {dimension_numbers = #tpu.dot_dimension_numbers<[1], [0], [0], [1], [0, 0, 1, 1], [], []>, transpose_lhs_hint = false} : vector<4096x128xbf16>, vector<128x128xbf16>, vector<4096x128xf32> -> vector<4096x128xf32>
    %get3A_15 = arith.constant 0 : index
    %get3A_16 = arith.constant 0 : index
    %get3A_17 = vector.load %arg4[%get3A_15, %get3A_16] : memref<128x128xbf16, #tpu.memory_space<vmem>>, vector<128x128xbf16>
    %dot_general3A_18 = arith.constant dense<0.000000e+00> : vector<4096x128xf32>
    %dot_general3A_19 = tpu.matmul %convert_element_type3A_10, %get3A_17, %dot_general3A_18 {dimension_numbers = #tpu.dot_dimension_numbers<[1], [0], [0], [1], [0, 0, 1, 1], [], []>, transpose_lhs_hint = false} : vector<4096x128xbf16>, vector<128x128xbf16>, vector<4096x128xf32> -> vector<4096x128xf32>
    %add3A = arith.addf %dot_general3A_14, %dot_general3A_19 : vector<4096x128xf32>
    %get3A_20 = arith.constant 0 : index
    %get3A_21 = arith.constant 0 : index
    %get3A_22 = vector.load %arg5[%get3A_20, %get3A_21] : memref<1x128xf32, #tpu.memory_space<vmem>>, vector<1x128xf32>
    %add3A_23 = vector.broadcast %get3A_22 : vector<1x128xf32> to vector<4096x128xf32>
    %add3A_24 = arith.addf %add3A, %add3A_23 : vector<4096x128xf32>
    %get3A_25 = arith.constant 0 : index
    %get3A_26 = arith.constant 0 : index
    %get3A_27 = vector.load %arg6[%get3A_25, %get3A_26] : memref<1x128xf32, #tpu.memory_space<vmem>>, vector<1x128xf32>
    %add3A_28 = vector.broadcast %get3A_27 : vector<1x128xf32> to vector<4096x128xf32>
    %add3A_29 = arith.addf %add3A_24, %add3A_28 : vector<4096x128xf32>
    %tanh3A = math.tanh %add3A_29 : vector<4096x128xf32>
    %swap3A = arith.constant 0 : index
    %swap3A_30 = arith.constant 0 : index
    %swap3A_31 = vector.load %arg7[%swap3A, %swap3A_30] : memref<4096x128xf32, #tpu.memory_space<vmem>>, vector<4096x128xf32>
    tpu.vector_store %arg7[%swap3A, %swap3A_30], %tanh3A {strides = array<i32>} : memref<4096x128xf32, #tpu.memory_space<vmem>>, vector<4096x128xf32>,
    return
  }
  func.func @transform_0(%arg0: i32) -> (i32, i32) {
    %c0_i32 = arith.constant 0 : i32
    %c0_i32_0 = arith.constant 0 : i32
    %c0_i32_1 = arith.constant 0 : i32
    return %c0_i32, %c0_i32_0 : i32, i32
  }
  func.func @transform_1(%arg0: i32) -> (i32, i32) {
    %c0_i32 = arith.constant 0 : i32
    %c0_i32_0 = arith.constant 0 : i32
    return %arg0, %c0_i32 : i32, i32
  }
  func.func @transform_2(%arg0: i32) -> (i32, i32) {
    %c0_i32 = arith.constant 0 : i32
    %c0_i32_0 = arith.constant 0 : i32
    %c0_i32_1 = arith.constant 0 : i32
    return %c0_i32, %c0_i32_0 : i32, i32
  }
  func.func @transform_3(%arg0: i32) -> (i32, i32) {
    %c0_i32 = arith.constant 0 : i32
    %c0_i32_0 = arith.constant 0 : i32
    %c0_i32_1 = arith.constant 0 : i32
    return %c0_i32, %c0_i32_0 : i32, i32
  }
  func.func @transform_4(%arg0: i32) -> (i32, i32) {
    %c0_i32 = arith.constant 0 : i32
    %c0_i32_0 = arith.constant 0 : i32
    %c0_i32_1 = arith.constant 0 : i32
    return %c0_i32, %c0_i32_0 : i32, i32
  }
  func.func @transform_5(%arg0: i32) -> (i32, i32) {
    %c0_i32 = arith.constant 0 : i32
    %c0_i32_0 = arith.constant 0 : i32
    %c0_i32_1 = arith.constant 0 : i32
    return %c0_i32, %c0_i32_0 : i32, i32
  }
  func.func @transform_6(%arg0: i32) -> (i32, i32) {
    %c0_i32 = arith.constant 0 : i32
    %c0_i32_0 = arith.constant 0 : i32
    %c0_i32_1 = arith.constant 0 : i32
    return %c0_i32, %c0_i32_0 : i32, i32
  }
}

module attributes {stable_mosaic.version = 14 : i64} {
  func.func @body(%arg0: i32, %arg1: memref<4096x128xf32, #tpu.memory_space<vmem>>, %arg2: memref<4096x128xf32, #tpu.memory_space<vmem>>, %arg3: memref<128x128xbf16, #tpu.memory_space<vmem>>, %arg4: memref<128x128xbf16, #tpu.memory_space<vmem>>, %arg5: memref<1x128xf32, #tpu.memory_space<vmem>>, %arg6: memref<1x128xf32, #tpu.memory_space<vmem>>, %arg7: memref<4096x128xf32, #tpu.memory_space<vmem>>) attributes {dimension_semantics = [#tpu.dimension_semantics<arbitrary>], iteration_bounds = array<i64: 8>, scalar_prefetch = 0 : i64, scratch_operands = 0 : i64, tpu.core_type = #tpu.core_type<tc>, window_params = [{pipeline_mode = #tpu.pipeline_mode<synchronous>, transform_indices = @transform_0, window_bounds = array<i64: 4096, 128>}, {transform_indices = @transform_1, window_bounds = array<i64: 4096, 128>}, {pipeline_mode = #tpu.pipeline_mode<synchronous>, transform_indices = @transform_2, window_bounds = array<i64: 128, 128>}, {pipeline_mode = #tpu.pipeline_mode<synchronous>, transform_indices = @transform_3, window_bounds = array<i64: 128, 128>}, {pipeline_mode = #tpu.pipeline_mode<synchronous>, transform_indices = @transform_4, window_bounds = array<i64: 1, 128>}, {pipeline_mode = #tpu.pipeline_mode<synchronous>, transform_indices = @transform_5, window_bounds = array<i64: 1, 128>}, {pipeline_mode = #tpu.pipeline_mode<synchronous>, transform_indices = @transform_6, window_bounds = array<i64: 4096, 128>}]} {
    %eq3A = arith.constant 0 : i32
    %eq3A_0 = arith.cmpi eq, %arg0, %eq3A : i32
    %convert_element_type3A = arith.extui %eq3A_0 : i1 to i32
    %cond3A = arith.constant 0 : i32
    %cond3A_1 = arith.cmpi ne, %convert_element_type3A, %cond3A : i32
    scf.if %cond3A_1 {
      %get3A_32 = arith.constant 0 : index
      %get3A_33 = arith.constant 0 : index
      %get3A_34 = vector.load %arg1[%get3A_32, %get3A_33] : memref<4096x128xf32, #tpu.memory_space<vmem>>, vector<4096x128xf32>
      %swap3A_35 = arith.constant 0 : index
      %swap3A_36 = arith.constant 0 : index
      %swap3A_37 = vector.load %arg7[%swap3A_35, %swap3A_36] : memref<4096x128xf32, #tpu.memory_space<vmem>>, vector<4096x128xf32>
      tpu.vector_store %arg7[%swap3A_35, %swap3A_36], %get3A_34 {strides = array<i32>} : memref<4096x128xf32, #tpu.memory_space<vmem>>, vector<4096x128xf32>,
    } else {
    }
    %iota3A = tpu.iota {dimensions = array<i32: 1>} : vector<4096x128xi32>
    %lt3A = arith.constant 64 : i32
    %lt3A_2 = vector.broadcast %lt3A : i32 to vector<4096x128xi32>
    %lt3A_3 = arith.cmpi slt, %iota3A, %lt3A_2 : vector<4096x128xi32>
    %get3A = arith.constant 0 : index
    %get3A_4 = arith.constant 0 : index
    %get3A_5 = vector.load %arg2[%get3A, %get3A_4] : memref<4096x128xf32, #tpu.memory_space<vmem>>, vector<4096x128xf32>
    %jit3A = arith.constant 0.000000e+00 : f32
    %broadcast_in_dim3A = vector.broadcast %jit3A : f32 to vector<4096x128xf32>
    %select_n3A = arith.select %lt3A_3, %get3A_5, %broadcast_in_dim3A : vector<4096x128xi1>, vector<4096x128xf32>
    %convert_element_type3A_6 = arith.truncf %select_n3A : vector<4096x128xf32> to vector<4096x128xbf16>
    %get3A_7 = arith.constant 0 : index
    %get3A_8 = arith.constant 0 : index
    %get3A_9 = vector.load %arg7[%get3A_7, %get3A_8] : memref<4096x128xf32, #tpu.memory_space<vmem>>, vector<4096x128xf32>
    %convert_element_type3A_10 = arith.truncf %get3A_9 : vector<4096x128xf32> to vector<4096x128xbf16>
    %get3A_11 = arith.constant 0 : index
    %get3A_12 = arith.constant 0 : index
    %get3A_13 = vector.load %arg3[%get3A_11, %get3A_12] : memref<128x128xbf16, #tpu.memory_space<vmem>>, vector<128x128xbf16>
    %dot_general3A = arith.constant dense<0.000000e+00> : vector<4096x128xf32>
    %dot_general3A_14 = tpu.matmul %convert_element_type3A_6, %get3A_13, %dot_general3A {dimension_numbers = #tpu.dot_dimension_numbers<[1], [0], [0], [1], [0, 0, 1, 1], [], []>, transpose_lhs_hint = false} : vector<4096x128xbf16>, vector<128x128xbf16>, vector<4096x128xf32> -> vector<4096x128xf32>
    %get3A_15 = arith.constant 0 : index
    %get3A_16 = arith.constant 0 : index
    %get3A_17 = vector.load %arg4[%get3A_15, %get3A_16] : memref<128x128xbf16, #tpu.memory_space<vmem>>, vector<128x128xbf16>
    %dot_general3A_18 = arith.constant dense<0.000000e+00> : vector<4096x128xf32>
    %dot_general3A_19 = tpu.matmul %convert_element_type3A_10, %get3A_17, %dot_general3A_18 {dimension_numbers = #tpu.dot_dimension_numbers<[1], [0], [0], [1], [0, 0, 1, 1], [], []>, transpose_lhs_hint = false} : vector<4096x128xbf16>, vector<128x128xbf16>, vector<4096x128xf32> -> vector<4096x128xf32>
    %add3A = arith.addf %dot_general3A_14, %dot_general3A_19 : vector<4096x128xf32>
    %get3A_20 = arith.constant 0 : index
    %get3A_21 = arith.constant 0 : index
    %get3A_22 = vector.load %arg5[%get3A_20, %get3A_21] : memref<1x128xf32, #tpu.memory_space<vmem>>, vector<1x128xf32>
    %add3A_23 = vector.broadcast %get3A_22 : vector<1x128xf32> to vector<4096x128xf32>
    %add3A_24 = arith.addf %add3A, %add3A_23 : vector<4096x128xf32>
    %get3A_25 = arith.constant 0 : index
    %get3A_26 = arith.constant 0 : index
    %get3A_27 = vector.load %arg6[%get3A_25, %get3A_26] : memref<1x128xf32, #tpu.memory_space<vmem>>, vector<1x128xf32>
    %add3A_28 = vector.broadcast %get3A_27 : vector<1x128xf32> to vector<4096x128xf32>
    %add3A_29 = arith.addf %add3A_24, %add3A_28 : vector<4096x128xf32>
    %tanh3A = math.tanh %add3A_29 : vector<4096x128xf32>
    %swap3A = arith.constant 0 : index
    %swap3A_30 = arith.constant 0 : index
    %swap3A_31 = vector.load %arg7[%swap3A, %swap3A_30] : memref<4096x128xf32, #tpu.memory_space<vmem>>, vector<4096x128xf32>
    tpu.vector_store %arg7[%swap3A, %swap3A_30], %tanh3A {strides = array<i32>} : memref<4096x128xf32, #tpu.memory_space<vmem>>, vector<4096x128xf32>,
    return
  }
  func.func @transform_0(%arg0: i32) -> (i32, i32) {
    %c0_i32 = arith.constant 0 : i32
    %c0_i32_0 = arith.constant 0 : i32
    %c0_i32_1 = arith.constant 0 : i32
    return %c0_i32, %c0_i32_0 : i32, i32
  }
  func.func @transform_1(%arg0: i32) -> (i32, i32) {
    %c0_i32 = arith.constant 0 : i32
    %c0_i32_0 = arith.constant 0 : i32
    return %arg0, %c0_i32 : i32, i32
  }
  func.func @transform_2(%arg0: i32) -> (i32, i32) {
    %c0_i32 = arith.constant 0 : i32
    %c0_i32_0 = arith.constant 0 : i32
    %c0_i32_1 = arith.constant 0 : i32
    return %c0_i32, %c0_i32_0 : i32, i32
  }
  func.func @transform_3(%arg0: i32) -> (i32, i32) {
    %c0_i32 = arith.constant 0 : i32
    %c0_i32_0 = arith.constant 0 : i32
    %c0_i32_1 = arith.constant 0 : i32
    return %c0_i32, %c0_i32_0 : i32, i32
  }
  func.func @transform_4(%arg0: i32) -> (i32, i32) {
    %c0_i32 = arith.constant 0 : i32
    %c0_i32_0 = arith.constant 0 : i32
    %c0_i32_1 = arith.constant 0 : i32
    return %c0_i32, %c0_i32_0 : i32, i32
  }
  func.func @transform_5(%arg0: i32) -> (i32, i32) {
    %c0_i32 = arith.constant 0 : i32
    %c0_i32_0 = arith.constant 0 : i32
    %c0_i32_1 = arith.constant 0 : i32
    return %c0_i32, %c0_i32_0 : i32, i32
  }
  func.func @transform_6(%arg0: i32) -> (i32, i32) {
    %c0_i32 = arith.constant 0 : i32
    %c0_i32_0 = arith.constant 0 : i32
    %c0_i32_1 = arith.constant 0 : i32
    return %c0_i32, %c0_i32_0 : i32, i32
  }
}

module attributes {stable_mosaic.version = 14 : i64} {
  func.func @body(%arg0: i32, %arg1: memref<4096x128xf32, #tpu.memory_space<vmem>>, %arg2: memref<4096x128xf32, #tpu.memory_space<vmem>>, %arg3: memref<128x128xbf16, #tpu.memory_space<vmem>>, %arg4: memref<128x128xbf16, #tpu.memory_space<vmem>>, %arg5: memref<1x128xf32, #tpu.memory_space<vmem>>, %arg6: memref<1x128xf32, #tpu.memory_space<vmem>>, %arg7: memref<4096x128xf32, #tpu.memory_space<vmem>>) attributes {dimension_semantics = [#tpu.dimension_semantics<arbitrary>], iteration_bounds = array<i64: 56>, scalar_prefetch = 0 : i64, scratch_operands = 0 : i64, tpu.core_type = #tpu.core_type<tc>, window_params = [{pipeline_mode = #tpu.pipeline_mode<synchronous>, transform_indices = @transform_0, window_bounds = array<i64: 4096, 128>}, {transform_indices = @transform_1, window_bounds = array<i64: 4096, 128>}, {pipeline_mode = #tpu.pipeline_mode<synchronous>, transform_indices = @transform_2, window_bounds = array<i64: 128, 128>}, {pipeline_mode = #tpu.pipeline_mode<synchronous>, transform_indices = @transform_3, window_bounds = array<i64: 128, 128>}, {pipeline_mode = #tpu.pipeline_mode<synchronous>, transform_indices = @transform_4, window_bounds = array<i64: 1, 128>}, {pipeline_mode = #tpu.pipeline_mode<synchronous>, transform_indices = @transform_5, window_bounds = array<i64: 1, 128>}, {pipeline_mode = #tpu.pipeline_mode<synchronous>, transform_indices = @transform_6, window_bounds = array<i64: 4096, 128>}]} {
    %eq3A = arith.constant 0 : i32
    %eq3A_0 = arith.cmpi eq, %arg0, %eq3A : i32
    %convert_element_type3A = arith.extui %eq3A_0 : i1 to i32
    %cond3A = arith.constant 0 : i32
    %cond3A_1 = arith.cmpi ne, %convert_element_type3A, %cond3A : i32
    scf.if %cond3A_1 {
      %get3A_32 = arith.constant 0 : index
      %get3A_33 = arith.constant 0 : index
      %get3A_34 = vector.load %arg1[%get3A_32, %get3A_33] : memref<4096x128xf32, #tpu.memory_space<vmem>>, vector<4096x128xf32>
      %swap3A_35 = arith.constant 0 : index
      %swap3A_36 = arith.constant 0 : index
      %swap3A_37 = vector.load %arg7[%swap3A_35, %swap3A_36] : memref<4096x128xf32, #tpu.memory_space<vmem>>, vector<4096x128xf32>
      tpu.vector_store %arg7[%swap3A_35, %swap3A_36], %get3A_34 {strides = array<i32>} : memref<4096x128xf32, #tpu.memory_space<vmem>>, vector<4096x128xf32>,
    } else {
    }
    %iota3A = tpu.iota {dimensions = array<i32: 1>} : vector<4096x128xi32>
    %lt3A = arith.constant 64 : i32
    %lt3A_2 = vector.broadcast %lt3A : i32 to vector<4096x128xi32>
    %lt3A_3 = arith.cmpi slt, %iota3A, %lt3A_2 : vector<4096x128xi32>
    %get3A = arith.constant 0 : index
    %get3A_4 = arith.constant 0 : index
    %get3A_5 = vector.load %arg2[%get3A, %get3A_4] : memref<4096x128xf32, #tpu.memory_space<vmem>>, vector<4096x128xf32>
    %jit3A = arith.constant 0.000000e+00 : f32
    %broadcast_in_dim3A = vector.broadcast %jit3A : f32 to vector<4096x128xf32>
    %select_n3A = arith.select %lt3A_3, %get3A_5, %broadcast_in_dim3A : vector<4096x128xi1>, vector<4096x128xf32>
    %convert_element_type3A_6 = arith.truncf %select_n3A : vector<4096x128xf32> to vector<4096x128xbf16>
    %get3A_7 = arith.constant 0 : index
    %get3A_8 = arith.constant 0 : index
    %get3A_9 = vector.load %arg7[%get3A_7, %get3A_8] : memref<4096x128xf32, #tpu.memory_space<vmem>>, vector<4096x128xf32>
    %convert_element_type3A_10 = arith.truncf %get3A_9 : vector<4096x128xf32> to vector<4096x128xbf16>
    %get3A_11 = arith.constant 0 : index
    %get3A_12 = arith.constant 0 : index
    %get3A_13 = vector.load %arg3[%get3A_11, %get3A_12] : memref<128x128xbf16, #tpu.memory_space<vmem>>, vector<128x128xbf16>
    %dot_general3A = arith.constant dense<0.000000e+00> : vector<4096x128xf32>
    %dot_general3A_14 = tpu.matmul %convert_element_type3A_6, %get3A_13, %dot_general3A {dimension_numbers = #tpu.dot_dimension_numbers<[1], [0], [0], [1], [0, 0, 1, 1], [], []>, transpose_lhs_hint = false} : vector<4096x128xbf16>, vector<128x128xbf16>, vector<4096x128xf32> -> vector<4096x128xf32>
    %get3A_15 = arith.constant 0 : index
    %get3A_16 = arith.constant 0 : index
    %get3A_17 = vector.load %arg4[%get3A_15, %get3A_16] : memref<128x128xbf16, #tpu.memory_space<vmem>>, vector<128x128xbf16>
    %dot_general3A_18 = arith.constant dense<0.000000e+00> : vector<4096x128xf32>
    %dot_general3A_19 = tpu.matmul %convert_element_type3A_10, %get3A_17, %dot_general3A_18 {dimension_numbers = #tpu.dot_dimension_numbers<[1], [0], [0], [1], [0, 0, 1, 1], [], []>, transpose_lhs_hint = false} : vector<4096x128xbf16>, vector<128x128xbf16>, vector<4096x128xf32> -> vector<4096x128xf32>
    %add3A = arith.addf %dot_general3A_14, %dot_general3A_19 : vector<4096x128xf32>
    %get3A_20 = arith.constant 0 : index
    %get3A_21 = arith.constant 0 : index
    %get3A_22 = vector.load %arg5[%get3A_20, %get3A_21] : memref<1x128xf32, #tpu.memory_space<vmem>>, vector<1x128xf32>
    %add3A_23 = vector.broadcast %get3A_22 : vector<1x128xf32> to vector<4096x128xf32>
    %add3A_24 = arith.addf %add3A, %add3A_23 : vector<4096x128xf32>
    %get3A_25 = arith.constant 0 : index
    %get3A_26 = arith.constant 0 : index
    %get3A_27 = vector.load %arg6[%get3A_25, %get3A_26] : memref<1x128xf32, #tpu.memory_space<vmem>>, vector<1x128xf32>
    %add3A_28 = vector.broadcast %get3A_27 : vector<1x128xf32> to vector<4096x128xf32>
    %add3A_29 = arith.addf %add3A_24, %add3A_28 : vector<4096x128xf32>
    %tanh3A = math.tanh %add3A_29 : vector<4096x128xf32>
    %swap3A = arith.constant 0 : index
    %swap3A_30 = arith.constant 0 : index
    %swap3A_31 = vector.load %arg7[%swap3A, %swap3A_30] : memref<4096x128xf32, #tpu.memory_space<vmem>>, vector<4096x128xf32>
    tpu.vector_store %arg7[%swap3A, %swap3A_30], %tanh3A {strides = array<i32>} : memref<4096x128xf32, #tpu.memory_space<vmem>>, vector<4096x128xf32>,
    return
  }
  func.func @transform_0(%arg0: i32) -> (i32, i32) {
    %c0_i32 = arith.constant 0 : i32
    %c0_i32_0 = arith.constant 0 : i32
    %c0_i32_1 = arith.constant 0 : i32
    return %c0_i32, %c0_i32_0 : i32, i32
  }
  func.func @transform_1(%arg0: i32) -> (i32, i32) {
    %c0_i32 = arith.constant 0 : i32
    %c0_i32_0 = arith.constant 0 : i32
    return %arg0, %c0_i32 : i32, i32
  }
  func.func @transform_2(%arg0: i32) -> (i32, i32) {
    %c0_i32 = arith.constant 0 : i32
    %c0_i32_0 = arith.constant 0 : i32
    %c0_i32_1 = arith.constant 0 : i32
    return %c0_i32, %c0_i32_0 : i32, i32
  }
  func.func @transform_3(%arg0: i32) -> (i32, i32) {
    %c0_i32 = arith.constant 0 : i32
    %c0_i32_0 = arith.constant 0 : i32
    %c0_i32_1 = arith.constant 0 : i32
    return %c0_i32, %c0_i32_0 : i32, i32
  }
  func.func @transform_4(%arg0: i32) -> (i32, i32) {
    %c0_i32 = arith.constant 0 : i32
    %c0_i32_0 = arith.constant 0 : i32
    %c0_i32_1 = arith.constant 0 : i32
    return %c0_i32, %c0_i32_0 : i32, i32
  }
  func.func @transform_5(%arg0: i32) -> (i32, i32) {
    %c0_i32 = arith.constant 0 : i32
    %c0_i32_0 = arith.constant 0 : i32
    %c0_i32_1 = arith.constant 0 : i32
    return %c0_i32, %c0_i32_0 : i32, i32
  }
  func.func @transform_6(%arg0: i32) -> (i32, i32) {
    %c0_i32 = arith.constant 0 : i32
    %c0_i32_0 = arith.constant 0 : i32
    %c0_i32_1 = arith.constant 0 : i32
    return %c0_i32, %c0_i32_0 : i32, i32
  }
}

module attributes {stable_mosaic.version = 14 : i64} {
  func.func @head_body(%arg0: memref<4096x128xf32, #tpu.memory_space<vmem>>, %arg1: memref<128x6xf32, #tpu.memory_space<vmem>>, %arg2: memref<1x6xf32, #tpu.memory_space<vmem>>, %arg3: memref<4096x6xf32, #tpu.memory_space<vmem>>) attributes {dimension_semantics = [], scalar_prefetch = 0 : i64, scratch_operands = 0 : i64, tpu.core_type = #tpu.core_type<tc>} {
    %get3A = arith.constant 0 : index
    %get3A_0 = arith.constant 0 : index
    %get3A_1 = vector.load %arg0[%get3A, %get3A_0] : memref<4096x128xf32, #tpu.memory_space<vmem>>, vector<4096x128xf32>
    %get3A_2 = arith.constant 0 : index
    %get3A_3 = arith.constant 0 : index
    %get3A_4 = vector.load %arg1[%get3A_2, %get3A_3] : memref<128x6xf32, #tpu.memory_space<vmem>>, vector<128x6xf32>
    %dot_general3A = arith.constant dense<0.000000e+00> : vector<4096x6xf32>
    %dot_general3A_5 = tpu.matmul %get3A_1, %get3A_4, %dot_general3A {dimension_numbers = #tpu.dot_dimension_numbers<[1], [0], [0], [1], [0, 0, 1, 1], [], []>, transpose_lhs_hint = false} : vector<4096x128xf32>, vector<128x6xf32>, vector<4096x6xf32> -> vector<4096x6xf32>
    %get3A_6 = arith.constant 0 : index
    %get3A_7 = arith.constant 0 : index
    %get3A_8 = vector.load %arg2[%get3A_6, %get3A_7] : memref<1x6xf32, #tpu.memory_space<vmem>>, vector<1x6xf32>
    %add3A = vector.broadcast %get3A_8 : vector<1x6xf32> to vector<4096x6xf32>
    %add3A_9 = arith.addf %dot_general3A_5, %add3A : vector<4096x6xf32>
    %reduce_max3A = arith.constant dense<0xFF800000> : vector<4096xf32>
    %reduce_max3A_10 = vector.multi_reduction <maximumf>, %add3A_9, %reduce_max3A [1] : vector<4096x6xf32> to vector<4096xf32>
    %broadcast_in_dim3A = vector.shape_cast %reduce_max3A_10 : vector<4096xf32> to vector<4096x1xf32>
    %sub3A = vector.broadcast %broadcast_in_dim3A : vector<4096x1xf32> to vector<4096x6xf32>
    %sub3A_11 = arith.subf %add3A_9, %sub3A : vector<4096x6xf32>
    %exp3A = math.exp %sub3A_11 : vector<4096x6xf32>
    %reduce_sum3A = arith.constant dense<0.000000e+00> : vector<4096xf32>
    %reduce_sum3A_12 = vector.multi_reduction <add>, %exp3A, %reduce_sum3A [1] : vector<4096x6xf32> to vector<4096xf32>
    %broadcast_in_dim3A_13 = vector.shape_cast %reduce_sum3A_12 : vector<4096xf32> to vector<4096x1xf32>
    %div3A = vector.broadcast %broadcast_in_dim3A_13 : vector<4096x1xf32> to vector<4096x6xf32>
    %div3A_14 = arith.divf %exp3A, %div3A : vector<4096x6xf32>
    %swap3A = arith.constant 0 : index
    %swap3A_15 = arith.constant 0 : index
    %swap3A_16 = vector.load %arg3[%swap3A, %swap3A_15] : memref<4096x6xf32, #tpu.memory_space<vmem>>, vector<4096x6xf32>
    tpu.vector_store %arg3[%swap3A, %swap3A_15], %div3A_14 {strides = array<i32>} : memref<4096x6xf32, #tpu.memory_space<vmem>>, vector<4096x6xf32>,
    return
  }
}

</mosaic_0001>

<sc_bundles>
// kernel: kernel.13.cloned.1.call-start
scs
__scs_entry_jumppad:
0x0: {  	(pc) =	sbr.rel $0x88, $3  }
0x1: {  	(tag) =	ssettag $0x0;
	lr =	simm.s32 $0x1  }
0x2: {  	[smem:$0x3F99] =	sst lr;
	_ =	strace $0xD0000000  }
0x3: {  	_ = 	snop  }
0x4: {  	_ = 	snop  }
0x5: {  	_ = 	snop  }
0x6: {  	_ = 	snop  }
0x7: {  	_ = 	snop  }
__scs_overlays_trampoline_lowered:
0x8: {  	[smem:$0x3FA8] =	sst s0  }
0x9: {  	[smem:$0x3FA9] =	sst s1  }
0xa: {  	[smem:$0x3FAA] =	sst s2  }
0xb: {  	[smem:$0x3FAB] =	sst s3  }
0xc: {  	[smem:$0x3FAC] =	sst s4  }
0xd: {  	[smem:$0x3FAD] =	sst s5  }
0xe: {  	[smem:$0x3FAE] =	sst s6  }
0xf: {  	[smem:$0x3FAF] =	sst s7  }
0x10: {  	[smem:$0x3FB0] =	sst s8  }
0x11: {  	[smem:$0x3FB1] =	sst s9;
	s0 =	simm.s32 @!p0 $0x0  }
0x12: {  	s1 =	sld [smem:$0x3F97];
	s0 =	simm.s32 @p0 $0x1  }
0x13: {  	[smem:$0x3FB2] =	sst s0;
	s0 =	simm.s32 @!p1 $0x0  }
0x14: {  	s2 =	sld [smem:$0x3F96];
	s0 =	simm.s32 @p1 $0x1  }
0x15: {  	[smem:$0x3FB3] =	sst s0;
	s0 =	simm.s32 @!p2 $0x0  }
0x16: {  	s3 =	sld [smem:$0x3FDB];
	s0 =	simm.s32 @p2 $0x1  }
0x17: {  	s4 =	simm.s32 $0x1BF5;
	[smem:$0x3FB5] =	sst s0  }
0x18: {  	s0 =	sld [smem:$0x3F98];
	_ =	swait.ge [sflag:s4], $0x0  }
0x19: {  	s7 =	sld [smem:$0x3F99]  }
0x1a: {  	s8 =	sadd.s32 $0xFFFFE003, lr  }
0x1b: {  	s9 =	sadd.s32 $0xFFFFFEF7, lr;
	s5 =	simm.s32 $0xFFFFFFFF;
	p2 =	slt.u32 s8, $0xFFFFF086  }
0x1c: {  	p1 =	slt.u32 s9, $0xF7A;
	s5 =	simm.s32 @!p2 $0x0  }
0x1d: {  	s5 =	simm.s32 @p1 $0x1;
	p0 =	seq.s32 s7, s2  }
0x1e: {  	s7 =	smul.u32 @!p0 $0xF7A, s2;
	p2 =	seq.s32 @!p0 s5, $0x0  }
0x1f: {  	s9 =	smul.u32 $0xF7A, s1;
	s8 =	simm.s32 @!p0 $0x1BF5;
	p2 =	por !p2, p0  }
0x20: {  	[sflag:s8] =	ssyncset.s32 @!p0 $0xFFFFF086;
	s6 =	sadd.s32 @!p0 s3, s7;
	s7 =	simm.s32 @!p0 $0x108  }
0x21: {  	s3 =	sadd.s32 s3, s9;
	s6 =	sadd.s32 @!p0 $0x88, s6;
	s7 =	simm.s32 @p2 $0x1082  }
0x22: {  	[simem:s7], [sflag:s8] =	dma.local @!p0 [hbm:s6], $0xF7A  }
0x23: {  	s9 =	sor.u32 $0xD0000000, s2;
	s6 =	simm.s32 $0x108;
	_ =	swait.ge @!p0 [sflag:s8], $0x0  }
0x24: {  	s3 =	sadd.s32 $0x88, s3;
	s6 =	simm.s32 @!p1 $0x1082;
	[sflag:s4] =	ssyncset.s32 $0xFFFFF086  }
0x25: {  	[simem:s6], [sflag:s4] =	dma.local [hbm:s3], $0xF7A  }
0x26: {  	[smem:$0x3F99] =	sst s1;
	(tag) =	ssettag s2;
	_ =	strace s9  }
0x27: {  	s1 =	sld [smem:$0x3FA9]  }
0x28: {  	s2 =	sld [smem:$0x3FAA]  }
0x29: {  	s4 =	sld [smem:$0x3FAC]  }
0x2a: {  	p0 =	seq.s32 s5, $0x0;
	s5 =	sld [smem:$0x3FAD]  }
0x2b: {  	s6 =	sld [smem:$0x3FAE]  }
0x2c: {  	s7 =	sld [smem:$0x3FAF]  }
0x2d: {  	s3 =	simm.s32 $0x108;
	s8 =	sld [smem:$0x3FB0]  }
0x2e: {  	s3 =	simm.s32 @!p0 $0x1082;
	s9 =	sld [smem:$0x3FB1]  }
0x2f: {  	lr =	sadd.s32 s0, s3;
	s0 =	sld [smem:$0x3FA8]  }
0x30: {  	s3 =	sld [smem:$0x3FAB]  }
0x31: {  	[smem:$0x3FB4] =	sst s10  }
0x32: {  	s10 =	sld [smem:$0x3FB2];
	_ =	sdelay $0x3  }
0x33: {  	p0 =	seq.s32 s10, $0x1;
	s10 =	sld [smem:$0x3FB4];
	_ =	sdelay $0x3  }
0x34: {  	[smem:$0x3FB4] =	sst s10  }
0x35: {  	s10 =	sld [smem:$0x3FB3];
	_ =	sdelay $0x3  }
0x36: {  	p1 =	seq.s32 s10, $0x1;
	s10 =	sld [smem:$0x3FB4];
	_ =	sdelay $0x3  }
0x37: {  	[smem:$0x3FB4] =	sst s10  }
0x38: {  	s10 =	sld [smem:$0x3FB5]  }
0x39: {  	_ = 	snop;
	(pc) =	sbr.ind lr, $3  }
0x3a: {  	_ = 	snop  }
0x3b: {  	_ = 	snop  }
0x3c: {  	p2 =	seq.s32 s10, $0x1;
	s10 =	sld [smem:$0x3FB4]  }
0x3d: {  	_ =	shalt  }
0x3e: {  	_ =	shalt  }
0x3f: {  	_ =	shalt  }
0x40: {  	_ =	shalt  }
0x41: {  	_ =	shalt  }
0x42: {  	_ =	shalt  }
0x43: {  	_ =	shalt  }
0x44: {  	_ =	shalt  }
0x45: {  	_ =	shalt  }
0x46: {  	_ =	shalt  }
0x47: {  	_ =	shalt  }
0x48: {  	_ =	shalt  }
0x49: {  	_ =	shalt  }
0x4a: {  	_ =	shalt  }
0x4b: {  	_ =	shalt  }
0x4c: {  	_ =	shalt  }
0x4d: {  	_ =	shalt  }
0x4e: {  	_ =	shalt  }
0x4f: {  	_ =	shalt  }
0x50: {  	_ =	shalt  }
0x51: {  	_ =	shalt  }
0x52: {  	_ =	shalt  }
0x53: {  	_ =	shalt  }
0x54: {  	_ =	shalt  }
0x55: {  	_ =	shalt  }
0x56: {  	_ =	shalt  }
0x57: {  	_ =	shalt  }
0x58: {  	_ =	shalt  }
0x59: {  	_ =	shalt  }
0x5a: {  	_ =	shalt  }
0x5b: {  	_ =	shalt  }
0x5c: {  	_ =	shalt  }
0x5d: {  	_ =	shalt  }
0x5e: {  	_ =	shalt  }
0x5f: {  	_ =	shalt  }
0x60: {  	_ =	shalt  }
0x61: {  	_ =	shalt  }
0x62: {  	_ =	shalt  }
0x63: {  	_ =	shalt  }
0x64: {  	_ =	shalt  }
0x65: {  	_ =	shalt  }
0x66: {  	_ =	shalt  }
0x67: {  	_ =	shalt  }
0x68: {  	_ =	shalt  }
0x69: {  	_ =	shalt  }
0x6a: {  	_ =	shalt  }
0x6b: {  	_ =	shalt  }
0x6c: {  	_ =	shalt  }
0x6d: {  	_ =	shalt  }
0x6e: {  	_ =	shalt  }
0x6f: {  	_ =	shalt  }
0x70: {  	_ =	shalt  }
0x71: {  	_ =	shalt  }
0x72: {  	_ =	shalt  }
0x73: {  	_ =	shalt  }
0x74: {  	_ =	shalt  }
0x75: {  	_ =	shalt  }
0x76: {  	_ =	shalt  }
0x77: {  	_ =	shalt  }
0x78: {  	_ =	shalt  }
0x79: {  	_ =	shalt  }
0x7a: {  	_ =	shalt  }
0x7b: {  	_ =	shalt  }
0x7c: {  	_ =	shalt  }
0x7d: {  	_ =	shalt  }
0x7e: {  	_ =	shalt  }
0x7f: {  	_ =	shalt  }
0x80: {  	_ =	shalt  }
0x81: {  	_ =	shalt  }
0x82: {  	_ =	shalt  }
0x83: {  	_ =	shalt  }
0x84: {  	_ =	shalt  }
0x85: {  	_ =	shalt  }
0x86: {  	_ =	shalt  }
0x87: {  	_ =	shalt  }
.Lfunc_end0:
.L_simem_size_0:
called_computation_lowered:
.L_overlay_start_0:
0x88: {  	s2 =	sld [smem:$0x3FD9]  }
0x89: {  	s3 =	sld [smem:$0x3FFE];
	_ =	sdelay $0x1  }
0x8a: {  	s1 =	srdreg.scid  }
0x8b: {  	s0 =	sand.u32 $0x1, s1  }
0x8c: {  	s17 =	sshll.u32 s0, $0xA;
	s2 =	sadd.s32 s3, s2  }
0x8d: {  	s2 =	sadd.s32 s2, s17  }
0x8e: {  	[smem:$0x3FC0] =	sst s2  }
0x8f: {  	_ = 	snop  }
0x90: {  	s2 =	sld [smem:$0x3FD0];
	(tm) =	ssettm $0x1  }
0x91: {  	s18 =	sld [smem:$0x3FFB];
	_ =	sdelay $0x3  }
0x92: {  	_ =	strace s18  }
0x93: {  	s3 =	sld [smem:$0x3FFC];
	_ =	sdelay $0x3  }
0x94: {  	_ =	strace s3  }
0x95: {  	s3 =	sld [smem:$0x3FFD];
	_ =	sdelay $0x3  }
0x96: {  	_ =	strace s3  }
0x97: {  	_ =	strace $0x8FFFFFFF  }
0x98: {  	s19 =	sld [smem:$0x3FDB];
	_ =	sdelay $0x1  }
0x99: {  	s4 =	simm.s32 $_scs_section_size  }
0x9a: {  	s5 =	simm.s32 $_size__tile_overlayer_lowered;
	s6 =	simm.s32 $_tile_overlayer_lowered  }
0x9b: {  	s22 =	simm.s32 $0x1BFF;
	s21 =	sshll.u32 s6, $0x1;
	s3 =	sadd.s32 s4, s19  }
0x9c: {  	s7 =	simm.s32 $0x0;
	s20 =	sshll.u32 s5, $0x1;
	s5 =	sadd.s32 s21, s3  }
0x9d: {  	[timem:s7], [sflag:s22] =	dma.local [hbm:s5], s20  }
0x9e: {  	_ =	swait.ge [sflag:s22], s20  }
0x9f: {  	s4 =	ssub.s32 $0x0, s20;
	[sflag:s22] =	ssyncset.done $0x0  }
0xa0: {  	[sflag:s22] =	ssyncadd.s32 s4;
	_ =	sdelay $0x1  }
0xa1: {  	s23 =	simm.s32 $0x1B8B  }
0xa2: {  	_ =	swait.ge [sflag:s23], $0x1  }
0xa3: {  	[sflag:s23] =	ssyncset.done $0x0  }
0xa4: {  	s25 =	simm.s32 $0x1B8E;
	s24 =	sld [smem:$0x3FFE];
	[sflag:s23] =	ssyncadd.s32 $0xFFFFFFFF  }
0xa5: {  	s26 =	simm.s32 $execute0_lowered;
	[smem:$0x3FD2] =	sst s25  }
0xa6: {  	s5 =	sshll.u32 s26, $0x1;
	_ =	strace $0x80000046;
	[dreg:$0x1] =	wrdreg $0xFFFFFFFF  }
0xa7: {  	s28 =	simm.s32 $_size_execute0_lowered;
	s3 =	sadd.s32 s3, s5;
	[dreg:$0x0] =	wrdreg $0x0  }
0xa8: {  	s5 =	sshll.u32 s28, $0x1;
	[dreg:$0x2] =	wrdreg s3  }
0xa9: {  	[dreg:$0x3] =	wrdreg s5  }
0xaa: {  	[dreg:$0x4] =	wrdreg $0xC0  }
0xab: {  	_ =	task [dreg:s7], $0x5FFFF  }
0xac: {  	[dreg:$0x1] =	wrdreg $0xFFFFFFFF  }
0xad: {  	[dreg:$0x0] =	wrdreg $0x60  }
0xae: {  	[dreg:$0x2] =	wrdreg s24  }
0xaf: {  	[dreg:$0x3] =	wrdreg s2  }
0xb0: {  	[dreg:$0x4] =	wrdreg $0x9  }
0xb1: {  	_ =	task.clear_ibuf [dreg:s7], $0x5FFFF;
	_ =	strace $0x90000046  }
0xb2: {  	s29 =	simm.s32 $0x9;
	_ =	strace $0x80000048  }
0xb3: {  	_ =	swait.ge [sflag:s29], $0x1  }
0xb4: {  	[sflag:s29] =	ssyncadd.s32 $0xFFFFFFFF  }
0xb5: {  	_ =	strace $0x90000048  }
0xb6: {  	_ =	sfence  }
0xb7: {  	s30 =	sld [smem:$0x0];
	_ =	sdelay $0x2  }
0xb8: {  	s31 =	sshll.u32 s1, $0xD;
	s1 =	sshrl.u32 s1, $0x2  }
0xb9: {  	s3 =	sand.u32 $0x4000, s31;
	s1 =	sadd.s32 s1, s30  }
0xba: {  	s0 =	sor.u32 s3, s0;
	s1 =	sshll.u32 s1, $0x11  }
0xbb: {  	s0 =	sor.u32 s1, s0  }
0xbc: {  	s0 =	sadd.s32 $0x8F2B, s0  }
0xbd: {  	[sflag:s0] =	ssyncadd.remote.s32 $0x1  }
0xbe: {  	_ =	sfence.sel $0xFFFF  }
0xbf: {  	[dreg:$0x0] =	wrdreg $0xFFFFFFFF;
	(pc) =	sbr.abs _section_cstart, $3  }
0xc0: {  	[dreg:$0x1] =	wrdreg $0xFFFFFFFF  }
0xc1: {  	_ =	task.clear_ibuf [dreg:s7], $0x2FFFF;
	_ =	strace $0x9FFFFFFF  }
0xc2: {  	(tm) =	ssettm $0x7FFFFFFF  }
0xc3: {  	_ =	shalt  }
tec
execute0_lowered:
.L_overlay_start_1:
0x0: {  	(tag) =	ssettag $0x1  }
0x1: {  	s20 =	rddreg [dreg:$0x0]  }
0x2: {  	s1 =	srdreg.scid;
	s0 =	stileid.u32  }
0x3: {  	s3 =	rddreg [dreg:$0x1];
	s26 =	sand.u32 $0x1, s1;
	s4 =	sshll.u32 s0, $0x1  }
0x4: {  	s2 =	simm.s32 $0x0;
	s1 =	rddreg [dreg:$0x2];
	s18 =	sor.u32 s26, s4  }
0x5: {  	[smem:$0x7FF] =	sst s2;
	s4 =	sshll.u32 s18, $0x7  }
0x6: {  	_ =	strace $0x80000047;
	s3 =	sadd.s32 s3, s4;
	s4 =	simm.s32 $0x5  }
0x7: {  	[tilespmem:s2], [sflag:$0x5] =	stream.linear.gather [hbm4b:s3+s2], $0x400, $0x38;
	[tilespmem:$0x10400] =	vst v63  }
0x8: {  	_ =	swait.ge [sflag:s4], $0x400  }
0x9: {  	s6 =	simm.s32 $0x80;
	[sflag:s4] =	ssyncset.done $0x0  }
0xa: {  	s7 =	simm.s32 $0x400;
	s5 =	sadd.s32 $0x189400, s20;
	[sflag:s4] =	ssyncadd.s32 $0xFFFFFC00  }
0xb: {  	[tilespmem:s7], [sflag:$0x1] =	stream.indirect.gather [hbm4b:s5+s6], $0x40, s2, s6, $0xb8;
	[tilespmem:$0x10400] =	vst v63  }
0xc: {  	s8 =	simm.s32 $0x2400  }
0xd: {  	[tilespmem:s8], [sflag:$0x1] =	stream.indirect.gather [hbm4b:s5+s6], $0x40, s6, s6, $0xb8;
	[tilespmem:$0x10400] =	vst v63  }
0xe: {  	s9 =	simm.s32 $0x100;
	s10 =	simm.s32 $0x4400  }
0xf: {  	[tilespmem:s10], [sflag:$0x1] =	stream.indirect.gather [hbm4b:s5+s6], $0x40, s9, s6, $0xb8;
	[tilespmem:$0x10400] =	vst v63  }
0x10: {  	s11 =	simm.s32 $0x180;
	s12 =	simm.s32 $0x6400;
	s13 =	simm.s32 $0x1  }
0x11: {  	[tilespmem:s12], [sflag:$0x1] =	stream.indirect.gather [hbm4b:s5+s6], $0x40, s11, s6, $0xb8;
	[tilespmem:$0x10400] =	vst v63  }
0x12: {  	_ =	swait.ge [sflag:s13], $0x8000  }
0x13: {  	s14 =	simm.s32 $0x200;
	[sflag:s13] =	ssyncset.done $0x0  }
0x14: {  	s15 =	simm.s32 $0x8400;
	s16 =	simm.s32 $0x280;
	[sflag:s13] =	ssyncadd.s32 $0xFFFF8000  }
0x15: {  	[tilespmem:s15], [sflag:$0x2] =	stream.indirect.gather [hbm4b:s5+s6], $0x40, s14, s6, $0xb8;
	[tilespmem:$0x10400] =	vst v63  }
0x16: {  	s17 =	simm.s32 $0xA400;
	s19 =	simm.s32 $0xC400;
	s23 =	simm.s32 $0x40  }
0x17: {  	[tilespmem:s17], [sflag:$0x2] =	stream.indirect.gather [hbm4b:s5+s6], $0x40, s16, s6, $0xb8;
	[tilespmem:$0x10400] =	vst v63  }
0x18: {  	s28 =	ssub.s32 $0x2, s26;
	s21 =	sshll.u32 s18, $0xE;
	s18 =	simm.s32 $0x300  }
0x19: {  	[tilespmem:s19], [sflag:$0x2] =	stream.indirect.gather [hbm4b:s5+s6], $0x40, s18, s6, $0xb8;
	[tilespmem:$0x10400] =	vst v63  }
0x1a: {  	s25 =	sadd.s32 s21, s20;
	s20 =	simm.s32 $0x380;
	s21 =	simm.s32 $0xE400  }
0x1b: {  	[tilespmem:s21], [sflag:$0x2] =	stream.indirect.gather [hbm4b:s5+s6], $0x40, s20, s6, $0xb8;
	[tilespmem:$0x10400] =	vst v63  }
0x1c: {  	s24 =	simm.s32 $0x2;
	s29 =	sshrl.u32 s28, $0x1;
	s22 =	sadd.s32 $0x2A00, s25  }
0x1d: {  	[hbm4b:s22+s23] =	stream.strided.scatter [tilespmem:s7], [sflag:$0x3], $0x8000, s6, s23, $0x38;
	[tilespmem:$0x10400] =	vst v63  }
0x1e: {  	s28 =	ssub.s32 s28, s29;
	_ =	swait.ge [sflag:s24], $0x8000  }
0x1f: {  	s26 =	simm.s32 $0x3;
	s29 =	smax.u32 s28, $0x1;
	[sflag:s24] =	ssyncset.done $0x0  }
0x20: {  	s25 =	sadd.s32 $0x4A00, s25;
	p0 =	sne.s32 s29, $0x1;
	[sflag:s24] =	ssyncadd.s32 $0xFFFF8000  }
0x21: {  	[hbm4b:s25+s23] =	stream.strided.scatter [tilespmem:s15], [sflag:$0x4], $0x8000, s6, s23, $0x38;
	[tilespmem:$0x10400] =	vst v63  }
.Ltmp0:
0x22: {  	_ =	swait.ge [sflag:s26], $0x8000;
	(pc) =	sbr.rel @!p0 .LBB2_2-.Ltmp0, $4  }
0x23: {  	[sflag:s26] =	ssyncset.done $0x0  }
0x24: {  	s28 =	simm.s32 $0x4;
	[sflag:s26] =	ssyncadd.s32 $0xFFFF8000  }
0x25: {  	_ =	swait.ge [sflag:s28], $0x8000  }
0x26: {  	s29 =	sadd.s32 $0xFFFFFFFF, s29;
	[sflag:s28] =	ssyncset.done $0x0  }
.LBB2_1:
0x27: {  	p0 =	sne.s32 s29, $0x1;
	s29 =	sadd.s32 $0xFFFFFFFF, s29;
	[sflag:s28] =	ssyncadd.s32 $0xFFFF8000  }
0x28: {  	[tilespmem:s2], [sflag:$0x5] =	stream.linear.gather [hbm4b:s3+s2], $0x400, $0x38;
	[tilespmem:$0x10400] =	vst v63  }
0x29: {  	_ =	swait.ge [sflag:s4], $0x400  }
0x2a: {  	[sflag:s4] =	ssyncset.done $0x0  }
0x2b: {  	[sflag:s4] =	ssyncadd.s32 $0xFFFFFC00  }
0x2c: {  	[tilespmem:s7], [sflag:$0x1] =	stream.indirect.gather [hbm4b:s5+s6], $0x40, s2, s6, $0xb8;
	[tilespmem:$0x10400] =	vst v63  }
0x2d: {  	_ = 	snop  }
0x2e: {  	[tilespmem:s8], [sflag:$0x1] =	stream.indirect.gather [hbm4b:s5+s6], $0x40, s6, s6, $0xb8;
	[tilespmem:$0x10400] =	vst v63  }
0x2f: {  	_ = 	snop  }
0x30: {  	[tilespmem:s10], [sflag:$0x1] =	stream.indirect.gather [hbm4b:s5+s6], $0x40, s9, s6, $0xb8;
	[tilespmem:$0x10400] =	vst v63  }
0x31: {  	_ = 	snop  }
0x32: {  	[tilespmem:s12], [sflag:$0x1] =	stream.indirect.gather [hbm4b:s5+s6], $0x40, s11, s6, $0xb8;
	[tilespmem:$0x10400] =	vst v63  }
0x33: {  	_ =	swait.ge [sflag:s13], $0x8000  }
0x34: {  	[sflag:s13] =	ssyncset.done $0x0  }
0x35: {  	[sflag:s13] =	ssyncadd.s32 $0xFFFF8000  }
0x36: {  	[tilespmem:s15], [sflag:$0x2] =	stream.indirect.gather [hbm4b:s5+s6], $0x40, s14, s6, $0xb8;
	[tilespmem:$0x10400] =	vst v63  }
0x37: {  	_ = 	snop  }
0x38: {  	[tilespmem:s17], [sflag:$0x2] =	stream.indirect.gather [hbm4b:s5+s6], $0x40, s16, s6, $0xb8;
	[tilespmem:$0x10400] =	vst v63  }
0x39: {  	_ = 	snop  }
0x3a: {  	[tilespmem:s19], [sflag:$0x2] =	stream.indirect.gather [hbm4b:s5+s6], $0x40, s18, s6, $0xb8;
	[tilespmem:$0x10400] =	vst v63  }
0x3b: {  	_ = 	snop  }
0x3c: {  	[tilespmem:s21], [sflag:$0x2] =	stream.indirect.gather [hbm4b:s5+s6], $0x40, s20, s6, $0xb8;
	[tilespmem:$0x10400] =	vst v63  }
0x3d: {  	_ = 	snop  }
0x3e: {  	[hbm4b:s22+s23] =	stream.strided.scatter [tilespmem:s7], [sflag:$0x3], $0x8000, s6, s23, $0x38;
	[tilespmem:$0x10400] =	vst v63  }
0x3f: {  	_ =	swait.ge [sflag:s24], $0x8000  }
0x40: {  	[sflag:s24] =	ssyncset.done $0x0  }
0x41: {  	[sflag:s24] =	ssyncadd.s32 $0xFFFF8000  }
0x42: {  	[hbm4b:s25+s23] =	stream.strided.scatter [tilespmem:s15], [sflag:$0x4], $0x8000, s6, s23, $0x38;
	[tilespmem:$0x10400] =	vst v63  }
.Ltmp1:
0x43: {  	_ =	swait.ge [sflag:s26], $0x8000;
	(pc) =	sbr.rel @p0 .LBB2_1-.Ltmp1, $4  }
0x44: {  	[sflag:s26] =	ssyncset.done $0x0  }
0x45: {  	[sflag:s26] =	ssyncadd.s32 $0xFFFF8000  }
0x46: {  	_ =	swait.ge [sflag:s28], $0x8000  }
0x47: {  	[sflag:s28] =	ssyncset.done $0x0  }
.LBB2_2:
0x48: {  	[sflag:s28] =	ssyncadd.s32 $0xFFFF8000  }
0x49: {  	_ =	sfence.sel $0x180000  }
0x4a: {  	[bflag:$0x0] =	sbarrier.arrive $0xFFFF  }
0x4b: {  	p0 =	sne.s32 s0, $0x0;
	_ =	strace $0x90000047  }
0x4c: {  	s0 =	sadd.s32 @!p0 $0x100000, s1;
	[bflag:$0x2] =	sbarrier.arrive $0xFFFF  }
0x4d: {  	[sflag:s0] =	ssyncadd.tile.s32 @!p0 $0x1;
	_ =	shalt  }
.Lfunc_end2:
_tile_overlayer_lowered:
.L_overlay_start_2:
0x4e: {  	(tag) =	ssettag $0x2  }
0x4f: {  	s0 =	rddreg [dreg:$0x0];
	s2 =	stileid.u32  }
0x50: {  	s1 =	rddreg [dreg:$0x1];
	p0 =	sne.s32 s2, $0x0  }
0x51: {  	s3 =	rddreg [dreg:$0x2];
	[bflag:$0x3] =	sbarrier.arrive $0xFFFF;
	s2 =	simm.s32 @!p0 $0x1C05  }
0x52: {  	[timem:s3], [sflag:s2] =	dma.local @!p0 [hbm:s0], s1  }
0x53: {  	s0 =	simm.s32 @!p0 $0x5  }
0x54: {  	_ =	swait.ge @!p0 [sflag:s0], s1  }
0x55: {  	s1 =	ssub.s32 @!p0 $0x0, s1;
	[sflag:s0] =	ssyncset.done @!p0 $0x0  }
0x56: {  	[sflag:s0] =	ssyncadd.s32 @!p0 s1  }
0x57: {  	[bflag:$0x3] =	sbarrier.arrive $0xFFFF  }
0x58: {  	_ =	shalt  }

// kernel: kernel.16.cloned.1.call-start
scs
__scs_entry_jumppad:
0x0: {  	(pc) =	sbr.rel $0x88, $3  }
0x1: {  	(tag) =	ssettag $0x0;
	lr =	simm.s32 $0x1  }
0x2: {  	[smem:$0x3F99] =	sst lr;
	_ =	strace $0xD0000000  }
0x3: {  	_ = 	snop  }
0x4: {  	_ = 	snop  }
0x5: {  	_ = 	snop  }
0x6: {  	_ = 	snop  }
0x7: {  	_ = 	snop  }
__scs_overlays_trampoline_lowered:
0x8: {  	[smem:$0x3FA8] =	sst s0  }
0x9: {  	[smem:$0x3FA9] =	sst s1  }
0xa: {  	[smem:$0x3FAA] =	sst s2  }
0xb: {  	[smem:$0x3FAB] =	sst s3  }
0xc: {  	[smem:$0x3FAC] =	sst s4  }
0xd: {  	[smem:$0x3FAD] =	sst s5  }
0xe: {  	[smem:$0x3FAE] =	sst s6  }
0xf: {  	[smem:$0x3FAF] =	sst s7  }
0x10: {  	[smem:$0x3FB0] =	sst s8  }
0x11: {  	[smem:$0x3FB1] =	sst s9;
	s0 =	simm.s32 @!p0 $0x0  }
0x12: {  	s1 =	sld [smem:$0x3F97];
	s0 =	simm.s32 @p0 $0x1  }
0x13: {  	[smem:$0x3FB2] =	sst s0;
	s0 =	simm.s32 @!p1 $0x0  }
0x14: {  	s2 =	sld [smem:$0x3F96];
	s0 =	simm.s32 @p1 $0x1  }
0x15: {  	[smem:$0x3FB3] =	sst s0;
	s0 =	simm.s32 @!p2 $0x0  }
0x16: {  	s3 =	sld [smem:$0x3FDB];
	s0 =	simm.s32 @p2 $0x1  }
0x17: {  	s4 =	simm.s32 $0x1BF5;
	[smem:$0x3FB5] =	sst s0  }
0x18: {  	s0 =	sld [smem:$0x3F98];
	_ =	swait.ge [sflag:s4], $0x0  }
0x19: {  	s7 =	sld [smem:$0x3F99]  }
0x1a: {  	s8 =	sadd.s32 $0xFFFFE003, lr  }
0x1b: {  	s9 =	sadd.s32 $0xFFFFFEF7, lr;
	s5 =	simm.s32 $0xFFFFFFFF;
	p2 =	slt.u32 s8, $0xFFFFF086  }
0x1c: {  	p1 =	slt.u32 s9, $0xF7A;
	s5 =	simm.s32 @!p2 $0x0  }
0x1d: {  	s5 =	simm.s32 @p1 $0x1;
	p0 =	seq.s32 s7, s2  }
0x1e: {  	s7 =	smul.u32 @!p0 $0xF7A, s2;
	p2 =	seq.s32 @!p0 s5, $0x0  }
0x1f: {  	s9 =	smul.u32 $0xF7A, s1;
	s8 =	simm.s32 @!p0 $0x1BF5;
	p2 =	por !p2, p0  }
0x20: {  	[sflag:s8] =	ssyncset.s32 @!p0 $0xFFFFF086;
	s6 =	sadd.s32 @!p0 s3, s7;
	s7 =	simm.s32 @!p0 $0x108  }
0x21: {  	s3 =	sadd.s32 s3, s9;
	s6 =	sadd.s32 @!p0 $0x88, s6;
	s7 =	simm.s32 @p2 $0x1082  }
0x22: {  	[simem:s7], [sflag:s8] =	dma.local @!p0 [hbm:s6], $0xF7A  }
0x23: {  	s9 =	sor.u32 $0xD0000000, s2;
	s6 =	simm.s32 $0x108;
	_ =	swait.ge @!p0 [sflag:s8], $0x0  }
0x24: {  	s3 =	sadd.s32 $0x88, s3;
	s6 =	simm.s32 @!p1 $0x1082;
	[sflag:s4] =	ssyncset.s32 $0xFFFFF086  }
0x25: {  	[simem:s6], [sflag:s4] =	dma.local [hbm:s3], $0xF7A  }
0x26: {  	[smem:$0x3F99] =	sst s1;
	(tag) =	ssettag s2;
	_ =	strace s9  }
0x27: {  	s1 =	sld [smem:$0x3FA9]  }
0x28: {  	s2 =	sld [smem:$0x3FAA]  }
0x29: {  	s4 =	sld [smem:$0x3FAC]  }
0x2a: {  	p0 =	seq.s32 s5, $0x0;
	s5 =	sld [smem:$0x3FAD]  }
0x2b: {  	s6 =	sld [smem:$0x3FAE]  }
0x2c: {  	s7 =	sld [smem:$0x3FAF]  }
0x2d: {  	s3 =	simm.s32 $0x108;
	s8 =	sld [smem:$0x3FB0]  }
0x2e: {  	s3 =	simm.s32 @!p0 $0x1082;
	s9 =	sld [smem:$0x3FB1]  }
0x2f: {  	lr =	sadd.s32 s0, s3;
	s0 =	sld [smem:$0x3FA8]  }
0x30: {  	s3 =	sld [smem:$0x3FAB]  }
0x31: {  	[smem:$0x3FB4] =	sst s10  }
0x32: {  	s10 =	sld [smem:$0x3FB2];
	_ =	sdelay $0x3  }
0x33: {  	p0 =	seq.s32 s10, $0x1;
	s10 =	sld [smem:$0x3FB4];
	_ =	sdelay $0x3  }
0x34: {  	[smem:$0x3FB4] =	sst s10  }
0x35: {  	s10 =	sld [smem:$0x3FB3];
	_ =	sdelay $0x3  }
0x36: {  	p1 =	seq.s32 s10, $0x1;
	s10 =	sld [smem:$0x3FB4];
	_ =	sdelay $0x3  }
0x37: {  	[smem:$0x3FB4] =	sst s10  }
0x38: {  	s10 =	sld [smem:$0x3FB5]  }
0x39: {  	_ = 	snop;
	(pc) =	sbr.ind lr, $3  }
0x3a: {  	_ = 	snop  }
0x3b: {  	_ = 	snop  }
0x3c: {  	p2 =	seq.s32 s10, $0x1;
	s10 =	sld [smem:$0x3FB4]  }
0x3d: {  	_ =	shalt  }
0x3e: {  	_ =	shalt  }
0x3f: {  	_ =	shalt  }
0x40: {  	_ =	shalt  }
0x41: {  	_ =	shalt  }
0x42: {  	_ =	shalt  }
0x43: {  	_ =	shalt  }
0x44: {  	_ =	shalt  }
0x45: {  	_ =	shalt  }
0x46: {  	_ =	shalt  }
0x47: {  	_ =	shalt  }
0x48: {  	_ =	shalt  }
0x49: {  	_ =	shalt  }
0x4a: {  	_ =	shalt  }
0x4b: {  	_ =	shalt  }
0x4c: {  	_ =	shalt  }
0x4d: {  	_ =	shalt  }
0x4e: {  	_ =	shalt  }
0x4f: {  	_ =	shalt  }
0x50: {  	_ =	shalt  }
0x51: {  	_ =	shalt  }
0x52: {  	_ =	shalt  }
0x53: {  	_ =	shalt  }
0x54: {  	_ =	shalt  }
0x55: {  	_ =	shalt  }
0x56: {  	_ =	shalt  }
0x57: {  	_ =	shalt  }
0x58: {  	_ =	shalt  }
0x59: {  	_ =	shalt  }
0x5a: {  	_ =	shalt  }
0x5b: {  	_ =	shalt  }
0x5c: {  	_ =	shalt  }
0x5d: {  	_ =	shalt  }
0x5e: {  	_ =	shalt  }
0x5f: {  	_ =	shalt  }
0x60: {  	_ =	shalt  }
0x61: {  	_ =	shalt  }
0x62: {  	_ =	shalt  }
0x63: {  	_ =	shalt  }
0x64: {  	_ =	shalt  }
0x65: {  	_ =	shalt  }
0x66: {  	_ =	shalt  }
0x67: {  	_ =	shalt  }
0x68: {  	_ =	shalt  }
0x69: {  	_ =	shalt  }
0x6a: {  	_ =	shalt  }
0x6b: {  	_ =	shalt  }
0x6c: {  	_ =	shalt  }
0x6d: {  	_ =	shalt  }
0x6e: {  	_ =	shalt  }
0x6f: {  	_ =	shalt  }
0x70: {  	_ =	shalt  }
0x71: {  	_ =	shalt  }
0x72: {  	_ =	shalt  }
0x73: {  	_ =	shalt  }
0x74: {  	_ =	shalt  }
0x75: {  	_ =	shalt  }
0x76: {  	_ =	shalt  }
0x77: {  	_ =	shalt  }
0x78: {  	_ =	shalt  }
0x79: {  	_ =	shalt  }
0x7a: {  	_ =	shalt  }
0x7b: {  	_ =	shalt  }
0x7c: {  	_ =	shalt  }
0x7d: {  	_ =	shalt  }
0x7e: {  	_ =	shalt  }
0x7f: {  	_ =	shalt  }
0x80: {  	_ =	shalt  }
0x81: {  	_ =	shalt  }
0x82: {  	_ =	shalt  }
0x83: {  	_ =	shalt  }
0x84: {  	_ =	shalt  }
0x85: {  	_ =	shalt  }
0x86: {  	_ =	shalt  }
0x87: {  	_ =	shalt  }
.Lfunc_end0:
.L_simem_size_0:
called_computation.1_lowered:
.L_overlay_start_0:
0x88: {  	s2 =	sld [smem:$0x3FD9]  }
0x89: {  	s3 =	sld [smem:$0x3FFE];
	_ =	sdelay $0x1  }
0x8a: {  	s1 =	srdreg.scid  }
0x8b: {  	s0 =	sand.u32 $0x1, s1  }
0x8c: {  	s17 =	sshll.u32 s0, $0xA;
	s2 =	sadd.s32 s3, s2  }
0x8d: {  	s2 =	sadd.s32 s2, s17  }
0x8e: {  	[smem:$0x3FC0] =	sst s2  }
0x8f: {  	_ = 	snop  }
0x90: {  	(tm) =	ssettm $0x1  }
0x91: {  	s18 =	sld [smem:$0x3FFB];
	_ =	sdelay $0x3  }
0x92: {  	_ =	strace s18  }
0x93: {  	s2 =	sld [smem:$0x3FFC];
	_ =	sdelay $0x3  }
0x94: {  	_ =	strace s2  }
0x95: {  	s2 =	sld [smem:$0x3FFD];
	_ =	sdelay $0x3  }
0x96: {  	_ =	strace s2  }
0x97: {  	_ =	strace $0x8FFFFFFF  }
0x98: {  	s19 =	sld [smem:$0x3FDB];
	_ =	sdelay $0x1  }
0x99: {  	s20 =	simm.s32 $_scs_section_size  }
0x9a: {  	s4 =	simm.s32 $_size__tile_overlayer_lowered;
	s5 =	simm.s32 $_tile_overlayer_lowered  }
0x9b: {  	s6 =	simm.s32 $0x1BFF;
	s21 =	sshll.u32 s5, $0x1;
	s3 =	sadd.s32 s20, s19  }
0x9c: {  	s22 =	simm.s32 $0x0;
	s4 =	sshll.u32 s4, $0x1;
	s5 =	sadd.s32 s21, s3  }
0x9d: {  	[timem:s22], [sflag:s6] =	dma.local [hbm:s5], s4  }
0x9e: {  	_ =	swait.ge [sflag:s6], s4  }
0x9f: {  	s4 =	ssub.s32 $0x0, s4;
	[sflag:s6] =	ssyncset.done $0x0  }
0xa0: {  	[sflag:s6] =	ssyncadd.s32 s4;
	_ =	sdelay $0x1  }
0xa1: {  	s23 =	simm.s32 $0x1B8B  }
0xa2: {  	_ =	swait.ge [sflag:s23], $0x1  }
0xa3: {  	[sflag:s23] =	ssyncset.done $0x0  }
0xa4: {  	[sflag:s23] =	ssyncadd.s32 $0xFFFFFFFF  }
0xa5: {  	s4 =	sld [smem:$0x0]  }
0xa6: {  	s5 =	sand.u32 $0xFFFFFFFE, s1  }
0xa7: {  	p0 =	sne.s32 s1, s5  }
0xa8: {  	s5 =	sshll.u32 @p0 s5, $0xE  }
0xa9: {  	s5 =	sadd.s32 @p0 $0x11B8D, s5;
	s6 =	sshll.u32 @p0 s4, $0x11  }
0xaa: {  	s5 =	sor.u32 @p0 s6, s5  }
0xab: {  	[sflag:s5] =	ssyncadd.remote.s32 @p0 $0x1;
	_ =	sdelay $0x1  }
0xac: {  	s5 =	simm.s32 @p0 $0x1B8D  }
0xad: {  	_ =	swait.eq @p0 [sflag:s5], $0x1  }
0xae: {  	[sflag:s5] =	ssyncadd.s32 @p0 $0xFFFFFFFF  }
0xaf: {  	s6 =	sshll.u32 @!p0 s1, $0xE  }
0xb0: {  	s6 =	sor.u32 @!p0 $0x4000, s6;
	s5 =	simm.s32 @!p0 $0x1B8D  }
0xb1: {  	s4 =	sshll.u32 @!p0 s4, $0x11;
	s6 =	sadd.s32 @!p0 $0x11B8D, s6;
	_ =	swait.eq @!p0 [sflag:s5], $0x1  }
0xb2: {  	s4 =	sor.u32 @!p0 s4, s6;
	[sflag:s5] =	ssyncadd.s32 @!p0 $0xFFFFFFFF  }
0xb3: {  	s25 =	simm.s32 $0x1B8E;
	s24 =	sld [smem:$0x3FFE];
	[sflag:s4] =	ssyncadd.remote.s32 @!p0 $0x1  }
0xb4: {  	s26 =	simm.s32 $execute0_lowered;
	[smem:$0x3FD2] =	sst s25  }
0xb5: {  	s5 =	sshll.u32 s26, $0x1;
	_ =	strace $0x80000049;
	[dreg:$0x1] =	wrdreg $0xFFFFFFFF  }
0xb6: {  	s28 =	simm.s32 $_size_execute0_lowered;
	s3 =	sadd.s32 s3, s5;
	[dreg:$0x0] =	wrdreg $0x0  }
0xb7: {  	s5 =	sshll.u32 s28, $0x1;
	[dreg:$0x2] =	wrdreg s3  }
0xb8: {  	[dreg:$0x3] =	wrdreg s5  }
0xb9: {  	[dreg:$0x4] =	wrdreg $0xC0  }
0xba: {  	_ =	task [dreg:s22], $0x5FFFF  }
0xbb: {  	[dreg:$0x1] =	wrdreg $0xFFFFFFFF  }
0xbc: {  	[dreg:$0x0] =	wrdreg $0x60  }
0xbd: {  	[dreg:$0x2] =	wrdreg s24  }
0xbe: {  	[dreg:$0x3] =	wrdreg $0xA  }
0xbf: {  	_ =	task.clear_ibuf [dreg:s22], $0x4FFFF;
	_ =	strace $0x90000049  }
0xc0: {  	s29 =	simm.s32 $0xA;
	_ =	strace $0x8000004B  }
0xc1: {  	_ =	swait.ge [sflag:s29], $0x1  }
0xc2: {  	[sflag:s29] =	ssyncadd.s32 $0xFFFFFFFF  }
0xc3: {  	_ =	strace $0x9000004B  }
0xc4: {  	_ =	sfence  }
0xc5: {  	s30 =	sld [smem:$0x0];
	_ =	sdelay $0x2  }
0xc6: {  	s31 =	sshll.u32 s1, $0xD;
	s1 =	sshrl.u32 s1, $0x2  }
0xc7: {  	s4 =	sand.u32 $0x4000, s31;
	s1 =	sadd.s32 s1, s30  }
0xc8: {  	s0 =	sor.u32 s4, s0;
	s1 =	sshll.u32 s1, $0x11  }
0xc9: {  	s0 =	sor.u32 s1, s0  }
0xca: {  	s0 =	sadd.s32 $0x8F2B, s0  }
0xcb: {  	[sflag:s0] =	ssyncadd.remote.s32 $0x1  }
0xcc: {  	_ =	sfence.sel $0xFFFF  }
0xcd: {  	[dreg:$0x0] =	wrdreg $0xFFFFFFFF;
	(pc) =	sbr.abs _section_cstart, $3  }
0xce: {  	[dreg:$0x1] =	wrdreg $0xFFFFFFFF  }
0xcf: {  	_ =	task.clear_ibuf [dreg:s22], $0x2FFFF;
	_ =	strace $0x9FFFFFFF  }
0xd0: {  	(tm) =	ssettm $0x7FFFFFFF  }
0xd1: {  	_ =	shalt  }
tec
execute0_lowered:
.L_overlay_start_1:
0x0: {  	(tag) =	ssettag $0x1  }
0x1: {  	s0 =	srdreg.scid  }
0x2: {  	s18 =	stileid.u32;
	s3 =	rddreg [dreg:$0x0]  }
0x3: {  	s17 =	simm.s32 $0x0;
	s31 =	simm.s32 $0x5;
	s15 =	simm.s32 $0x100  }
0x4: {  	s16 =	simm.s32 $0x180;
	s9 =	simm.s32 $0x2C00;
	s6 =	simm.s32 $0x1  }
0x5: {  	s19 =	simm.s32 $0x200;
	s5 =	simm.s32 $0x8C00;
	[smem:$0x7FF] =	sst s17  }
0x6: {  	s20 =	simm.s32 $0x280;
	_ =	strace $0x8000004A;
	[dreg:$0x9] =	wrdreg s15  }
0x7: {  	s8 =	simm.s32 $0xAC00;
	s21 =	simm.s32 $0x300;
	[dreg:$0xa] =	wrdreg s16  }
0x8: {  	s22 =	simm.s32 $0x380;
	s23 =	simm.s32 $0x400;
	[dreg:$0xb] =	wrdreg s19  }
0x9: {  	s7 =	simm.s32 $0x40;
	s24 =	simm.s32 $0x480;
	[dreg:$0xc] =	wrdreg s20  }
0xa: {  	s25 =	simm.s32 $0x500;
	s26 =	simm.s32 $0x580;
	[dreg:$0xd] =	wrdreg s21  }
0xb: {  	s29 =	simm.s32 $0x600;
	s30 =	simm.s32 $0x680;
	[dreg:$0xe] =	wrdreg s22  }
0xc: {  	s28 =	simm.s32 $0x780;
	p0 =	por $0x0, $0x0;
	[dreg:$0xf] =	wrdreg s23  }
0xd: {  	s0 =	sand.u32 $0x1, s0;
	s1 =	sshll.u32 s18, $0x1;
	[dreg:$0x10] =	wrdreg s24  }
0xe: {  	s1 =	sor.u32 s0, s1;
	s0 =	ssub.s32 $0x2, s0;
	[dreg:$0x11] =	wrdreg s25  }
0xf: {  	s15 =	simm.s32 $0x2;
	[dreg:$0x12] =	wrdreg s26;
	s16 =	simm.s32 $0x4  }
0x10: {  	s23 =	simm.s32 $0x700;
	s24 =	simm.s32 $0x880;
	s2 =	smul.u32 $0x180, s1  }
0x11: {  	s26 =	simm.s32 $0x900;
	s25 =	simm.s32 $0x980;
	s1 =	smul.u32 $0x60000, s1  }
0x12: {  	s20 =	simm.s32 $0xA00;
	s21 =	simm.s32 $0xA80;
	s22 =	simm.s32 $0xB00  }
0x13: {  	s19 =	simm.s32 $0xB80;
	s2 =	sadd.s32 s2, s3;
	s1 =	sshrl.u32 s1, $0x3  }
0x14: {  	s4 =	sshrl.u32 s0, $0x1;
	s1 =	sadd.s32 s1, s3;
	s2 =	sadd.s32 $0x82A00, s2  }
0x15: {  	s0 =	ssub.s32 s0, s4;
	[dreg:$0x2] =	wrdreg s2;
	s10 =	sadd.s32 $0x24CA00, s1  }
0x16: {  	s4 =	simm.s32 $0xC00;
	s11 =	sadd.s32 $0x24EA00, s1;
	[dreg:$0x3] =	wrdreg s10  }
0x17: {  	s0 =	smax.u32 s0, $0x1;
	s12 =	sadd.s32 $0x250A00, s1;
	[dreg:$0x4] =	wrdreg s11  }
0x18: {  	p1 =	sne.s32 s0, $0x1;
	s13 =	sadd.s32 $0x252A00, s1;
	[dreg:$0x5] =	wrdreg s12  }
.Ltmp0:
0x19: {  	s14 =	sadd.s32 $0x254A00, s1;
	[dreg:$0x6] =	wrdreg s13;
	(pc) =	sbr.rel @!p1 .LBB2_1-.Ltmp0, $4  }
0x1a: {  	s3 =	sadd.s32 $0x189400, s3;
	s1 =	sadd.s32 $0x256A00, s1;
	[dreg:$0x7] =	wrdreg s14  }
0x1b: {  	s2 =	simm.s32 $0x80;
	[dreg:$0x8] =	wrdreg s1;
	s10 =	simm.s32 $0x4C00  }
0x1c: {  	s11 =	simm.s32 $0x6C00;
	s12 =	simm.s32 $0xCC00;
	s14 =	simm.s32 $0xEC00  }
0x1d: {  	s13 =	simm.s32 $0x3;
	s1 =	sadd.s32 $0xFFFFFFFF, s0;
	s0 =	rddreg [dreg:$0x2]  }
0x1e: {  	[tilespmem:s17], [sflag:$0x5] =	stream.linear.gather [hbm4b:s0+s17], $0xC00, $0x38;
	[tilespmem:$0x10C00] =	vst v63  }
0x1f: {  	_ =	swait.ge [sflag:s31], $0xC00  }
0x20: {  	[sflag:s31] =	ssyncset.done $0x0  }
0x21: {  	[sflag:s31] =	ssyncadd.s32 $0xFFFFF400  }
0x22: {  	[tilespmem:s4], [sflag:$0x1] =	stream.indirect.gather [hbm4b:s3+s2], $0x40, s17, s2, $0xb8;
	[tilespmem:$0x10C00] =	vst v63  }
0x23: {  	_ = 	snop  }
0x24: {  	[tilespmem:s9], [sflag:$0x1] =	stream.indirect.gather [hbm4b:s3+s2], $0x40, s2, s2, $0xb8;
	[tilespmem:$0x10C00] =	vst v63  }
0x25: {  	s0 =	rddreg [dreg:$0x9]  }
0x26: {  	[tilespmem:s10], [sflag:$0x1] =	stream.indirect.gather [hbm4b:s3+s2], $0x40, s0, s2, $0xb8;
	[tilespmem:$0x10C00] =	vst v63  }
0x27: {  	s18 =	smov.u32 s1;
	s1 =	rddreg [dreg:$0xa]  }
0x28: {  	[tilespmem:s11], [sflag:$0x1] =	stream.indirect.gather [hbm4b:s3+s2], $0x40, s1, s2, $0xb8;
	[tilespmem:$0x10C00] =	vst v63  }
0x29: {  	_ =	swait.ge [sflag:s6], $0x8000  }
0x2a: {  	[sflag:s6] =	ssyncset.done $0x0  }
0x2b: {  	s0 =	rddreg [dreg:$0xb];
	[sflag:s6] =	ssyncadd.s32 $0xFFFF8000  }
0x2c: {  	[tilespmem:s5], [sflag:$0x2] =	stream.indirect.gather [hbm4b:s3+s2], $0x40, s0, s2, $0xb8;
	[tilespmem:$0x10C00] =	vst v63  }
0x2d: {  	s1 =	rddreg [dreg:$0xc]  }
0x2e: {  	[tilespmem:s8], [sflag:$0x2] =	stream.indirect.gather [hbm4b:s3+s2], $0x40, s1, s2, $0xb8;
	[tilespmem:$0x10C00] =	vst v63  }
0x2f: {  	s0 =	rddreg [dreg:$0xd]  }
0x30: {  	[tilespmem:s12], [sflag:$0x2] =	stream.indirect.gather [hbm4b:s3+s2], $0x40, s0, s2, $0xb8;
	[tilespmem:$0x10C00] =	vst v63  }
0x31: {  	s1 =	rddreg [dreg:$0xe]  }
0x32: {  	[tilespmem:s14], [sflag:$0x2] =	stream.indirect.gather [hbm4b:s3+s2], $0x40, s1, s2, $0xb8;
	[tilespmem:$0x10C00] =	vst v63  }
0x33: {  	s0 =	rddreg [dreg:$0x3]  }
0x34: {  	[hbm4b:s0+s7] =	stream.strided.scatter [tilespmem:s4], [sflag:$0x3], $0x8000, s2, s7, $0x38;
	[tilespmem:$0x10C00] =	vst v63  }
0x35: {  	_ =	swait.ge [sflag:s15], $0x8000  }
0x36: {  	[sflag:s15] =	ssyncset.done $0x0  }
0x37: {  	[sflag:s15] =	ssyncadd.s32 $0xFFFF8000  }
0x38: {  	_ =	swait.ge [sflag:s13], $0x8000  }
0x39: {  	[sflag:s13] =	ssyncset.done $0x0  }
0x3a: {  	s0 =	rddreg [dreg:$0xf];
	[sflag:s13] =	ssyncadd.s32 $0xFFFF8000  }
0x3b: {  	[tilespmem:s4], [sflag:$0x1] =	stream.indirect.gather [hbm4b:s3+s2], $0x40, s0, s2, $0xb8;
	[tilespmem:$0x10C00] =	vst v63  }
0x3c: {  	s1 =	rddreg [dreg:$0x10]  }
0x3d: {  	[tilespmem:s9], [sflag:$0x1] =	stream.indirect.gather [hbm4b:s3+s2], $0x40, s1, s2, $0xb8;
	[tilespmem:$0x10C00] =	vst v63  }
0x3e: {  	s0 =	rddreg [dreg:$0x11]  }
0x3f: {  	[tilespmem:s10], [sflag:$0x1] =	stream.indirect.gather [hbm4b:s3+s2], $0x40, s0, s2, $0xb8;
	[tilespmem:$0x10C00] =	vst v63  }
0x40: {  	s1 =	rddreg [dreg:$0x12]  }
0x41: {  	[tilespmem:s11], [sflag:$0x1] =	stream.indirect.gather [hbm4b:s3+s2], $0x40, s1, s2, $0xb8;
	[tilespmem:$0x10C00] =	vst v63  }
0x42: {  	s0 =	rddreg [dreg:$0x4]  }
0x43: {  	[hbm4b:s0+s7] =	stream.strided.scatter [tilespmem:s5], [sflag:$0x4], $0x8000, s2, s7, $0x38;
	[tilespmem:$0x10C00] =	vst v63  }
0x44: {  	_ =	swait.ge [sflag:s6], $0x8000  }
0x45: {  	[sflag:s6] =	ssyncset.done $0x0  }
0x46: {  	[sflag:s6] =	ssyncadd.s32 $0xFFFF8000  }
0x47: {  	_ =	swait.ge [sflag:s16], $0x8000  }
0x48: {  	[sflag:s16] =	ssyncset.done $0x0  }
0x49: {  	[sflag:s16] =	ssyncadd.s32 $0xFFFF8000  }
0x4a: {  	[tilespmem:s5], [sflag:$0x2] =	stream.indirect.gather [hbm4b:s3+s2], $0x40, s29, s2, $0xb8;
	[tilespmem:$0x10C00] =	vst v63  }
0x4b: {  	_ = 	snop  }
0x4c: {  	[tilespmem:s8], [sflag:$0x2] =	stream.indirect.gather [hbm4b:s3+s2], $0x40, s30, s2, $0xb8;
	[tilespmem:$0x10C00] =	vst v63  }
0x4d: {  	_ = 	snop  }
0x4e: {  	[tilespmem:s12], [sflag:$0x2] =	stream.indirect.gather [hbm4b:s3+s2], $0x40, s23, s2, $0xb8;
	[tilespmem:$0x10C00] =	vst v63  }
0x4f: {  	_ = 	snop  }
0x50: {  	[tilespmem:s14], [sflag:$0x2] =	stream.indirect.gather [hbm4b:s3+s2], $0x40, s28, s2, $0xb8;
	[tilespmem:$0x10C00] =	vst v63  }
0x51: {  	s1 =	rddreg [dreg:$0x5]  }
0x52: {  	[hbm4b:s1+s7] =	stream.strided.scatter [tilespmem:s4], [sflag:$0x3], $0x8000, s2, s7, $0x38;
	[tilespmem:$0x10C00] =	vst v63  }
0x53: {  	_ =	swait.ge [sflag:s15], $0x8000  }
0x54: {  	[sflag:s15] =	ssyncset.done $0x0  }
0x55: {  	[sflag:s15] =	ssyncadd.s32 $0xFFFF8000  }
0x56: {  	_ =	swait.ge [sflag:s13], $0x8000  }
0x57: {  	[sflag:s13] =	ssyncset.done $0x0  }
0x58: {  	s1 =	simm.s32 $0x800;
	[sflag:s13] =	ssyncadd.s32 $0xFFFF8000  }
0x59: {  	[tilespmem:s4], [sflag:$0x1] =	stream.indirect.gather [hbm4b:s3+s2], $0x40, s1, s2, $0xb8;
	[tilespmem:$0x10C00] =	vst v63  }
0x5a: {  	_ = 	snop  }
0x5b: {  	[tilespmem:s9], [sflag:$0x1] =	stream.indirect.gather [hbm4b:s3+s2], $0x40, s24, s2, $0xb8;
	[tilespmem:$0x10C00] =	vst v63  }
0x5c: {  	_ = 	snop  }
0x5d: {  	[tilespmem:s10], [sflag:$0x1] =	stream.indirect.gather [hbm4b:s3+s2], $0x40, s26, s2, $0xb8;
	[tilespmem:$0x10C00] =	vst v63  }
0x5e: {  	_ = 	snop  }
0x5f: {  	[tilespmem:s11], [sflag:$0x1] =	stream.indirect.gather [hbm4b:s3+s2], $0x40, s25, s2, $0xb8;
	[tilespmem:$0x10C00] =	vst v63  }
0x60: {  	s1 =	rddreg [dreg:$0x6]  }
0x61: {  	[hbm4b:s1+s7] =	stream.strided.scatter [tilespmem:s5], [sflag:$0x4], $0x8000, s2, s7, $0x38;
	[tilespmem:$0x10C00] =	vst v63  }
0x62: {  	_ =	swait.ge [sflag:s6], $0x8000  }
0x63: {  	[sflag:s6] =	ssyncset.done $0x0  }
0x64: {  	[sflag:s6] =	ssyncadd.s32 $0xFFFF8000  }
0x65: {  	_ =	swait.ge [sflag:s16], $0x8000  }
0x66: {  	[sflag:s16] =	ssyncset.done $0x0  }
0x67: {  	[sflag:s16] =	ssyncadd.s32 $0xFFFF8000  }
0x68: {  	[tilespmem:s5], [sflag:$0x2] =	stream.indirect.gather [hbm4b:s3+s2], $0x40, s20, s2, $0xb8;
	[tilespmem:$0x10C00] =	vst v63  }
0x69: {  	_ = 	snop  }
0x6a: {  	[tilespmem:s8], [sflag:$0x2] =	stream.indirect.gather [hbm4b:s3+s2], $0x40, s21, s2, $0xb8;
	[tilespmem:$0x10C00] =	vst v63  }
0x6b: {  	_ = 	snop  }
0x6c: {  	[tilespmem:s12], [sflag:$0x2] =	stream.indirect.gather [hbm4b:s3+s2], $0x40, s22, s2, $0xb8;
	[tilespmem:$0x10C00] =	vst v63  }
0x6d: {  	_ = 	snop  }
0x6e: {  	[tilespmem:s14], [sflag:$0x2] =	stream.indirect.gather [hbm4b:s3+s2], $0x40, s19, s2, $0xb8;
	[tilespmem:$0x10C00] =	vst v63  }
0x6f: {  	s1 =	rddreg [dreg:$0x7]  }
0x70: {  	[hbm4b:s1+s7] =	stream.strided.scatter [tilespmem:s4], [sflag:$0x3], $0x8000, s2, s7, $0x38;
	[tilespmem:$0x10C00] =	vst v63  }
0x71: {  	_ =	swait.ge [sflag:s15], $0x8000  }
0x72: {  	[sflag:s15] =	ssyncset.done $0x0  }
0x73: {  	p1 =	sne.s32 s18, $0x1;
	s1 =	rddreg [dreg:$0x8];
	[sflag:s15] =	ssyncadd.s32 $0xFFFF8000  }
0x74: {  	[hbm4b:s1+s7] =	stream.strided.scatter [tilespmem:s5], [sflag:$0x4], $0x8000, s2, s7, $0x38;
	[tilespmem:$0x10C00] =	vst v63  }
.Ltmp1:
0x75: {  	_ =	swait.ge [sflag:s13], $0x8000;
	(pc) =	sbr.rel @!p1 .LBB2_3-.Ltmp1, $4  }
0x76: {  	[sflag:s13] =	ssyncset.done $0x0  }
0x77: {  	[sflag:s13] =	ssyncadd.s32 $0xFFFF8000  }
0x78: {  	p0 =	por $0x1, $0x1;
	_ =	swait.ge [sflag:s16], $0x8000  }
0x79: {  	s1 =	sadd.s32 $0xFFFFFFFF, s18;
	s0 =	rddreg [dreg:$0x2];
	[sflag:s16] =	ssyncset.done $0x0  }
.LBB2_4:
0x7a: {  	[sflag:s16] =	ssyncadd.s32 $0xFFFF8000  }
0x7b: {  	[tilespmem:s17], [sflag:$0x5] =	stream.linear.gather [hbm4b:s0+s17], $0xC00, $0x38;
	[tilespmem:$0x10C00] =	vst v63  }
0x7c: {  	_ =	swait.ge [sflag:s31], $0xC00  }
0x7d: {  	[sflag:s31] =	ssyncset.done $0x0  }
0x7e: {  	[sflag:s31] =	ssyncadd.s32 $0xFFFFF400  }
0x7f: {  	[tilespmem:s4], [sflag:$0x1] =	stream.indirect.gather [hbm4b:s3+s2], $0x40, s17, s2, $0xb8;
	[tilespmem:$0x10C00] =	vst v63  }
0x80: {  	_ = 	snop  }
0x81: {  	[tilespmem:s9], [sflag:$0x1] =	stream.indirect.gather [hbm4b:s3+s2], $0x40, s2, s2, $0xb8;
	[tilespmem:$0x10C00] =	vst v63  }
0x82: {  	s0 =	rddreg [dreg:$0x9]  }
0x83: {  	[tilespmem:s10], [sflag:$0x1] =	stream.indirect.gather [hbm4b:s3+s2], $0x40, s0, s2, $0xb8;
	[tilespmem:$0x10C00] =	vst v63  }
0x84: {  	s18 =	rddreg [dreg:$0xa]  }
0x85: {  	[tilespmem:s11], [sflag:$0x1] =	stream.indirect.gather [hbm4b:s3+s2], $0x40, s18, s2, $0xb8;
	[tilespmem:$0x10C00] =	vst v63  }
0x86: {  	_ =	swait.ge [sflag:s6], $0x8000  }
0x87: {  	[sflag:s6] =	ssyncset.done $0x0  }
0x88: {  	s0 =	rddreg [dreg:$0xb];
	[sflag:s6] =	ssyncadd.s32 $0xFFFF8000  }
0x89: {  	[tilespmem:s5], [sflag:$0x2] =	stream.indirect.gather [hbm4b:s3+s2], $0x40, s0, s2, $0xb8;
	[tilespmem:$0x10C00] =	vst v63  }
0x8a: {  	s18 =	rddreg [dreg:$0xc]  }
0x8b: {  	[tilespmem:s8], [sflag:$0x2] =	stream.indirect.gather [hbm4b:s3+s2], $0x40, s18, s2, $0xb8;
	[tilespmem:$0x10C00] =	vst v63  }
0x8c: {  	s0 =	rddreg [dreg:$0xd]  }
0x8d: {  	[tilespmem:s12], [sflag:$0x2] =	stream.indirect.gather [hbm4b:s3+s2], $0x40, s0, s2, $0xb8;
	[tilespmem:$0x10C00] =	vst v63  }
0x8e: {  	s18 =	rddreg [dreg:$0xe]  }
0x8f: {  	[tilespmem:s14], [sflag:$0x2] =	stream.indirect.gather [hbm4b:s3+s2], $0x40, s18, s2, $0xb8;
	[tilespmem:$0x10C00] =	vst v63  }
0x90: {  	s0 =	rddreg [dreg:$0x3]  }
0x91: {  	[hbm4b:s0+s7] =	stream.strided.scatter [tilespmem:s4], [sflag:$0x3], $0x8000, s2, s7, $0x38;
	[tilespmem:$0x10C00] =	vst v63  }
0x92: {  	_ =	swait.ge [sflag:s15], $0x8000  }
0x93: {  	[sflag:s15] =	ssyncset.done $0x0  }
0x94: {  	[sflag:s15] =	ssyncadd.s32 $0xFFFF8000  }
0x95: {  	_ =	swait.ge [sflag:s13], $0x8000  }
0x96: {  	[sflag:s13] =	ssyncset.done $0x0  }
0x97: {  	s0 =	rddreg [dreg:$0xf];
	[sflag:s13] =	ssyncadd.s32 $0xFFFF8000  }
0x98: {  	[tilespmem:s4], [sflag:$0x1] =	stream.indirect.gather [hbm4b:s3+s2], $0x40, s0, s2, $0xb8;
	[tilespmem:$0x10C00] =	vst v63  }
0x99: {  	s18 =	rddreg [dreg:$0x10]  }
0x9a: {  	[tilespmem:s9], [sflag:$0x1] =	stream.indirect.gather [hbm4b:s3+s2], $0x40, s18, s2, $0xb8;
	[tilespmem:$0x10C00] =	vst v63  }
0x9b: {  	s0 =	rddreg [dreg:$0x11]  }
0x9c: {  	[tilespmem:s10], [sflag:$0x1] =	stream.indirect.gather [hbm4b:s3+s2], $0x40, s0, s2, $0xb8;
	[tilespmem:$0x10C00] =	vst v63  }
0x9d: {  	s18 =	rddreg [dreg:$0x12]  }
0x9e: {  	[tilespmem:s11], [sflag:$0x1] =	stream.indirect.gather [hbm4b:s3+s2], $0x40, s18, s2, $0xb8;
	[tilespmem:$0x10C00] =	vst v63  }
0x9f: {  	s0 =	rddreg [dreg:$0x4]  }
0xa0: {  	[hbm4b:s0+s7] =	stream.strided.scatter [tilespmem:s5], [sflag:$0x4], $0x8000, s2, s7, $0x38;
	[tilespmem:$0x10C00] =	vst v63  }
0xa1: {  	_ =	swait.ge [sflag:s6], $0x8000  }
0xa2: {  	[sflag:s6] =	ssyncset.done $0x0  }
0xa3: {  	[sflag:s6] =	ssyncadd.s32 $0xFFFF8000  }
0xa4: {  	_ =	swait.ge [sflag:s16], $0x8000  }
0xa5: {  	[sflag:s16] =	ssyncset.done $0x0  }
0xa6: {  	[sflag:s16] =	ssyncadd.s32 $0xFFFF8000  }
0xa7: {  	[tilespmem:s5], [sflag:$0x2] =	stream.indirect.gather [hbm4b:s3+s2], $0x40, s29, s2, $0xb8;
	[tilespmem:$0x10C00] =	vst v63  }
0xa8: {  	_ = 	snop  }
0xa9: {  	[tilespmem:s8], [sflag:$0x2] =	stream.indirect.gather [hbm4b:s3+s2], $0x40, s30, s2, $0xb8;
	[tilespmem:$0x10C00] =	vst v63  }
0xaa: {  	_ = 	snop  }
0xab: {  	[tilespmem:s12], [sflag:$0x2] =	stream.indirect.gather [hbm4b:s3+s2], $0x40, s23, s2, $0xb8;
	[tilespmem:$0x10C00] =	vst v63  }
0xac: {  	_ = 	snop  }
0xad: {  	[tilespmem:s14], [sflag:$0x2] =	stream.indirect.gather [hbm4b:s3+s2], $0x40, s28, s2, $0xb8;
	[tilespmem:$0x10C00] =	vst v63  }
0xae: {  	s18 =	rddreg [dreg:$0x5]  }
0xaf: {  	[hbm4b:s18+s7] =	stream.strided.scatter [tilespmem:s4], [sflag:$0x3], $0x8000, s2, s7, $0x38;
	[tilespmem:$0x10C00] =	vst v63  }
0xb0: {  	_ =	swait.ge [sflag:s15], $0x8000  }
0xb1: {  	[sflag:s15] =	ssyncset.done $0x0  }
0xb2: {  	[sflag:s15] =	ssyncadd.s32 $0xFFFF8000  }
0xb3: {  	_ =	swait.ge [sflag:s13], $0x8000  }
0xb4: {  	[sflag:s13] =	ssyncset.done $0x0  }
0xb5: {  	s18 =	simm.s32 $0x800;
	[sflag:s13] =	ssyncadd.s32 $0xFFFF8000  }
0xb6: {  	[tilespmem:s4], [sflag:$0x1] =	stream.indirect.gather [hbm4b:s3+s2], $0x40, s18, s2, $0xb8;
	[tilespmem:$0x10C00] =	vst v63  }
0xb7: {  	_ = 	snop  }
0xb8: {  	[tilespmem:s9], [sflag:$0x1] =	stream.indirect.gather [hbm4b:s3+s2], $0x40, s24, s2, $0xb8;
	[tilespmem:$0x10C00] =	vst v63  }
0xb9: {  	_ = 	snop  }
0xba: {  	[tilespmem:s10], [sflag:$0x1] =	stream.indirect.gather [hbm4b:s3+s2], $0x40, s26, s2, $0xb8;
	[tilespmem:$0x10C00] =	vst v63  }
0xbb: {  	_ = 	snop  }
0xbc: {  	[tilespmem:s11], [sflag:$0x1] =	stream.indirect.gather [hbm4b:s3+s2], $0x40, s25, s2, $0xb8;
	[tilespmem:$0x10C00] =	vst v63  }
0xbd: {  	s18 =	rddreg [dreg:$0x6]  }
0xbe: {  	[hbm4b:s18+s7] =	stream.strided.scatter [tilespmem:s5], [sflag:$0x4], $0x8000, s2, s7, $0x38;
	[tilespmem:$0x10C00] =	vst v63  }
0xbf: {  	_ =	swait.ge [sflag:s6], $0x8000  }
0xc0: {  	[sflag:s6] =	ssyncset.done $0x0  }
0xc1: {  	[sflag:s6] =	ssyncadd.s32 $0xFFFF8000  }
0xc2: {  	_ =	swait.ge [sflag:s16], $0x8000  }
0xc3: {  	[sflag:s16] =	ssyncset.done $0x0  }
0xc4: {  	[sflag:s16] =	ssyncadd.s32 $0xFFFF8000  }
0xc5: {  	[tilespmem:s5], [sflag:$0x2] =	stream.indirect.gather [hbm4b:s3+s2], $0x40, s20, s2, $0xb8;
	[tilespmem:$0x10C00] =	vst v63  }
0xc6: {  	_ = 	snop  }
0xc7: {  	[tilespmem:s8], [sflag:$0x2] =	stream.indirect.gather [hbm4b:s3+s2], $0x40, s21, s2, $0xb8;
	[tilespmem:$0x10C00] =	vst v63  }
0xc8: {  	_ = 	snop  }
0xc9: {  	[tilespmem:s12], [sflag:$0x2] =	stream.indirect.gather [hbm4b:s3+s2], $0x40, s22, s2, $0xb8;
	[tilespmem:$0x10C00] =	vst v63  }
0xca: {  	_ = 	snop  }
0xcb: {  	[tilespmem:s14], [sflag:$0x2] =	stream.indirect.gather [hbm4b:s3+s2], $0x40, s19, s2, $0xb8;
	[tilespmem:$0x10C00] =	vst v63  }
0xcc: {  	s18 =	rddreg [dreg:$0x7]  }
0xcd: {  	[hbm4b:s18+s7] =	stream.strided.scatter [tilespmem:s4], [sflag:$0x3], $0x8000, s2, s7, $0x38;
	[tilespmem:$0x10C00] =	vst v63  }
0xce: {  	_ =	swait.ge [sflag:s15], $0x8000  }
0xcf: {  	[sflag:s15] =	ssyncset.done $0x0  }
0xd0: {  	p1 =	sne.s32 s1, $0x1;
	s18 =	rddreg [dreg:$0x8];
	[sflag:s15] =	ssyncadd.s32 $0xFFFF8000  }
0xd1: {  	[hbm4b:s18+s7] =	stream.strided.scatter [tilespmem:s5], [sflag:$0x4], $0x8000, s2, s7, $0x38;
	[tilespmem:$0x10C00] =	vst v63  }
.Ltmp2:
0xd2: {  	_ =	swait.ge [sflag:s13], $0x8000;
	(pc) =	sbr.rel @p1 .LBB2_4-.Ltmp2, $4  }
0xd3: {  	[sflag:s13] =	ssyncset.done $0x0  }
0xd4: {  	[sflag:s13] =	ssyncadd.s32 $0xFFFF8000  }
0xd5: {  	_ =	swait.ge [sflag:s16], $0x8000  }
0xd6: {  	s1 =	sadd.s32 $0xFFFFFFFF, s1;
	s0 =	rddreg [dreg:$0x2];
	[sflag:s16] =	ssyncset.done $0x0  }
0xd7: {  	s19 =	simm.s32 $0x700;
	s30 =	simm.s32 $0x680;
	s29 =	simm.s32 $0x600  }
0xd8: {  	s28 =	simm.s32 $0x780;
	s26 =	simm.s32 $0x900;
	s25 =	simm.s32 $0x980  }
0xd9: {  	s24 =	simm.s32 $0x880;
	s23 =	simm.s32 $0x800;
	s22 =	simm.s32 $0xB00  }
0xda: {  	s21 =	simm.s32 $0xA80;
	s20 =	simm.s32 $0xA00;
	s18 =	stileid.u32  }
.LBB2_6:
0xdb: {  	[sflag:s16] =	ssyncadd.s32 @p0 $0xFFFF8000  }
0xdc: {  	[tilespmem:s17], [sflag:$0x5] =	stream.linear.gather [hbm4b:s0+s17], $0xC00, $0x38;
	[tilespmem:$0x10C00] =	vst v63  }
0xdd: {  	_ =	swait.ge [sflag:s31], $0xC00  }
0xde: {  	[sflag:s31] =	ssyncset.done $0x0  }
0xdf: {  	[sflag:s31] =	ssyncadd.s32 $0xFFFFF400  }
0xe0: {  	[tilespmem:s4], [sflag:$0x1] =	stream.indirect.gather [hbm4b:s3+s2], $0x40, s17, s2, $0xb8;
	[tilespmem:$0x10C00] =	vst v63  }
0xe1: {  	_ = 	snop  }
0xe2: {  	[tilespmem:s9], [sflag:$0x1] =	stream.indirect.gather [hbm4b:s3+s2], $0x40, s2, s2, $0xb8;
	[tilespmem:$0x10C00] =	vst v63  }
0xe3: {  	s31 =	rddreg [dreg:$0x9]  }
0xe4: {  	[tilespmem:s10], [sflag:$0x1] =	stream.indirect.gather [hbm4b:s3+s2], $0x40, s31, s2, $0xb8;
	[tilespmem:$0x10C00] =	vst v63  }
0xe5: {  	s1 =	rddreg [dreg:$0xa]  }
0xe6: {  	[tilespmem:s11], [sflag:$0x1] =	stream.indirect.gather [hbm4b:s3+s2], $0x40, s1, s2, $0xb8;
	[tilespmem:$0x10C00] =	vst v63  }
0xe7: {  	_ =	swait.ge [sflag:s6], $0x8000  }
0xe8: {  	[sflag:s6] =	ssyncset.done $0x0  }
0xe9: {  	s1 =	rddreg [dreg:$0xb];
	[sflag:s6] =	ssyncadd.s32 $0xFFFF8000  }
0xea: {  	[tilespmem:s5], [sflag:$0x2] =	stream.indirect.gather [hbm4b:s3+s2], $0x40, s1, s2, $0xb8;
	[tilespmem:$0x10C00] =	vst v63  }
0xeb: {  	s17 =	rddreg [dreg:$0xc]  }
0xec: {  	[tilespmem:s8], [sflag:$0x2] =	stream.indirect.gather [hbm4b:s3+s2], $0x40, s17, s2, $0xb8;
	[tilespmem:$0x10C00] =	vst v63  }
0xed: {  	s31 =	rddreg [dreg:$0xd]  }
0xee: {  	[tilespmem:s12], [sflag:$0x2] =	stream.indirect.gather [hbm4b:s3+s2], $0x40, s31, s2, $0xb8;
	[tilespmem:$0x10C00] =	vst v63  }
0xef: {  	s17 =	rddreg [dreg:$0xe]  }
0xf0: {  	[tilespmem:s14], [sflag:$0x2] =	stream.indirect.gather [hbm4b:s3+s2], $0x40, s17, s2, $0xb8;
	[tilespmem:$0x10C00] =	vst v63  }
0xf1: {  	s31 =	rddreg [dreg:$0x3]  }
0xf2: {  	[hbm4b:s31+s7] =	stream.strided.scatter [tilespmem:s4], [sflag:$0x3], $0x8000, s2, s7, $0x38;
	[tilespmem:$0x10C00] =	vst v63  }
0xf3: {  	_ =	swait.ge [sflag:s15], $0x8000  }
0xf4: {  	[sflag:s15] =	ssyncset.done $0x0  }
0xf5: {  	[sflag:s15] =	ssyncadd.s32 $0xFFFF8000  }
0xf6: {  	_ =	swait.ge [sflag:s13], $0x8000  }
0xf7: {  	[sflag:s13] =	ssyncset.done $0x0  }
0xf8: {  	s17 =	rddreg [dreg:$0xf];
	[sflag:s13] =	ssyncadd.s32 $0xFFFF8000  }
0xf9: {  	[tilespmem:s4], [sflag:$0x1] =	stream.indirect.gather [hbm4b:s3+s2], $0x40, s17, s2, $0xb8;
	[tilespmem:$0x10C00] =	vst v63  }
0xfa: {  	s31 =	rddreg [dreg:$0x10]  }
0xfb: {  	[tilespmem:s9], [sflag:$0x1] =	stream.indirect.gather [hbm4b:s3+s2], $0x40, s31, s2, $0xb8;
	[tilespmem:$0x10C00] =	vst v63  }
0xfc: {  	s17 =	rddreg [dreg:$0x11]  }
0xfd: {  	[tilespmem:s10], [sflag:$0x1] =	stream.indirect.gather [hbm4b:s3+s2], $0x40, s17, s2, $0xb8;
	[tilespmem:$0x10C00] =	vst v63  }
0xfe: {  	s31 =	rddreg [dreg:$0x12]  }
0xff: {  	[tilespmem:s11], [sflag:$0x1] =	stream.indirect.gather [hbm4b:s3+s2], $0x40, s31, s2, $0xb8;
	[tilespmem:$0x10C00] =	vst v63  }
0x100: {  	s17 =	rddreg [dreg:$0x4]  }
0x101: {  	[hbm4b:s17+s7] =	stream.strided.scatter [tilespmem:s5], [sflag:$0x4], $0x8000, s2, s7, $0x38;
	[tilespmem:$0x10C00] =	vst v63  }
0x102: {  	_ =	swait.ge [sflag:s6], $0x8000  }
0x103: {  	[sflag:s6] =	ssyncset.done $0x0  }
0x104: {  	[sflag:s6] =	ssyncadd.s32 $0xFFFF8000  }
0x105: {  	_ =	swait.ge [sflag:s16], $0x8000  }
0x106: {  	[sflag:s16] =	ssyncset.done $0x0  }
0x107: {  	[sflag:s16] =	ssyncadd.s32 $0xFFFF8000  }
0x108: {  	[tilespmem:s5], [sflag:$0x2] =	stream.indirect.gather [hbm4b:s3+s2], $0x40, s29, s2, $0xb8;
	[tilespmem:$0x10C00] =	vst v63  }
0x109: {  	_ = 	snop  }
0x10a: {  	[tilespmem:s8], [sflag:$0x2] =	stream.indirect.gather [hbm4b:s3+s2], $0x40, s30, s2, $0xb8;
	[tilespmem:$0x10C00] =	vst v63  }
0x10b: {  	_ = 	snop  }
0x10c: {  	[tilespmem:s12], [sflag:$0x2] =	stream.indirect.gather [hbm4b:s3+s2], $0x40, s19, s2, $0xb8;
	[tilespmem:$0x10C00] =	vst v63  }
0x10d: {  	_ = 	snop  }
0x10e: {  	[tilespmem:s14], [sflag:$0x2] =	stream.indirect.gather [hbm4b:s3+s2], $0x40, s28, s2, $0xb8;
	[tilespmem:$0x10C00] =	vst v63  }
0x10f: {  	s19 =	rddreg [dreg:$0x5]  }
0x110: {  	[hbm4b:s19+s7] =	stream.strided.scatter [tilespmem:s4], [sflag:$0x3], $0x8000, s2, s7, $0x38;
	[tilespmem:$0x10C00] =	vst v63  }
0x111: {  	_ =	swait.ge [sflag:s15], $0x8000  }
0x112: {  	[sflag:s15] =	ssyncset.done $0x0  }
0x113: {  	[sflag:s15] =	ssyncadd.s32 $0xFFFF8000  }
0x114: {  	_ =	swait.ge [sflag:s13], $0x8000  }
0x115: {  	[sflag:s13] =	ssyncset.done $0x0  }
0x116: {  	[sflag:s13] =	ssyncadd.s32 $0xFFFF8000  }
0x117: {  	[tilespmem:s4], [sflag:$0x1] =	stream.indirect.gather [hbm4b:s3+s2], $0x40, s23, s2, $0xb8;
	[tilespmem:$0x10C00] =	vst v63  }
0x118: {  	_ = 	snop  }
0x119: {  	[tilespmem:s9], [sflag:$0x1] =	stream.indirect.gather [hbm4b:s3+s2], $0x40, s24, s2, $0xb8;
	[tilespmem:$0x10C00] =	vst v63  }
0x11a: {  	_ = 	snop  }
0x11b: {  	[tilespmem:s10], [sflag:$0x1] =	stream.indirect.gather [hbm4b:s3+s2], $0x40, s26, s2, $0xb8;
	[tilespmem:$0x10C00] =	vst v63  }
0x11c: {  	_ = 	snop  }
0x11d: {  	[tilespmem:s11], [sflag:$0x1] =	stream.indirect.gather [hbm4b:s3+s2], $0x40, s25, s2, $0xb8;
	[tilespmem:$0x10C00] =	vst v63  }
0x11e: {  	s28 =	rddreg [dreg:$0x6]  }
0x11f: {  	[hbm4b:s28+s7] =	stream.strided.scatter [tilespmem:s5], [sflag:$0x4], $0x8000, s2, s7, $0x38;
	[tilespmem:$0x10C00] =	vst v63  }
0x120: {  	_ =	swait.ge [sflag:s6], $0x8000  }
0x121: {  	[sflag:s6] =	ssyncset.done $0x0  }
0x122: {  	[sflag:s6] =	ssyncadd.s32 $0xFFFF8000  }
0x123: {  	_ =	swait.ge [sflag:s16], $0x8000  }
0x124: {  	[sflag:s16] =	ssyncset.done $0x0  }
0x125: {  	[sflag:s16] =	ssyncadd.s32 $0xFFFF8000  }
0x126: {  	[tilespmem:s5], [sflag:$0x2] =	stream.indirect.gather [hbm4b:s3+s2], $0x40, s20, s2, $0xb8;
	[tilespmem:$0x10C00] =	vst v63  }
0x127: {  	_ = 	snop  }
0x128: {  	[tilespmem:s8], [sflag:$0x2] =	stream.indirect.gather [hbm4b:s3+s2], $0x40, s21, s2, $0xb8;
	[tilespmem:$0x10C00] =	vst v63  }
0x129: {  	_ = 	snop  }
0x12a: {  	[tilespmem:s12], [sflag:$0x2] =	stream.indirect.gather [hbm4b:s3+s2], $0x40, s22, s2, $0xb8;
	[tilespmem:$0x10C00] =	vst v63  }
0x12b: {  	s30 =	simm.s32 $0xB80  }
0x12c: {  	[tilespmem:s14], [sflag:$0x2] =	stream.indirect.gather [hbm4b:s3+s2], $0x40, s30, s2, $0xb8;
	[tilespmem:$0x10C00] =	vst v63  }
0x12d: {  	s29 =	rddreg [dreg:$0x7]  }
0x12e: {  	[hbm4b:s29+s7] =	stream.strided.scatter [tilespmem:s4], [sflag:$0x3], $0x8000, s2, s7, $0x38;
	[tilespmem:$0x10C00] =	vst v63  }
0x12f: {  	_ =	swait.ge [sflag:s15], $0x8000  }
0x130: {  	[sflag:s15] =	ssyncset.done $0x0  }
0x131: {  	s31 =	rddreg [dreg:$0x8];
	[sflag:s15] =	ssyncadd.s32 $0xFFFF8000  }
0x132: {  	[hbm4b:s31+s7] =	stream.strided.scatter [tilespmem:s5], [sflag:$0x4], $0x8000, s2, s7, $0x38;
	[tilespmem:$0x10C00] =	vst v63  }
0x133: {  	_ =	swait.ge [sflag:s13], $0x8000  }
0x134: {  	[sflag:s13] =	ssyncset.done $0x0  }
0x135: {  	[sflag:s13] =	ssyncadd.s32 $0xFFFF8000  }
0x136: {  	_ =	swait.ge [sflag:s16], $0x8000  }
0x137: {  	[sflag:s16] =	ssyncset.done $0x0  }
0x138: {  	[sflag:s16] =	ssyncadd.s32 $0xFFFF8000  }
0x139: {  	_ =	sfence.sel $0x180000  }
0x13a: {  	[bflag:$0x0] =	sbarrier.arrive $0xFFFF  }
0x13b: {  	_ =	strace $0x9000004A  }
0x13c: {  	[bflag:$0x2] =	sbarrier.arrive $0xFFFF  }
0x13d: {  	p0 =	sne.s32 s18, $0x0;
	s0 =	rddreg [dreg:$0x1]  }
0x13e: {  	s0 =	sadd.s32 @!p0 $0x100000, s0  }
0x13f: {  	[sflag:s0] =	ssyncadd.tile.s32 @!p0 $0x1;
	_ =	shalt  }
.LBB2_1:
.Ltmp3:
0x140: {  	(pc) =	sbr.rel .LBB2_6-.Ltmp3, $4  }
0x141: {  	s19 =	simm.s32 $0x700;
	s30 =	simm.s32 $0x680  }
0x142: {  	s29 =	simm.s32 $0x600;
	s28 =	simm.s32 $0x780;
	s26 =	simm.s32 $0x900  }
0x143: {  	s25 =	simm.s32 $0x980;
	s24 =	simm.s32 $0x880;
	s23 =	simm.s32 $0x800  }
0x144: {  	s22 =	simm.s32 $0xB00;
	s21 =	simm.s32 $0xA80;
	s20 =	simm.s32 $0xA00  }
.LBB2_3:
.Ltmp4:
0x145: {  	(pc) =	sbr.rel .LBB2_6-.Ltmp4, $4  }
0x146: {  	s19 =	simm.s32 $0x700;
	s30 =	simm.s32 $0x680;
	s29 =	simm.s32 $0x600  }
0x147: {  	s28 =	simm.s32 $0x780;
	s26 =	simm.s32 $0x900;
	s25 =	simm.s32 $0x980  }
0x148: {  	s24 =	simm.s32 $0x880;
	s23 =	simm.s32 $0x800;
	s22 =	simm.s32 $0xB00  }
0x149: {  	s21 =	simm.s32 $0xA80;
	s20 =	simm.s32 $0xA00;
	s18 =	stileid.u32  }
.Lfunc_end2:
_tile_overlayer_lowered:
.L_overlay_start_2:
0x14a: {  	(tag) =	ssettag $0x2  }
0x14b: {  	s0 =	rddreg [dreg:$0x0];
	s2 =	stileid.u32  }
0x14c: {  	s1 =	rddreg [dreg:$0x1];
	p0 =	sne.s32 s2, $0x0  }
0x14d: {  	s3 =	rddreg [dreg:$0x2];
	[bflag:$0x3] =	sbarrier.arrive $0xFFFF;
	s2 =	simm.s32 @!p0 $0x1C05  }
0x14e: {  	[timem:s3], [sflag:s2] =	dma.local @!p0 [hbm:s0], s1  }
0x14f: {  	s0 =	simm.s32 @!p0 $0x5  }
0x150: {  	_ =	swait.ge @!p0 [sflag:s0], s1  }
0x151: {  	s1 =	ssub.s32 @!p0 $0x0, s1;
	[sflag:s0] =	ssyncset.done @!p0 $0x0  }
0x152: {  	[sflag:s0] =	ssyncadd.s32 @!p0 s1  }
0x153: {  	[bflag:$0x3] =	sbarrier.arrive $0xFFFF  }
0x154: {  	_ =	shalt  }

// kernel: kernel.19.cloned.1.call-start
scs
__scs_entry_jumppad:
0x0: {  	(pc) =	sbr.rel $0x88, $3  }
0x1: {  	(tag) =	ssettag $0x0;
	lr =	simm.s32 $0x1  }
0x2: {  	[smem:$0x3F99] =	sst lr;
	_ =	strace $0xD0000000  }
0x3: {  	_ = 	snop  }
0x4: {  	_ = 	snop  }
0x5: {  	_ = 	snop  }
0x6: {  	_ = 	snop  }
0x7: {  	_ = 	snop  }
__scs_overlays_trampoline_lowered:
0x8: {  	[smem:$0x3FA8] =	sst s0  }
0x9: {  	[smem:$0x3FA9] =	sst s1  }
0xa: {  	[smem:$0x3FAA] =	sst s2  }
0xb: {  	[smem:$0x3FAB] =	sst s3  }
0xc: {  	[smem:$0x3FAC] =	sst s4  }
0xd: {  	[smem:$0x3FAD] =	sst s5  }
0xe: {  	[smem:$0x3FAE] =	sst s6  }
0xf: {  	[smem:$0x3FAF] =	sst s7  }
0x10: {  	[smem:$0x3FB0] =	sst s8  }
0x11: {  	[smem:$0x3FB1] =	sst s9;
	s0 =	simm.s32 @!p0 $0x0  }
0x12: {  	s1 =	sld [smem:$0x3F97];
	s0 =	simm.s32 @p0 $0x1  }
0x13: {  	[smem:$0x3FB2] =	sst s0;
	s0 =	simm.s32 @!p1 $0x0  }
0x14: {  	s2 =	sld [smem:$0x3F96];
	s0 =	simm.s32 @p1 $0x1  }
0x15: {  	[smem:$0x3FB3] =	sst s0;
	s0 =	simm.s32 @!p2 $0x0  }
0x16: {  	s3 =	sld [smem:$0x3FDB];
	s0 =	simm.s32 @p2 $0x1  }
0x17: {  	s4 =	simm.s32 $0x1BF5;
	[smem:$0x3FB5] =	sst s0  }
0x18: {  	s0 =	sld [smem:$0x3F98];
	_ =	swait.ge [sflag:s4], $0x0  }
0x19: {  	s7 =	sld [smem:$0x3F99]  }
0x1a: {  	s8 =	sadd.s32 $0xFFFFE003, lr  }
0x1b: {  	s9 =	sadd.s32 $0xFFFFFEF7, lr;
	s5 =	simm.s32 $0xFFFFFFFF;
	p2 =	slt.u32 s8, $0xFFFFF086  }
0x1c: {  	p1 =	slt.u32 s9, $0xF7A;
	s5 =	simm.s32 @!p2 $0x0  }
0x1d: {  	s5 =	simm.s32 @p1 $0x1;
	p0 =	seq.s32 s7, s2  }
0x1e: {  	s7 =	smul.u32 @!p0 $0xF7A, s2;
	p2 =	seq.s32 @!p0 s5, $0x0  }
0x1f: {  	s9 =	smul.u32 $0xF7A, s1;
	s8 =	simm.s32 @!p0 $0x1BF5;
	p2 =	por !p2, p0  }
0x20: {  	[sflag:s8] =	ssyncset.s32 @!p0 $0xFFFFF086;
	s6 =	sadd.s32 @!p0 s3, s7;
	s7 =	simm.s32 @!p0 $0x108  }
0x21: {  	s3 =	sadd.s32 s3, s9;
	s6 =	sadd.s32 @!p0 $0x88, s6;
	s7 =	simm.s32 @p2 $0x1082  }
0x22: {  	[simem:s7], [sflag:s8] =	dma.local @!p0 [hbm:s6], $0xF7A  }
0x23: {  	s9 =	sor.u32 $0xD0000000, s2;
	s6 =	simm.s32 $0x108;
	_ =	swait.ge @!p0 [sflag:s8], $0x0  }
0x24: {  	s3 =	sadd.s32 $0x88, s3;
	s6 =	simm.s32 @!p1 $0x1082;
	[sflag:s4] =	ssyncset.s32 $0xFFFFF086  }
0x25: {  	[simem:s6], [sflag:s4] =	dma.local [hbm:s3], $0xF7A  }
0x26: {  	[smem:$0x3F99] =	sst s1;
	(tag) =	ssettag s2;
	_ =	strace s9  }
0x27: {  	s1 =	sld [smem:$0x3FA9]  }
0x28: {  	s2 =	sld [smem:$0x3FAA]  }
0x29: {  	s4 =	sld [smem:$0x3FAC]  }
0x2a: {  	p0 =	seq.s32 s5, $0x0;
	s5 =	sld [smem:$0x3FAD]  }
0x2b: {  	s6 =	sld [smem:$0x3FAE]  }
0x2c: {  	s7 =	sld [smem:$0x3FAF]  }
0x2d: {  	s3 =	simm.s32 $0x108;
	s8 =	sld [smem:$0x3FB0]  }
0x2e: {  	s3 =	simm.s32 @!p0 $0x1082;
	s9 =	sld [smem:$0x3FB1]  }
0x2f: {  	lr =	sadd.s32 s0, s3;
	s0 =	sld [smem:$0x3FA8]  }
0x30: {  	s3 =	sld [smem:$0x3FAB]  }
0x31: {  	[smem:$0x3FB4] =	sst s10  }
0x32: {  	s10 =	sld [smem:$0x3FB2];
	_ =	sdelay $0x3  }
0x33: {  	p0 =	seq.s32 s10, $0x1;
	s10 =	sld [smem:$0x3FB4];
	_ =	sdelay $0x3  }
0x34: {  	[smem:$0x3FB4] =	sst s10  }
0x35: {  	s10 =	sld [smem:$0x3FB3];
	_ =	sdelay $0x3  }
0x36: {  	p1 =	seq.s32 s10, $0x1;
	s10 =	sld [smem:$0x3FB4];
	_ =	sdelay $0x3  }
0x37: {  	[smem:$0x3FB4] =	sst s10  }
0x38: {  	s10 =	sld [smem:$0x3FB5]  }
0x39: {  	_ = 	snop;
	(pc) =	sbr.ind lr, $3  }
0x3a: {  	_ = 	snop  }
0x3b: {  	_ = 	snop  }
0x3c: {  	p2 =	seq.s32 s10, $0x1;
	s10 =	sld [smem:$0x3FB4]  }
0x3d: {  	_ =	shalt  }
0x3e: {  	_ =	shalt  }
0x3f: {  	_ =	shalt  }
0x40: {  	_ =	shalt  }
0x41: {  	_ =	shalt  }
0x42: {  	_ =	shalt  }
0x43: {  	_ =	shalt  }
0x44: {  	_ =	shalt  }
0x45: {  	_ =	shalt  }
0x46: {  	_ =	shalt  }
0x47: {  	_ =	shalt  }
0x48: {  	_ =	shalt  }
0x49: {  	_ =	shalt  }
0x4a: {  	_ =	shalt  }
0x4b: {  	_ =	shalt  }
0x4c: {  	_ =	shalt  }
0x4d: {  	_ =	shalt  }
0x4e: {  	_ =	shalt  }
0x4f: {  	_ =	shalt  }
0x50: {  	_ =	shalt  }
0x51: {  	_ =	shalt  }
0x52: {  	_ =	shalt  }
0x53: {  	_ =	shalt  }
0x54: {  	_ =	shalt  }
0x55: {  	_ =	shalt  }
0x56: {  	_ =	shalt  }
0x57: {  	_ =	shalt  }
0x58: {  	_ =	shalt  }
0x59: {  	_ =	shalt  }
0x5a: {  	_ =	shalt  }
0x5b: {  	_ =	shalt  }
0x5c: {  	_ =	shalt  }
0x5d: {  	_ =	shalt  }
0x5e: {  	_ =	shalt  }
0x5f: {  	_ =	shalt  }
0x60: {  	_ =	shalt  }
0x61: {  	_ =	shalt  }
0x62: {  	_ =	shalt  }
0x63: {  	_ =	shalt  }
0x64: {  	_ =	shalt  }
0x65: {  	_ =	shalt  }
0x66: {  	_ =	shalt  }
0x67: {  	_ =	shalt  }
0x68: {  	_ =	shalt  }
0x69: {  	_ =	shalt  }
0x6a: {  	_ =	shalt  }
0x6b: {  	_ =	shalt  }
0x6c: {  	_ =	shalt  }
0x6d: {  	_ =	shalt  }
0x6e: {  	_ =	shalt  }
0x6f: {  	_ =	shalt  }
0x70: {  	_ =	shalt  }
0x71: {  	_ =	shalt  }
0x72: {  	_ =	shalt  }
0x73: {  	_ =	shalt  }
0x74: {  	_ =	shalt  }
0x75: {  	_ =	shalt  }
0x76: {  	_ =	shalt  }
0x77: {  	_ =	shalt  }
0x78: {  	_ =	shalt  }
0x79: {  	_ =	shalt  }
0x7a: {  	_ =	shalt  }
0x7b: {  	_ =	shalt  }
0x7c: {  	_ =	shalt  }
0x7d: {  	_ =	shalt  }
0x7e: {  	_ =	shalt  }
0x7f: {  	_ =	shalt  }
0x80: {  	_ =	shalt  }
0x81: {  	_ =	shalt  }
0x82: {  	_ =	shalt  }
0x83: {  	_ =	shalt  }
0x84: {  	_ =	shalt  }
0x85: {  	_ =	shalt  }
0x86: {  	_ =	shalt  }
0x87: {  	_ =	shalt  }
.Lfunc_end0:
.L_simem_size_0:
called_computation.2_lowered:
.L_overlay_start_0:
0x88: {  	s2 =	sld [smem:$0x3FD9]  }
0x89: {  	s3 =	sld [smem:$0x3FFE];
	_ =	sdelay $0x1  }
0x8a: {  	s1 =	srdreg.scid  }
0x8b: {  	s0 =	sand.u32 $0x1, s1  }
0x8c: {  	s17 =	sshll.u32 s0, $0xA;
	s2 =	sadd.s32 s3, s2  }
0x8d: {  	s2 =	sadd.s32 s2, s17  }
0x8e: {  	[smem:$0x3FC0] =	sst s2  }
0x8f: {  	_ = 	snop  }
0x90: {  	(tm) =	ssettm $0x1  }
0x91: {  	s18 =	sld [smem:$0x3FFB];
	_ =	sdelay $0x3  }
0x92: {  	_ =	strace s18  }
0x93: {  	s2 =	sld [smem:$0x3FFC];
	_ =	sdelay $0x3  }
0x94: {  	_ =	strace s2  }
0x95: {  	s2 =	sld [smem:$0x3FFD];
	_ =	sdelay $0x3  }
0x96: {  	_ =	strace s2  }
0x97: {  	_ =	strace $0x8FFFFFFF  }
0x98: {  	s19 =	sld [smem:$0x3FDB];
	_ =	sdelay $0x1  }
0x99: {  	s20 =	simm.s32 $_scs_section_size  }
0x9a: {  	s4 =	simm.s32 $_size__tile_overlayer_lowered;
	s5 =	simm.s32 $_tile_overlayer_lowered  }
0x9b: {  	s6 =	simm.s32 $0x1BFF;
	s21 =	sshll.u32 s5, $0x1;
	s3 =	sadd.s32 s20, s19  }
0x9c: {  	s22 =	simm.s32 $0x0;
	s4 =	sshll.u32 s4, $0x1;
	s5 =	sadd.s32 s21, s3  }
0x9d: {  	[timem:s22], [sflag:s6] =	dma.local [hbm:s5], s4  }
0x9e: {  	_ =	swait.ge [sflag:s6], s4  }
0x9f: {  	s4 =	ssub.s32 $0x0, s4;
	[sflag:s6] =	ssyncset.done $0x0  }
0xa0: {  	[sflag:s6] =	ssyncadd.s32 s4;
	_ =	sdelay $0x1  }
0xa1: {  	s23 =	simm.s32 $0x1B8B  }
0xa2: {  	_ =	swait.ge [sflag:s23], $0x1  }
0xa3: {  	[sflag:s23] =	ssyncset.done $0x0  }
0xa4: {  	[sflag:s23] =	ssyncadd.s32 $0xFFFFFFFF  }
0xa5: {  	s4 =	sld [smem:$0x0]  }
0xa6: {  	s5 =	sand.u32 $0xFFFFFFFE, s1  }
0xa7: {  	p0 =	sne.s32 s1, s5  }
0xa8: {  	s5 =	sshll.u32 @p0 s5, $0xE  }
0xa9: {  	s5 =	sadd.s32 @p0 $0x11B8D, s5;
	s6 =	sshll.u32 @p0 s4, $0x11  }
0xaa: {  	s5 =	sor.u32 @p0 s6, s5  }
0xab: {  	[sflag:s5] =	ssyncadd.remote.s32 @p0 $0x1;
	_ =	sdelay $0x1  }
0xac: {  	s5 =	simm.s32 @p0 $0x1B8D  }
0xad: {  	_ =	swait.eq @p0 [sflag:s5], $0x1  }
0xae: {  	[sflag:s5] =	ssyncadd.s32 @p0 $0xFFFFFFFF  }
0xaf: {  	s6 =	sshll.u32 @!p0 s1, $0xE  }
0xb0: {  	s6 =	sor.u32 @!p0 $0x4000, s6;
	s5 =	simm.s32 @!p0 $0x1B8D  }
0xb1: {  	s4 =	sshll.u32 @!p0 s4, $0x11;
	s6 =	sadd.s32 @!p0 $0x11B8D, s6;
	_ =	swait.eq @!p0 [sflag:s5], $0x1  }
0xb2: {  	s4 =	sor.u32 @!p0 s4, s6;
	[sflag:s5] =	ssyncadd.s32 @!p0 $0xFFFFFFFF  }
0xb3: {  	s25 =	simm.s32 $0x1B8E;
	s24 =	sld [smem:$0x3FFE];
	[sflag:s4] =	ssyncadd.remote.s32 @!p0 $0x1  }
0xb4: {  	s26 =	simm.s32 $execute0_lowered;
	[smem:$0x3FD2] =	sst s25  }
0xb5: {  	s5 =	sshll.u32 s26, $0x1;
	_ =	strace $0x8000004C;
	[dreg:$0x1] =	wrdreg $0xFFFFFFFF  }
0xb6: {  	s28 =	simm.s32 $_size_execute0_lowered;
	s3 =	sadd.s32 s3, s5;
	[dreg:$0x0] =	wrdreg $0x0  }
0xb7: {  	s5 =	sshll.u32 s28, $0x1;
	[dreg:$0x2] =	wrdreg s3  }
0xb8: {  	[dreg:$0x3] =	wrdreg s5  }
0xb9: {  	[dreg:$0x4] =	wrdreg $0xC0  }
0xba: {  	_ =	task [dreg:s22], $0x5FFFF  }
0xbb: {  	[dreg:$0x1] =	wrdreg $0xFFFFFFFF  }
0xbc: {  	[dreg:$0x0] =	wrdreg $0x60  }
0xbd: {  	[dreg:$0x2] =	wrdreg s24  }
0xbe: {  	[dreg:$0x3] =	wrdreg $0xB  }
0xbf: {  	_ =	task.clear_ibuf [dreg:s22], $0x4FFFF;
	_ =	strace $0x9000004C  }
0xc0: {  	s29 =	simm.s32 $0xB;
	_ =	strace $0x8000004E  }
0xc1: {  	_ =	swait.ge [sflag:s29], $0x1  }
0xc2: {  	[sflag:s29] =	ssyncadd.s32 $0xFFFFFFFF  }
0xc3: {  	_ =	strace $0x9000004E  }
0xc4: {  	_ =	sfence  }
0xc5: {  	s30 =	sld [smem:$0x0];
	_ =	sdelay $0x2  }
0xc6: {  	s31 =	sshll.u32 s1, $0xD;
	s1 =	sshrl.u32 s1, $0x2  }
0xc7: {  	s4 =	sand.u32 $0x4000, s31;
	s1 =	sadd.s32 s1, s30  }
0xc8: {  	s0 =	sor.u32 s4, s0;
	s1 =	sshll.u32 s1, $0x11  }
0xc9: {  	s0 =	sor.u32 s1, s0  }
0xca: {  	s0 =	sadd.s32 $0x8F2B, s0  }
0xcb: {  	[sflag:s0] =	ssyncadd.remote.s32 $0x1  }
0xcc: {  	_ =	sfence.sel $0xFFFF  }
0xcd: {  	[dreg:$0x0] =	wrdreg $0xFFFFFFFF;
	(pc) =	sbr.abs _section_cstart, $3  }
0xce: {  	[dreg:$0x1] =	wrdreg $0xFFFFFFFF  }
0xcf: {  	_ =	task.clear_ibuf [dreg:s22], $0x2FFFF;
	_ =	strace $0x9FFFFFFF  }
0xd0: {  	(tm) =	ssettm $0x7FFFFFFF  }
0xd1: {  	_ =	shalt  }
tec
execute0_lowered:
.L_overlay_start_1:
0x0: {  	(tag) =	ssettag $0x1  }
0x1: {  	s0 =	srdreg.scid  }
0x2: {  	s2 =	stileid.u32;
	s4 =	rddreg [dreg:$0x0];
	s3 =	simm.s32 $0x0  }
0x3: {  	s13 =	simm.s32 $0x5;
	s14 =	simm.s32 $0x80;
	s15 =	simm.s32 $0x1C00  }
0x4: {  	s16 =	simm.s32 $0x3C00;
	s18 =	simm.s32 $0x5C00;
	s20 =	simm.s32 $0x7C00  }
0x5: {  	s21 =	simm.s32 $0x1;
	s23 =	simm.s32 $0x9C00;
	s28 =	simm.s32 $0xDC00  }
0x6: {  	s30 =	simm.s32 $0xFC00;
	s31 =	simm.s32 $0x40;
	s24 =	simm.s32 $0x0  }
0x7: {  	s0 =	sand.u32 $0x1, s0;
	s1 =	sshll.u32 s2, $0x1;
	s7 =	smul.u32 $0x1C0000, s2  }
0x8: {  	s1 =	sor.u32 s0, s1;
	s6 =	ssub.s32 $0x2, s0;
	s0 =	smul.u32 $0xE0000, s0  }
0x9: {  	[smem:$0x7FF] =	sst s3;
	s3 =	sadd.s32 $0x189400, s4;
	s5 =	smul.u32 $0x380, s1  }
0xa: {  	_ =	strace $0x8000004D;
	s1 =	smul.u32 $0xE0000, s1;
	s8 =	sshrl.u32 s6, $0x1  }
0xb: {  	s6 =	ssub.s32 s6, s8;
	s0 =	sadd.s32 s0, s7;
	s5 =	sadd.s32 s5, s4  }
0xc: {  	s4 =	sadd.s32 $0x3CCA00, s4;
	s1 =	sshrl.u32 s1, $0x3;
	s26 =	smax.u32 s6, $0x1  }
0xd: {  	s29 =	sadd.s32 $0x30000, s0;
	s11 =	sadd.s32 $0x20000, s0;
	s0 =	simm.s32 $0x3  }
0xe: {  	s25 =	sadd.s32 $0x93A00, s5;
	[dreg:$0x3] =	wrdreg s26;
	s7 =	sadd.s32 s4, s1  }
0xf: {  	s1 =	sshrl.u32 s29, $0x3;
	s26 =	simm.s32 $0x4;
	[dreg:$0x2] =	wrdreg s25  }
0x10: {  	s8 =	sadd.s32 $0x2000, s7;
	s9 =	sadd.s32 $0x18000, s7;
	s10 =	sadd.s32 $0x1A000, s7  }
0x11: {  	s22 =	sadd.s32 s1, s4;
	s25 =	simm.s32 $0xBC00;
	s1 =	simm.s32 $0x2  }
.LBB2_1:
0x12: {  	s2 =	simm.s32 $0x0;
	s5 =	rddreg [dreg:$0x2]  }
0x13: {  	[tilespmem:s2], [sflag:$0x5] =	stream.linear.gather [hbm4b:s5+s2], $0x1C00, $0x38;
	[tilespmem:$0x11C00] =	vst v63  }
0x14: {  	_ =	swait.ge [sflag:s13], $0x1C00  }
0x15: {  	[sflag:s13] =	ssyncset.done $0x0  }
0x16: {  	[sflag:s13] =	ssyncadd.s32 $0xFFFFE400  }
0x17: {  	[tilespmem:s15], [sflag:$0x1] =	stream.indirect.gather [hbm4b:s3+s14], $0x40, s2, s14, $0xb8;
	[tilespmem:$0x11C00] =	vst v63  }
0x18: {  	_ = 	snop  }
0x19: {  	[tilespmem:s16], [sflag:$0x1] =	stream.indirect.gather [hbm4b:s3+s14], $0x40, s14, s14, $0xb8;
	[tilespmem:$0x11C00] =	vst v63  }
0x1a: {  	s17 =	simm.s32 $0x100  }
0x1b: {  	[tilespmem:s18], [sflag:$0x1] =	stream.indirect.gather [hbm4b:s3+s14], $0x40, s17, s14, $0xb8;
	[tilespmem:$0x11C00] =	vst v63  }
0x1c: {  	s19 =	simm.s32 $0x180  }
0x1d: {  	[tilespmem:s20], [sflag:$0x1] =	stream.indirect.gather [hbm4b:s3+s14], $0x40, s19, s14, $0xb8;
	[tilespmem:$0x11C00] =	vst v63  }
0x1e: {  	_ =	swait.ge [sflag:s21], $0x8000  }
0x1f: {  	[sflag:s21] =	ssyncset.done $0x0  }
0x20: {  	s5 =	simm.s32 $0x200;
	[sflag:s21] =	ssyncadd.s32 $0xFFFF8000  }
0x21: {  	[tilespmem:s23], [sflag:$0x2] =	stream.indirect.gather [hbm4b:s3+s14], $0x40, s5, s14, $0xb8;
	[tilespmem:$0x11C00] =	vst v63  }
0x22: {  	s6 =	simm.s32 $0x280  }
0x23: {  	[tilespmem:s25], [sflag:$0x2] =	stream.indirect.gather [hbm4b:s3+s14], $0x40, s6, s14, $0xb8;
	[tilespmem:$0x11C00] =	vst v63  }
0x24: {  	s12 =	simm.s32 $0x300  }
0x25: {  	[tilespmem:s28], [sflag:$0x2] =	stream.indirect.gather [hbm4b:s3+s14], $0x40, s12, s14, $0xb8;
	[tilespmem:$0x11C00] =	vst v63  }
0x26: {  	s17 =	simm.s32 $0x380  }
0x27: {  	[tilespmem:s30], [sflag:$0x2] =	stream.indirect.gather [hbm4b:s3+s14], $0x40, s17, s14, $0xb8;
	[tilespmem:$0x11C00] =	vst v63  }
0x28: {  	_ = 	snop  }
0x29: {  	[hbm4b:s7+s31] =	stream.strided.scatter [tilespmem:s15], [sflag:$0x3], $0x8000, s14, s31, $0x38;
	[tilespmem:$0x11C00] =	vst v63  }
0x2a: {  	_ =	swait.ge [sflag:s1], $0x8000  }
0x2b: {  	[sflag:s1] =	ssyncset.done $0x0  }
0x2c: {  	[sflag:s1] =	ssyncadd.s32 $0xFFFF8000  }
0x2d: {  	_ =	swait.ge [sflag:s0], $0x8000  }
0x2e: {  	[sflag:s0] =	ssyncset.done $0x0  }
0x2f: {  	s19 =	simm.s32 $0x400;
	[sflag:s0] =	ssyncadd.s32 $0xFFFF8000  }
0x30: {  	[tilespmem:s15], [sflag:$0x1] =	stream.indirect.gather [hbm4b:s3+s14], $0x40, s19, s14, $0xb8;
	[tilespmem:$0x11C00] =	vst v63  }
0x31: {  	s5 =	simm.s32 $0x480  }
0x32: {  	[tilespmem:s16], [sflag:$0x1] =	stream.indirect.gather [hbm4b:s3+s14], $0x40, s5, s14, $0xb8;
	[tilespmem:$0x11C00] =	vst v63  }
0x33: {  	s6 =	simm.s32 $0x500  }
0x34: {  	[tilespmem:s18], [sflag:$0x1] =	stream.indirect.gather [hbm4b:s3+s14], $0x40, s6, s14, $0xb8;
	[tilespmem:$0x11C00] =	vst v63  }
0x35: {  	s12 =	simm.s32 $0x580  }
0x36: {  	[tilespmem:s20], [sflag:$0x1] =	stream.indirect.gather [hbm4b:s3+s14], $0x40, s12, s14, $0xb8;
	[tilespmem:$0x11C00] =	vst v63  }
0x37: {  	_ = 	snop  }
0x38: {  	[hbm4b:s8+s31] =	stream.strided.scatter [tilespmem:s23], [sflag:$0x4], $0x8000, s14, s31, $0x38;
	[tilespmem:$0x11C00] =	vst v63  }
0x39: {  	_ =	swait.ge [sflag:s21], $0x8000  }
0x3a: {  	[sflag:s21] =	ssyncset.done $0x0  }
0x3b: {  	[sflag:s21] =	ssyncadd.s32 $0xFFFF8000  }
0x3c: {  	_ =	swait.ge [sflag:s26], $0x8000  }
0x3d: {  	[sflag:s26] =	ssyncset.done $0x0  }
0x3e: {  	s12 =	simm.s32 $0x600;
	[sflag:s26] =	ssyncadd.s32 $0xFFFF8000  }
0x3f: {  	[tilespmem:s23], [sflag:$0x2] =	stream.indirect.gather [hbm4b:s3+s14], $0x40, s12, s14, $0xb8;
	[tilespmem:$0x11C00] =	vst v63  }
0x40: {  	s17 =	simm.s32 $0x680  }
0x41: {  	[tilespmem:s25], [sflag:$0x2] =	stream.indirect.gather [hbm4b:s3+s14], $0x40, s17, s14, $0xb8;
	[tilespmem:$0x11C00] =	vst v63  }
0x42: {  	s19 =	simm.s32 $0x700  }
0x43: {  	[tilespmem:s28], [sflag:$0x2] =	stream.indirect.gather [hbm4b:s3+s14], $0x40, s19, s14, $0xb8;
	[tilespmem:$0x11C00] =	vst v63  }
0x44: {  	s2 =	sshrl.u32 s11, $0x3;
	s17 =	simm.s32 $0x780  }
0x45: {  	[tilespmem:s30], [sflag:$0x2] =	stream.indirect.gather [hbm4b:s3+s14], $0x40, s17, s14, $0xb8;
	[tilespmem:$0x11C00] =	vst v63  }
0x46: {  	s12 =	sadd.s32 s4, s2  }
0x47: {  	[hbm4b:s12+s31] =	stream.strided.scatter [tilespmem:s15], [sflag:$0x3], $0x8000, s14, s31, $0x38;
	[tilespmem:$0x11C00] =	vst v63  }
0x48: {  	_ =	swait.ge [sflag:s1], $0x8000  }
0x49: {  	[sflag:s1] =	ssyncset.done $0x0  }
0x4a: {  	[sflag:s1] =	ssyncadd.s32 $0xFFFF8000  }
0x4b: {  	_ =	swait.ge [sflag:s0], $0x8000  }
0x4c: {  	[sflag:s0] =	ssyncset.done $0x0  }
0x4d: {  	s5 =	simm.s32 $0x800;
	[sflag:s0] =	ssyncadd.s32 $0xFFFF8000  }
0x4e: {  	[tilespmem:s15], [sflag:$0x1] =	stream.indirect.gather [hbm4b:s3+s14], $0x40, s5, s14, $0xb8;
	[tilespmem:$0x11C00] =	vst v63  }
0x4f: {  	s6 =	simm.s32 $0x880  }
0x50: {  	[tilespmem:s16], [sflag:$0x1] =	stream.indirect.gather [hbm4b:s3+s14], $0x40, s6, s14, $0xb8;
	[tilespmem:$0x11C00] =	vst v63  }
0x51: {  	s17 =	simm.s32 $0x900  }
0x52: {  	[tilespmem:s18], [sflag:$0x1] =	stream.indirect.gather [hbm4b:s3+s14], $0x40, s17, s14, $0xb8;
	[tilespmem:$0x11C00] =	vst v63  }
0x53: {  	s29 =	simm.s32 $0x1000;
	s19 =	simm.s32 $0x980  }
0x54: {  	[tilespmem:s20], [sflag:$0x1] =	stream.indirect.gather [hbm4b:s3+s14], $0x40, s19, s14, $0xb8;
	[tilespmem:$0x11C00] =	vst v63  }
0x55: {  	s12 =	smov.u32 s22;
	s17 =	sadd.s32 $0x20000, s11;
	s19 =	sadd.s32 $0x4000, s22  }
.LBB2_2:
0x56: {  	[hbm4b:s12+s31] =	stream.strided.scatter [tilespmem:s23], [sflag:$0x4], $0x8000, s14, s31, $0x38;
	[tilespmem:$0x11C00] =	vst v63  }
0x57: {  	s2 =	smov.u32 s29;
	s12 =	smov.u32 s19  }
0x58: {  	p0 =	sne.s32 s29, $0x4000;
	s29 =	sadd.s32 $0x1000, s29;
	_ =	swait.ge [sflag:s21], $0x8000  }
0x59: {  	[sflag:s21] =	ssyncset.done $0x0  }
0x5a: {  	[sflag:s21] =	ssyncadd.s32 $0xFFFF8000  }
0x5b: {  	_ =	swait.ge [sflag:s26], $0x8000  }
0x5c: {  	s2 =	sshra.s32 s2, $0x2;
	[sflag:s26] =	ssyncset.done $0x0  }
0x5d: {  	s5 =	sadd.s32 $0x600, s2;
	[sflag:s26] =	ssyncadd.s32 $0xFFFF8000  }
0x5e: {  	[tilespmem:s23], [sflag:$0x2] =	stream.indirect.gather [hbm4b:s3+s14], $0x40, s5, s14, $0xb8;
	[tilespmem:$0x11C00] =	vst v63  }
0x5f: {  	s5 =	sadd.s32 $0x680, s2  }
0x60: {  	[tilespmem:s25], [sflag:$0x2] =	stream.indirect.gather [hbm4b:s3+s14], $0x40, s5, s14, $0xb8;
	[tilespmem:$0x11C00] =	vst v63  }
0x61: {  	s5 =	sadd.s32 $0x700, s2  }
0x62: {  	[tilespmem:s28], [sflag:$0x2] =	stream.indirect.gather [hbm4b:s3+s14], $0x40, s5, s14, $0xb8;
	[tilespmem:$0x11C00] =	vst v63  }
0x63: {  	s6 =	sadd.s32 $0x780, s2;
	s5 =	sshrl.u32 s17, $0x3  }
0x64: {  	[tilespmem:s30], [sflag:$0x2] =	stream.indirect.gather [hbm4b:s3+s14], $0x40, s6, s14, $0xb8;
	[tilespmem:$0x11C00] =	vst v63  }
0x65: {  	s5 =	sadd.s32 s4, s5  }
0x66: {  	[hbm4b:s5+s31] =	stream.strided.scatter [tilespmem:s15], [sflag:$0x3], $0x8000, s14, s31, $0x38;
	[tilespmem:$0x11C00] =	vst v63  }
0x67: {  	_ =	swait.ge [sflag:s1], $0x8000  }
0x68: {  	[sflag:s1] =	ssyncset.done $0x0  }
0x69: {  	[sflag:s1] =	ssyncadd.s32 $0xFFFF8000  }
0x6a: {  	_ =	swait.ge [sflag:s0], $0x8000  }
0x6b: {  	[sflag:s0] =	ssyncset.done $0x0  }
0x6c: {  	s5 =	sadd.s32 $0x800, s2;
	[sflag:s0] =	ssyncadd.s32 $0xFFFF8000  }
0x6d: {  	[tilespmem:s15], [sflag:$0x1] =	stream.indirect.gather [hbm4b:s3+s14], $0x40, s5, s14, $0xb8;
	[tilespmem:$0x11C00] =	vst v63  }
0x6e: {  	s5 =	sadd.s32 $0x880, s2  }
0x6f: {  	[tilespmem:s16], [sflag:$0x1] =	stream.indirect.gather [hbm4b:s3+s14], $0x40, s5, s14, $0xb8;
	[tilespmem:$0x11C00] =	vst v63  }
.Ltmp0:
0x70: {  	s5 =	sadd.s32 $0x900, s2;
	(pc) =	sbr.rel @p0 .LBB2_2-.Ltmp0, $4  }
0x71: {  	[tilespmem:s18], [sflag:$0x1] =	stream.indirect.gather [hbm4b:s3+s14], $0x40, s5, s14, $0xb8;
	[tilespmem:$0x11C00] =	vst v63  }
0x72: {  	s2 =	sadd.s32 $0x980, s2  }
0x73: {  	[tilespmem:s20], [sflag:$0x1] =	stream.indirect.gather [hbm4b:s3+s14], $0x40, s2, s14, $0xb8;
	[tilespmem:$0x11C00] =	vst v63  }
0x74: {  	s19 =	sadd.s32 $0x4000, s19;
	s17 =	sadd.s32 $0x20000, s17  }
0x75: {  	[hbm4b:s12+s31] =	stream.strided.scatter [tilespmem:s23], [sflag:$0x4], $0x8000, s14, s31, $0x38;
	[tilespmem:$0x11C00] =	vst v63  }
0x76: {  	_ =	swait.ge [sflag:s21], $0x8000  }
0x77: {  	[sflag:s21] =	ssyncset.done $0x0  }
0x78: {  	[sflag:s21] =	ssyncadd.s32 $0xFFFF8000  }
0x79: {  	_ =	swait.ge [sflag:s26], $0x8000  }
0x7a: {  	[sflag:s26] =	ssyncset.done $0x0  }
0x7b: {  	s2 =	simm.s32 $0x1A00;
	[sflag:s26] =	ssyncadd.s32 $0xFFFF8000  }
0x7c: {  	[tilespmem:s23], [sflag:$0x2] =	stream.indirect.gather [hbm4b:s3+s14], $0x40, s2, s14, $0xb8;
	[tilespmem:$0x11C00] =	vst v63  }
0x7d: {  	s12 =	simm.s32 $0x1A80  }
0x7e: {  	[tilespmem:s25], [sflag:$0x2] =	stream.indirect.gather [hbm4b:s3+s14], $0x40, s12, s14, $0xb8;
	[tilespmem:$0x11C00] =	vst v63  }
0x7f: {  	s17 =	simm.s32 $0x1B00  }
0x80: {  	[tilespmem:s28], [sflag:$0x2] =	stream.indirect.gather [hbm4b:s3+s14], $0x40, s17, s14, $0xb8;
	[tilespmem:$0x11C00] =	vst v63  }
0x81: {  	s19 =	simm.s32 $0x1B80  }
0x82: {  	[tilespmem:s30], [sflag:$0x2] =	stream.indirect.gather [hbm4b:s3+s14], $0x40, s19, s14, $0xb8;
	[tilespmem:$0x11C00] =	vst v63  }
0x83: {  	_ = 	snop  }
0x84: {  	[hbm4b:s9+s31] =	stream.strided.scatter [tilespmem:s15], [sflag:$0x3], $0x8000, s14, s31, $0x38;
	[tilespmem:$0x11C00] =	vst v63  }
0x85: {  	_ =	swait.ge [sflag:s1], $0x8000  }
0x86: {  	[sflag:s1] =	ssyncset.done $0x0  }
0x87: {  	[sflag:s1] =	ssyncadd.s32 $0xFFFF8000  }
0x88: {  	[hbm4b:s10+s31] =	stream.strided.scatter [tilespmem:s23], [sflag:$0x4], $0x8000, s14, s31, $0x38;
	[tilespmem:$0x11C00] =	vst v63  }
0x89: {  	_ =	swait.ge [sflag:s0], $0x8000  }
0x8a: {  	[sflag:s0] =	ssyncset.done $0x0  }
0x8b: {  	[sflag:s0] =	ssyncadd.s32 $0xFFFF8000  }
0x8c: {  	_ =	swait.ge [sflag:s26], $0x8000  }
0x8d: {  	s24 =	sadd.s32 $0x1, s24;
	s29 =	rddreg [dreg:$0x3]  }
0x8e: {  	p0 =	sne.s32 s24, s29  }
.Ltmp1:
0x8f: {  	_ = 	snop;
	(pc) =	sbr.rel @p0 .LBB2_1-.Ltmp1, $3  }
0x90: {  	_ =	sdelay $0x1  }
0x91: {  	[sflag:s26] =	ssyncset.done $0x0  }
0x92: {  	[sflag:s26] =	ssyncadd.s32 $0xFFFF8000  }
0x93: {  	_ =	sfence.sel $0x180000  }
0x94: {  	[bflag:$0x0] =	sbarrier.arrive $0xFFFF  }
0x95: {  	_ =	strace $0x9000004D  }
0x96: {  	s0 =	stileid.u32;
	[bflag:$0x2] =	sbarrier.arrive $0xFFFF  }
0x97: {  	p0 =	sne.s32 s0, $0x0;
	s0 =	rddreg [dreg:$0x1]  }
0x98: {  	s0 =	sadd.s32 @!p0 $0x100000, s0  }
0x99: {  	[sflag:s0] =	ssyncadd.tile.s32 @!p0 $0x1;
	_ =	shalt  }
.Lfunc_end2:
_tile_overlayer_lowered:
.L_overlay_start_2:
0x9a: {  	(tag) =	ssettag $0x2  }
0x9b: {  	s0 =	rddreg [dreg:$0x0];
	s2 =	stileid.u32  }
0x9c: {  	s1 =	rddreg [dreg:$0x1];
	p0 =	sne.s32 s2, $0x0  }
0x9d: {  	s3 =	rddreg [dreg:$0x2];
	[bflag:$0x3] =	sbarrier.arrive $0xFFFF;
	s2 =	simm.s32 @!p0 $0x1C05  }
0x9e: {  	[timem:s3], [sflag:s2] =	dma.local @!p0 [hbm:s0], s1  }
0x9f: {  	s0 =	simm.s32 @!p0 $0x5  }
0xa0: {  	_ =	swait.ge @!p0 [sflag:s0], s1  }
0xa1: {  	s1 =	ssub.s32 @!p0 $0x0, s1;
	[sflag:s0] =	ssyncset.done @!p0 $0x0  }
0xa2: {  	[sflag:s0] =	ssyncadd.s32 @!p0 s1  }
0xa3: {  	[bflag:$0x3] =	sbarrier.arrive $0xFFFF  }
0xa4: {  	_ =	shalt  }

// kernel: kernel.22.cloned.1.call-start
scs
__scs_entry_jumppad:
0x0: {  	(pc) =	sbr.rel $0x88, $3  }
0x1: {  	(tag) =	ssettag $0x0;
	lr =	simm.s32 $0x1  }
0x2: {  	[smem:$0x3F99] =	sst lr;
	_ =	strace $0xD0000000  }
0x3: {  	_ = 	snop  }
0x4: {  	_ = 	snop  }
0x5: {  	_ = 	snop  }
0x6: {  	_ = 	snop  }
0x7: {  	_ = 	snop  }
__scs_overlays_trampoline_lowered:
0x8: {  	[smem:$0x3FA8] =	sst s0  }
0x9: {  	[smem:$0x3FA9] =	sst s1  }
0xa: {  	[smem:$0x3FAA] =	sst s2  }
0xb: {  	[smem:$0x3FAB] =	sst s3  }
0xc: {  	[smem:$0x3FAC] =	sst s4  }
0xd: {  	[smem:$0x3FAD] =	sst s5  }
0xe: {  	[smem:$0x3FAE] =	sst s6  }
0xf: {  	[smem:$0x3FAF] =	sst s7  }
0x10: {  	[smem:$0x3FB0] =	sst s8  }
0x11: {  	[smem:$0x3FB1] =	sst s9;
	s0 =	simm.s32 @!p0 $0x0  }
0x12: {  	s1 =	sld [smem:$0x3F97];
	s0 =	simm.s32 @p0 $0x1  }
0x13: {  	[smem:$0x3FB2] =	sst s0;
	s0 =	simm.s32 @!p1 $0x0  }
0x14: {  	s2 =	sld [smem:$0x3F96];
	s0 =	simm.s32 @p1 $0x1  }
0x15: {  	[smem:$0x3FB3] =	sst s0;
	s0 =	simm.s32 @!p2 $0x0  }
0x16: {  	s3 =	sld [smem:$0x3FDB];
	s0 =	simm.s32 @p2 $0x1  }
0x17: {  	s4 =	simm.s32 $0x1BF5;
	[smem:$0x3FB5] =	sst s0  }
0x18: {  	s0 =	sld [smem:$0x3F98];
	_ =	swait.ge [sflag:s4], $0x0  }
0x19: {  	s7 =	sld [smem:$0x3F99]  }
0x1a: {  	s8 =	sadd.s32 $0xFFFFE003, lr  }
0x1b: {  	s9 =	sadd.s32 $0xFFFFFEF7, lr;
	s5 =	simm.s32 $0xFFFFFFFF;
	p2 =	slt.u32 s8, $0xFFFFF086  }
0x1c: {  	p1 =	slt.u32 s9, $0xF7A;
	s5 =	simm.s32 @!p2 $0x0  }
0x1d: {  	s5 =	simm.s32 @p1 $0x1;
	p0 =	seq.s32 s7, s2  }
0x1e: {  	s7 =	smul.u32 @!p0 $0xF7A, s2;
	p2 =	seq.s32 @!p0 s5, $0x0  }
0x1f: {  	s9 =	smul.u32 $0xF7A, s1;
	s8 =	simm.s32 @!p0 $0x1BF5;
	p2 =	por !p2, p0  }
0x20: {  	[sflag:s8] =	ssyncset.s32 @!p0 $0xFFFFF086;
	s6 =	sadd.s32 @!p0 s3, s7;
	s7 =	simm.s32 @!p0 $0x108  }
0x21: {  	s3 =	sadd.s32 s3, s9;
	s6 =	sadd.s32 @!p0 $0x88, s6;
	s7 =	simm.s32 @p2 $0x1082  }
0x22: {  	[simem:s7], [sflag:s8] =	dma.local @!p0 [hbm:s6], $0xF7A  }
0x23: {  	s9 =	sor.u32 $0xD0000000, s2;
	s6 =	simm.s32 $0x108;
	_ =	swait.ge @!p0 [sflag:s8], $0x0  }
0x24: {  	s3 =	sadd.s32 $0x88, s3;
	s6 =	simm.s32 @!p1 $0x1082;
	[sflag:s4] =	ssyncset.s32 $0xFFFFF086  }
0x25: {  	[simem:s6], [sflag:s4] =	dma.local [hbm:s3], $0xF7A  }
0x26: {  	[smem:$0x3F99] =	sst s1;
	(tag) =	ssettag s2;
	_ =	strace s9  }
0x27: {  	s1 =	sld [smem:$0x3FA9]  }
0x28: {  	s2 =	sld [smem:$0x3FAA]  }
0x29: {  	s4 =	sld [smem:$0x3FAC]  }
0x2a: {  	p0 =	seq.s32 s5, $0x0;
	s5 =	sld [smem:$0x3FAD]  }
0x2b: {  	s6 =	sld [smem:$0x3FAE]  }
0x2c: {  	s7 =	sld [smem:$0x3FAF]  }
0x2d: {  	s3 =	simm.s32 $0x108;
	s8 =	sld [smem:$0x3FB0]  }
0x2e: {  	s3 =	simm.s32 @!p0 $0x1082;
	s9 =	sld [smem:$0x3FB1]  }
0x2f: {  	lr =	sadd.s32 s0, s3;
	s0 =	sld [smem:$0x3FA8]  }
0x30: {  	s3 =	sld [smem:$0x3FAB]  }
0x31: {  	[smem:$0x3FB4] =	sst s10  }
0x32: {  	s10 =	sld [smem:$0x3FB2];
	_ =	sdelay $0x3  }
0x33: {  	p0 =	seq.s32 s10, $0x1;
	s10 =	sld [smem:$0x3FB4];
	_ =	sdelay $0x3  }
0x34: {  	[smem:$0x3FB4] =	sst s10  }
0x35: {  	s10 =	sld [smem:$0x3FB3];
	_ =	sdelay $0x3  }
0x36: {  	p1 =	seq.s32 s10, $0x1;
	s10 =	sld [smem:$0x3FB4];
	_ =	sdelay $0x3  }
0x37: {  	[smem:$0x3FB4] =	sst s10  }
0x38: {  	s10 =	sld [smem:$0x3FB5]  }
0x39: {  	_ = 	snop;
	(pc) =	sbr.ind lr, $3  }
0x3a: {  	_ = 	snop  }
0x3b: {  	_ = 	snop  }
0x3c: {  	p2 =	seq.s32 s10, $0x1;
	s10 =	sld [smem:$0x3FB4]  }
0x3d: {  	_ =	shalt  }
0x3e: {  	_ =	shalt  }
0x3f: {  	_ =	shalt  }
0x40: {  	_ =	shalt  }
0x41: {  	_ =	shalt  }
0x42: {  	_ =	shalt  }
0x43: {  	_ =	shalt  }
0x44: {  	_ =	shalt  }
0x45: {  	_ =	shalt  }
0x46: {  	_ =	shalt  }
0x47: {  	_ =	shalt  }
0x48: {  	_ =	shalt  }
0x49: {  	_ =	shalt  }
0x4a: {  	_ =	shalt  }
0x4b: {  	_ =	shalt  }
0x4c: {  	_ =	shalt  }
0x4d: {  	_ =	shalt  }
0x4e: {  	_ =	shalt  }
0x4f: {  	_ =	shalt  }
0x50: {  	_ =	shalt  }
0x51: {  	_ =	shalt  }
0x52: {  	_ =	shalt  }
0x53: {  	_ =	shalt  }
0x54: {  	_ =	shalt  }
0x55: {  	_ =	shalt  }
0x56: {  	_ =	shalt  }
0x57: {  	_ =	shalt  }
0x58: {  	_ =	shalt  }
0x59: {  	_ =	shalt  }
0x5a: {  	_ =	shalt  }
0x5b: {  	_ =	shalt  }
0x5c: {  	_ =	shalt  }
0x5d: {  	_ =	shalt  }
0x5e: {  	_ =	shalt  }
0x5f: {  	_ =	shalt  }
0x60: {  	_ =	shalt  }
0x61: {  	_ =	shalt  }
0x62: {  	_ =	shalt  }
0x63: {  	_ =	shalt  }
0x64: {  	_ =	shalt  }
0x65: {  	_ =	shalt  }
0x66: {  	_ =	shalt  }
0x67: {  	_ =	shalt  }
0x68: {  	_ =	shalt  }
0x69: {  	_ =	shalt  }
0x6a: {  	_ =	shalt  }
0x6b: {  	_ =	shalt  }
0x6c: {  	_ =	shalt  }
0x6d: {  	_ =	shalt  }
0x6e: {  	_ =	shalt  }
0x6f: {  	_ =	shalt  }
0x70: {  	_ =	shalt  }
0x71: {  	_ =	shalt  }
0x72: {  	_ =	shalt  }
0x73: {  	_ =	shalt  }
0x74: {  	_ =	shalt  }
0x75: {  	_ =	shalt  }
0x76: {  	_ =	shalt  }
0x77: {  	_ =	shalt  }
0x78: {  	_ =	shalt  }
0x79: {  	_ =	shalt  }
0x7a: {  	_ =	shalt  }
0x7b: {  	_ =	shalt  }
0x7c: {  	_ =	shalt  }
0x7d: {  	_ =	shalt  }
0x7e: {  	_ =	shalt  }
0x7f: {  	_ =	shalt  }
0x80: {  	_ =	shalt  }
0x81: {  	_ =	shalt  }
0x82: {  	_ =	shalt  }
0x83: {  	_ =	shalt  }
0x84: {  	_ =	shalt  }
0x85: {  	_ =	shalt  }
0x86: {  	_ =	shalt  }
0x87: {  	_ =	shalt  }
.Lfunc_end0:
.L_simem_size_0:
called_computation.3_lowered:
.L_overlay_start_0:
0x88: {  	s2 =	sld [smem:$0x3FD9]  }
0x89: {  	s3 =	sld [smem:$0x3FFE];
	_ =	sdelay $0x1  }
0x8a: {  	s1 =	srdreg.scid  }
0x8b: {  	s0 =	sand.u32 $0x1, s1  }
0x8c: {  	s17 =	sshll.u32 s0, $0xA;
	s2 =	sadd.s32 s3, s2  }
0x8d: {  	s2 =	sadd.s32 s2, s17  }
0x8e: {  	[smem:$0x3FC0] =	sst s2  }
0x8f: {  	_ = 	snop  }
0x90: {  	(tm) =	ssettm $0x1  }
0x91: {  	s18 =	sld [smem:$0x3FFB];
	_ =	sdelay $0x3  }
0x92: {  	_ =	strace s18  }
0x93: {  	s2 =	sld [smem:$0x3FFC];
	_ =	sdelay $0x3  }
0x94: {  	_ =	strace s2  }
0x95: {  	s2 =	sld [smem:$0x3FFD];
	_ =	sdelay $0x3  }
0x96: {  	_ =	strace s2  }
0x97: {  	_ =	strace $0x8FFFFFFF  }
0x98: {  	s19 =	sld [smem:$0x3FDB];
	_ =	sdelay $0x1  }
0x99: {  	s20 =	simm.s32 $_scs_section_size  }
0x9a: {  	s4 =	simm.s32 $_size__tile_overlayer_lowered;
	s5 =	simm.s32 $_tile_overlayer_lowered  }
0x9b: {  	s6 =	simm.s32 $0x1BFF;
	s21 =	sshll.u32 s5, $0x1;
	s3 =	sadd.s32 s20, s19  }
0x9c: {  	s22 =	simm.s32 $0x0;
	s4 =	sshll.u32 s4, $0x1;
	s5 =	sadd.s32 s21, s3  }
0x9d: {  	[timem:s22], [sflag:s6] =	dma.local [hbm:s5], s4  }
0x9e: {  	_ =	swait.ge [sflag:s6], s4  }
0x9f: {  	s4 =	ssub.s32 $0x0, s4;
	[sflag:s6] =	ssyncset.done $0x0  }
0xa0: {  	[sflag:s6] =	ssyncadd.s32 s4;
	_ =	sdelay $0x1  }
0xa1: {  	s23 =	simm.s32 $0x1B8B  }
0xa2: {  	_ =	swait.ge [sflag:s23], $0x1  }
0xa3: {  	[sflag:s23] =	ssyncset.done $0x0  }
0xa4: {  	[sflag:s23] =	ssyncadd.s32 $0xFFFFFFFF  }
0xa5: {  	s4 =	sld [smem:$0x0]  }
0xa6: {  	s5 =	sand.u32 $0xFFFFFFFE, s1  }
0xa7: {  	p0 =	sne.s32 s1, s5  }
0xa8: {  	s5 =	sshll.u32 @p0 s5, $0xE  }
0xa9: {  	s5 =	sadd.s32 @p0 $0x11B8D, s5;
	s6 =	sshll.u32 @p0 s4, $0x11  }
0xaa: {  	s5 =	sor.u32 @p0 s6, s5  }
0xab: {  	[sflag:s5] =	ssyncadd.remote.s32 @p0 $0x1;
	_ =	sdelay $0x1  }
0xac: {  	s5 =	simm.s32 @p0 $0x1B8D  }
0xad: {  	_ =	swait.eq @p0 [sflag:s5], $0x1  }
0xae: {  	[sflag:s5] =	ssyncadd.s32 @p0 $0xFFFFFFFF  }
0xaf: {  	s6 =	sshll.u32 @!p0 s1, $0xE  }
0xb0: {  	s6 =	sor.u32 @!p0 $0x4000, s6;
	s5 =	simm.s32 @!p0 $0x1B8D  }
0xb1: {  	s4 =	sshll.u32 @!p0 s4, $0x11;
	s6 =	sadd.s32 @!p0 $0x11B8D, s6;
	_ =	swait.eq @!p0 [sflag:s5], $0x1  }
0xb2: {  	s4 =	sor.u32 @!p0 s4, s6;
	[sflag:s5] =	ssyncadd.s32 @!p0 $0xFFFFFFFF  }
0xb3: {  	s25 =	simm.s32 $0x1B8E;
	s24 =	sld [smem:$0x3FFE];
	[sflag:s4] =	ssyncadd.remote.s32 @!p0 $0x1  }
0xb4: {  	s26 =	simm.s32 $execute0_lowered;
	[smem:$0x3FD2] =	sst s25  }
0xb5: {  	s5 =	sshll.u32 s26, $0x1;
	_ =	strace $0x8000004F;
	[dreg:$0x1] =	wrdreg $0xFFFFFFFF  }
0xb6: {  	s28 =	simm.s32 $_size_execute0_lowered;
	s3 =	sadd.s32 s3, s5;
	[dreg:$0x0] =	wrdreg $0x0  }
0xb7: {  	s5 =	sshll.u32 s28, $0x1;
	[dreg:$0x2] =	wrdreg s3  }
0xb8: {  	[dreg:$0x3] =	wrdreg s5  }
0xb9: {  	[dreg:$0x4] =	wrdreg $0xC0  }
0xba: {  	_ =	task [dreg:s22], $0x5FFFF  }
0xbb: {  	[dreg:$0x1] =	wrdreg $0xFFFFFFFF  }
0xbc: {  	[dreg:$0x0] =	wrdreg $0x60  }
0xbd: {  	[dreg:$0x2] =	wrdreg s24  }
0xbe: {  	[dreg:$0x3] =	wrdreg $0xC  }
0xbf: {  	_ =	task.clear_ibuf [dreg:s22], $0x4FFFF;
	_ =	strace $0x9000004F  }
0xc0: {  	s29 =	simm.s32 $0xC;
	_ =	strace $0x80000051  }
0xc1: {  	_ =	swait.ge [sflag:s29], $0x1  }
0xc2: {  	[sflag:s29] =	ssyncadd.s32 $0xFFFFFFFF  }
0xc3: {  	_ =	strace $0x90000051  }
0xc4: {  	_ =	sfence  }
0xc5: {  	s30 =	sld [smem:$0x0];
	_ =	sdelay $0x2  }
0xc6: {  	s31 =	sshll.u32 s1, $0xD;
	s1 =	sshrl.u32 s1, $0x2  }
0xc7: {  	s4 =	sand.u32 $0x4000, s31;
	s1 =	sadd.s32 s1, s30  }
0xc8: {  	s0 =	sor.u32 s4, s0;
	s1 =	sshll.u32 s1, $0x11  }
0xc9: {  	s0 =	sor.u32 s1, s0  }
0xca: {  	s0 =	sadd.s32 $0x8F2B, s0  }
0xcb: {  	[sflag:s0] =	ssyncadd.remote.s32 $0x1  }
0xcc: {  	_ =	sfence.sel $0xFFFF  }
0xcd: {  	[dreg:$0x0] =	wrdreg $0xFFFFFFFF;
	(pc) =	sbr.abs _section_cstart, $3  }
0xce: {  	[dreg:$0x1] =	wrdreg $0xFFFFFFFF  }
0xcf: {  	_ =	task.clear_ibuf [dreg:s22], $0x2FFFF;
	_ =	strace $0x9FFFFFFF  }
0xd0: {  	(tm) =	ssettm $0x7FFFFFFF  }
0xd1: {  	_ =	shalt  }
tec
execute0_lowered:
.L_overlay_start_1:
0x0: {  	(tag) =	ssettag $0x1  }
0x1: {  	s0 =	srdreg.scid  }
0x2: {  	s2 =	stileid.u32;
	s4 =	rddreg [dreg:$0x0];
	s3 =	simm.s32 $0x0  }
0x3: {  	s13 =	simm.s32 $0x5;
	s14 =	simm.s32 $0x80;
	s15 =	simm.s32 $0x1C00  }
0x4: {  	s16 =	simm.s32 $0x3C00;
	s18 =	simm.s32 $0x5C00;
	s20 =	simm.s32 $0x7C00  }
0x5: {  	s21 =	simm.s32 $0x1;
	s23 =	simm.s32 $0x9C00;
	s28 =	simm.s32 $0xDC00  }
0x6: {  	s30 =	simm.s32 $0xFC00;
	s31 =	simm.s32 $0x40;
	s24 =	simm.s32 $0x0  }
0x7: {  	s0 =	sand.u32 $0x1, s0;
	s1 =	sshll.u32 s2, $0x1;
	s7 =	smul.u32 $0x1C0000, s2  }
0x8: {  	s1 =	sor.u32 s0, s1;
	s6 =	ssub.s32 $0x2, s0;
	s0 =	smul.u32 $0xE0000, s0  }
0x9: {  	[smem:$0x7FF] =	sst s3;
	s3 =	sadd.s32 $0x189400, s4;
	s5 =	smul.u32 $0x380, s1  }
0xa: {  	_ =	strace $0x80000050;
	s1 =	smul.u32 $0xE0000, s1;
	s8 =	sshrl.u32 s6, $0x1  }
0xb: {  	s6 =	ssub.s32 s6, s8;
	s0 =	sadd.s32 s0, s7;
	s5 =	sadd.s32 s5, s4  }
0xc: {  	s4 =	sadd.s32 $0x74CA00, s4;
	s1 =	sshrl.u32 s1, $0x3;
	s26 =	smax.u32 s6, $0x1  }
0xd: {  	s29 =	sadd.s32 $0x30000, s0;
	s11 =	sadd.s32 $0x20000, s0;
	s0 =	simm.s32 $0x3  }
0xe: {  	s25 =	sadd.s32 $0x85A00, s5;
	[dreg:$0x3] =	wrdreg s26;
	s7 =	sadd.s32 s4, s1  }
0xf: {  	s1 =	sshrl.u32 s29, $0x3;
	s26 =	simm.s32 $0x4;
	[dreg:$0x2] =	wrdreg s25  }
0x10: {  	s8 =	sadd.s32 $0x2000, s7;
	s9 =	sadd.s32 $0x18000, s7;
	s10 =	sadd.s32 $0x1A000, s7  }
0x11: {  	s22 =	sadd.s32 s1, s4;
	s25 =	simm.s32 $0xBC00;
	s1 =	simm.s32 $0x2  }
.LBB2_1:
0x12: {  	s2 =	simm.s32 $0x0;
	s5 =	rddreg [dreg:$0x2]  }
0x13: {  	[tilespmem:s2], [sflag:$0x5] =	stream.linear.gather [hbm4b:s5+s2], $0x1C00, $0x38;
	[tilespmem:$0x11C00] =	vst v63  }
0x14: {  	_ =	swait.ge [sflag:s13], $0x1C00  }
0x15: {  	[sflag:s13] =	ssyncset.done $0x0  }
0x16: {  	[sflag:s13] =	ssyncadd.s32 $0xFFFFE400  }
0x17: {  	[tilespmem:s15], [sflag:$0x1] =	stream.indirect.gather [hbm4b:s3+s14], $0x40, s2, s14, $0xb8;
	[tilespmem:$0x11C00] =	vst v63  }
0x18: {  	_ = 	snop  }
0x19: {  	[tilespmem:s16], [sflag:$0x1] =	stream.indirect.gather [hbm4b:s3+s14], $0x40, s14, s14, $0xb8;
	[tilespmem:$0x11C00] =	vst v63  }
0x1a: {  	s17 =	simm.s32 $0x100  }
0x1b: {  	[tilespmem:s18], [sflag:$0x1] =	stream.indirect.gather [hbm4b:s3+s14], $0x40, s17, s14, $0xb8;
	[tilespmem:$0x11C00] =	vst v63  }
0x1c: {  	s19 =	simm.s32 $0x180  }
0x1d: {  	[tilespmem:s20], [sflag:$0x1] =	stream.indirect.gather [hbm4b:s3+s14], $0x40, s19, s14, $0xb8;
	[tilespmem:$0x11C00] =	vst v63  }
0x1e: {  	_ =	swait.ge [sflag:s21], $0x8000  }
0x1f: {  	[sflag:s21] =	ssyncset.done $0x0  }
0x20: {  	s5 =	simm.s32 $0x200;
	[sflag:s21] =	ssyncadd.s32 $0xFFFF8000  }
0x21: {  	[tilespmem:s23], [sflag:$0x2] =	stream.indirect.gather [hbm4b:s3+s14], $0x40, s5, s14, $0xb8;
	[tilespmem:$0x11C00] =	vst v63  }
0x22: {  	s6 =	simm.s32 $0x280  }
0x23: {  	[tilespmem:s25], [sflag:$0x2] =	stream.indirect.gather [hbm4b:s3+s14], $0x40, s6, s14, $0xb8;
	[tilespmem:$0x11C00] =	vst v63  }
0x24: {  	s12 =	simm.s32 $0x300  }
0x25: {  	[tilespmem:s28], [sflag:$0x2] =	stream.indirect.gather [hbm4b:s3+s14], $0x40, s12, s14, $0xb8;
	[tilespmem:$0x11C00] =	vst v63  }
0x26: {  	s17 =	simm.s32 $0x380  }
0x27: {  	[tilespmem:s30], [sflag:$0x2] =	stream.indirect.gather [hbm4b:s3+s14], $0x40, s17, s14, $0xb8;
	[tilespmem:$0x11C00] =	vst v63  }
0x28: {  	_ = 	snop  }
0x29: {  	[hbm4b:s7+s31] =	stream.strided.scatter [tilespmem:s15], [sflag:$0x3], $0x8000, s14, s31, $0x38;
	[tilespmem:$0x11C00] =	vst v63  }
0x2a: {  	_ =	swait.ge [sflag:s1], $0x8000  }
0x2b: {  	[sflag:s1] =	ssyncset.done $0x0  }
0x2c: {  	[sflag:s1] =	ssyncadd.s32 $0xFFFF8000  }
0x2d: {  	_ =	swait.ge [sflag:s0], $0x8000  }
0x2e: {  	[sflag:s0] =	ssyncset.done $0x0  }
0x2f: {  	s19 =	simm.s32 $0x400;
	[sflag:s0] =	ssyncadd.s32 $0xFFFF8000  }
0x30: {  	[tilespmem:s15], [sflag:$0x1] =	stream.indirect.gather [hbm4b:s3+s14], $0x40, s19, s14, $0xb8;
	[tilespmem:$0x11C00] =	vst v63  }
0x31: {  	s5 =	simm.s32 $0x480  }
0x32: {  	[tilespmem:s16], [sflag:$0x1] =	stream.indirect.gather [hbm4b:s3+s14], $0x40, s5, s14, $0xb8;
	[tilespmem:$0x11C00] =	vst v63  }
0x33: {  	s6 =	simm.s32 $0x500  }
0x34: {  	[tilespmem:s18], [sflag:$0x1] =	stream.indirect.gather [hbm4b:s3+s14], $0x40, s6, s14, $0xb8;
	[tilespmem:$0x11C00] =	vst v63  }
0x35: {  	s12 =	simm.s32 $0x580  }
0x36: {  	[tilespmem:s20], [sflag:$0x1] =	stream.indirect.gather [hbm4b:s3+s14], $0x40, s12, s14, $0xb8;
	[tilespmem:$0x11C00] =	vst v63  }
0x37: {  	_ = 	snop  }
0x38: {  	[hbm4b:s8+s31] =	stream.strided.scatter [tilespmem:s23], [sflag:$0x4], $0x8000, s14, s31, $0x38;
	[tilespmem:$0x11C00] =	vst v63  }
0x39: {  	_ =	swait.ge [sflag:s21], $0x8000  }
0x3a: {  	[sflag:s21] =	ssyncset.done $0x0  }
0x3b: {  	[sflag:s21] =	ssyncadd.s32 $0xFFFF8000  }
0x3c: {  	_ =	swait.ge [sflag:s26], $0x8000  }
0x3d: {  	[sflag:s26] =	ssyncset.done $0x0  }
0x3e: {  	s12 =	simm.s32 $0x600;
	[sflag:s26] =	ssyncadd.s32 $0xFFFF8000  }
0x3f: {  	[tilespmem:s23], [sflag:$0x2] =	stream.indirect.gather [hbm4b:s3+s14], $0x40, s12, s14, $0xb8;
	[tilespmem:$0x11C00] =	vst v63  }
0x40: {  	s17 =	simm.s32 $0x680  }
0x41: {  	[tilespmem:s25], [sflag:$0x2] =	stream.indirect.gather [hbm4b:s3+s14], $0x40, s17, s14, $0xb8;
	[tilespmem:$0x11C00] =	vst v63  }
0x42: {  	s19 =	simm.s32 $0x700  }
0x43: {  	[tilespmem:s28], [sflag:$0x2] =	stream.indirect.gather [hbm4b:s3+s14], $0x40, s19, s14, $0xb8;
	[tilespmem:$0x11C00] =	vst v63  }
0x44: {  	s2 =	sshrl.u32 s11, $0x3;
	s17 =	simm.s32 $0x780  }
0x45: {  	[tilespmem:s30], [sflag:$0x2] =	stream.indirect.gather [hbm4b:s3+s14], $0x40, s17, s14, $0xb8;
	[tilespmem:$0x11C00] =	vst v63  }
0x46: {  	s12 =	sadd.s32 s4, s2  }
0x47: {  	[hbm4b:s12+s31] =	stream.strided.scatter [tilespmem:s15], [sflag:$0x3], $0x8000, s14, s31, $0x38;
	[tilespmem:$0x11C00] =	vst v63  }
0x48: {  	_ =	swait.ge [sflag:s1], $0x8000  }
0x49: {  	[sflag:s1] =	ssyncset.done $0x0  }
0x4a: {  	[sflag:s1] =	ssyncadd.s32 $0xFFFF8000  }
0x4b: {  	_ =	swait.ge [sflag:s0], $0x8000  }
0x4c: {  	[sflag:s0] =	ssyncset.done $0x0  }
0x4d: {  	s5 =	simm.s32 $0x800;
	[sflag:s0] =	ssyncadd.s32 $0xFFFF8000  }
0x4e: {  	[tilespmem:s15], [sflag:$0x1] =	stream.indirect.gather [hbm4b:s3+s14], $0x40, s5, s14, $0xb8;
	[tilespmem:$0x11C00] =	vst v63  }
0x4f: {  	s6 =	simm.s32 $0x880  }
0x50: {  	[tilespmem:s16], [sflag:$0x1] =	stream.indirect.gather [hbm4b:s3+s14], $0x40, s6, s14, $0xb8;
	[tilespmem:$0x11C00] =	vst v63  }
0x51: {  	s17 =	simm.s32 $0x900  }
0x52: {  	[tilespmem:s18], [sflag:$0x1] =	stream.indirect.gather [hbm4b:s3+s14], $0x40, s17, s14, $0xb8;
	[tilespmem:$0x11C00] =	vst v63  }
0x53: {  	s29 =	simm.s32 $0x1000;
	s19 =	simm.s32 $0x980  }
0x54: {  	[tilespmem:s20], [sflag:$0x1] =	stream.indirect.gather [hbm4b:s3+s14], $0x40, s19, s14, $0xb8;
	[tilespmem:$0x11C00] =	vst v63  }
0x55: {  	s12 =	smov.u32 s22;
	s17 =	sadd.s32 $0x20000, s11;
	s19 =	sadd.s32 $0x4000, s22  }
.LBB2_2:
0x56: {  	[hbm4b:s12+s31] =	stream.strided.scatter [tilespmem:s23], [sflag:$0x4], $0x8000, s14, s31, $0x38;
	[tilespmem:$0x11C00] =	vst v63  }
0x57: {  	s2 =	smov.u32 s29;
	s12 =	smov.u32 s19  }
0x58: {  	p0 =	sne.s32 s29, $0x4000;
	s29 =	sadd.s32 $0x1000, s29;
	_ =	swait.ge [sflag:s21], $0x8000  }
0x59: {  	[sflag:s21] =	ssyncset.done $0x0  }
0x5a: {  	[sflag:s21] =	ssyncadd.s32 $0xFFFF8000  }
0x5b: {  	_ =	swait.ge [sflag:s26], $0x8000  }
0x5c: {  	s2 =	sshra.s32 s2, $0x2;
	[sflag:s26] =	ssyncset.done $0x0  }
0x5d: {  	s5 =	sadd.s32 $0x600, s2;
	[sflag:s26] =	ssyncadd.s32 $0xFFFF8000  }
0x5e: {  	[tilespmem:s23], [sflag:$0x2] =	stream.indirect.gather [hbm4b:s3+s14], $0x40, s5, s14, $0xb8;
	[tilespmem:$0x11C00] =	vst v63  }
0x5f: {  	s5 =	sadd.s32 $0x680, s2  }
0x60: {  	[tilespmem:s25], [sflag:$0x2] =	stream.indirect.gather [hbm4b:s3+s14], $0x40, s5, s14, $0xb8;
	[tilespmem:$0x11C00] =	vst v63  }
0x61: {  	s5 =	sadd.s32 $0x700, s2  }
0x62: {  	[tilespmem:s28], [sflag:$0x2] =	stream.indirect.gather [hbm4b:s3+s14], $0x40, s5, s14, $0xb8;
	[tilespmem:$0x11C00] =	vst v63  }
0x63: {  	s6 =	sadd.s32 $0x780, s2;
	s5 =	sshrl.u32 s17, $0x3  }
0x64: {  	[tilespmem:s30], [sflag:$0x2] =	stream.indirect.gather [hbm4b:s3+s14], $0x40, s6, s14, $0xb8;
	[tilespmem:$0x11C00] =	vst v63  }
0x65: {  	s5 =	sadd.s32 s4, s5  }
0x66: {  	[hbm4b:s5+s31] =	stream.strided.scatter [tilespmem:s15], [sflag:$0x3], $0x8000, s14, s31, $0x38;
	[tilespmem:$0x11C00] =	vst v63  }
0x67: {  	_ =	swait.ge [sflag:s1], $0x8000  }
0x68: {  	[sflag:s1] =	ssyncset.done $0x0  }
0x69: {  	[sflag:s1] =	ssyncadd.s32 $0xFFFF8000  }
0x6a: {  	_ =	swait.ge [sflag:s0], $0x8000  }
0x6b: {  	[sflag:s0] =	ssyncset.done $0x0  }
0x6c: {  	s5 =	sadd.s32 $0x800, s2;
	[sflag:s0] =	ssyncadd.s32 $0xFFFF8000  }
0x6d: {  	[tilespmem:s15], [sflag:$0x1] =	stream.indirect.gather [hbm4b:s3+s14], $0x40, s5, s14, $0xb8;
	[tilespmem:$0x11C00] =	vst v63  }
0x6e: {  	s5 =	sadd.s32 $0x880, s2  }
0x6f: {  	[tilespmem:s16], [sflag:$0x1] =	stream.indirect.gather [hbm4b:s3+s14], $0x40, s5, s14, $0xb8;
	[tilespmem:$0x11C00] =	vst v63  }
.Ltmp0:
0x70: {  	s5 =	sadd.s32 $0x900, s2;
	(pc) =	sbr.rel @p0 .LBB2_2-.Ltmp0, $4  }
0x71: {  	[tilespmem:s18], [sflag:$0x1] =	stream.indirect.gather [hbm4b:s3+s14], $0x40, s5, s14, $0xb8;
	[tilespmem:$0x11C00] =	vst v63  }
0x72: {  	s2 =	sadd.s32 $0x980, s2  }
0x73: {  	[tilespmem:s20], [sflag:$0x1] =	stream.indirect.gather [hbm4b:s3+s14], $0x40, s2, s14, $0xb8;
	[tilespmem:$0x11C00] =	vst v63  }
0x74: {  	s19 =	sadd.s32 $0x4000, s19;
	s17 =	sadd.s32 $0x20000, s17  }
0x75: {  	[hbm4b:s12+s31] =	stream.strided.scatter [tilespmem:s23], [sflag:$0x4], $0x8000, s14, s31, $0x38;
	[tilespmem:$0x11C00] =	vst v63  }
0x76: {  	_ =	swait.ge [sflag:s21], $0x8000  }
0x77: {  	[sflag:s21] =	ssyncset.done $0x0  }
0x78: {  	[sflag:s21] =	ssyncadd.s32 $0xFFFF8000  }
0x79: {  	_ =	swait.ge [sflag:s26], $0x8000  }
0x7a: {  	[sflag:s26] =	ssyncset.done $0x0  }
0x7b: {  	s2 =	simm.s32 $0x1A00;
	[sflag:s26] =	ssyncadd.s32 $0xFFFF8000  }
0x7c: {  	[tilespmem:s23], [sflag:$0x2] =	stream.indirect.gather [hbm4b:s3+s14], $0x40, s2, s14, $0xb8;
	[tilespmem:$0x11C00] =	vst v63  }
0x7d: {  	s12 =	simm.s32 $0x1A80  }
0x7e: {  	[tilespmem:s25], [sflag:$0x2] =	stream.indirect.gather [hbm4b:s3+s14], $0x40, s12, s14, $0xb8;
	[tilespmem:$0x11C00] =	vst v63  }
0x7f: {  	s17 =	simm.s32 $0x1B00  }
0x80: {  	[tilespmem:s28], [sflag:$0x2] =	stream.indirect.gather [hbm4b:s3+s14], $0x40, s17, s14, $0xb8;
	[tilespmem:$0x11C00] =	vst v63  }
0x81: {  	s19 =	simm.s32 $0x1B80  }
0x82: {  	[tilespmem:s30], [sflag:$0x2] =	stream.indirect.gather [hbm4b:s3+s14], $0x40, s19, s14, $0xb8;
	[tilespmem:$0x11C00] =	vst v63  }
0x83: {  	_ = 	snop  }
0x84: {  	[hbm4b:s9+s31] =	stream.strided.scatter [tilespmem:s15], [sflag:$0x3], $0x8000, s14, s31, $0x38;
	[tilespmem:$0x11C00] =	vst v63  }
0x85: {  	_ =	swait.ge [sflag:s1], $0x8000  }
0x86: {  	[sflag:s1] =	ssyncset.done $0x0  }
0x87: {  	[sflag:s1] =	ssyncadd.s32 $0xFFFF8000  }
0x88: {  	[hbm4b:s10+s31] =	stream.strided.scatter [tilespmem:s23], [sflag:$0x4], $0x8000, s14, s31, $0x38;
	[tilespmem:$0x11C00] =	vst v63  }
0x89: {  	_ =	swait.ge [sflag:s0], $0x8000  }
0x8a: {  	[sflag:s0] =	ssyncset.done $0x0  }
0x8b: {  	[sflag:s0] =	ssyncadd.s32 $0xFFFF8000  }
0x8c: {  	_ =	swait.ge [sflag:s26], $0x8000  }
0x8d: {  	s24 =	sadd.s32 $0x1, s24;
	s29 =	rddreg [dreg:$0x3]  }
0x8e: {  	p0 =	sne.s32 s24, s29  }
.Ltmp1:
0x8f: {  	_ = 	snop;
	(pc) =	sbr.rel @p0 .LBB2_1-.Ltmp1, $3  }
0x90: {  	_ =	sdelay $0x1  }
0x91: {  	[sflag:s26] =	ssyncset.done $0x0  }
0x92: {  	[sflag:s26] =	ssyncadd.s32 $0xFFFF8000  }
0x93: {  	_ =	sfence.sel $0x180000  }
0x94: {  	[bflag:$0x0] =	sbarrier.arrive $0xFFFF  }
0x95: {  	_ =	strace $0x90000050  }
0x96: {  	s0 =	stileid.u32;
	[bflag:$0x2] =	sbarrier.arrive $0xFFFF  }
0x97: {  	p0 =	sne.s32 s0, $0x0;
	s0 =	rddreg [dreg:$0x1]  }
0x98: {  	s0 =	sadd.s32 @!p0 $0x100000, s0  }
0x99: {  	[sflag:s0] =	ssyncadd.tile.s32 @!p0 $0x1;
	_ =	shalt  }
.Lfunc_end2:
_tile_overlayer_lowered:
.L_overlay_start_2:
0x9a: {  	(tag) =	ssettag $0x2  }
0x9b: {  	s0 =	rddreg [dreg:$0x0];
	s2 =	stileid.u32  }
0x9c: {  	s1 =	rddreg [dreg:$0x1];
	p0 =	sne.s32 s2, $0x0  }
0x9d: {  	s3 =	rddreg [dreg:$0x2];
	[bflag:$0x3] =	sbarrier.arrive $0xFFFF;
	s2 =	simm.s32 @!p0 $0x1C05  }
0x9e: {  	[timem:s3], [sflag:s2] =	dma.local @!p0 [hbm:s0], s1  }
0x9f: {  	s0 =	simm.s32 @!p0 $0x5  }
0xa0: {  	_ =	swait.ge @!p0 [sflag:s0], s1  }
0xa1: {  	s1 =	ssub.s32 @!p0 $0x0, s1;
	[sflag:s0] =	ssyncset.done @!p0 $0x0  }
0xa2: {  	[sflag:s0] =	ssyncadd.s32 @!p0 s1  }
0xa3: {  	[bflag:$0x3] =	sbarrier.arrive $0xFFFF  }
0xa4: {  	_ =	shalt  }

// kernel: kernel.25.cloned.1.call-start
scs
__scs_entry_jumppad:
0x0: {  	(pc) =	sbr.rel $0x88, $3  }
0x1: {  	(tag) =	ssettag $0x0;
	lr =	simm.s32 $0x1  }
0x2: {  	[smem:$0x3F99] =	sst lr;
	_ =	strace $0xD0000000  }
0x3: {  	_ = 	snop  }
0x4: {  	_ = 	snop  }
0x5: {  	_ = 	snop  }
0x6: {  	_ = 	snop  }
0x7: {  	_ = 	snop  }
__scs_overlays_trampoline_lowered:
0x8: {  	[smem:$0x3FA8] =	sst s0  }
0x9: {  	[smem:$0x3FA9] =	sst s1  }
0xa: {  	[smem:$0x3FAA] =	sst s2  }
0xb: {  	[smem:$0x3FAB] =	sst s3  }
0xc: {  	[smem:$0x3FAC] =	sst s4  }
0xd: {  	[smem:$0x3FAD] =	sst s5  }
0xe: {  	[smem:$0x3FAE] =	sst s6  }
0xf: {  	[smem:$0x3FAF] =	sst s7  }
0x10: {  	[smem:$0x3FB0] =	sst s8  }
0x11: {  	[smem:$0x3FB1] =	sst s9;
	s0 =	simm.s32 @!p0 $0x0  }
0x12: {  	s1 =	sld [smem:$0x3F97];
	s0 =	simm.s32 @p0 $0x1  }
0x13: {  	[smem:$0x3FB2] =	sst s0;
	s0 =	simm.s32 @!p1 $0x0  }
0x14: {  	s2 =	sld [smem:$0x3F96];
	s0 =	simm.s32 @p1 $0x1  }
0x15: {  	[smem:$0x3FB3] =	sst s0;
	s0 =	simm.s32 @!p2 $0x0  }
0x16: {  	s3 =	sld [smem:$0x3FDB];
	s0 =	simm.s32 @p2 $0x1  }
0x17: {  	s4 =	simm.s32 $0x1BF5;
	[smem:$0x3FB5] =	sst s0  }
0x18: {  	s0 =	sld [smem:$0x3F98];
	_ =	swait.ge [sflag:s4], $0x0  }
0x19: {  	s7 =	sld [smem:$0x3F99]  }
0x1a: {  	s8 =	sadd.s32 $0xFFFFE003, lr  }
0x1b: {  	s9 =	sadd.s32 $0xFFFFFEF7, lr;
	s5 =	simm.s32 $0xFFFFFFFF;
	p2 =	slt.u32 s8, $0xFFFFF086  }
0x1c: {  	p1 =	slt.u32 s9, $0xF7A;
	s5 =	simm.s32 @!p2 $0x0  }
0x1d: {  	s5 =	simm.s32 @p1 $0x1;
	p0 =	seq.s32 s7, s2  }
0x1e: {  	s7 =	smul.u32 @!p0 $0xF7A, s2;
	p2 =	seq.s32 @!p0 s5, $0x0  }
0x1f: {  	s9 =	smul.u32 $0xF7A, s1;
	s8 =	simm.s32 @!p0 $0x1BF5;
	p2 =	por !p2, p0  }
0x20: {  	[sflag:s8] =	ssyncset.s32 @!p0 $0xFFFFF086;
	s6 =	sadd.s32 @!p0 s3, s7;
	s7 =	simm.s32 @!p0 $0x108  }
0x21: {  	s3 =	sadd.s32 s3, s9;
	s6 =	sadd.s32 @!p0 $0x88, s6;
	s7 =	simm.s32 @p2 $0x1082  }
0x22: {  	[simem:s7], [sflag:s8] =	dma.local @!p0 [hbm:s6], $0xF7A  }
0x23: {  	s9 =	sor.u32 $0xD0000000, s2;
	s6 =	simm.s32 $0x108;
	_ =	swait.ge @!p0 [sflag:s8], $0x0  }
0x24: {  	s3 =	sadd.s32 $0x88, s3;
	s6 =	simm.s32 @!p1 $0x1082;
	[sflag:s4] =	ssyncset.s32 $0xFFFFF086  }
0x25: {  	[simem:s6], [sflag:s4] =	dma.local [hbm:s3], $0xF7A  }
0x26: {  	[smem:$0x3F99] =	sst s1;
	(tag) =	ssettag s2;
	_ =	strace s9  }
0x27: {  	s1 =	sld [smem:$0x3FA9]  }
0x28: {  	s2 =	sld [smem:$0x3FAA]  }
0x29: {  	s4 =	sld [smem:$0x3FAC]  }
0x2a: {  	p0 =	seq.s32 s5, $0x0;
	s5 =	sld [smem:$0x3FAD]  }
0x2b: {  	s6 =	sld [smem:$0x3FAE]  }
0x2c: {  	s7 =	sld [smem:$0x3FAF]  }
0x2d: {  	s3 =	simm.s32 $0x108;
	s8 =	sld [smem:$0x3FB0]  }
0x2e: {  	s3 =	simm.s32 @!p0 $0x1082;
	s9 =	sld [smem:$0x3FB1]  }
0x2f: {  	lr =	sadd.s32 s0, s3;
	s0 =	sld [smem:$0x3FA8]  }
0x30: {  	s3 =	sld [smem:$0x3FAB]  }
0x31: {  	[smem:$0x3FB4] =	sst s10  }
0x32: {  	s10 =	sld [smem:$0x3FB2];
	_ =	sdelay $0x3  }
0x33: {  	p0 =	seq.s32 s10, $0x1;
	s10 =	sld [smem:$0x3FB4];
	_ =	sdelay $0x3  }
0x34: {  	[smem:$0x3FB4] =	sst s10  }
0x35: {  	s10 =	sld [smem:$0x3FB3];
	_ =	sdelay $0x3  }
0x36: {  	p1 =	seq.s32 s10, $0x1;
	s10 =	sld [smem:$0x3FB4];
	_ =	sdelay $0x3  }
0x37: {  	[smem:$0x3FB4] =	sst s10  }
0x38: {  	s10 =	sld [smem:$0x3FB5]  }
0x39: {  	_ = 	snop;
	(pc) =	sbr.ind lr, $3  }
0x3a: {  	_ = 	snop  }
0x3b: {  	_ = 	snop  }
0x3c: {  	p2 =	seq.s32 s10, $0x1;
	s10 =	sld [smem:$0x3FB4]  }
0x3d: {  	_ =	shalt  }
0x3e: {  	_ =	shalt  }
0x3f: {  	_ =	shalt  }
0x40: {  	_ =	shalt  }
0x41: {  	_ =	shalt  }
0x42: {  	_ =	shalt  }
0x43: {  	_ =	shalt  }
0x44: {  	_ =	shalt  }
0x45: {  	_ =	shalt  }
0x46: {  	_ =	shalt  }
0x47: {  	_ =	shalt  }
0x48: {  	_ =	shalt  }
0x49: {  	_ =	shalt  }
0x4a: {  	_ =	shalt  }
0x4b: {  	_ =	shalt  }
0x4c: {  	_ =	shalt  }
0x4d: {  	_ =	shalt  }
0x4e: {  	_ =	shalt  }
0x4f: {  	_ =	shalt  }
0x50: {  	_ =	shalt  }
0x51: {  	_ =	shalt  }
0x52: {  	_ =	shalt  }
0x53: {  	_ =	shalt  }
0x54: {  	_ =	shalt  }
0x55: {  	_ =	shalt  }
0x56: {  	_ =	shalt  }
0x57: {  	_ =	shalt  }
0x58: {  	_ =	shalt  }
0x59: {  	_ =	shalt  }
0x5a: {  	_ =	shalt  }
0x5b: {  	_ =	shalt  }
0x5c: {  	_ =	shalt  }
0x5d: {  	_ =	shalt  }
0x5e: {  	_ =	shalt  }
0x5f: {  	_ =	shalt  }
0x60: {  	_ =	shalt  }
0x61: {  	_ =	shalt  }
0x62: {  	_ =	shalt  }
0x63: {  	_ =	shalt  }
0x64: {  	_ =	shalt  }
0x65: {  	_ =	shalt  }
0x66: {  	_ =	shalt  }
0x67: {  	_ =	shalt  }
0x68: {  	_ =	shalt  }
0x69: {  	_ =	shalt  }
0x6a: {  	_ =	shalt  }
0x6b: {  	_ =	shalt  }
0x6c: {  	_ =	shalt  }
0x6d: {  	_ =	shalt  }
0x6e: {  	_ =	shalt  }
0x6f: {  	_ =	shalt  }
0x70: {  	_ =	shalt  }
0x71: {  	_ =	shalt  }
0x72: {  	_ =	shalt  }
0x73: {  	_ =	shalt  }
0x74: {  	_ =	shalt  }
0x75: {  	_ =	shalt  }
0x76: {  	_ =	shalt  }
0x77: {  	_ =	shalt  }
0x78: {  	_ =	shalt  }
0x79: {  	_ =	shalt  }
0x7a: {  	_ =	shalt  }
0x7b: {  	_ =	shalt  }
0x7c: {  	_ =	shalt  }
0x7d: {  	_ =	shalt  }
0x7e: {  	_ =	shalt  }
0x7f: {  	_ =	shalt  }
0x80: {  	_ =	shalt  }
0x81: {  	_ =	shalt  }
0x82: {  	_ =	shalt  }
0x83: {  	_ =	shalt  }
0x84: {  	_ =	shalt  }
0x85: {  	_ =	shalt  }
0x86: {  	_ =	shalt  }
0x87: {  	_ =	shalt  }
.Lfunc_end0:
.L_simem_size_0:
called_computation.4_lowered:
.L_overlay_start_0:
0x88: {  	s2 =	sld [smem:$0x3FD9]  }
0x89: {  	s3 =	sld [smem:$0x3FFE];
	_ =	sdelay $0x1  }
0x8a: {  	s1 =	srdreg.scid  }
0x8b: {  	s0 =	sand.u32 $0x1, s1  }
0x8c: {  	s17 =	sshll.u32 s0, $0xA;
	s2 =	sadd.s32 s3, s2  }
0x8d: {  	s2 =	sadd.s32 s2, s17  }
0x8e: {  	[smem:$0x3FC0] =	sst s2  }
0x8f: {  	_ = 	snop  }
0x90: {  	(tm) =	ssettm $0x1  }
0x91: {  	s18 =	sld [smem:$0x3FFB];
	_ =	sdelay $0x3  }
0x92: {  	_ =	strace s18  }
0x93: {  	s2 =	sld [smem:$0x3FFC];
	_ =	sdelay $0x3  }
0x94: {  	_ =	strace s2  }
0x95: {  	s2 =	sld [smem:$0x3FFD];
	_ =	sdelay $0x3  }
0x96: {  	_ =	strace s2  }
0x97: {  	_ =	strace $0x8FFFFFFF  }
0x98: {  	s19 =	sld [smem:$0x3FDB];
	_ =	sdelay $0x1  }
0x99: {  	s20 =	simm.s32 $_scs_section_size  }
0x9a: {  	s4 =	simm.s32 $_size__tile_overlayer_lowered;
	s5 =	simm.s32 $_tile_overlayer_lowered  }
0x9b: {  	s6 =	simm.s32 $0x1BFF;
	s21 =	sshll.u32 s5, $0x1;
	s3 =	sadd.s32 s20, s19  }
0x9c: {  	s22 =	simm.s32 $0x0;
	s4 =	sshll.u32 s4, $0x1;
	s5 =	sadd.s32 s21, s3  }
0x9d: {  	[timem:s22], [sflag:s6] =	dma.local [hbm:s5], s4  }
0x9e: {  	_ =	swait.ge [sflag:s6], s4  }
0x9f: {  	s4 =	ssub.s32 $0x0, s4;
	[sflag:s6] =	ssyncset.done $0x0  }
0xa0: {  	[sflag:s6] =	ssyncadd.s32 s4;
	_ =	sdelay $0x1  }
0xa1: {  	s23 =	simm.s32 $0x1B8B  }
0xa2: {  	_ =	swait.ge [sflag:s23], $0x1  }
0xa3: {  	[sflag:s23] =	ssyncset.done $0x0  }
0xa4: {  	[sflag:s23] =	ssyncadd.s32 $0xFFFFFFFF  }
0xa5: {  	s4 =	sld [smem:$0x0]  }
0xa6: {  	s5 =	sand.u32 $0xFFFFFFFE, s1  }
0xa7: {  	p0 =	sne.s32 s1, s5  }
0xa8: {  	s5 =	sshll.u32 @p0 s5, $0xE  }
0xa9: {  	s5 =	sadd.s32 @p0 $0x11B8D, s5;
	s6 =	sshll.u32 @p0 s4, $0x11  }
0xaa: {  	s5 =	sor.u32 @p0 s6, s5  }
0xab: {  	[sflag:s5] =	ssyncadd.remote.s32 @p0 $0x1;
	_ =	sdelay $0x1  }
0xac: {  	s5 =	simm.s32 @p0 $0x1B8D  }
0xad: {  	_ =	swait.eq @p0 [sflag:s5], $0x1  }
0xae: {  	[sflag:s5] =	ssyncadd.s32 @p0 $0xFFFFFFFF  }
0xaf: {  	s6 =	sshll.u32 @!p0 s1, $0xE  }
0xb0: {  	s6 =	sor.u32 @!p0 $0x4000, s6;
	s5 =	simm.s32 @!p0 $0x1B8D  }
0xb1: {  	s4 =	sshll.u32 @!p0 s4, $0x11;
	s6 =	sadd.s32 @!p0 $0x11B8D, s6;
	_ =	swait.eq @!p0 [sflag:s5], $0x1  }
0xb2: {  	s4 =	sor.u32 @!p0 s4, s6;
	[sflag:s5] =	ssyncadd.s32 @!p0 $0xFFFFFFFF  }
0xb3: {  	s25 =	simm.s32 $0x1B8E;
	s24 =	sld [smem:$0x3FFE];
	[sflag:s4] =	ssyncadd.remote.s32 @!p0 $0x1  }
0xb4: {  	s26 =	simm.s32 $execute0_lowered;
	[smem:$0x3FD2] =	sst s25  }
0xb5: {  	s5 =	sshll.u32 s26, $0x1;
	_ =	strace $0x80000052;
	[dreg:$0x1] =	wrdreg $0xFFFFFFFF  }
0xb6: {  	s28 =	simm.s32 $_size_execute0_lowered;
	s3 =	sadd.s32 s3, s5;
	[dreg:$0x0] =	wrdreg $0x0  }
0xb7: {  	s5 =	sshll.u32 s28, $0x1;
	[dreg:$0x2] =	wrdreg s3  }
0xb8: {  	[dreg:$0x3] =	wrdreg s5  }
0xb9: {  	[dreg:$0x4] =	wrdreg $0xC0  }
0xba: {  	_ =	task [dreg:s22], $0x5FFFF  }
0xbb: {  	[dreg:$0x1] =	wrdreg $0xFFFFFFFF  }
0xbc: {  	[dreg:$0x0] =	wrdreg $0x60  }
0xbd: {  	[dreg:$0x2] =	wrdreg s24  }
0xbe: {  	[dreg:$0x3] =	wrdreg $0xD  }
0xbf: {  	_ =	task.clear_ibuf [dreg:s22], $0x4FFFF;
	_ =	strace $0x90000052  }
0xc0: {  	s29 =	simm.s32 $0xD;
	_ =	strace $0x80000054  }
0xc1: {  	_ =	swait.ge [sflag:s29], $0x1  }
0xc2: {  	[sflag:s29] =	ssyncadd.s32 $0xFFFFFFFF  }
0xc3: {  	_ =	strace $0x90000054  }
0xc4: {  	_ =	sfence  }
0xc5: {  	s30 =	sld [smem:$0x0];
	_ =	sdelay $0x2  }
0xc6: {  	s31 =	sshll.u32 s1, $0xD;
	s1 =	sshrl.u32 s1, $0x2  }
0xc7: {  	s4 =	sand.u32 $0x4000, s31;
	s1 =	sadd.s32 s1, s30  }
0xc8: {  	s0 =	sor.u32 s4, s0;
	s1 =	sshll.u32 s1, $0x11  }
0xc9: {  	s0 =	sor.u32 s1, s0  }
0xca: {  	s0 =	sadd.s32 $0x8F2B, s0  }
0xcb: {  	[sflag:s0] =	ssyncadd.remote.s32 $0x1  }
0xcc: {  	_ =	sfence.sel $0xFFFF  }
0xcd: {  	[dreg:$0x0] =	wrdreg $0xFFFFFFFF;
	(pc) =	sbr.abs _section_cstart, $3  }
0xce: {  	[dreg:$0x1] =	wrdreg $0xFFFFFFFF  }
0xcf: {  	_ =	task.clear_ibuf [dreg:s22], $0x2FFFF;
	_ =	strace $0x9FFFFFFF  }
0xd0: {  	(tm) =	ssettm $0x7FFFFFFF  }
0xd1: {  	_ =	shalt  }
tec
execute0_lowered:
.L_overlay_start_1:
0x0: {  	(tag) =	ssettag $0x1  }
0x1: {  	s0 =	srdreg.scid  }
0x2: {  	s2 =	stileid.u32;
	s4 =	rddreg [dreg:$0x0];
	s3 =	simm.s32 $0x0  }
0x3: {  	s13 =	simm.s32 $0x5;
	s14 =	simm.s32 $0x80;
	s15 =	simm.s32 $0x1C00  }
0x4: {  	s16 =	simm.s32 $0x3C00;
	s18 =	simm.s32 $0x5C00;
	s20 =	simm.s32 $0x7C00  }
0x5: {  	s21 =	simm.s32 $0x1;
	s23 =	simm.s32 $0x9C00;
	s28 =	simm.s32 $0xDC00  }
0x6: {  	s30 =	simm.s32 $0xFC00;
	s31 =	simm.s32 $0x40;
	s24 =	simm.s32 $0x0  }
0x7: {  	s0 =	sand.u32 $0x1, s0;
	s1 =	sshll.u32 s2, $0x1;
	s7 =	smul.u32 $0x1C0000, s2  }
0x8: {  	s1 =	sor.u32 s0, s1;
	s6 =	ssub.s32 $0x2, s0;
	s0 =	smul.u32 $0xE0000, s0  }
0x9: {  	[smem:$0x7FF] =	sst s3;
	s3 =	sadd.s32 $0x189400, s4;
	s5 =	smul.u32 $0x380, s1  }
0xa: {  	_ =	strace $0x80000053;
	s1 =	smul.u32 $0xE0000, s1;
	s8 =	sshrl.u32 s6, $0x1  }
0xb: {  	s6 =	ssub.s32 s6, s8;
	s0 =	sadd.s32 s0, s7;
	s5 =	sadd.s32 s5, s4  }
0xc: {  	s4 =	sadd.s32 $0xACCA00, s4;
	s1 =	sshrl.u32 s1, $0x3;
	s26 =	smax.u32 s6, $0x1  }
0xd: {  	s29 =	sadd.s32 $0x30000, s0;
	s11 =	sadd.s32 $0x20000, s0;
	s0 =	simm.s32 $0x3  }
0xe: {  	s25 =	sadd.s32 $0x8CA00, s5;
	[dreg:$0x3] =	wrdreg s26;
	s7 =	sadd.s32 s4, s1  }
0xf: {  	s1 =	sshrl.u32 s29, $0x3;
	s26 =	simm.s32 $0x4;
	[dreg:$0x2] =	wrdreg s25  }
0x10: {  	s8 =	sadd.s32 $0x2000, s7;
	s9 =	sadd.s32 $0x18000, s7;
	s10 =	sadd.s32 $0x1A000, s7  }
0x11: {  	s22 =	sadd.s32 s1, s4;
	s25 =	simm.s32 $0xBC00;
	s1 =	simm.s32 $0x2  }
.LBB2_1:
0x12: {  	s2 =	simm.s32 $0x0;
	s5 =	rddreg [dreg:$0x2]  }
0x13: {  	[tilespmem:s2], [sflag:$0x5] =	stream.linear.gather [hbm4b:s5+s2], $0x1C00, $0x38;
	[tilespmem:$0x11C00] =	vst v63  }
0x14: {  	_ =	swait.ge [sflag:s13], $0x1C00  }
0x15: {  	[sflag:s13] =	ssyncset.done $0x0  }
0x16: {  	[sflag:s13] =	ssyncadd.s32 $0xFFFFE400  }
0x17: {  	[tilespmem:s15], [sflag:$0x1] =	stream.indirect.gather [hbm4b:s3+s14], $0x40, s2, s14, $0xb8;
	[tilespmem:$0x11C00] =	vst v63  }
0x18: {  	_ = 	snop  }
0x19: {  	[tilespmem:s16], [sflag:$0x1] =	stream.indirect.gather [hbm4b:s3+s14], $0x40, s14, s14, $0xb8;
	[tilespmem:$0x11C00] =	vst v63  }
0x1a: {  	s17 =	simm.s32 $0x100  }
0x1b: {  	[tilespmem:s18], [sflag:$0x1] =	stream.indirect.gather [hbm4b:s3+s14], $0x40, s17, s14, $0xb8;
	[tilespmem:$0x11C00] =	vst v63  }
0x1c: {  	s19 =	simm.s32 $0x180  }
0x1d: {  	[tilespmem:s20], [sflag:$0x1] =	stream.indirect.gather [hbm4b:s3+s14], $0x40, s19, s14, $0xb8;
	[tilespmem:$0x11C00] =	vst v63  }
0x1e: {  	_ =	swait.ge [sflag:s21], $0x8000  }
0x1f: {  	[sflag:s21] =	ssyncset.done $0x0  }
0x20: {  	s5 =	simm.s32 $0x200;
	[sflag:s21] =	ssyncadd.s32 $0xFFFF8000  }
0x21: {  	[tilespmem:s23], [sflag:$0x2] =	stream.indirect.gather [hbm4b:s3+s14], $0x40, s5, s14, $0xb8;
	[tilespmem:$0x11C00] =	vst v63  }
0x22: {  	s6 =	simm.s32 $0x280  }
0x23: {  	[tilespmem:s25], [sflag:$0x2] =	stream.indirect.gather [hbm4b:s3+s14], $0x40, s6, s14, $0xb8;
	[tilespmem:$0x11C00] =	vst v63  }
0x24: {  	s12 =	simm.s32 $0x300  }
0x25: {  	[tilespmem:s28], [sflag:$0x2] =	stream.indirect.gather [hbm4b:s3+s14], $0x40, s12, s14, $0xb8;
	[tilespmem:$0x11C00] =	vst v63  }
0x26: {  	s17 =	simm.s32 $0x380  }
0x27: {  	[tilespmem:s30], [sflag:$0x2] =	stream.indirect.gather [hbm4b:s3+s14], $0x40, s17, s14, $0xb8;
	[tilespmem:$0x11C00] =	vst v63  }
0x28: {  	_ = 	snop  }
0x29: {  	[hbm4b:s7+s31] =	stream.strided.scatter [tilespmem:s15], [sflag:$0x3], $0x8000, s14, s31, $0x38;
	[tilespmem:$0x11C00] =	vst v63  }
0x2a: {  	_ =	swait.ge [sflag:s1], $0x8000  }
0x2b: {  	[sflag:s1] =	ssyncset.done $0x0  }
0x2c: {  	[sflag:s1] =	ssyncadd.s32 $0xFFFF8000  }
0x2d: {  	_ =	swait.ge [sflag:s0], $0x8000  }
0x2e: {  	[sflag:s0] =	ssyncset.done $0x0  }
0x2f: {  	s19 =	simm.s32 $0x400;
	[sflag:s0] =	ssyncadd.s32 $0xFFFF8000  }
0x30: {  	[tilespmem:s15], [sflag:$0x1] =	stream.indirect.gather [hbm4b:s3+s14], $0x40, s19, s14, $0xb8;
	[tilespmem:$0x11C00] =	vst v63  }
0x31: {  	s5 =	simm.s32 $0x480  }
0x32: {  	[tilespmem:s16], [sflag:$0x1] =	stream.indirect.gather [hbm4b:s3+s14], $0x40, s5, s14, $0xb8;
	[tilespmem:$0x11C00] =	vst v63  }
0x33: {  	s6 =	simm.s32 $0x500  }
0x34: {  	[tilespmem:s18], [sflag:$0x1] =	stream.indirect.gather [hbm4b:s3+s14], $0x40, s6, s14, $0xb8;
	[tilespmem:$0x11C00] =	vst v63  }
0x35: {  	s12 =	simm.s32 $0x580  }
0x36: {  	[tilespmem:s20], [sflag:$0x1] =	stream.indirect.gather [hbm4b:s3+s14], $0x40, s12, s14, $0xb8;
	[tilespmem:$0x11C00] =	vst v63  }
0x37: {  	_ = 	snop  }
0x38: {  	[hbm4b:s8+s31] =	stream.strided.scatter [tilespmem:s23], [sflag:$0x4], $0x8000, s14, s31, $0x38;
	[tilespmem:$0x11C00] =	vst v63  }
0x39: {  	_ =	swait.ge [sflag:s21], $0x8000  }
0x3a: {  	[sflag:s21] =	ssyncset.done $0x0  }
0x3b: {  	[sflag:s21] =	ssyncadd.s32 $0xFFFF8000  }
0x3c: {  	_ =	swait.ge [sflag:s26], $0x8000  }
0x3d: {  	[sflag:s26] =	ssyncset.done $0x0  }
0x3e: {  	s12 =	simm.s32 $0x600;
	[sflag:s26] =	ssyncadd.s32 $0xFFFF8000  }
0x3f: {  	[tilespmem:s23], [sflag:$0x2] =	stream.indirect.gather [hbm4b:s3+s14], $0x40, s12, s14, $0xb8;
	[tilespmem:$0x11C00] =	vst v63  }
0x40: {  	s17 =	simm.s32 $0x680  }
0x41: {  	[tilespmem:s25], [sflag:$0x2] =	stream.indirect.gather [hbm4b:s3+s14], $0x40, s17, s14, $0xb8;
	[tilespmem:$0x11C00] =	vst v63  }
0x42: {  	s19 =	simm.s32 $0x700  }
0x43: {  	[tilespmem:s28], [sflag:$0x2] =	stream.indirect.gather [hbm4b:s3+s14], $0x40, s19, s14, $0xb8;
	[tilespmem:$0x11C00] =	vst v63  }
0x44: {  	s2 =	sshrl.u32 s11, $0x3;
	s17 =	simm.s32 $0x780  }
0x45: {  	[tilespmem:s30], [sflag:$0x2] =	stream.indirect.gather [hbm4b:s3+s14], $0x40, s17, s14, $0xb8;
	[tilespmem:$0x11C00] =	vst v63  }
0x46: {  	s12 =	sadd.s32 s4, s2  }
0x47: {  	[hbm4b:s12+s31] =	stream.strided.scatter [tilespmem:s15], [sflag:$0x3], $0x8000, s14, s31, $0x38;
	[tilespmem:$0x11C00] =	vst v63  }
0x48: {  	_ =	swait.ge [sflag:s1], $0x8000  }
0x49: {  	[sflag:s1] =	ssyncset.done $0x0  }
0x4a: {  	[sflag:s1] =	ssyncadd.s32 $0xFFFF8000  }
0x4b: {  	_ =	swait.ge [sflag:s0], $0x8000  }
0x4c: {  	[sflag:s0] =	ssyncset.done $0x0  }
0x4d: {  	s5 =	simm.s32 $0x800;
	[sflag:s0] =	ssyncadd.s32 $0xFFFF8000  }
0x4e: {  	[tilespmem:s15], [sflag:$0x1] =	stream.indirect.gather [hbm4b:s3+s14], $0x40, s5, s14, $0xb8;
	[tilespmem:$0x11C00] =	vst v63  }
0x4f: {  	s6 =	simm.s32 $0x880  }
0x50: {  	[tilespmem:s16], [sflag:$0x1] =	stream.indirect.gather [hbm4b:s3+s14], $0x40, s6, s14, $0xb8;
	[tilespmem:$0x11C00] =	vst v63  }
0x51: {  	s17 =	simm.s32 $0x900  }
0x52: {  	[tilespmem:s18], [sflag:$0x1] =	stream.indirect.gather [hbm4b:s3+s14], $0x40, s17, s14, $0xb8;
	[tilespmem:$0x11C00] =	vst v63  }
0x53: {  	s29 =	simm.s32 $0x1000;
	s19 =	simm.s32 $0x980  }
0x54: {  	[tilespmem:s20], [sflag:$0x1] =	stream.indirect.gather [hbm4b:s3+s14], $0x40, s19, s14, $0xb8;
	[tilespmem:$0x11C00] =	vst v63  }
0x55: {  	s12 =	smov.u32 s22;
	s17 =	sadd.s32 $0x20000, s11;
	s19 =	sadd.s32 $0x4000, s22  }
.LBB2_2:
0x56: {  	[hbm4b:s12+s31] =	stream.strided.scatter [tilespmem:s23], [sflag:$0x4], $0x8000, s14, s31, $0x38;
	[tilespmem:$0x11C00] =	vst v63  }
0x57: {  	s2 =	smov.u32 s29;
	s12 =	smov.u32 s19  }
0x58: {  	p0 =	sne.s32 s29, $0x4000;
	s29 =	sadd.s32 $0x1000, s29;
	_ =	swait.ge [sflag:s21], $0x8000  }
0x59: {  	[sflag:s21] =	ssyncset.done $0x0  }
0x5a: {  	[sflag:s21] =	ssyncadd.s32 $0xFFFF8000  }
0x5b: {  	_ =	swait.ge [sflag:s26], $0x8000  }
0x5c: {  	s2 =	sshra.s32 s2, $0x2;
	[sflag:s26] =	ssyncset.done $0x0  }
0x5d: {  	s5 =	sadd.s32 $0x600, s2;
	[sflag:s26] =	ssyncadd.s32 $0xFFFF8000  }
0x5e: {  	[tilespmem:s23], [sflag:$0x2] =	stream.indirect.gather [hbm4b:s3+s14], $0x40, s5, s14, $0xb8;
	[tilespmem:$0x11C00] =	vst v63  }
0x5f: {  	s5 =	sadd.s32 $0x680, s2  }
0x60: {  	[tilespmem:s25], [sflag:$0x2] =	stream.indirect.gather [hbm4b:s3+s14], $0x40, s5, s14, $0xb8;
	[tilespmem:$0x11C00] =	vst v63  }
0x61: {  	s5 =	sadd.s32 $0x700, s2  }
0x62: {  	[tilespmem:s28], [sflag:$0x2] =	stream.indirect.gather [hbm4b:s3+s14], $0x40, s5, s14, $0xb8;
	[tilespmem:$0x11C00] =	vst v63  }
0x63: {  	s6 =	sadd.s32 $0x780, s2;
	s5 =	sshrl.u32 s17, $0x3  }
0x64: {  	[tilespmem:s30], [sflag:$0x2] =	stream.indirect.gather [hbm4b:s3+s14], $0x40, s6, s14, $0xb8;
	[tilespmem:$0x11C00] =	vst v63  }
0x65: {  	s5 =	sadd.s32 s4, s5  }
0x66: {  	[hbm4b:s5+s31] =	stream.strided.scatter [tilespmem:s15], [sflag:$0x3], $0x8000, s14, s31, $0x38;
	[tilespmem:$0x11C00] =	vst v63  }
0x67: {  	_ =	swait.ge [sflag:s1], $0x8000  }
0x68: {  	[sflag:s1] =	ssyncset.done $0x0  }
0x69: {  	[sflag:s1] =	ssyncadd.s32 $0xFFFF8000  }
0x6a: {  	_ =	swait.ge [sflag:s0], $0x8000  }
0x6b: {  	[sflag:s0] =	ssyncset.done $0x0  }
0x6c: {  	s5 =	sadd.s32 $0x800, s2;
	[sflag:s0] =	ssyncadd.s32 $0xFFFF8000  }
0x6d: {  	[tilespmem:s15], [sflag:$0x1] =	stream.indirect.gather [hbm4b:s3+s14], $0x40, s5, s14, $0xb8;
	[tilespmem:$0x11C00] =	vst v63  }
0x6e: {  	s5 =	sadd.s32 $0x880, s2  }
0x6f: {  	[tilespmem:s16], [sflag:$0x1] =	stream.indirect.gather [hbm4b:s3+s14], $0x40, s5, s14, $0xb8;
	[tilespmem:$0x11C00] =	vst v63  }
.Ltmp0:
0x70: {  	s5 =	sadd.s32 $0x900, s2;
	(pc) =	sbr.rel @p0 .LBB2_2-.Ltmp0, $4  }
0x71: {  	[tilespmem:s18], [sflag:$0x1] =	stream.indirect.gather [hbm4b:s3+s14], $0x40, s5, s14, $0xb8;
	[tilespmem:$0x11C00] =	vst v63  }
0x72: {  	s2 =	sadd.s32 $0x980, s2  }
0x73: {  	[tilespmem:s20], [sflag:$0x1] =	stream.indirect.gather [hbm4b:s3+s14], $0x40, s2, s14, $0xb8;
	[tilespmem:$0x11C00] =	vst v63  }
0x74: {  	s19 =	sadd.s32 $0x4000, s19;
	s17 =	sadd.s32 $0x20000, s17  }
0x75: {  	[hbm4b:s12+s31] =	stream.strided.scatter [tilespmem:s23], [sflag:$0x4], $0x8000, s14, s31, $0x38;
	[tilespmem:$0x11C00] =	vst v63  }
0x76: {  	_ =	swait.ge [sflag:s21], $0x8000  }
0x77: {  	[sflag:s21] =	ssyncset.done $0x0  }
0x78: {  	[sflag:s21] =	ssyncadd.s32 $0xFFFF8000  }
0x79: {  	_ =	swait.ge [sflag:s26], $0x8000  }
0x7a: {  	[sflag:s26] =	ssyncset.done $0x0  }
0x7b: {  	s2 =	simm.s32 $0x1A00;
	[sflag:s26] =	ssyncadd.s32 $0xFFFF8000  }
0x7c: {  	[tilespmem:s23], [sflag:$0x2] =	stream.indirect.gather [hbm4b:s3+s14], $0x40, s2, s14, $0xb8;
	[tilespmem:$0x11C00] =	vst v63  }
0x7d: {  	s12 =	simm.s32 $0x1A80  }
0x7e: {  	[tilespmem:s25], [sflag:$0x2] =	stream.indirect.gather [hbm4b:s3+s14], $0x40, s12, s14, $0xb8;
	[tilespmem:$0x11C00] =	vst v63  }
0x7f: {  	s17 =	simm.s32 $0x1B00  }
0x80: {  	[tilespmem:s28], [sflag:$0x2] =	stream.indirect.gather [hbm4b:s3+s14], $0x40, s17, s14, $0xb8;
	[tilespmem:$0x11C00] =	vst v63  }
0x81: {  	s19 =	simm.s32 $0x1B80  }
0x82: {  	[tilespmem:s30], [sflag:$0x2] =	stream.indirect.gather [hbm4b:s3+s14], $0x40, s19, s14, $0xb8;
	[tilespmem:$0x11C00] =	vst v63  }
0x83: {  	_ = 	snop  }
0x84: {  	[hbm4b:s9+s31] =	stream.strided.scatter [tilespmem:s15], [sflag:$0x3], $0x8000, s14, s31, $0x38;
	[tilespmem:$0x11C00] =	vst v63  }
0x85: {  	_ =	swait.ge [sflag:s1], $0x8000  }
0x86: {  	[sflag:s1] =	ssyncset.done $0x0  }
0x87: {  	[sflag:s1] =	ssyncadd.s32 $0xFFFF8000  }
0x88: {  	[hbm4b:s10+s31] =	stream.strided.scatter [tilespmem:s23], [sflag:$0x4], $0x8000, s14, s31, $0x38;
	[tilespmem:$0x11C00] =	vst v63  }
0x89: {  	_ =	swait.ge [sflag:s0], $0x8000  }
0x8a: {  	[sflag:s0] =	ssyncset.done $0x0  }
0x8b: {  	[sflag:s0] =	ssyncadd.s32 $0xFFFF8000  }
0x8c: {  	_ =	swait.ge [sflag:s26], $0x8000  }
0x8d: {  	s24 =	sadd.s32 $0x1, s24;
	s29 =	rddreg [dreg:$0x3]  }
0x8e: {  	p0 =	sne.s32 s24, s29  }
.Ltmp1:
0x8f: {  	_ = 	snop;
	(pc) =	sbr.rel @p0 .LBB2_1-.Ltmp1, $3  }
0x90: {  	_ =	sdelay $0x1  }
0x91: {  	[sflag:s26] =	ssyncset.done $0x0  }
0x92: {  	[sflag:s26] =	ssyncadd.s32 $0xFFFF8000  }
0x93: {  	_ =	sfence.sel $0x180000  }
0x94: {  	[bflag:$0x0] =	sbarrier.arrive $0xFFFF  }
0x95: {  	_ =	strace $0x90000053  }
0x96: {  	s0 =	stileid.u32;
	[bflag:$0x2] =	sbarrier.arrive $0xFFFF  }
0x97: {  	p0 =	sne.s32 s0, $0x0;
	s0 =	rddreg [dreg:$0x1]  }
0x98: {  	s0 =	sadd.s32 @!p0 $0x100000, s0  }
0x99: {  	[sflag:s0] =	ssyncadd.tile.s32 @!p0 $0x1;
	_ =	shalt  }
.Lfunc_end2:
_tile_overlayer_lowered:
.L_overlay_start_2:
0x9a: {  	(tag) =	ssettag $0x2  }
0x9b: {  	s0 =	rddreg [dreg:$0x0];
	s2 =	stileid.u32  }
0x9c: {  	s1 =	rddreg [dreg:$0x1];
	p0 =	sne.s32 s2, $0x0  }
0x9d: {  	s3 =	rddreg [dreg:$0x2];
	[bflag:$0x3] =	sbarrier.arrive $0xFFFF;
	s2 =	simm.s32 @!p0 $0x1C05  }
0x9e: {  	[timem:s3], [sflag:s2] =	dma.local @!p0 [hbm:s0], s1  }
0x9f: {  	s0 =	simm.s32 @!p0 $0x5  }
0xa0: {  	_ =	swait.ge @!p0 [sflag:s0], s1  }
0xa1: {  	s1 =	ssub.s32 @!p0 $0x0, s1;
	[sflag:s0] =	ssyncset.done @!p0 $0x0  }
0xa2: {  	[sflag:s0] =	ssyncadd.s32 @!p0 s1  }
0xa3: {  	[bflag:$0x3] =	sbarrier.arrive $0xFFFF  }
0xa4: {  	_ =	shalt  }

</sc_bundles>
